<compile_context>
chip_gen: v7x
topology: tpu7x:2x2x1
jax: 0.10.2.dev20260603
libtpu: 0.0.44.dev20260713+nightly
codegen_flags: <defaults>
</compile_context>

<pallas_src>
import functools

import jax
import jax.numpy as jnp
from jax import lax
from jax.experimental import pallas as pl
from jax.experimental.pallas import tpu as pltpu
from jax.experimental.pallas import tpu_sc as plsc

N_NODES = 100000
N_EDGES = 1600000
OUT_C = 16
LANES = 128
CHUNK_ROWS = 4
CHUNK_E = CHUNK_ROWS * LANES
E_ROWS = N_EDGES // LANES
FULL_CHUNKS = E_ROWS // CHUNK_ROWS
A_PAIRS = 49
ACC_ROWS = 100096
ZROWS = ACC_ROWS // 16
P_ROWS = N_NODES + 8
OROWS = 6256
OROWS_LAST = P_ROWS - 15 * OROWS
B_CHUNK = 128
B_FULL = N_NODES // B_CHUNK
B_TAIL = N_NODES - B_FULL * B_CHUNK
B_PAIRS = 13


def _sc_accumulate(edge3, wt):
    mesh = plsc.VectorSubcoreMesh(core_axis_name="c", subcore_axis_name="s")

    @functools.partial(
        pl.kernel,
        mesh=mesh,
        out_type=(
            jax.ShapeDtypeStruct((P_ROWS, OUT_C), jnp.float32),
            jax.ShapeDtypeStruct((P_ROWS, OUT_C), jnp.float32),
            jax.ShapeDtypeStruct((32, OUT_C), jnp.int32),
        ),
        scratch_types=[
            pltpu.VMEM((CHUNK_ROWS, LANES), jnp.int32),
            pltpu.VMEM((CHUNK_ROWS, LANES), jnp.int32),
            pltpu.VMEM((CHUNK_ROWS, LANES), jnp.int32),
            pltpu.VMEM((CHUNK_ROWS, LANES), jnp.int32),
            pltpu.VMEM((CHUNK_E, OUT_C), jnp.float32),
            pltpu.VMEM((CHUNK_E, OUT_C), jnp.float32),
            pltpu.VMEM((OUT_C,), jnp.int32),
            pltpu.VMEM_SHARED((ACC_ROWS, OUT_C), jnp.float32),
            pltpu.SemaphoreType.DMA,
            pltpu.SemaphoreType.DMA,
            pltpu.SemaphoreType.DMA,
            pltpu.SemaphoreType.DMA,
            pltpu.SemaphoreType.DMA,
            pltpu.SemaphoreType.DMA,
        ],
        compiler_params=pltpu.CompilerParams(use_tc_tiling_on_sc=False),
    )
    def k(edge_hbm, wt_hbm, p0_hbm, p1_hbm, mins_hbm,
          row_a, col_a, row_b, col_b, gbuf_a, gbuf_b, minbuf, acc,
          semi_a, semi_b, semg_a, semg_b, sems_a, sems_b):
        c = lax.axis_index("c")
        s = lax.axis_index("s")
        w = c * 16 + s

        bufs_a = (row_a, col_a, gbuf_a, semi_a, semg_a, sems_a)
        bufs_b = (row_b, col_b, gbuf_b, semi_b, semg_b, sems_b)

        def fire_idx(i, bufs):
            row_r, col_r, _, semi, _, _ = bufs
            base = pl.multiple_of((i * 32 + w) * CHUNK_ROWS, 8)
            pltpu.async_copy(edge_hbm.at[0, pl.ds(base, CHUNK_ROWS)], row_r, semi)
            pltpu.async_copy(edge_hbm.at[1, pl.ds(base, CHUNK_ROWS)], col_r, semi)

        def wait_idx(bufs):
            row_r, col_r, _, semi, _, _ = bufs
            pltpu.make_async_copy(edge_hbm.at[0, pl.ds(0, CHUNK_ROWS)],
                                  row_r, semi).wait()
            pltpu.make_async_copy(edge_hbm.at[1, pl.ds(0, CHUNK_ROWS)],
                                  col_r, semi).wait()

        def fire_gat(bufs):
            _, col_r, gb, _, semg, _ = bufs
            for j in range(CHUNK_ROWS):
                pltpu.async_copy(wt_hbm.at[col_r.at[j]],
                                 gb.at[pl.ds(j * LANES, LANES)], semg)

        def wait_gat(bufs):
            _, col_r, gb, _, semg, _ = bufs
            for j in range(CHUNK_ROWS):
                pltpu.make_async_copy(wt_hbm.at[col_r.at[j]],
                                      gb.at[pl.ds(j * LANES, LANES)],
                                      semg).wait()

        def fire_scat(bufs):
            row_r, _, gb, _, _, sems = bufs
            for j in range(CHUNK_ROWS):
                pltpu.async_copy(gb.at[pl.ds(j * LANES, LANES)],
                                 acc.at[row_r.at[j]], sems, add=True)

        def wait_scat(bufs):
            row_r, _, gb, _, _, sems = bufs
            for j in range(CHUNK_ROWS):
                pltpu.make_async_copy(gb.at[pl.ds(j * LANES, LANES)],
                                      acc.at[row_r.at[j]], sems).wait()

        def min_update(bufs):
            row_r = bufs[0]
            mv = minbuf[...]
            for j in range(CHUNK_ROWS):
                for kk in range(LANES // OUT_C):
                    mv = jnp.minimum(mv, row_r[j, pl.ds(kk * OUT_C, OUT_C)])
            minbuf[...] = mv

        def valid(i):
            return jnp.logical_and(i >= 0, i * 32 + w < FULL_CHUNKS)

        def zfill(i, carry):
            gbuf_a[i, :] = jnp.zeros((OUT_C,), jnp.float32)
            return carry

        lax.fori_loop(0, CHUNK_E, zfill, 0)
        zbase = s * ZROWS
        nfull = ZROWS // CHUNK_E
        for kk in range(nfull):
            pltpu.sync_copy(gbuf_a, acc.at[pl.ds(zbase + kk * CHUNK_E, CHUNK_E)])
        rem = ZROWS % CHUNK_E
        if rem:
            pltpu.sync_copy(gbuf_a.at[pl.ds(0, rem)],
                            acc.at[pl.ds(zbase + nfull * CHUNK_E, rem)])
        plsc.subcore_barrier()

        minbuf[...] = jnp.full((OUT_C,), jnp.int32(N_NODES), jnp.int32)

        fire_idx(0, bufs_a)
        wait_idx(bufs_a)
        fire_gat(bufs_a)

        def pair(g, carry):
            i0 = 2 * g
            i1 = 2 * g + 1

            @pl.when(valid(i1 - 2))
            def _():
                wait_scat(bufs_b)

            @pl.when(valid(i1))
            def _():
                fire_idx(i1, bufs_b)

            @pl.when(valid(i0))
            def _():
                wait_gat(bufs_a)
                min_update(bufs_a)
                fire_scat(bufs_a)

            @pl.when(valid(i1))
            def _():
                wait_idx(bufs_b)
                fire_gat(bufs_b)

            @pl.when(valid(i0))
            def _():
                wait_scat(bufs_a)

            @pl.when(valid(i0 + 2))
            def _():
                fire_idx(i0 + 2, bufs_a)
                wait_idx(bufs_a)
                fire_gat(bufs_a)

            @pl.when(valid(i1))
            def _():
                wait_gat(bufs_b)
                min_update(bufs_b)
                fire_scat(bufs_b)

            return carry

        lax.fori_loop(0, A_PAIRS, pair, 0)

        @pl.when(valid(2 * A_PAIRS - 1))
        def _():
            wait_scat(bufs_b)

        pltpu.sync_copy(minbuf, mins_hbm.at[w])
        plsc.subcore_barrier()

        obase = pl.multiple_of(s * OROWS, 8)

        def copy_out(dst):
            @pl.when(s < 15)
            def _full():
                pltpu.sync_copy(acc.at[pl.ds(obase, OROWS)],
                                dst.at[pl.ds(obase, OROWS)])

            @pl.when(s == 15)
            def _last():
                pltpu.sync_copy(acc.at[pl.ds(15 * OROWS, OROWS_LAST)],
                                dst.at[pl.ds(15 * OROWS, OROWS_LAST)])

        @pl.when(c == 0)
        def _p0():
            copy_out(p0_hbm)

        @pl.when(c == 1)
        def _p1():
            copy_out(p1_hbm)

    return k(edge3, wt)


def _sc_merge(p0, p1, mins, bias):
    mesh = plsc.VectorSubcoreMesh(core_axis_name="c", subcore_axis_name="s")

    @functools.partial(
        pl.kernel,
        mesh=mesh,
        out_type=jax.ShapeDtypeStruct((N_NODES // 8, 8 * OUT_C), jnp.float32),
        scratch_types=[
            pltpu.VMEM((B_CHUNK,), jnp.int32),
            pltpu.VMEM((B_CHUNK,), jnp.int32),
            pltpu.VMEM((B_CHUNK, OUT_C), jnp.float32),
            pltpu.VMEM((B_CHUNK, OUT_C), jnp.float32),
            pltpu.VMEM((B_CHUNK, OUT_C), jnp.float32),
            pltpu.VMEM((B_CHUNK, OUT_C), jnp.float32),
            pltpu.VMEM((B_CHUNK // 8, 8 * OUT_C), jnp.float32),
            pltpu.VMEM((B_CHUNK // 8, 8 * OUT_C), jnp.float32),
            pltpu.VMEM((32, OUT_C), jnp.int32),
            pltpu.VMEM((OUT_C,), jnp.float32),
            pltpu.SemaphoreType.DMA,
            pltpu.SemaphoreType.DMA,
            pltpu.SemaphoreType.DMA,
            pltpu.SemaphoreType.DMA,
        ],
        compiler_params=pltpu.CompilerParams(use_tc_tiling_on_sc=False,
                                             needs_layout_passes=False),
    )
    def k(p0_hbm, p1_hbm, mins_hbm, bias_hbm, out_hbm,
          idx_a, idx_b, b0_a, b1_a, b0_b, b1_b, o_a, o_b, mbuf, bbuf,
          semg_a, semg_b, semo_a, semo_b):
        c = lax.axis_index("c")
        s = lax.axis_index("s")
        w = c * 16 + s

        pltpu.sync_copy(mins_hbm, mbuf)
        pltpu.sync_copy(bias_hbm, bbuf)
        mv = mbuf[0, :]
        for j in range(1, 32):
            mv = jnp.minimum(mv, mbuf[j, :])
        m = jnp.min(mv)
        mvec = jnp.full((OUT_C,), m, jnp.int32)
        bias_v = bbuf[...]
        lane = lax.iota(jnp.int32, OUT_C)

        bufs_a = (idx_a, b0_a, b1_a, o_a, semg_a, semo_a)
        bufs_b = (idx_b, b0_b, b1_b, o_b, semg_b, semo_b)

        def build_idx(i, bufs):
            idx_r = bufs[0]
            base = (i * 32 + w) * B_CHUNK
            for kk in range(B_CHUNK // OUT_C):
                iv = lane + (base + kk * OUT_C) + mvec
                idx_r[pl.ds(kk * OUT_C, OUT_C)] = jnp.minimum(
                    iv, jnp.int32(N_NODES))

        def fire_gat(bufs):
            idx_r, b0, b1, _, semg, _ = bufs
            pltpu.async_copy(p0_hbm.at[idx_r], b0, semg)
            pltpu.async_copy(p1_hbm.at[idx_r], b1, semg)

        def wait_gat(bufs):
            idx_r, b0, b1, _, semg, _ = bufs
            pltpu.make_async_copy(p0_hbm.at[idx_r], b0, semg).wait()
            pltpu.make_async_copy(p1_hbm.at[idx_r], b1, semg).wait()

        def add_rows(bufs):
            _, b0, b1, ob, _, _ = bufs

            def blk(t, carry):
                for r in range(8):
                    kk = t * 8 + r
                    ob[t, pl.ds(r * OUT_C, OUT_C)] = (
                        b0[kk, :] + b1[kk, :] + bias_v)
                return carry

            lax.fori_loop(0, B_CHUNK // 8, blk, 0)

        def fire_out(i, bufs):
            _, _, _, ob, _, semo = bufs
            base = pl.multiple_of((i * 32 + w) * (B_CHUNK // 8), 8)
            pltpu.async_copy(ob, out_hbm.at[pl.ds(base, B_CHUNK // 8)], semo)

        def wait_out(bufs):
            _, _, _, ob, _, semo = bufs
            pltpu.make_async_copy(ob, out_hbm.at[pl.ds(0, B_CHUNK // 8)],
                                  semo).wait()

        def valid(i):
            return jnp.logical_and(i >= 0, i * 32 + w < B_FULL)

        build_idx(0, bufs_a)
        fire_gat(bufs_a)

        def pair(g, carry):
            i0 = 2 * g
            i1 = 2 * g + 1

            @pl.when(valid(i1))
            def _():
                build_idx(i1, bufs_b)

            @pl.when(valid(i1 - 2))
            def _():
                wait_out(bufs_b)

            @pl.when(valid(i1))
            def _():
                fire_gat(bufs_b)

            @pl.when(valid(i0))
            def _():
                wait_gat(bufs_a)
                add_rows(bufs_a)
                fire_out(i0, bufs_a)

            @pl.when(valid(i0 + 2))
            def _():
                build_idx(i0 + 2, bufs_a)

            @pl.when(valid(i0))
            def _():
                wait_out(bufs_a)

            @pl.when(valid(i0 + 2))
            def _():
                fire_gat(bufs_a)

            @pl.when(valid(i1))
            def _():
                wait_gat(bufs_b)
                add_rows(bufs_b)
                fire_out(i1, bufs_b)

            return carry

        lax.fori_loop(0, B_PAIRS, pair, 0)

        @pl.when(valid(2 * B_PAIRS - 1))
        def _():
            wait_out(bufs_b)

        @pl.when(w == 13)
        def _tail():
            base = B_FULL * B_CHUNK
            for kk in range(B_TAIL // OUT_C):
                iv = lane + (base + kk * OUT_C) + mvec
                idx_a[pl.ds(kk * OUT_C, OUT_C)] = jnp.minimum(
                    iv, jnp.int32(N_NODES))
            cp0 = pltpu.async_copy(p0_hbm.at[idx_a.at[pl.ds(0, B_TAIL)]],
                                   b0_a.at[pl.ds(0, B_TAIL)], semg_a)
            cp1 = pltpu.async_copy(p1_hbm.at[idx_a.at[pl.ds(0, B_TAIL)]],
                                   b1_a.at[pl.ds(0, B_TAIL)], semg_a)
            cp0.wait()
            cp1.wait()
            for kk in range(B_TAIL):
                o_a[kk // 8, pl.ds((kk % 8) * OUT_C, OUT_C)] = (
                    b0_a[kk, :] + b1_a[kk, :] + bias_v)
            pltpu.sync_copy(o_a.at[pl.ds(0, B_TAIL // 8)],
                            out_hbm.at[pl.ds(base // 8, B_TAIL // 8)])

    return k(p0, p1, mins, bias)


def kernel(edge_index, W_weight, W_bias):
    edge3 = edge_index.reshape(2, E_ROWS, LANES)
    wt = W_weight.T
    p0, p1, mins = _sc_accumulate(edge3, wt)
    out2d = _sc_merge(p0, p1, mins, W_bias)
    return out2d.reshape(N_NODES, OUT_C)

# --- scband reference (transcript-rebuilt; emitter-appended) ---
"""Pipeline reference for scband-link-16604343566783 (READ-ONLY COPY).

The authoritative reference and input builder live on the scoring server;
editing this copy changes nothing except your own understanding.
"""

import jax, jax.numpy as jnp
import numpy as np

NUM_NODES = 100000
NUM_EDGES = 1600000
OUT_CHANNELS = 16


def setup_inputs(seed: int = 0) -> dict:
    key = jax.random.key(seed)
    k1, k2, k3 = jax.random.split(key, 3)
    edge_index = jax.random.randint(k1, (2, NUM_EDGES), 0, NUM_NODES, dtype=jnp.int32)
    # nn.Linear(num_nodes, out_channels): weight [out_channels, num_nodes], bias [out_channels]
    bound = 1.0 / np.sqrt(NUM_NODES)
    W_weight = jax.random.uniform(k2, (OUT_CHANNELS, NUM_NODES), minval=-bound, maxval=bound, dtype=jnp.float32)
    W_bias = jax.random.uniform(k3, (OUT_CHANNELS,), minval=-bound, maxval=bound, dtype=jnp.float32)
    return {"edge_index": edge_index, "W_weight": W_weight, "W_bias": W_bias}


def reference(edge_index, W_weight, W_bias):
    # Build sparse adjacency A[N, num_nodes] with value 1.0 per edge (duplicates accumulate),
    # then logits = A @ W_weight.T + W_bias, computed as a per-edge gather of W columns
    # followed by a segment-sum (scatter-add) over destination rows.
    row = edge_index[0]
    col = edge_index[1]
    row = row - jnp.min(row)
    # gather column col[e] of W_weight -> [E, OUT_CHANNELS]
    gathered = jnp.take(W_weight, col, axis=1).T
    logits = jax.ops.segment_sum(gathered, row, num_segments=NUM_NODES)
    logits = logits + W_bias[None, :]
    return logits

if __name__ == "__main__":
    import jax
    _d = setup_inputs()
    print(jax.jit(kernel)(*tuple(_d.values())))

</pallas_src>

<mosaic_0001>
#map = affine_map<(d0, d1) -> (0, 0, 0)>
#map1 = affine_map<(d0, d1) -> (0, 0)>
module attributes {stable_mosaic.version = 14 : i64} {
  func.func @k(%arg0: i32, %arg1: i32, %arg2: memref<2x12500x128xi32, #tpu.memory_space<hbm>>, %arg3: memref<100000x16xf32, #tpu.memory_space<hbm>>, %arg4: memref<100008x16xf32, #tpu.memory_space<hbm>>, %arg5: memref<100008x16xf32, #tpu.memory_space<hbm>>, %arg6: memref<32x16xi32, #tpu.memory_space<hbm>>, %arg7: memref<4x128xi32, #tpu.memory_space<vmem>>, %arg8: memref<4x128xi32, #tpu.memory_space<vmem>>, %arg9: memref<4x128xi32, #tpu.memory_space<vmem>>, %arg10: memref<4x128xi32, #tpu.memory_space<vmem>>, %arg11: memref<512x16xf32, #tpu.memory_space<vmem>>, %arg12: memref<512x16xf32, #tpu.memory_space<vmem>>, %arg13: memref<16xi32, #tpu.memory_space<vmem>>, %arg14: memref<100096x16xf32, #tpu.memory_space<vmem_shared>>, %arg15: memref<!tpu.dma_semaphore, #tpu.memory_space<semaphore_mem>>, %arg16: memref<!tpu.dma_semaphore, #tpu.memory_space<semaphore_mem>>, %arg17: memref<!tpu.dma_semaphore, #tpu.memory_space<semaphore_mem>>, %arg18: memref<!tpu.dma_semaphore, #tpu.memory_space<semaphore_mem>>, %arg19: memref<!tpu.dma_semaphore, #tpu.memory_space<semaphore_mem>>, %arg20: memref<!tpu.dma_semaphore, #tpu.memory_space<semaphore_mem>>) attributes {dimension_semantics = [#tpu.dimension_semantics<core_parallel>, #tpu.dimension_semantics<subcore_parallel>], iteration_bounds = array<i64: 2, 16>, scalar_prefetch = 0 : i64, scratch_operands = 14 : i64, tpu.core_type = #tpu.core_type<sc_vector_subcore>, window_params = [{transform_indices = #map}, {transform_indices = #map1}, {transform_indices = #map1}, {transform_indices = #map1}, {transform_indices = #map1}]} {
    %mul3A = arith.constant 16 : i32
    %mul3A_0 = arith.muli %arg0, %mul3A : i32
    %add3A = arith.addi %mul3A_0, %arg1 : i32
    %scan3A = arith.constant 0 : i32
    %scan3A_1 = arith.constant 0 : i32
    %scan3A_2 = arith.constant 512 : i32
    %scan3A_3 = arith.addi %scan3A_1, %scan3A_2 : i32
    %scan3A_4 = arith.constant 1 : i32
    scf.for %scan3A_136 = %scan3A_1 to %scan3A_3 step %scan3A_4  : i32 {
      %broadcast_in_dim3A_137 = arith.constant 0.000000e+00 : f32
      %broadcast_in_dim3A_138 = vector.broadcast %broadcast_in_dim3A_137 : f32 to vector<16xf32>
      %swap3A_139 = arith.index_cast %scan3A_136 : i32 to index
      %swap3A_140 = arith.constant 0 : index
      %swap3A_141 = tpu.vector_load %arg11[%swap3A_139, %swap3A_140] {strides = array<i32>} : memref<512x16xf32, #tpu.memory_space<vmem>>, vector<1x16xf32>,
      %swap3A_142 = vector.shape_cast %swap3A_141 : vector<1x16xf32> to vector<16xf32>
      %swap3A_143 = vector.shape_cast %broadcast_in_dim3A_138 : vector<16xf32> to vector<1x16xf32>
      tpu.vector_store %arg11[%swap3A_139, %swap3A_140], %swap3A_143 {strides = array<i32>} : memref<512x16xf32, #tpu.memory_space<vmem>>, vector<1x16xf32>,
    }
    %scan3A_5 = arith.constant 512 : i32
    %mul3A_6 = arith.constant 6256 : i32
    %mul3A_7 = arith.muli %arg1, %mul3A_6 : i32
    %add3A_8 = arith.constant 0 : i32
    %add3A_9 = arith.addi %mul3A_7, %add3A_8 : i32
    "tpu.region"() ({
      %run_scoped3A = tpu.sem_alloc : memref<!tpu.dma_semaphore, #tpu.memory_space<semaphore_mem>>
      %dma_start3A_136 = arith.constant 0 : i32
      %dma_start3A_137 = tpu.memref_slice %arg14[%add3A_9, %dma_start3A_136] : memref<100096x16xf32, #tpu.memory_space<vmem_shared>> -> memref<512x16xf32, #tpu.memory_space<vmem_shared>>
      %dma_start3A_138 = arith.constant 0 : i32
      %dma_start3A_139 = tpu.memref_slice %arg14[%add3A_9, %dma_start3A_138] : memref<100096x16xf32, #tpu.memory_space<vmem_shared>> -> memref<512x16xf32, #tpu.memory_space<vmem_shared>>
      tpu.enqueue_dma source(%arg11 : memref<512x16xf32, #tpu.memory_space<vmem>>) target(%dma_start3A_139 : memref<512x16xf32, #tpu.memory_space<vmem_shared>>) target_semaphore(%run_scoped3A : memref<!tpu.dma_semaphore, #tpu.memory_space<semaphore_mem>>)
      %dma_wait3A_140 = arith.constant 0 : i32
      %dma_wait3A_141 = tpu.memref_slice %arg14[%add3A_9, %dma_wait3A_140] : memref<100096x16xf32, #tpu.memory_space<vmem_shared>> -> memref<512x16xf32, #tpu.memory_space<vmem_shared>>
      %dma_wait3A_142 = arith.constant 0 : i32
      %dma_wait3A_143 = tpu.memref_slice %arg14[%add3A_9, %dma_wait3A_142] : memref<100096x16xf32, #tpu.memory_space<vmem_shared>> -> memref<512x16xf32, #tpu.memory_space<vmem_shared>>
      tpu.wait_dma2 semaphore(%run_scoped3A : memref<!tpu.dma_semaphore, #tpu.memory_space<semaphore_mem>>) src(%arg11 : memref<512x16xf32, #tpu.memory_space<vmem>>) dst(%dma_wait3A_143 : memref<512x16xf32, #tpu.memory_space<vmem_shared>>)
      tpu.yield
    }) : () -> ()
    %add3A_10 = arith.constant 512 : i32
    %add3A_11 = arith.addi %mul3A_7, %add3A_10 : i32
    "tpu.region"() ({
      %run_scoped3A = tpu.sem_alloc : memref<!tpu.dma_semaphore, #tpu.memory_space<semaphore_mem>>
      %dma_start3A_136 = arith.constant 0 : i32
      %dma_start3A_137 = tpu.memref_slice %arg14[%add3A_11, %dma_start3A_136] : memref<100096x16xf32, #tpu.memory_space<vmem_shared>> -> memref<512x16xf32, #tpu.memory_space<vmem_shared>>
      %dma_start3A_138 = arith.constant 0 : i32
      %dma_start3A_139 = tpu.memref_slice %arg14[%add3A_11, %dma_start3A_138] : memref<100096x16xf32, #tpu.memory_space<vmem_shared>> -> memref<512x16xf32, #tpu.memory_space<vmem_shared>>
      tpu.enqueue_dma source(%arg11 : memref<512x16xf32, #tpu.memory_space<vmem>>) target(%dma_start3A_139 : memref<512x16xf32, #tpu.memory_space<vmem_shared>>) target_semaphore(%run_scoped3A : memref<!tpu.dma_semaphore, #tpu.memory_space<semaphore_mem>>)
      %dma_wait3A_140 = arith.constant 0 : i32
      %dma_wait3A_141 = tpu.memref_slice %arg14[%add3A_11, %dma_wait3A_140] : memref<100096x16xf32, #tpu.memory_space<vmem_shared>> -> memref<512x16xf32, #tpu.memory_space<vmem_shared>>
      %dma_wait3A_142 = arith.constant 0 : i32
      %dma_wait3A_143 = tpu.memref_slice %arg14[%add3A_11, %dma_wait3A_142] : memref<100096x16xf32, #tpu.memory_space<vmem_shared>> -> memref<512x16xf32, #tpu.memory_space<vmem_shared>>
      tpu.wait_dma2 semaphore(%run_scoped3A : memref<!tpu.dma_semaphore, #tpu.memory_space<semaphore_mem>>) src(%arg11 : memref<512x16xf32, #tpu.memory_space<vmem>>) dst(%dma_wait3A_143 : memref<512x16xf32, #tpu.memory_space<vmem_shared>>)
      tpu.yield
    }) : () -> ()
    %add3A_12 = arith.constant 1024 : i32
    %add3A_13 = arith.addi %mul3A_7, %add3A_12 : i32
    "tpu.region"() ({
      %run_scoped3A = tpu.sem_alloc : memref<!tpu.dma_semaphore, #tpu.memory_space<semaphore_mem>>
      %dma_start3A_136 = arith.constant 0 : i32
      %dma_start3A_137 = tpu.memref_slice %arg14[%add3A_13, %dma_start3A_136] : memref<100096x16xf32, #tpu.memory_space<vmem_shared>> -> memref<512x16xf32, #tpu.memory_space<vmem_shared>>
      %dma_start3A_138 = arith.constant 0 : i32
      %dma_start3A_139 = tpu.memref_slice %arg14[%add3A_13, %dma_start3A_138] : memref<100096x16xf32, #tpu.memory_space<vmem_shared>> -> memref<512x16xf32, #tpu.memory_space<vmem_shared>>
      tpu.enqueue_dma source(%arg11 : memref<512x16xf32, #tpu.memory_space<vmem>>) target(%dma_start3A_139 : memref<512x16xf32, #tpu.memory_space<vmem_shared>>) target_semaphore(%run_scoped3A : memref<!tpu.dma_semaphore, #tpu.memory_space<semaphore_mem>>)
      %dma_wait3A_140 = arith.constant 0 : i32
      %dma_wait3A_141 = tpu.memref_slice %arg14[%add3A_13, %dma_wait3A_140] : memref<100096x16xf32, #tpu.memory_space<vmem_shared>> -> memref<512x16xf32, #tpu.memory_space<vmem_shared>>
      %dma_wait3A_142 = arith.constant 0 : i32
      %dma_wait3A_143 = tpu.memref_slice %arg14[%add3A_13, %dma_wait3A_142] : memref<100096x16xf32, #tpu.memory_space<vmem_shared>> -> memref<512x16xf32, #tpu.memory_space<vmem_shared>>
      tpu.wait_dma2 semaphore(%run_scoped3A : memref<!tpu.dma_semaphore, #tpu.memory_space<semaphore_mem>>) src(%arg11 : memref<512x16xf32, #tpu.memory_space<vmem>>) dst(%dma_wait3A_143 : memref<512x16xf32, #tpu.memory_space<vmem_shared>>)
      tpu.yield
    }) : () -> ()
    %add3A_14 = arith.constant 1536 : i32
    %add3A_15 = arith.addi %mul3A_7, %add3A_14 : i32
    "tpu.region"() ({
      %run_scoped3A = tpu.sem_alloc : memref<!tpu.dma_semaphore, #tpu.memory_space<semaphore_mem>>
      %dma_start3A_136 = arith.constant 0 : i32
      %dma_start3A_137 = tpu.memref_slice %arg14[%add3A_15, %dma_start3A_136] : memref<100096x16xf32, #tpu.memory_space<vmem_shared>> -> memref<512x16xf32, #tpu.memory_space<vmem_shared>>
      %dma_start3A_138 = arith.constant 0 : i32
      %dma_start3A_139 = tpu.memref_slice %arg14[%add3A_15, %dma_start3A_138] : memref<100096x16xf32, #tpu.memory_space<vmem_shared>> -> memref<512x16xf32, #tpu.memory_space<vmem_shared>>
      tpu.enqueue_dma source(%arg11 : memref<512x16xf32, #tpu.memory_space<vmem>>) target(%dma_start3A_139 : memref<512x16xf32, #tpu.memory_space<vmem_shared>>) target_semaphore(%run_scoped3A : memref<!tpu.dma_semaphore, #tpu.memory_space<semaphore_mem>>)
      %dma_wait3A_140 = arith.constant 0 : i32
      %dma_wait3A_141 = tpu.memref_slice %arg14[%add3A_15, %dma_wait3A_140] : memref<100096x16xf32, #tpu.memory_space<vmem_shared>> -> memref<512x16xf32, #tpu.memory_space<vmem_shared>>
      %dma_wait3A_142 = arith.constant 0 : i32
      %dma_wait3A_143 = tpu.memref_slice %arg14[%add3A_15, %dma_wait3A_142] : memref<100096x16xf32, #tpu.memory_space<vmem_shared>> -> memref<512x16xf32, #tpu.memory_space<vmem_shared>>
      tpu.wait_dma2 semaphore(%run_scoped3A : memref<!tpu.dma_semaphore, #tpu.memory_space<semaphore_mem>>) src(%arg11 : memref<512x16xf32, #tpu.memory_space<vmem>>) dst(%dma_wait3A_143 : memref<512x16xf32, #tpu.memory_space<vmem_shared>>)
      tpu.yield
    }) : () -> ()
    %add3A_16 = arith.constant 2048 : i32
    %add3A_17 = arith.addi %mul3A_7, %add3A_16 : i32
    "tpu.region"() ({
      %run_scoped3A = tpu.sem_alloc : memref<!tpu.dma_semaphore, #tpu.memory_space<semaphore_mem>>
      %dma_start3A_136 = arith.constant 0 : i32
      %dma_start3A_137 = tpu.memref_slice %arg14[%add3A_17, %dma_start3A_136] : memref<100096x16xf32, #tpu.memory_space<vmem_shared>> -> memref<512x16xf32, #tpu.memory_space<vmem_shared>>
      %dma_start3A_138 = arith.constant 0 : i32
      %dma_start3A_139 = tpu.memref_slice %arg14[%add3A_17, %dma_start3A_138] : memref<100096x16xf32, #tpu.memory_space<vmem_shared>> -> memref<512x16xf32, #tpu.memory_space<vmem_shared>>
      tpu.enqueue_dma source(%arg11 : memref<512x16xf32, #tpu.memory_space<vmem>>) target(%dma_start3A_139 : memref<512x16xf32, #tpu.memory_space<vmem_shared>>) target_semaphore(%run_scoped3A : memref<!tpu.dma_semaphore, #tpu.memory_space<semaphore_mem>>)
      %dma_wait3A_140 = arith.constant 0 : i32
      %dma_wait3A_141 = tpu.memref_slice %arg14[%add3A_17, %dma_wait3A_140] : memref<100096x16xf32, #tpu.memory_space<vmem_shared>> -> memref<512x16xf32, #tpu.memory_space<vmem_shared>>
      %dma_wait3A_142 = arith.constant 0 : i32
      %dma_wait3A_143 = tpu.memref_slice %arg14[%add3A_17, %dma_wait3A_142] : memref<100096x16xf32, #tpu.memory_space<vmem_shared>> -> memref<512x16xf32, #tpu.memory_space<vmem_shared>>
      tpu.wait_dma2 semaphore(%run_scoped3A : memref<!tpu.dma_semaphore, #tpu.memory_space<semaphore_mem>>) src(%arg11 : memref<512x16xf32, #tpu.memory_space<vmem>>) dst(%dma_wait3A_143 : memref<512x16xf32, #tpu.memory_space<vmem_shared>>)
      tpu.yield
    }) : () -> ()
    %add3A_18 = arith.constant 2560 : i32
    %add3A_19 = arith.addi %mul3A_7, %add3A_18 : i32
    "tpu.region"() ({
      %run_scoped3A = tpu.sem_alloc : memref<!tpu.dma_semaphore, #tpu.memory_space<semaphore_mem>>
      %dma_start3A_136 = arith.constant 0 : i32
      %dma_start3A_137 = tpu.memref_slice %arg14[%add3A_19, %dma_start3A_136] : memref<100096x16xf32, #tpu.memory_space<vmem_shared>> -> memref<512x16xf32, #tpu.memory_space<vmem_shared>>
      %dma_start3A_138 = arith.constant 0 : i32
      %dma_start3A_139 = tpu.memref_slice %arg14[%add3A_19, %dma_start3A_138] : memref<100096x16xf32, #tpu.memory_space<vmem_shared>> -> memref<512x16xf32, #tpu.memory_space<vmem_shared>>
      tpu.enqueue_dma source(%arg11 : memref<512x16xf32, #tpu.memory_space<vmem>>) target(%dma_start3A_139 : memref<512x16xf32, #tpu.memory_space<vmem_shared>>) target_semaphore(%run_scoped3A : memref<!tpu.dma_semaphore, #tpu.memory_space<semaphore_mem>>)
      %dma_wait3A_140 = arith.constant 0 : i32
      %dma_wait3A_141 = tpu.memref_slice %arg14[%add3A_19, %dma_wait3A_140] : memref<100096x16xf32, #tpu.memory_space<vmem_shared>> -> memref<512x16xf32, #tpu.memory_space<vmem_shared>>
      %dma_wait3A_142 = arith.constant 0 : i32
      %dma_wait3A_143 = tpu.memref_slice %arg14[%add3A_19, %dma_wait3A_142] : memref<100096x16xf32, #tpu.memory_space<vmem_shared>> -> memref<512x16xf32, #tpu.memory_space<vmem_shared>>
      tpu.wait_dma2 semaphore(%run_scoped3A : memref<!tpu.dma_semaphore, #tpu.memory_space<semaphore_mem>>) src(%arg11 : memref<512x16xf32, #tpu.memory_space<vmem>>) dst(%dma_wait3A_143 : memref<512x16xf32, #tpu.memory_space<vmem_shared>>)
      tpu.yield
    }) : () -> ()
    %add3A_20 = arith.constant 3072 : i32
    %add3A_21 = arith.addi %mul3A_7, %add3A_20 : i32
    "tpu.region"() ({
      %run_scoped3A = tpu.sem_alloc : memref<!tpu.dma_semaphore, #tpu.memory_space<semaphore_mem>>
      %dma_start3A_136 = arith.constant 0 : i32
      %dma_start3A_137 = tpu.memref_slice %arg14[%add3A_21, %dma_start3A_136] : memref<100096x16xf32, #tpu.memory_space<vmem_shared>> -> memref<512x16xf32, #tpu.memory_space<vmem_shared>>
      %dma_start3A_138 = arith.constant 0 : i32
      %dma_start3A_139 = tpu.memref_slice %arg14[%add3A_21, %dma_start3A_138] : memref<100096x16xf32, #tpu.memory_space<vmem_shared>> -> memref<512x16xf32, #tpu.memory_space<vmem_shared>>
      tpu.enqueue_dma source(%arg11 : memref<512x16xf32, #tpu.memory_space<vmem>>) target(%dma_start3A_139 : memref<512x16xf32, #tpu.memory_space<vmem_shared>>) target_semaphore(%run_scoped3A : memref<!tpu.dma_semaphore, #tpu.memory_space<semaphore_mem>>)
      %dma_wait3A_140 = arith.constant 0 : i32
      %dma_wait3A_141 = tpu.memref_slice %arg14[%add3A_21, %dma_wait3A_140] : memref<100096x16xf32, #tpu.memory_space<vmem_shared>> -> memref<512x16xf32, #tpu.memory_space<vmem_shared>>
      %dma_wait3A_142 = arith.constant 0 : i32
      %dma_wait3A_143 = tpu.memref_slice %arg14[%add3A_21, %dma_wait3A_142] : memref<100096x16xf32, #tpu.memory_space<vmem_shared>> -> memref<512x16xf32, #tpu.memory_space<vmem_shared>>
      tpu.wait_dma2 semaphore(%run_scoped3A : memref<!tpu.dma_semaphore, #tpu.memory_space<semaphore_mem>>) src(%arg11 : memref<512x16xf32, #tpu.memory_space<vmem>>) dst(%dma_wait3A_143 : memref<512x16xf32, #tpu.memory_space<vmem_shared>>)
      tpu.yield
    }) : () -> ()
    %add3A_22 = arith.constant 3584 : i32
    %add3A_23 = arith.addi %mul3A_7, %add3A_22 : i32
    "tpu.region"() ({
      %run_scoped3A = tpu.sem_alloc : memref<!tpu.dma_semaphore, #tpu.memory_space<semaphore_mem>>
      %dma_start3A_136 = arith.constant 0 : i32
      %dma_start3A_137 = tpu.memref_slice %arg14[%add3A_23, %dma_start3A_136] : memref<100096x16xf32, #tpu.memory_space<vmem_shared>> -> memref<512x16xf32, #tpu.memory_space<vmem_shared>>
      %dma_start3A_138 = arith.constant 0 : i32
      %dma_start3A_139 = tpu.memref_slice %arg14[%add3A_23, %dma_start3A_138] : memref<100096x16xf32, #tpu.memory_space<vmem_shared>> -> memref<512x16xf32, #tpu.memory_space<vmem_shared>>
      tpu.enqueue_dma source(%arg11 : memref<512x16xf32, #tpu.memory_space<vmem>>) target(%dma_start3A_139 : memref<512x16xf32, #tpu.memory_space<vmem_shared>>) target_semaphore(%run_scoped3A : memref<!tpu.dma_semaphore, #tpu.memory_space<semaphore_mem>>)
      %dma_wait3A_140 = arith.constant 0 : i32
      %dma_wait3A_141 = tpu.memref_slice %arg14[%add3A_23, %dma_wait3A_140] : memref<100096x16xf32, #tpu.memory_space<vmem_shared>> -> memref<512x16xf32, #tpu.memory_space<vmem_shared>>
      %dma_wait3A_142 = arith.constant 0 : i32
      %dma_wait3A_143 = tpu.memref_slice %arg14[%add3A_23, %dma_wait3A_142] : memref<100096x16xf32, #tpu.memory_space<vmem_shared>> -> memref<512x16xf32, #tpu.memory_space<vmem_shared>>
      tpu.wait_dma2 semaphore(%run_scoped3A : memref<!tpu.dma_semaphore, #tpu.memory_space<semaphore_mem>>) src(%arg11 : memref<512x16xf32, #tpu.memory_space<vmem>>) dst(%dma_wait3A_143 : memref<512x16xf32, #tpu.memory_space<vmem_shared>>)
      tpu.yield
    }) : () -> ()
    %add3A_24 = arith.constant 4096 : i32
    %add3A_25 = arith.addi %mul3A_7, %add3A_24 : i32
    "tpu.region"() ({
      %run_scoped3A = tpu.sem_alloc : memref<!tpu.dma_semaphore, #tpu.memory_space<semaphore_mem>>
      %dma_start3A_136 = arith.constant 0 : i32
      %dma_start3A_137 = tpu.memref_slice %arg14[%add3A_25, %dma_start3A_136] : memref<100096x16xf32, #tpu.memory_space<vmem_shared>> -> memref<512x16xf32, #tpu.memory_space<vmem_shared>>
      %dma_start3A_138 = arith.constant 0 : i32
      %dma_start3A_139 = tpu.memref_slice %arg14[%add3A_25, %dma_start3A_138] : memref<100096x16xf32, #tpu.memory_space<vmem_shared>> -> memref<512x16xf32, #tpu.memory_space<vmem_shared>>
      tpu.enqueue_dma source(%arg11 : memref<512x16xf32, #tpu.memory_space<vmem>>) target(%dma_start3A_139 : memref<512x16xf32, #tpu.memory_space<vmem_shared>>) target_semaphore(%run_scoped3A : memref<!tpu.dma_semaphore, #tpu.memory_space<semaphore_mem>>)
      %dma_wait3A_140 = arith.constant 0 : i32
      %dma_wait3A_141 = tpu.memref_slice %arg14[%add3A_25, %dma_wait3A_140] : memref<100096x16xf32, #tpu.memory_space<vmem_shared>> -> memref<512x16xf32, #tpu.memory_space<vmem_shared>>
      %dma_wait3A_142 = arith.constant 0 : i32
      %dma_wait3A_143 = tpu.memref_slice %arg14[%add3A_25, %dma_wait3A_142] : memref<100096x16xf32, #tpu.memory_space<vmem_shared>> -> memref<512x16xf32, #tpu.memory_space<vmem_shared>>
      tpu.wait_dma2 semaphore(%run_scoped3A : memref<!tpu.dma_semaphore, #tpu.memory_space<semaphore_mem>>) src(%arg11 : memref<512x16xf32, #tpu.memory_space<vmem>>) dst(%dma_wait3A_143 : memref<512x16xf32, #tpu.memory_space<vmem_shared>>)
      tpu.yield
    }) : () -> ()
    %add3A_26 = arith.constant 4608 : i32
    %add3A_27 = arith.addi %mul3A_7, %add3A_26 : i32
    "tpu.region"() ({
      %run_scoped3A = tpu.sem_alloc : memref<!tpu.dma_semaphore, #tpu.memory_space<semaphore_mem>>
      %dma_start3A_136 = arith.constant 0 : i32
      %dma_start3A_137 = tpu.memref_slice %arg14[%add3A_27, %dma_start3A_136] : memref<100096x16xf32, #tpu.memory_space<vmem_shared>> -> memref<512x16xf32, #tpu.memory_space<vmem_shared>>
      %dma_start3A_138 = arith.constant 0 : i32
      %dma_start3A_139 = tpu.memref_slice %arg14[%add3A_27, %dma_start3A_138] : memref<100096x16xf32, #tpu.memory_space<vmem_shared>> -> memref<512x16xf32, #tpu.memory_space<vmem_shared>>
      tpu.enqueue_dma source(%arg11 : memref<512x16xf32, #tpu.memory_space<vmem>>) target(%dma_start3A_139 : memref<512x16xf32, #tpu.memory_space<vmem_shared>>) target_semaphore(%run_scoped3A : memref<!tpu.dma_semaphore, #tpu.memory_space<semaphore_mem>>)
      %dma_wait3A_140 = arith.constant 0 : i32
      %dma_wait3A_141 = tpu.memref_slice %arg14[%add3A_27, %dma_wait3A_140] : memref<100096x16xf32, #tpu.memory_space<vmem_shared>> -> memref<512x16xf32, #tpu.memory_space<vmem_shared>>
      %dma_wait3A_142 = arith.constant 0 : i32
      %dma_wait3A_143 = tpu.memref_slice %arg14[%add3A_27, %dma_wait3A_142] : memref<100096x16xf32, #tpu.memory_space<vmem_shared>> -> memref<512x16xf32, #tpu.memory_space<vmem_shared>>
      tpu.wait_dma2 semaphore(%run_scoped3A : memref<!tpu.dma_semaphore, #tpu.memory_space<semaphore_mem>>) src(%arg11 : memref<512x16xf32, #tpu.memory_space<vmem>>) dst(%dma_wait3A_143 : memref<512x16xf32, #tpu.memory_space<vmem_shared>>)
      tpu.yield
    }) : () -> ()
    %add3A_28 = arith.constant 5120 : i32
    %add3A_29 = arith.addi %mul3A_7, %add3A_28 : i32
    "tpu.region"() ({
      %run_scoped3A = tpu.sem_alloc : memref<!tpu.dma_semaphore, #tpu.memory_space<semaphore_mem>>
      %dma_start3A_136 = arith.constant 0 : i32
      %dma_start3A_137 = tpu.memref_slice %arg14[%add3A_29, %dma_start3A_136] : memref<100096x16xf32, #tpu.memory_space<vmem_shared>> -> memref<512x16xf32, #tpu.memory_space<vmem_shared>>
      %dma_start3A_138 = arith.constant 0 : i32
      %dma_start3A_139 = tpu.memref_slice %arg14[%add3A_29, %dma_start3A_138] : memref<100096x16xf32, #tpu.memory_space<vmem_shared>> -> memref<512x16xf32, #tpu.memory_space<vmem_shared>>
      tpu.enqueue_dma source(%arg11 : memref<512x16xf32, #tpu.memory_space<vmem>>) target(%dma_start3A_139 : memref<512x16xf32, #tpu.memory_space<vmem_shared>>) target_semaphore(%run_scoped3A : memref<!tpu.dma_semaphore, #tpu.memory_space<semaphore_mem>>)
      %dma_wait3A_140 = arith.constant 0 : i32
      %dma_wait3A_141 = tpu.memref_slice %arg14[%add3A_29, %dma_wait3A_140] : memref<100096x16xf32, #tpu.memory_space<vmem_shared>> -> memref<512x16xf32, #tpu.memory_space<vmem_shared>>
      %dma_wait3A_142 = arith.constant 0 : i32
      %dma_wait3A_143 = tpu.memref_slice %arg14[%add3A_29, %dma_wait3A_142] : memref<100096x16xf32, #tpu.memory_space<vmem_shared>> -> memref<512x16xf32, #tpu.memory_space<vmem_shared>>
      tpu.wait_dma2 semaphore(%run_scoped3A : memref<!tpu.dma_semaphore, #tpu.memory_space<semaphore_mem>>) src(%arg11 : memref<512x16xf32, #tpu.memory_space<vmem>>) dst(%dma_wait3A_143 : memref<512x16xf32, #tpu.memory_space<vmem_shared>>)
      tpu.yield
    }) : () -> ()
    %add3A_30 = arith.constant 5632 : i32
    %add3A_31 = arith.addi %mul3A_7, %add3A_30 : i32
    "tpu.region"() ({
      %run_scoped3A = tpu.sem_alloc : memref<!tpu.dma_semaphore, #tpu.memory_space<semaphore_mem>>
      %dma_start3A_136 = arith.constant 0 : i32
      %dma_start3A_137 = tpu.memref_slice %arg14[%add3A_31, %dma_start3A_136] : memref<100096x16xf32, #tpu.memory_space<vmem_shared>> -> memref<512x16xf32, #tpu.memory_space<vmem_shared>>
      %dma_start3A_138 = arith.constant 0 : i32
      %dma_start3A_139 = tpu.memref_slice %arg14[%add3A_31, %dma_start3A_138] : memref<100096x16xf32, #tpu.memory_space<vmem_shared>> -> memref<512x16xf32, #tpu.memory_space<vmem_shared>>
      tpu.enqueue_dma source(%arg11 : memref<512x16xf32, #tpu.memory_space<vmem>>) target(%dma_start3A_139 : memref<512x16xf32, #tpu.memory_space<vmem_shared>>) target_semaphore(%run_scoped3A : memref<!tpu.dma_semaphore, #tpu.memory_space<semaphore_mem>>)
      %dma_wait3A_140 = arith.constant 0 : i32
      %dma_wait3A_141 = tpu.memref_slice %arg14[%add3A_31, %dma_wait3A_140] : memref<100096x16xf32, #tpu.memory_space<vmem_shared>> -> memref<512x16xf32, #tpu.memory_space<vmem_shared>>
      %dma_wait3A_142 = arith.constant 0 : i32
      %dma_wait3A_143 = tpu.memref_slice %arg14[%add3A_31, %dma_wait3A_142] : memref<100096x16xf32, #tpu.memory_space<vmem_shared>> -> memref<512x16xf32, #tpu.memory_space<vmem_shared>>
      tpu.wait_dma2 semaphore(%run_scoped3A : memref<!tpu.dma_semaphore, #tpu.memory_space<semaphore_mem>>) src(%arg11 : memref<512x16xf32, #tpu.memory_space<vmem>>) dst(%dma_wait3A_143 : memref<512x16xf32, #tpu.memory_space<vmem_shared>>)
      tpu.yield
    }) : () -> ()
    %add3A_32 = arith.constant 6144 : i32
    %add3A_33 = arith.addi %mul3A_7, %add3A_32 : i32
    "tpu.region"() ({
      %run_scoped3A = tpu.sem_alloc : memref<!tpu.dma_semaphore, #tpu.memory_space<semaphore_mem>>
      %dma_start3A_136 = arith.constant 0 : i32
      %dma_start3A_137 = arith.constant 0 : i32
      %dma_start3A_138 = tpu.memref_slice %arg11[%dma_start3A_136, %dma_start3A_137] : memref<512x16xf32, #tpu.memory_space<vmem>> -> memref<112x16xf32, #tpu.memory_space<vmem>>
      %dma_start3A_139 = arith.constant 0 : i32
      %dma_start3A_140 = tpu.memref_slice %arg14[%add3A_33, %dma_start3A_139] : memref<100096x16xf32, #tpu.memory_space<vmem_shared>> -> memref<112x16xf32, #tpu.memory_space<vmem_shared>>
      %dma_start3A_141 = arith.constant 0 : i32
      %dma_start3A_142 = tpu.memref_slice %arg14[%add3A_33, %dma_start3A_141] : memref<100096x16xf32, #tpu.memory_space<vmem_shared>> -> memref<112x16xf32, #tpu.memory_space<vmem_shared>>
      %dma_start3A_143 = arith.constant 0 : i32
      %dma_start3A_144 = arith.constant 0 : i32
      %dma_start3A_145 = tpu.memref_slice %arg11[%dma_start3A_143, %dma_start3A_144] : memref<512x16xf32, #tpu.memory_space<vmem>> -> memref<112x16xf32, #tpu.memory_space<vmem>>
      tpu.enqueue_dma source(%dma_start3A_145 : memref<112x16xf32, #tpu.memory_space<vmem>>) target(%dma_start3A_142 : memref<112x16xf32, #tpu.memory_space<vmem_shared>>) target_semaphore(%run_scoped3A : memref<!tpu.dma_semaphore, #tpu.memory_space<semaphore_mem>>)
      %dma_wait3A_146 = arith.constant 0 : i32
      %dma_wait3A_147 = arith.constant 0 : i32
      %dma_wait3A_148 = tpu.memref_slice %arg11[%dma_wait3A_146, %dma_wait3A_147] : memref<512x16xf32, #tpu.memory_space<vmem>> -> memref<112x16xf32, #tpu.memory_space<vmem>>
      %dma_wait3A_149 = arith.constant 0 : i32
      %dma_wait3A_150 = tpu.memref_slice %arg14[%add3A_33, %dma_wait3A_149] : memref<100096x16xf32, #tpu.memory_space<vmem_shared>> -> memref<112x16xf32, #tpu.memory_space<vmem_shared>>
      %dma_wait3A_151 = arith.constant 0 : i32
      %dma_wait3A_152 = tpu.memref_slice %arg14[%add3A_33, %dma_wait3A_151] : memref<100096x16xf32, #tpu.memory_space<vmem_shared>> -> memref<112x16xf32, #tpu.memory_space<vmem_shared>>
      %dma_wait3A_153 = arith.constant 0 : i32
      %dma_wait3A_154 = arith.constant 0 : i32
      %dma_wait3A_155 = tpu.memref_slice %arg11[%dma_wait3A_153, %dma_wait3A_154] : memref<512x16xf32, #tpu.memory_space<vmem>> -> memref<112x16xf32, #tpu.memory_space<vmem>>
      tpu.wait_dma2 semaphore(%run_scoped3A : memref<!tpu.dma_semaphore, #tpu.memory_space<semaphore_mem>>) src(%dma_wait3A_155 : memref<112x16xf32, #tpu.memory_space<vmem>>) dst(%dma_wait3A_152 : memref<112x16xf32, #tpu.memory_space<vmem_shared>>)
      tpu.yield
    }) : () -> ()
    %barrier3A = arith.constant 0 : index
    tpu.barrier barrier_id(%barrier3A)
    %broadcast_in_dim3A = arith.constant 100000 : i32
    %broadcast_in_dim3A_34 = vector.broadcast %broadcast_in_dim3A : i32 to vector<16xi32>
    %swap3A = arith.constant 0 : index
    %swap3A_35 = tpu.vector_load %arg13[%swap3A] {strides = array<i32>} : memref<16xi32, #tpu.memory_space<vmem>>, vector<16xi32>,
    %swap3A_36 = vector.shape_cast %swap3A_35 : vector<16xi32> to vector<16xi32>
    %swap3A_37 = vector.shape_cast %broadcast_in_dim3A_34 : vector<16xi32> to vector<16xi32>
    tpu.vector_store %arg13[%swap3A], %swap3A_37 {strides = array<i32>} : memref<16xi32, #tpu.memory_space<vmem>>, vector<16xi32>,
    %add3A_38 = arith.constant 0 : i32
    %add3A_39 = arith.addi %add3A_38, %add3A : i32
    %mul3A_40 = arith.constant 4 : i32
    %mul3A_41 = arith.muli %add3A_39, %mul3A_40 : i32
    %multiple_of3A = tpu.assume_multiple %mul3A_41, 8 : i32
    %dma_start3A = arith.constant 0 : i32
    %dma_start3A_42 = arith.constant 0 : i32
    %dma_start3A_43 = tpu.memref_slice %arg2[%dma_start3A, %multiple_of3A, %dma_start3A_42] : memref<2x12500x128xi32, #tpu.memory_space<hbm>> -> memref<1x4x128xi32, #tpu.memory_space<hbm>>
    %dma_start3A_44 = tpu.memref_squeeze %dma_start3A_43 : memref<1x4x128xi32, #tpu.memory_space<hbm>> -> memref<4x128xi32, #tpu.memory_space<hbm>>
    %dma_start3A_45 = arith.constant 0 : i32
    %dma_start3A_46 = tpu.memref_slice %arg2[%dma_start3A, %multiple_of3A, %dma_start3A_45] : memref<2x12500x128xi32, #tpu.memory_space<hbm>> -> memref<1x4x128xi32, #tpu.memory_space<hbm>>
    %dma_start3A_47 = tpu.memref_squeeze %dma_start3A_46 : memref<1x4x128xi32, #tpu.memory_space<hbm>> -> memref<4x128xi32, #tpu.memory_space<hbm>>
    tpu.enqueue_dma source(%dma_start3A_47 : memref<4x128xi32, #tpu.memory_space<hbm>>) target(%arg7 : memref<4x128xi32, #tpu.memory_space<vmem>>) target_semaphore(%arg15 : memref<!tpu.dma_semaphore, #tpu.memory_space<semaphore_mem>>)
    %dma_start3A_48 = arith.constant 1 : i32
    %dma_start3A_49 = arith.constant 0 : i32
    %dma_start3A_50 = tpu.memref_slice %arg2[%dma_start3A_48, %multiple_of3A, %dma_start3A_49] : memref<2x12500x128xi32, #tpu.memory_space<hbm>> -> memref<1x4x128xi32, #tpu.memory_space<hbm>>
    %dma_start3A_51 = tpu.memref_squeeze %dma_start3A_50 : memref<1x4x128xi32, #tpu.memory_space<hbm>> -> memref<4x128xi32, #tpu.memory_space<hbm>>
    %dma_start3A_52 = arith.constant 0 : i32
    %dma_start3A_53 = tpu.memref_slice %arg2[%dma_start3A_48, %multiple_of3A, %dma_start3A_52] : memref<2x12500x128xi32, #tpu.memory_space<hbm>> -> memref<1x4x128xi32, #tpu.memory_space<hbm>>
    %dma_start3A_54 = tpu.memref_squeeze %dma_start3A_53 : memref<1x4x128xi32, #tpu.memory_space<hbm>> -> memref<4x128xi32, #tpu.memory_space<hbm>>
    tpu.enqueue_dma source(%dma_start3A_54 : memref<4x128xi32, #tpu.memory_space<hbm>>) target(%arg8 : memref<4x128xi32, #tpu.memory_space<vmem>>) target_semaphore(%arg15 : memref<!tpu.dma_semaphore, #tpu.memory_space<semaphore_mem>>)
    %dma_wait3A = arith.constant 0 : i32
    %dma_wait3A_55 = arith.constant 0 : i32
    %dma_wait3A_56 = arith.constant 0 : i32
    %dma_wait3A_57 = tpu.memref_slice %arg2[%dma_wait3A, %dma_wait3A_55, %dma_wait3A_56] : memref<2x12500x128xi32, #tpu.memory_space<hbm>> -> memref<1x4x128xi32, #tpu.memory_space<hbm>>
    %dma_wait3A_58 = tpu.memref_squeeze %dma_wait3A_57 : memref<1x4x128xi32, #tpu.memory_space<hbm>> -> memref<4x128xi32, #tpu.memory_space<hbm>>
    %dma_wait3A_59 = arith.constant 0 : i32
    %dma_wait3A_60 = arith.constant 0 : i32
    %dma_wait3A_61 = tpu.memref_slice %arg2[%dma_wait3A, %dma_wait3A_59, %dma_wait3A_60] : memref<2x12500x128xi32, #tpu.memory_space<hbm>> -> memref<1x4x128xi32, #tpu.memory_space<hbm>>
    %dma_wait3A_62 = tpu.memref_squeeze %dma_wait3A_61 : memref<1x4x128xi32, #tpu.memory_space<hbm>> -> memref<4x128xi32, #tpu.memory_space<hbm>>
    tpu.wait_dma2 semaphore(%arg15 : memref<!tpu.dma_semaphore, #tpu.memory_space<semaphore_mem>>) src(%dma_wait3A_62 : memref<4x128xi32, #tpu.memory_space<hbm>>) dst(%arg7 : memref<4x128xi32, #tpu.memory_space<vmem>>)
    %dma_wait3A_63 = arith.constant 1 : i32
    %dma_wait3A_64 = arith.constant 0 : i32
    %dma_wait3A_65 = arith.constant 0 : i32
    %dma_wait3A_66 = tpu.memref_slice %arg2[%dma_wait3A_63, %dma_wait3A_64, %dma_wait3A_65] : memref<2x12500x128xi32, #tpu.memory_space<hbm>> -> memref<1x4x128xi32, #tpu.memory_space<hbm>>
    %dma_wait3A_67 = tpu.memref_squeeze %dma_wait3A_66 : memref<1x4x128xi32, #tpu.memory_space<hbm>> -> memref<4x128xi32, #tpu.memory_space<hbm>>
    %dma_wait3A_68 = arith.constant 0 : i32
    %dma_wait3A_69 = arith.constant 0 : i32
    %dma_wait3A_70 = tpu.memref_slice %arg2[%dma_wait3A_63, %dma_wait3A_68, %dma_wait3A_69] : memref<2x12500x128xi32, #tpu.memory_space<hbm>> -> memref<1x4x128xi32, #tpu.memory_space<hbm>>
    %dma_wait3A_71 = tpu.memref_squeeze %dma_wait3A_70 : memref<1x4x128xi32, #tpu.memory_space<hbm>> -> memref<4x128xi32, #tpu.memory_space<hbm>>
    tpu.wait_dma2 semaphore(%arg15 : memref<!tpu.dma_semaphore, #tpu.memory_space<semaphore_mem>>) src(%dma_wait3A_71 : memref<4x128xi32, #tpu.memory_space<hbm>>) dst(%arg8 : memref<4x128xi32, #tpu.memory_space<vmem>>)
    %dma_start3A_72 = arith.constant 0 : i32
    %dma_start3A_73 = arith.constant 0 : i32
    %dma_start3A_74 = arith.constant 0 : i32
    %dma_start3A_75 = tpu.memref_slice %arg11[%dma_start3A_73, %dma_start3A_74] : memref<512x16xf32, #tpu.memory_space<vmem>> -> memref<128x16xf32, #tpu.memory_space<vmem>>
    %dma_start3A_76 = arith.constant 0 : i32
    %dma_start3A_77 = tpu.memref_slice %arg8[%dma_start3A_72, %dma_start3A_76] : memref<4x128xi32, #tpu.memory_space<vmem>> -> memref<1x128xi32, #tpu.memory_space<vmem>>
    %dma_start3A_78 = tpu.memref_squeeze %dma_start3A_77 : memref<1x128xi32, #tpu.memory_space<vmem>> -> memref<128xi32, #tpu.memory_space<vmem>>
    %dma_start3A_79 = arith.constant 0 : i32
    %dma_start3A_80 = arith.constant 0 : i32
    %dma_start3A_81 = tpu.memref_slice %arg3[%dma_start3A_79, %dma_start3A_80] : memref<100000x16xf32, #tpu.memory_space<hbm>> -> memref<100000x16xf32, #tpu.memory_space<hbm>>
    tpu.enqueue_indirect_dma source(%dma_start3A_81 : memref<100000x16xf32, #tpu.memory_space<hbm>>) target(%dma_start3A_75 : memref<128x16xf32, #tpu.memory_space<vmem>>) offsets(%dma_start3A_78 : memref<128xi32, #tpu.memory_space<vmem>>) semaphore(%arg17 : memref<!tpu.dma_semaphore, #tpu.memory_space<semaphore_mem>>)
    %dma_start3A_82 = arith.constant 1 : i32
    %dma_start3A_83 = arith.constant 128 : i32
    %dma_start3A_84 = arith.constant 0 : i32
    %dma_start3A_85 = tpu.memref_slice %arg11[%dma_start3A_83, %dma_start3A_84] : memref<512x16xf32, #tpu.memory_space<vmem>> -> memref<128x16xf32, #tpu.memory_space<vmem>>
    %dma_start3A_86 = arith.constant 0 : i32
    %dma_start3A_87 = tpu.memref_slice %arg8[%dma_start3A_82, %dma_start3A_86] : memref<4x128xi32, #tpu.memory_space<vmem>> -> memref<1x128xi32, #tpu.memory_space<vmem>>
    %dma_start3A_88 = tpu.memref_squeeze %dma_start3A_87 : memref<1x128xi32, #tpu.memory_space<vmem>> -> memref<128xi32, #tpu.memory_space<vmem>>
    %dma_start3A_89 = arith.constant 0 : i32
    %dma_start3A_90 = arith.constant 0 : i32
    %dma_start3A_91 = tpu.memref_slice %arg3[%dma_start3A_89, %dma_start3A_90] : memref<100000x16xf32, #tpu.memory_space<hbm>> -> memref<100000x16xf32, #tpu.memory_space<hbm>>
    tpu.enqueue_indirect_dma source(%dma_start3A_91 : memref<100000x16xf32, #tpu.memory_space<hbm>>) target(%dma_start3A_85 : memref<128x16xf32, #tpu.memory_space<vmem>>) offsets(%dma_start3A_88 : memref<128xi32, #tpu.memory_space<vmem>>) semaphore(%arg17 : memref<!tpu.dma_semaphore, #tpu.memory_space<semaphore_mem>>)
    %dma_start3A_92 = arith.constant 2 : i32
    %dma_start3A_93 = arith.constant 256 : i32
    %dma_start3A_94 = arith.constant 0 : i32
    %dma_start3A_95 = tpu.memref_slice %arg11[%dma_start3A_93, %dma_start3A_94] : memref<512x16xf32, #tpu.memory_space<vmem>> -> memref<128x16xf32, #tpu.memory_space<vmem>>
    %dma_start3A_96 = arith.constant 0 : i32
    %dma_start3A_97 = tpu.memref_slice %arg8[%dma_start3A_92, %dma_start3A_96] : memref<4x128xi32, #tpu.memory_space<vmem>> -> memref<1x128xi32, #tpu.memory_space<vmem>>
    %dma_start3A_98 = tpu.memref_squeeze %dma_start3A_97 : memref<1x128xi32, #tpu.memory_space<vmem>> -> memref<128xi32, #tpu.memory_space<vmem>>
    %dma_start3A_99 = arith.constant 0 : i32
    %dma_start3A_100 = arith.constant 0 : i32
    %dma_start3A_101 = tpu.memref_slice %arg3[%dma_start3A_99, %dma_start3A_100] : memref<100000x16xf32, #tpu.memory_space<hbm>> -> memref<100000x16xf32, #tpu.memory_space<hbm>>
    tpu.enqueue_indirect_dma source(%dma_start3A_101 : memref<100000x16xf32, #tpu.memory_space<hbm>>) target(%dma_start3A_95 : memref<128x16xf32, #tpu.memory_space<vmem>>) offsets(%dma_start3A_98 : memref<128xi32, #tpu.memory_space<vmem>>) semaphore(%arg17 : memref<!tpu.dma_semaphore, #tpu.memory_space<semaphore_mem>>)
    %dma_start3A_102 = arith.constant 3 : i32
    %dma_start3A_103 = arith.constant 384 : i32
    %dma_start3A_104 = arith.constant 0 : i32
    %dma_start3A_105 = tpu.memref_slice %arg11[%dma_start3A_103, %dma_start3A_104] : memref<512x16xf32, #tpu.memory_space<vmem>> -> memref<128x16xf32, #tpu.memory_space<vmem>>
    %dma_start3A_106 = arith.constant 0 : i32
    %dma_start3A_107 = tpu.memref_slice %arg8[%dma_start3A_102, %dma_start3A_106] : memref<4x128xi32, #tpu.memory_space<vmem>> -> memref<1x128xi32, #tpu.memory_space<vmem>>
    %dma_start3A_108 = tpu.memref_squeeze %dma_start3A_107 : memref<1x128xi32, #tpu.memory_space<vmem>> -> memref<128xi32, #tpu.memory_space<vmem>>
    %dma_start3A_109 = arith.constant 0 : i32
    %dma_start3A_110 = arith.constant 0 : i32
    %dma_start3A_111 = tpu.memref_slice %arg3[%dma_start3A_109, %dma_start3A_110] : memref<100000x16xf32, #tpu.memory_space<hbm>> -> memref<100000x16xf32, #tpu.memory_space<hbm>>
    tpu.enqueue_indirect_dma source(%dma_start3A_111 : memref<100000x16xf32, #tpu.memory_space<hbm>>) target(%dma_start3A_105 : memref<128x16xf32, #tpu.memory_space<vmem>>) offsets(%dma_start3A_108 : memref<128xi32, #tpu.memory_space<vmem>>) semaphore(%arg17 : memref<!tpu.dma_semaphore, #tpu.memory_space<semaphore_mem>>)
    %scan3A_112 = arith.constant 0 : i32
    %scan3A_113 = arith.constant 0 : i32
    %scan3A_114 = arith.constant 49 : i32
    %scan3A_115 = arith.addi %scan3A_113, %scan3A_114 : i32
    %scan3A_116 = arith.constant 1 : i32
    scf.for %scan3A_136 = %scan3A_113 to %scan3A_115 step %scan3A_116  : i32 {
      %mul3A_137 = arith.constant 2 : i32
      %mul3A_138 = arith.muli %mul3A_137, %scan3A_136 : i32
      %mul3A_139 = arith.constant 2 : i32
      %mul3A_140 = arith.muli %mul3A_139, %scan3A_136 : i32
      %add3A_141 = arith.constant 1 : i32
      %add3A_142 = arith.addi %mul3A_140, %add3A_141 : i32
      %sub3A = arith.constant 2 : i32
      %sub3A_143 = arith.subi %add3A_142, %sub3A : i32
      %ge3A = arith.constant 0 : i32
      %ge3A_144 = arith.cmpi sge, %sub3A_143, %ge3A : i32
      %mul3A_145 = arith.constant 32 : i32
      %mul3A_146 = arith.muli %sub3A_143, %mul3A_145 : i32
      %add3A_147 = arith.addi %mul3A_146, %add3A : i32
      %lt3A_148 = arith.constant 3125 : i32
      %lt3A_149 = arith.cmpi slt, %add3A_147, %lt3A_148 : i32
      %and3A_150 = arith.andi %ge3A_144, %lt3A_149 : i1
      %convert_element_type3A_151 = arith.extui %and3A_150 : i1 to i32
      %cond3A_152 = arith.constant 0 : i32
      %cond3A_153 = arith.cmpi ne, %convert_element_type3A_151, %cond3A_152 : i32
      scf.if %cond3A_153 {
        %dma_wait3A_222 = arith.constant 0 : i32
        %dma_wait3A_223 = arith.constant 0 : i32
        %dma_wait3A_224 = arith.constant 0 : i32
        %dma_wait3A_225 = tpu.memref_slice %arg12[%dma_wait3A_223, %dma_wait3A_224] : memref<512x16xf32, #tpu.memory_space<vmem>> -> memref<128x16xf32, #tpu.memory_space<vmem>>
        %dma_wait3A_226 = arith.constant 0 : i32
        %dma_wait3A_227 = tpu.memref_slice %arg9[%dma_wait3A_222, %dma_wait3A_226] : memref<4x128xi32, #tpu.memory_space<vmem>> -> memref<1x128xi32, #tpu.memory_space<vmem>>
        %dma_wait3A_228 = tpu.memref_squeeze %dma_wait3A_227 : memref<1x128xi32, #tpu.memory_space<vmem>> -> memref<128xi32, #tpu.memory_space<vmem>>
        %dma_wait3A_229 = arith.constant 0 : i32
        %dma_wait3A_230 = arith.constant 0 : i32
        %dma_wait3A_231 = tpu.memref_slice %arg14[%dma_wait3A_229, %dma_wait3A_230] : memref<100096x16xf32, #tpu.memory_space<vmem_shared>> -> memref<100096x16xf32, #tpu.memory_space<vmem_shared>>
        tpu.wait_indirect_dma semaphore(%arg20 : memref<!tpu.dma_semaphore, #tpu.memory_space<semaphore_mem>>) src(%dma_wait3A_225 : memref<128x16xf32, #tpu.memory_space<vmem>>) dst(%dma_wait3A_231 : memref<100096x16xf32, #tpu.memory_space<vmem_shared>>)
        %dma_wait3A_232 = arith.constant 1 : i32
        %dma_wait3A_233 = arith.constant 128 : i32
        %dma_wait3A_234 = arith.constant 0 : i32
        %dma_wait3A_235 = tpu.memref_slice %arg12[%dma_wait3A_233, %dma_wait3A_234] : memref<512x16xf32, #tpu.memory_space<vmem>> -> memref<128x16xf32, #tpu.memory_space<vmem>>
        %dma_wait3A_236 = arith.constant 0 : i32
        %dma_wait3A_237 = tpu.memref_slice %arg9[%dma_wait3A_232, %dma_wait3A_236] : memref<4x128xi32, #tpu.memory_space<vmem>> -> memref<1x128xi32, #tpu.memory_space<vmem>>
        %dma_wait3A_238 = tpu.memref_squeeze %dma_wait3A_237 : memref<1x128xi32, #tpu.memory_space<vmem>> -> memref<128xi32, #tpu.memory_space<vmem>>
        %dma_wait3A_239 = arith.constant 0 : i32
        %dma_wait3A_240 = arith.constant 0 : i32
        %dma_wait3A_241 = tpu.memref_slice %arg14[%dma_wait3A_239, %dma_wait3A_240] : memref<100096x16xf32, #tpu.memory_space<vmem_shared>> -> memref<100096x16xf32, #tpu.memory_space<vmem_shared>>
        tpu.wait_indirect_dma semaphore(%arg20 : memref<!tpu.dma_semaphore, #tpu.memory_space<semaphore_mem>>) src(%dma_wait3A_235 : memref<128x16xf32, #tpu.memory_space<vmem>>) dst(%dma_wait3A_241 : memref<100096x16xf32, #tpu.memory_space<vmem_shared>>)
        %dma_wait3A_242 = arith.constant 2 : i32
        %dma_wait3A_243 = arith.constant 256 : i32
        %dma_wait3A_244 = arith.constant 0 : i32
        %dma_wait3A_245 = tpu.memref_slice %arg12[%dma_wait3A_243, %dma_wait3A_244] : memref<512x16xf32, #tpu.memory_space<vmem>> -> memref<128x16xf32, #tpu.memory_space<vmem>>
        %dma_wait3A_246 = arith.constant 0 : i32
        %dma_wait3A_247 = tpu.memref_slice %arg9[%dma_wait3A_242, %dma_wait3A_246] : memref<4x128xi32, #tpu.memory_space<vmem>> -> memref<1x128xi32, #tpu.memory_space<vmem>>
        %dma_wait3A_248 = tpu.memref_squeeze %dma_wait3A_247 : memref<1x128xi32, #tpu.memory_space<vmem>> -> memref<128xi32, #tpu.memory_space<vmem>>
        %dma_wait3A_249 = arith.constant 0 : i32
        %dma_wait3A_250 = arith.constant 0 : i32
        %dma_wait3A_251 = tpu.memref_slice %arg14[%dma_wait3A_249, %dma_wait3A_250] : memref<100096x16xf32, #tpu.memory_space<vmem_shared>> -> memref<100096x16xf32, #tpu.memory_space<vmem_shared>>
        tpu.wait_indirect_dma semaphore(%arg20 : memref<!tpu.dma_semaphore, #tpu.memory_space<semaphore_mem>>) src(%dma_wait3A_245 : memref<128x16xf32, #tpu.memory_space<vmem>>) dst(%dma_wait3A_251 : memref<100096x16xf32, #tpu.memory_space<vmem_shared>>)
        %dma_wait3A_252 = arith.constant 3 : i32
        %dma_wait3A_253 = arith.constant 384 : i32
        %dma_wait3A_254 = arith.constant 0 : i32
        %dma_wait3A_255 = tpu.memref_slice %arg12[%dma_wait3A_253, %dma_wait3A_254] : memref<512x16xf32, #tpu.memory_space<vmem>> -> memref<128x16xf32, #tpu.memory_space<vmem>>
        %dma_wait3A_256 = arith.constant 0 : i32
        %dma_wait3A_257 = tpu.memref_slice %arg9[%dma_wait3A_252, %dma_wait3A_256] : memref<4x128xi32, #tpu.memory_space<vmem>> -> memref<1x128xi32, #tpu.memory_space<vmem>>
        %dma_wait3A_258 = tpu.memref_squeeze %dma_wait3A_257 : memref<1x128xi32, #tpu.memory_space<vmem>> -> memref<128xi32, #tpu.memory_space<vmem>>
        %dma_wait3A_259 = arith.constant 0 : i32
        %dma_wait3A_260 = arith.constant 0 : i32
        %dma_wait3A_261 = tpu.memref_slice %arg14[%dma_wait3A_259, %dma_wait3A_260] : memref<100096x16xf32, #tpu.memory_space<vmem_shared>> -> memref<100096x16xf32, #tpu.memory_space<vmem_shared>>
        tpu.wait_indirect_dma semaphore(%arg20 : memref<!tpu.dma_semaphore, #tpu.memory_space<semaphore_mem>>) src(%dma_wait3A_255 : memref<128x16xf32, #tpu.memory_space<vmem>>) dst(%dma_wait3A_261 : memref<100096x16xf32, #tpu.memory_space<vmem_shared>>)
      } else {
      }
      %ge3A_154 = arith.constant 0 : i32
      %ge3A_155 = arith.cmpi sge, %add3A_142, %ge3A_154 : i32
      %mul3A_156 = arith.constant 32 : i32
      %mul3A_157 = arith.muli %add3A_142, %mul3A_156 : i32
      %add3A_158 = arith.addi %mul3A_157, %add3A : i32
      %lt3A_159 = arith.constant 3125 : i32
      %lt3A_160 = arith.cmpi slt, %add3A_158, %lt3A_159 : i32
      %and3A_161 = arith.andi %ge3A_155, %lt3A_160 : i1
      %convert_element_type3A_162 = arith.extui %and3A_161 : i1 to i32
      %cond3A_163 = arith.constant 0 : i32
      %cond3A_164 = arith.cmpi ne, %convert_element_type3A_162, %cond3A_163 : i32
      scf.if %cond3A_164 {
        %mul3A_222 = arith.constant 32 : i32
        %mul3A_223 = arith.muli %add3A_142, %mul3A_222 : i32
        %add3A_224 = arith.addi %mul3A_223, %add3A : i32
        %mul3A_225 = arith.constant 4 : i32
        %mul3A_226 = arith.muli %add3A_224, %mul3A_225 : i32
        %multiple_of3A_227 = tpu.assume_multiple %mul3A_226, 8 : i32
        %dma_start3A_228 = arith.constant 0 : i32
        %dma_start3A_229 = arith.constant 0 : i32
        %dma_start3A_230 = tpu.memref_slice %arg2[%dma_start3A_228, %multiple_of3A_227, %dma_start3A_229] : memref<2x12500x128xi32, #tpu.memory_space<hbm>> -> memref<1x4x128xi32, #tpu.memory_space<hbm>>
        %dma_start3A_231 = tpu.memref_squeeze %dma_start3A_230 : memref<1x4x128xi32, #tpu.memory_space<hbm>> -> memref<4x128xi32, #tpu.memory_space<hbm>>
        %dma_start3A_232 = arith.constant 0 : i32
        %dma_start3A_233 = tpu.memref_slice %arg2[%dma_start3A_228, %multiple_of3A_227, %dma_start3A_232] : memref<2x12500x128xi32, #tpu.memory_space<hbm>> -> memref<1x4x128xi32, #tpu.memory_space<hbm>>
        %dma_start3A_234 = tpu.memref_squeeze %dma_start3A_233 : memref<1x4x128xi32, #tpu.memory_space<hbm>> -> memref<4x128xi32, #tpu.memory_space<hbm>>
        tpu.enqueue_dma source(%dma_start3A_234 : memref<4x128xi32, #tpu.memory_space<hbm>>) target(%arg9 : memref<4x128xi32, #tpu.memory_space<vmem>>) target_semaphore(%arg16 : memref<!tpu.dma_semaphore, #tpu.memory_space<semaphore_mem>>)
        %dma_start3A_235 = arith.constant 1 : i32
        %dma_start3A_236 = arith.constant 0 : i32
        %dma_start3A_237 = tpu.memref_slice %arg2[%dma_start3A_235, %multiple_of3A_227, %dma_start3A_236] : memref<2x12500x128xi32, #tpu.memory_space<hbm>> -> memref<1x4x128xi32, #tpu.memory_space<hbm>>
        %dma_start3A_238 = tpu.memref_squeeze %dma_start3A_237 : memref<1x4x128xi32, #tpu.memory_space<hbm>> -> memref<4x128xi32, #tpu.memory_space<hbm>>
        %dma_start3A_239 = arith.constant 0 : i32
        %dma_start3A_240 = tpu.memref_slice %arg2[%dma_start3A_235, %multiple_of3A_227, %dma_start3A_239] : memref<2x12500x128xi32, #tpu.memory_space<hbm>> -> memref<1x4x128xi32, #tpu.memory_space<hbm>>
        %dma_start3A_241 = tpu.memref_squeeze %dma_start3A_240 : memref<1x4x128xi32, #tpu.memory_space<hbm>> -> memref<4x128xi32, #tpu.memory_space<hbm>>
        tpu.enqueue_dma source(%dma_start3A_241 : memref<4x128xi32, #tpu.memory_space<hbm>>) target(%arg10 : memref<4x128xi32, #tpu.memory_space<vmem>>) target_semaphore(%arg16 : memref<!tpu.dma_semaphore, #tpu.memory_space<semaphore_mem>>)
      } else {
      }
      %ge3A_165 = arith.constant 0 : i32
      %ge3A_166 = arith.cmpi sge, %mul3A_138, %ge3A_165 : i32
      %mul3A_167 = arith.constant 32 : i32
      %mul3A_168 = arith.muli %mul3A_138, %mul3A_167 : i32
      %add3A_169 = arith.addi %mul3A_168, %add3A : i32
      %lt3A_170 = arith.constant 3125 : i32
      %lt3A_171 = arith.cmpi slt, %add3A_169, %lt3A_170 : i32
      %and3A_172 = arith.andi %ge3A_166, %lt3A_171 : i1
      %convert_element_type3A_173 = arith.extui %and3A_172 : i1 to i32
      %cond3A_174 = arith.constant 0 : i32
      %cond3A_175 = arith.cmpi ne, %convert_element_type3A_173, %cond3A_174 : i32
      scf.if %cond3A_175 {
        %dma_wait3A_222 = arith.constant 0 : i32
        %dma_wait3A_223 = arith.constant 0 : i32
        %dma_wait3A_224 = arith.constant 0 : i32
        %dma_wait3A_225 = tpu.memref_slice %arg11[%dma_wait3A_223, %dma_wait3A_224] : memref<512x16xf32, #tpu.memory_space<vmem>> -> memref<128x16xf32, #tpu.memory_space<vmem>>
        %dma_wait3A_226 = arith.constant 0 : i32
        %dma_wait3A_227 = tpu.memref_slice %arg8[%dma_wait3A_222, %dma_wait3A_226] : memref<4x128xi32, #tpu.memory_space<vmem>> -> memref<1x128xi32, #tpu.memory_space<vmem>>
        %dma_wait3A_228 = tpu.memref_squeeze %dma_wait3A_227 : memref<1x128xi32, #tpu.memory_space<vmem>> -> memref<128xi32, #tpu.memory_space<vmem>>
        %dma_wait3A_229 = arith.constant 0 : i32
        %dma_wait3A_230 = arith.constant 0 : i32
        %dma_wait3A_231 = tpu.memref_slice %arg3[%dma_wait3A_229, %dma_wait3A_230] : memref<100000x16xf32, #tpu.memory_space<hbm>> -> memref<100000x16xf32, #tpu.memory_space<hbm>>
        tpu.wait_indirect_dma semaphore(%arg17 : memref<!tpu.dma_semaphore, #tpu.memory_space<semaphore_mem>>) src(%dma_wait3A_231 : memref<100000x16xf32, #tpu.memory_space<hbm>>) dst(%dma_wait3A_225 : memref<128x16xf32, #tpu.memory_space<vmem>>)
        %dma_wait3A_232 = arith.constant 1 : i32
        %dma_wait3A_233 = arith.constant 128 : i32
        %dma_wait3A_234 = arith.constant 0 : i32
        %dma_wait3A_235 = tpu.memref_slice %arg11[%dma_wait3A_233, %dma_wait3A_234] : memref<512x16xf32, #tpu.memory_space<vmem>> -> memref<128x16xf32, #tpu.memory_space<vmem>>
        %dma_wait3A_236 = arith.constant 0 : i32
        %dma_wait3A_237 = tpu.memref_slice %arg8[%dma_wait3A_232, %dma_wait3A_236] : memref<4x128xi32, #tpu.memory_space<vmem>> -> memref<1x128xi32, #tpu.memory_space<vmem>>
        %dma_wait3A_238 = tpu.memref_squeeze %dma_wait3A_237 : memref<1x128xi32, #tpu.memory_space<vmem>> -> memref<128xi32, #tpu.memory_space<vmem>>
        %dma_wait3A_239 = arith.constant 0 : i32
        %dma_wait3A_240 = arith.constant 0 : i32
        %dma_wait3A_241 = tpu.memref_slice %arg3[%dma_wait3A_239, %dma_wait3A_240] : memref<100000x16xf32, #tpu.memory_space<hbm>> -> memref<100000x16xf32, #tpu.memory_space<hbm>>
        tpu.wait_indirect_dma semaphore(%arg17 : memref<!tpu.dma_semaphore, #tpu.memory_space<semaphore_mem>>) src(%dma_wait3A_241 : memref<100000x16xf32, #tpu.memory_space<hbm>>) dst(%dma_wait3A_235 : memref<128x16xf32, #tpu.memory_space<vmem>>)
        %dma_wait3A_242 = arith.constant 2 : i32
        %dma_wait3A_243 = arith.constant 256 : i32
        %dma_wait3A_244 = arith.constant 0 : i32
        %dma_wait3A_245 = tpu.memref_slice %arg11[%dma_wait3A_243, %dma_wait3A_244] : memref<512x16xf32, #tpu.memory_space<vmem>> -> memref<128x16xf32, #tpu.memory_space<vmem>>
        %dma_wait3A_246 = arith.constant 0 : i32
        %dma_wait3A_247 = tpu.memref_slice %arg8[%dma_wait3A_242, %dma_wait3A_246] : memref<4x128xi32, #tpu.memory_space<vmem>> -> memref<1x128xi32, #tpu.memory_space<vmem>>
        %dma_wait3A_248 = tpu.memref_squeeze %dma_wait3A_247 : memref<1x128xi32, #tpu.memory_space<vmem>> -> memref<128xi32, #tpu.memory_space<vmem>>
        %dma_wait3A_249 = arith.constant 0 : i32
        %dma_wait3A_250 = arith.constant 0 : i32
        %dma_wait3A_251 = tpu.memref_slice %arg3[%dma_wait3A_249, %dma_wait3A_250] : memref<100000x16xf32, #tpu.memory_space<hbm>> -> memref<100000x16xf32, #tpu.memory_space<hbm>>
        tpu.wait_indirect_dma semaphore(%arg17 : memref<!tpu.dma_semaphore, #tpu.memory_space<semaphore_mem>>) src(%dma_wait3A_251 : memref<100000x16xf32, #tpu.memory_space<hbm>>) dst(%dma_wait3A_245 : memref<128x16xf32, #tpu.memory_space<vmem>>)
        %dma_wait3A_252 = arith.constant 3 : i32
        %dma_wait3A_253 = arith.constant 384 : i32
        %dma_wait3A_254 = arith.constant 0 : i32
        %dma_wait3A_255 = tpu.memref_slice %arg11[%dma_wait3A_253, %dma_wait3A_254] : memref<512x16xf32, #tpu.memory_space<vmem>> -> memref<128x16xf32, #tpu.memory_space<vmem>>
        %dma_wait3A_256 = arith.constant 0 : i32
        %dma_wait3A_257 = tpu.memref_slice %arg8[%dma_wait3A_252, %dma_wait3A_256] : memref<4x128xi32, #tpu.memory_space<vmem>> -> memref<1x128xi32, #tpu.memory_space<vmem>>
        %dma_wait3A_258 = tpu.memref_squeeze %dma_wait3A_257 : memref<1x128xi32, #tpu.memory_space<vmem>> -> memref<128xi32, #tpu.memory_space<vmem>>
        %dma_wait3A_259 = arith.constant 0 : i32
        %dma_wait3A_260 = arith.constant 0 : i32
        %dma_wait3A_261 = tpu.memref_slice %arg3[%dma_wait3A_259, %dma_wait3A_260] : memref<100000x16xf32, #tpu.memory_space<hbm>> -> memref<100000x16xf32, #tpu.memory_space<hbm>>
        tpu.wait_indirect_dma semaphore(%arg17 : memref<!tpu.dma_semaphore, #tpu.memory_space<semaphore_mem>>) src(%dma_wait3A_261 : memref<100000x16xf32, #tpu.memory_space<hbm>>) dst(%dma_wait3A_255 : memref<128x16xf32, #tpu.memory_space<vmem>>)
        %get3A = arith.constant 0 : index
        %get3A_262 = tpu.vector_load %arg13[%get3A] {strides = array<i32>} : memref<16xi32, #tpu.memory_space<vmem>>, vector<16xi32>,
        %get3A_263 = vector.shape_cast %get3A_262 : vector<16xi32> to vector<16xi32>
        %get3A_264 = arith.constant 0 : i32
        %get3A_265 = arith.index_cast %get3A_264 : i32 to index
        %get3A_266 = arith.constant 0 : index
        %get3A_267 = tpu.vector_load %arg7[%get3A_265, %get3A_266] {strides = array<i32>} : memref<4x128xi32, #tpu.memory_space<vmem>>, vector<1x16xi32>,
        %get3A_268 = vector.shape_cast %get3A_267 : vector<1x16xi32> to vector<16xi32>
        %min3A = arith.minsi %get3A_263, %get3A_268 : vector<16xi32>
        %get3A_269 = arith.constant 0 : i32
        %get3A_270 = arith.index_cast %get3A_269 : i32 to index
        %get3A_271 = arith.constant 16 : index
        %get3A_272 = tpu.vector_load %arg7[%get3A_270, %get3A_271] {strides = array<i32>} : memref<4x128xi32, #tpu.memory_space<vmem>>, vector<1x16xi32>,
        %get3A_273 = vector.shape_cast %get3A_272 : vector<1x16xi32> to vector<16xi32>
        %min3A_274 = arith.minsi %min3A, %get3A_273 : vector<16xi32>
        %get3A_275 = arith.constant 0 : i32
        %get3A_276 = arith.index_cast %get3A_275 : i32 to index
        %get3A_277 = arith.constant 32 : index
        %get3A_278 = tpu.vector_load %arg7[%get3A_276, %get3A_277] {strides = array<i32>} : memref<4x128xi32, #tpu.memory_space<vmem>>, vector<1x16xi32>,
        %get3A_279 = vector.shape_cast %get3A_278 : vector<1x16xi32> to vector<16xi32>
        %min3A_280 = arith.minsi %min3A_274, %get3A_279 : vector<16xi32>
        %get3A_281 = arith.constant 0 : i32
        %get3A_282 = arith.index_cast %get3A_281 : i32 to index
        %get3A_283 = arith.constant 48 : index
        %get3A_284 = tpu.vector_load %arg7[%get3A_282, %get3A_283] {strides = array<i32>} : memref<4x128xi32, #tpu.memory_space<vmem>>, vector<1x16xi32>,
        %get3A_285 = vector.shape_cast %get3A_284 : vector<1x16xi32> to vector<16xi32>
        %min3A_286 = arith.minsi %min3A_280, %get3A_285 : vector<16xi32>
        %get3A_287 = arith.constant 0 : i32
        %get3A_288 = arith.index_cast %get3A_287 : i32 to index
        %get3A_289 = arith.constant 64 : index
        %get3A_290 = tpu.vector_load %arg7[%get3A_288, %get3A_289] {strides = array<i32>} : memref<4x128xi32, #tpu.memory_space<vmem>>, vector<1x16xi32>,
        %get3A_291 = vector.shape_cast %get3A_290 : vector<1x16xi32> to vector<16xi32>
        %min3A_292 = arith.minsi %min3A_286, %get3A_291 : vector<16xi32>
        %get3A_293 = arith.constant 0 : i32
        %get3A_294 = arith.index_cast %get3A_293 : i32 to index
        %get3A_295 = arith.constant 80 : index
        %get3A_296 = tpu.vector_load %arg7[%get3A_294, %get3A_295] {strides = array<i32>} : memref<4x128xi32, #tpu.memory_space<vmem>>, vector<1x16xi32>,
        %get3A_297 = vector.shape_cast %get3A_296 : vector<1x16xi32> to vector<16xi32>
        %min3A_298 = arith.minsi %min3A_292, %get3A_297 : vector<16xi32>
        %get3A_299 = arith.constant 0 : i32
        %get3A_300 = arith.index_cast %get3A_299 : i32 to index
        %get3A_301 = arith.constant 96 : index
        %get3A_302 = tpu.vector_load %arg7[%get3A_300, %get3A_301] {strides = array<i32>} : memref<4x128xi32, #tpu.memory_space<vmem>>, vector<1x16xi32>,
        %get3A_303 = vector.shape_cast %get3A_302 : vector<1x16xi32> to vector<16xi32>
        %min3A_304 = arith.minsi %min3A_298, %get3A_303 : vector<16xi32>
        %get3A_305 = arith.constant 0 : i32
        %get3A_306 = arith.index_cast %get3A_305 : i32 to index
        %get3A_307 = arith.constant 112 : index
        %get3A_308 = tpu.vector_load %arg7[%get3A_306, %get3A_307] {strides = array<i32>} : memref<4x128xi32, #tpu.memory_space<vmem>>, vector<1x16xi32>,
        %get3A_309 = vector.shape_cast %get3A_308 : vector<1x16xi32> to vector<16xi32>
        %min3A_310 = arith.minsi %min3A_304, %get3A_309 : vector<16xi32>
        %get3A_311 = arith.constant 1 : i32
        %get3A_312 = arith.index_cast %get3A_311 : i32 to index
        %get3A_313 = arith.constant 0 : index
        %get3A_314 = tpu.vector_load %arg7[%get3A_312, %get3A_313] {strides = array<i32>} : memref<4x128xi32, #tpu.memory_space<vmem>>, vector<1x16xi32>,
        %get3A_315 = vector.shape_cast %get3A_314 : vector<1x16xi32> to vector<16xi32>
        %min3A_316 = arith.minsi %min3A_310, %get3A_315 : vector<16xi32>
        %get3A_317 = arith.constant 1 : i32
        %get3A_318 = arith.index_cast %get3A_317 : i32 to index
        %get3A_319 = arith.constant 16 : index
        %get3A_320 = tpu.vector_load %arg7[%get3A_318, %get3A_319] {strides = array<i32>} : memref<4x128xi32, #tpu.memory_space<vmem>>, vector<1x16xi32>,
        %get3A_321 = vector.shape_cast %get3A_320 : vector<1x16xi32> to vector<16xi32>
        %min3A_322 = arith.minsi %min3A_316, %get3A_321 : vector<16xi32>
        %get3A_323 = arith.constant 1 : i32
        %get3A_324 = arith.index_cast %get3A_323 : i32 to index
        %get3A_325 = arith.constant 32 : index
        %get3A_326 = tpu.vector_load %arg7[%get3A_324, %get3A_325] {strides = array<i32>} : memref<4x128xi32, #tpu.memory_space<vmem>>, vector<1x16xi32>,
        %get3A_327 = vector.shape_cast %get3A_326 : vector<1x16xi32> to vector<16xi32>
        %min3A_328 = arith.minsi %min3A_322, %get3A_327 : vector<16xi32>
        %get3A_329 = arith.constant 1 : i32
        %get3A_330 = arith.index_cast %get3A_329 : i32 to index
        %get3A_331 = arith.constant 48 : index
        %get3A_332 = tpu.vector_load %arg7[%get3A_330, %get3A_331] {strides = array<i32>} : memref<4x128xi32, #tpu.memory_space<vmem>>, vector<1x16xi32>,
        %get3A_333 = vector.shape_cast %get3A_332 : vector<1x16xi32> to vector<16xi32>
        %min3A_334 = arith.minsi %min3A_328, %get3A_333 : vector<16xi32>
        %get3A_335 = arith.constant 1 : i32
        %get3A_336 = arith.index_cast %get3A_335 : i32 to index
        %get3A_337 = arith.constant 64 : index
        %get3A_338 = tpu.vector_load %arg7[%get3A_336, %get3A_337] {strides = array<i32>} : memref<4x128xi32, #tpu.memory_space<vmem>>, vector<1x16xi32>,
        %get3A_339 = vector.shape_cast %get3A_338 : vector<1x16xi32> to vector<16xi32>
        %min3A_340 = arith.minsi %min3A_334, %get3A_339 : vector<16xi32>
        %get3A_341 = arith.constant 1 : i32
        %get3A_342 = arith.index_cast %get3A_341 : i32 to index
        %get3A_343 = arith.constant 80 : index
        %get3A_344 = tpu.vector_load %arg7[%get3A_342, %get3A_343] {strides = array<i32>} : memref<4x128xi32, #tpu.memory_space<vmem>>, vector<1x16xi32>,
        %get3A_345 = vector.shape_cast %get3A_344 : vector<1x16xi32> to vector<16xi32>
        %min3A_346 = arith.minsi %min3A_340, %get3A_345 : vector<16xi32>
        %get3A_347 = arith.constant 1 : i32
        %get3A_348 = arith.index_cast %get3A_347 : i32 to index
        %get3A_349 = arith.constant 96 : index
        %get3A_350 = tpu.vector_load %arg7[%get3A_348, %get3A_349] {strides = array<i32>} : memref<4x128xi32, #tpu.memory_space<vmem>>, vector<1x16xi32>,
        %get3A_351 = vector.shape_cast %get3A_350 : vector<1x16xi32> to vector<16xi32>
        %min3A_352 = arith.minsi %min3A_346, %get3A_351 : vector<16xi32>
        %get3A_353 = arith.constant 1 : i32
        %get3A_354 = arith.index_cast %get3A_353 : i32 to index
        %get3A_355 = arith.constant 112 : index
        %get3A_356 = tpu.vector_load %arg7[%get3A_354, %get3A_355] {strides = array<i32>} : memref<4x128xi32, #tpu.memory_space<vmem>>, vector<1x16xi32>,
        %get3A_357 = vector.shape_cast %get3A_356 : vector<1x16xi32> to vector<16xi32>
        %min3A_358 = arith.minsi %min3A_352, %get3A_357 : vector<16xi32>
        %get3A_359 = arith.constant 2 : i32
        %get3A_360 = arith.index_cast %get3A_359 : i32 to index
        %get3A_361 = arith.constant 0 : index
        %get3A_362 = tpu.vector_load %arg7[%get3A_360, %get3A_361] {strides = array<i32>} : memref<4x128xi32, #tpu.memory_space<vmem>>, vector<1x16xi32>,
        %get3A_363 = vector.shape_cast %get3A_362 : vector<1x16xi32> to vector<16xi32>
        %min3A_364 = arith.minsi %min3A_358, %get3A_363 : vector<16xi32>
        %get3A_365 = arith.constant 2 : i32
        %get3A_366 = arith.index_cast %get3A_365 : i32 to index
        %get3A_367 = arith.constant 16 : index
        %get3A_368 = tpu.vector_load %arg7[%get3A_366, %get3A_367] {strides = array<i32>} : memref<4x128xi32, #tpu.memory_space<vmem>>, vector<1x16xi32>,
        %get3A_369 = vector.shape_cast %get3A_368 : vector<1x16xi32> to vector<16xi32>
        %min3A_370 = arith.minsi %min3A_364, %get3A_369 : vector<16xi32>
        %get3A_371 = arith.constant 2 : i32
        %get3A_372 = arith.index_cast %get3A_371 : i32 to index
        %get3A_373 = arith.constant 32 : index
        %get3A_374 = tpu.vector_load %arg7[%get3A_372, %get3A_373] {strides = array<i32>} : memref<4x128xi32, #tpu.memory_space<vmem>>, vector<1x16xi32>,
        %get3A_375 = vector.shape_cast %get3A_374 : vector<1x16xi32> to vector<16xi32>
        %min3A_376 = arith.minsi %min3A_370, %get3A_375 : vector<16xi32>
        %get3A_377 = arith.constant 2 : i32
        %get3A_378 = arith.index_cast %get3A_377 : i32 to index
        %get3A_379 = arith.constant 48 : index
        %get3A_380 = tpu.vector_load %arg7[%get3A_378, %get3A_379] {strides = array<i32>} : memref<4x128xi32, #tpu.memory_space<vmem>>, vector<1x16xi32>,
        %get3A_381 = vector.shape_cast %get3A_380 : vector<1x16xi32> to vector<16xi32>
        %min3A_382 = arith.minsi %min3A_376, %get3A_381 : vector<16xi32>
        %get3A_383 = arith.constant 2 : i32
        %get3A_384 = arith.index_cast %get3A_383 : i32 to index
        %get3A_385 = arith.constant 64 : index
        %get3A_386 = tpu.vector_load %arg7[%get3A_384, %get3A_385] {strides = array<i32>} : memref<4x128xi32, #tpu.memory_space<vmem>>, vector<1x16xi32>,
        %get3A_387 = vector.shape_cast %get3A_386 : vector<1x16xi32> to vector<16xi32>
        %min3A_388 = arith.minsi %min3A_382, %get3A_387 : vector<16xi32>
        %get3A_389 = arith.constant 2 : i32
        %get3A_390 = arith.index_cast %get3A_389 : i32 to index
        %get3A_391 = arith.constant 80 : index
        %get3A_392 = tpu.vector_load %arg7[%get3A_390, %get3A_391] {strides = array<i32>} : memref<4x128xi32, #tpu.memory_space<vmem>>, vector<1x16xi32>,
        %get3A_393 = vector.shape_cast %get3A_392 : vector<1x16xi32> to vector<16xi32>
        %min3A_394 = arith.minsi %min3A_388, %get3A_393 : vector<16xi32>
        %get3A_395 = arith.constant 2 : i32
        %get3A_396 = arith.index_cast %get3A_395 : i32 to index
        %get3A_397 = arith.constant 96 : index
        %get3A_398 = tpu.vector_load %arg7[%get3A_396, %get3A_397] {strides = array<i32>} : memref<4x128xi32, #tpu.memory_space<vmem>>, vector<1x16xi32>,
        %get3A_399 = vector.shape_cast %get3A_398 : vector<1x16xi32> to vector<16xi32>
        %min3A_400 = arith.minsi %min3A_394, %get3A_399 : vector<16xi32>
        %get3A_401 = arith.constant 2 : i32
        %get3A_402 = arith.index_cast %get3A_401 : i32 to index
        %get3A_403 = arith.constant 112 : index
        %get3A_404 = tpu.vector_load %arg7[%get3A_402, %get3A_403] {strides = array<i32>} : memref<4x128xi32, #tpu.memory_space<vmem>>, vector<1x16xi32>,
        %get3A_405 = vector.shape_cast %get3A_404 : vector<1x16xi32> to vector<16xi32>
        %min3A_406 = arith.minsi %min3A_400, %get3A_405 : vector<16xi32>
        %get3A_407 = arith.constant 3 : i32
        %get3A_408 = arith.index_cast %get3A_407 : i32 to index
        %get3A_409 = arith.constant 0 : index
        %get3A_410 = tpu.vector_load %arg7[%get3A_408, %get3A_409] {strides = array<i32>} : memref<4x128xi32, #tpu.memory_space<vmem>>, vector<1x16xi32>,
        %get3A_411 = vector.shape_cast %get3A_410 : vector<1x16xi32> to vector<16xi32>
        %min3A_412 = arith.minsi %min3A_406, %get3A_411 : vector<16xi32>
        %get3A_413 = arith.constant 3 : i32
        %get3A_414 = arith.index_cast %get3A_413 : i32 to index
        %get3A_415 = arith.constant 16 : index
        %get3A_416 = tpu.vector_load %arg7[%get3A_414, %get3A_415] {strides = array<i32>} : memref<4x128xi32, #tpu.memory_space<vmem>>, vector<1x16xi32>,
        %get3A_417 = vector.shape_cast %get3A_416 : vector<1x16xi32> to vector<16xi32>
        %min3A_418 = arith.minsi %min3A_412, %get3A_417 : vector<16xi32>
        %get3A_419 = arith.constant 3 : i32
        %get3A_420 = arith.index_cast %get3A_419 : i32 to index
        %get3A_421 = arith.constant 32 : index
        %get3A_422 = tpu.vector_load %arg7[%get3A_420, %get3A_421] {strides = array<i32>} : memref<4x128xi32, #tpu.memory_space<vmem>>, vector<1x16xi32>,
        %get3A_423 = vector.shape_cast %get3A_422 : vector<1x16xi32> to vector<16xi32>
        %min3A_424 = arith.minsi %min3A_418, %get3A_423 : vector<16xi32>
        %get3A_425 = arith.constant 3 : i32
        %get3A_426 = arith.index_cast %get3A_425 : i32 to index
        %get3A_427 = arith.constant 48 : index
        %get3A_428 = tpu.vector_load %arg7[%get3A_426, %get3A_427] {strides = array<i32>} : memref<4x128xi32, #tpu.memory_space<vmem>>, vector<1x16xi32>,
        %get3A_429 = vector.shape_cast %get3A_428 : vector<1x16xi32> to vector<16xi32>
        %min3A_430 = arith.minsi %min3A_424, %get3A_429 : vector<16xi32>
        %get3A_431 = arith.constant 3 : i32
        %get3A_432 = arith.index_cast %get3A_431 : i32 to index
        %get3A_433 = arith.constant 64 : index
        %get3A_434 = tpu.vector_load %arg7[%get3A_432, %get3A_433] {strides = array<i32>} : memref<4x128xi32, #tpu.memory_space<vmem>>, vector<1x16xi32>,
        %get3A_435 = vector.shape_cast %get3A_434 : vector<1x16xi32> to vector<16xi32>
        %min3A_436 = arith.minsi %min3A_430, %get3A_435 : vector<16xi32>
        %get3A_437 = arith.constant 3 : i32
        %get3A_438 = arith.index_cast %get3A_437 : i32 to index
        %get3A_439 = arith.constant 80 : index
        %get3A_440 = tpu.vector_load %arg7[%get3A_438, %get3A_439] {strides = array<i32>} : memref<4x128xi32, #tpu.memory_space<vmem>>, vector<1x16xi32>,
        %get3A_441 = vector.shape_cast %get3A_440 : vector<1x16xi32> to vector<16xi32>
        %min3A_442 = arith.minsi %min3A_436, %get3A_441 : vector<16xi32>
        %get3A_443 = arith.constant 3 : i32
        %get3A_444 = arith.index_cast %get3A_443 : i32 to index
        %get3A_445 = arith.constant 96 : index
        %get3A_446 = tpu.vector_load %arg7[%get3A_444, %get3A_445] {strides = array<i32>} : memref<4x128xi32, #tpu.memory_space<vmem>>, vector<1x16xi32>,
        %get3A_447 = vector.shape_cast %get3A_446 : vector<1x16xi32> to vector<16xi32>
        %min3A_448 = arith.minsi %min3A_442, %get3A_447 : vector<16xi32>
        %get3A_449 = arith.constant 3 : i32
        %get3A_450 = arith.index_cast %get3A_449 : i32 to index
        %get3A_451 = arith.constant 112 : index
        %get3A_452 = tpu.vector_load %arg7[%get3A_450, %get3A_451] {strides = array<i32>} : memref<4x128xi32, #tpu.memory_space<vmem>>, vector<1x16xi32>,
        %get3A_453 = vector.shape_cast %get3A_452 : vector<1x16xi32> to vector<16xi32>
        %min3A_454 = arith.minsi %min3A_448, %get3A_453 : vector<16xi32>
        %swap3A_455 = arith.constant 0 : index
        %swap3A_456 = tpu.vector_load %arg13[%swap3A_455] {strides = array<i32>} : memref<16xi32, #tpu.memory_space<vmem>>, vector<16xi32>,
        %swap3A_457 = vector.shape_cast %swap3A_456 : vector<16xi32> to vector<16xi32>
        %swap3A_458 = vector.shape_cast %min3A_454 : vector<16xi32> to vector<16xi32>
        tpu.vector_store %arg13[%swap3A_455], %swap3A_458 {strides = array<i32>} : memref<16xi32, #tpu.memory_space<vmem>>, vector<16xi32>,
        %dma_start3A_459 = arith.constant 0 : i32
        %dma_start3A_460 = arith.constant 0 : i32
        %dma_start3A_461 = arith.constant 0 : i32
        %dma_start3A_462 = tpu.memref_slice %arg11[%dma_start3A_460, %dma_start3A_461] : memref<512x16xf32, #tpu.memory_space<vmem>> -> memref<128x16xf32, #tpu.memory_space<vmem>>
        %dma_start3A_463 = arith.constant 0 : i32
        %dma_start3A_464 = tpu.memref_slice %arg7[%dma_start3A_459, %dma_start3A_463] : memref<4x128xi32, #tpu.memory_space<vmem>> -> memref<1x128xi32, #tpu.memory_space<vmem>>
        %dma_start3A_465 = tpu.memref_squeeze %dma_start3A_464 : memref<1x128xi32, #tpu.memory_space<vmem>> -> memref<128xi32, #tpu.memory_space<vmem>>
        %dma_start3A_466 = arith.constant 0 : i32
        %dma_start3A_467 = arith.constant 0 : i32
        %dma_start3A_468 = tpu.memref_slice %arg14[%dma_start3A_466, %dma_start3A_467] : memref<100096x16xf32, #tpu.memory_space<vmem_shared>> -> memref<100096x16xf32, #tpu.memory_space<vmem_shared>>
        tpu.enqueue_indirect_dma source(%dma_start3A_462 : memref<128x16xf32, #tpu.memory_space<vmem>>) target(%dma_start3A_468 : memref<100096x16xf32, #tpu.memory_space<vmem_shared>>) offsets(%dma_start3A_465 : memref<128xi32, #tpu.memory_space<vmem>>) semaphore(%arg19 : memref<!tpu.dma_semaphore, #tpu.memory_space<semaphore_mem>>) {add = true}
        %dma_start3A_469 = arith.constant 1 : i32
        %dma_start3A_470 = arith.constant 128 : i32
        %dma_start3A_471 = arith.constant 0 : i32
        %dma_start3A_472 = tpu.memref_slice %arg11[%dma_start3A_470, %dma_start3A_471] : memref<512x16xf32, #tpu.memory_space<vmem>> -> memref<128x16xf32, #tpu.memory_space<vmem>>
        %dma_start3A_473 = arith.constant 0 : i32
        %dma_start3A_474 = tpu.memref_slice %arg7[%dma_start3A_469, %dma_start3A_473] : memref<4x128xi32, #tpu.memory_space<vmem>> -> memref<1x128xi32, #tpu.memory_space<vmem>>
        %dma_start3A_475 = tpu.memref_squeeze %dma_start3A_474 : memref<1x128xi32, #tpu.memory_space<vmem>> -> memref<128xi32, #tpu.memory_space<vmem>>
        %dma_start3A_476 = arith.constant 0 : i32
        %dma_start3A_477 = arith.constant 0 : i32
        %dma_start3A_478 = tpu.memref_slice %arg14[%dma_start3A_476, %dma_start3A_477] : memref<100096x16xf32, #tpu.memory_space<vmem_shared>> -> memref<100096x16xf32, #tpu.memory_space<vmem_shared>>
        tpu.enqueue_indirect_dma source(%dma_start3A_472 : memref<128x16xf32, #tpu.memory_space<vmem>>) target(%dma_start3A_478 : memref<100096x16xf32, #tpu.memory_space<vmem_shared>>) offsets(%dma_start3A_475 : memref<128xi32, #tpu.memory_space<vmem>>) semaphore(%arg19 : memref<!tpu.dma_semaphore, #tpu.memory_space<semaphore_mem>>) {add = true}
        %dma_start3A_479 = arith.constant 2 : i32
        %dma_start3A_480 = arith.constant 256 : i32
        %dma_start3A_481 = arith.constant 0 : i32
        %dma_start3A_482 = tpu.memref_slice %arg11[%dma_start3A_480, %dma_start3A_481] : memref<512x16xf32, #tpu.memory_space<vmem>> -> memref<128x16xf32, #tpu.memory_space<vmem>>
        %dma_start3A_483 = arith.constant 0 : i32
        %dma_start3A_484 = tpu.memref_slice %arg7[%dma_start3A_479, %dma_start3A_483] : memref<4x128xi32, #tpu.memory_space<vmem>> -> memref<1x128xi32, #tpu.memory_space<vmem>>
        %dma_start3A_485 = tpu.memref_squeeze %dma_start3A_484 : memref<1x128xi32, #tpu.memory_space<vmem>> -> memref<128xi32, #tpu.memory_space<vmem>>
        %dma_start3A_486 = arith.constant 0 : i32
        %dma_start3A_487 = arith.constant 0 : i32
        %dma_start3A_488 = tpu.memref_slice %arg14[%dma_start3A_486, %dma_start3A_487] : memref<100096x16xf32, #tpu.memory_space<vmem_shared>> -> memref<100096x16xf32, #tpu.memory_space<vmem_shared>>
        tpu.enqueue_indirect_dma source(%dma_start3A_482 : memref<128x16xf32, #tpu.memory_space<vmem>>) target(%dma_start3A_488 : memref<100096x16xf32, #tpu.memory_space<vmem_shared>>) offsets(%dma_start3A_485 : memref<128xi32, #tpu.memory_space<vmem>>) semaphore(%arg19 : memref<!tpu.dma_semaphore, #tpu.memory_space<semaphore_mem>>) {add = true}
        %dma_start3A_489 = arith.constant 3 : i32
        %dma_start3A_490 = arith.constant 384 : i32
        %dma_start3A_491 = arith.constant 0 : i32
        %dma_start3A_492 = tpu.memref_slice %arg11[%dma_start3A_490, %dma_start3A_491] : memref<512x16xf32, #tpu.memory_space<vmem>> -> memref<128x16xf32, #tpu.memory_space<vmem>>
        %dma_start3A_493 = arith.constant 0 : i32
        %dma_start3A_494 = tpu.memref_slice %arg7[%dma_start3A_489, %dma_start3A_493] : memref<4x128xi32, #tpu.memory_space<vmem>> -> memref<1x128xi32, #tpu.memory_space<vmem>>
        %dma_start3A_495 = tpu.memref_squeeze %dma_start3A_494 : memref<1x128xi32, #tpu.memory_space<vmem>> -> memref<128xi32, #tpu.memory_space<vmem>>
        %dma_start3A_496 = arith.constant 0 : i32
        %dma_start3A_497 = arith.constant 0 : i32
        %dma_start3A_498 = tpu.memref_slice %arg14[%dma_start3A_496, %dma_start3A_497] : memref<100096x16xf32, #tpu.memory_space<vmem_shared>> -> memref<100096x16xf32, #tpu.memory_space<vmem_shared>>
        tpu.enqueue_indirect_dma source(%dma_start3A_492 : memref<128x16xf32, #tpu.memory_space<vmem>>) target(%dma_start3A_498 : memref<100096x16xf32, #tpu.memory_space<vmem_shared>>) offsets(%dma_start3A_495 : memref<128xi32, #tpu.memory_space<vmem>>) semaphore(%arg19 : memref<!tpu.dma_semaphore, #tpu.memory_space<semaphore_mem>>) {add = true}
      } else {
      }
      %ge3A_176 = arith.constant 0 : i32
      %ge3A_177 = arith.cmpi sge, %add3A_142, %ge3A_176 : i32
      %mul3A_178 = arith.constant 32 : i32
      %mul3A_179 = arith.muli %add3A_142, %mul3A_178 : i32
      %add3A_180 = arith.addi %mul3A_179, %add3A : i32
      %lt3A_181 = arith.constant 3125 : i32
      %lt3A_182 = arith.cmpi slt, %add3A_180, %lt3A_181 : i32
      %and3A_183 = arith.andi %ge3A_177, %lt3A_182 : i1
      %convert_element_type3A_184 = arith.extui %and3A_183 : i1 to i32
      %cond3A_185 = arith.constant 0 : i32
      %cond3A_186 = arith.cmpi ne, %convert_element_type3A_184, %cond3A_185 : i32
      scf.if %cond3A_186 {
        %dma_wait3A_222 = arith.constant 0 : i32
        %dma_wait3A_223 = arith.constant 0 : i32
        %dma_wait3A_224 = arith.constant 0 : i32
        %dma_wait3A_225 = tpu.memref_slice %arg2[%dma_wait3A_222, %dma_wait3A_223, %dma_wait3A_224] : memref<2x12500x128xi32, #tpu.memory_space<hbm>> -> memref<1x4x128xi32, #tpu.memory_space<hbm>>
        %dma_wait3A_226 = tpu.memref_squeeze %dma_wait3A_225 : memref<1x4x128xi32, #tpu.memory_space<hbm>> -> memref<4x128xi32, #tpu.memory_space<hbm>>
        %dma_wait3A_227 = arith.constant 0 : i32
        %dma_wait3A_228 = arith.constant 0 : i32
        %dma_wait3A_229 = tpu.memref_slice %arg2[%dma_wait3A_222, %dma_wait3A_227, %dma_wait3A_228] : memref<2x12500x128xi32, #tpu.memory_space<hbm>> -> memref<1x4x128xi32, #tpu.memory_space<hbm>>
        %dma_wait3A_230 = tpu.memref_squeeze %dma_wait3A_229 : memref<1x4x128xi32, #tpu.memory_space<hbm>> -> memref<4x128xi32, #tpu.memory_space<hbm>>
        tpu.wait_dma2 semaphore(%arg16 : memref<!tpu.dma_semaphore, #tpu.memory_space<semaphore_mem>>) src(%dma_wait3A_230 : memref<4x128xi32, #tpu.memory_space<hbm>>) dst(%arg9 : memref<4x128xi32, #tpu.memory_space<vmem>>)
        %dma_wait3A_231 = arith.constant 1 : i32
        %dma_wait3A_232 = arith.constant 0 : i32
        %dma_wait3A_233 = arith.constant 0 : i32
        %dma_wait3A_234 = tpu.memref_slice %arg2[%dma_wait3A_231, %dma_wait3A_232, %dma_wait3A_233] : memref<2x12500x128xi32, #tpu.memory_space<hbm>> -> memref<1x4x128xi32, #tpu.memory_space<hbm>>
        %dma_wait3A_235 = tpu.memref_squeeze %dma_wait3A_234 : memref<1x4x128xi32, #tpu.memory_space<hbm>> -> memref<4x128xi32, #tpu.memory_space<hbm>>
        %dma_wait3A_236 = arith.constant 0 : i32
        %dma_wait3A_237 = arith.constant 0 : i32
        %dma_wait3A_238 = tpu.memref_slice %arg2[%dma_wait3A_231, %dma_wait3A_236, %dma_wait3A_237] : memref<2x12500x128xi32, #tpu.memory_space<hbm>> -> memref<1x4x128xi32, #tpu.memory_space<hbm>>
        %dma_wait3A_239 = tpu.memref_squeeze %dma_wait3A_238 : memref<1x4x128xi32, #tpu.memory_space<hbm>> -> memref<4x128xi32, #tpu.memory_space<hbm>>
        tpu.wait_dma2 semaphore(%arg16 : memref<!tpu.dma_semaphore, #tpu.memory_space<semaphore_mem>>) src(%dma_wait3A_239 : memref<4x128xi32, #tpu.memory_space<hbm>>) dst(%arg10 : memref<4x128xi32, #tpu.memory_space<vmem>>)
        %dma_start3A_240 = arith.constant 0 : i32
        %dma_start3A_241 = arith.constant 0 : i32
        %dma_start3A_242 = arith.constant 0 : i32
        %dma_start3A_243 = tpu.memref_slice %arg12[%dma_start3A_241, %dma_start3A_242] : memref<512x16xf32, #tpu.memory_space<vmem>> -> memref<128x16xf32, #tpu.memory_space<vmem>>
        %dma_start3A_244 = arith.constant 0 : i32
        %dma_start3A_245 = tpu.memref_slice %arg10[%dma_start3A_240, %dma_start3A_244] : memref<4x128xi32, #tpu.memory_space<vmem>> -> memref<1x128xi32, #tpu.memory_space<vmem>>
        %dma_start3A_246 = tpu.memref_squeeze %dma_start3A_245 : memref<1x128xi32, #tpu.memory_space<vmem>> -> memref<128xi32, #tpu.memory_space<vmem>>
        %dma_start3A_247 = arith.constant 0 : i32
        %dma_start3A_248 = arith.constant 0 : i32
        %dma_start3A_249 = tpu.memref_slice %arg3[%dma_start3A_247, %dma_start3A_248] : memref<100000x16xf32, #tpu.memory_space<hbm>> -> memref<100000x16xf32, #tpu.memory_space<hbm>>
        tpu.enqueue_indirect_dma source(%dma_start3A_249 : memref<100000x16xf32, #tpu.memory_space<hbm>>) target(%dma_start3A_243 : memref<128x16xf32, #tpu.memory_space<vmem>>) offsets(%dma_start3A_246 : memref<128xi32, #tpu.memory_space<vmem>>) semaphore(%arg18 : memref<!tpu.dma_semaphore, #tpu.memory_space<semaphore_mem>>)
        %dma_start3A_250 = arith.constant 1 : i32
        %dma_start3A_251 = arith.constant 128 : i32
        %dma_start3A_252 = arith.constant 0 : i32
        %dma_start3A_253 = tpu.memref_slice %arg12[%dma_start3A_251, %dma_start3A_252] : memref<512x16xf32, #tpu.memory_space<vmem>> -> memref<128x16xf32, #tpu.memory_space<vmem>>
        %dma_start3A_254 = arith.constant 0 : i32
        %dma_start3A_255 = tpu.memref_slice %arg10[%dma_start3A_250, %dma_start3A_254] : memref<4x128xi32, #tpu.memory_space<vmem>> -> memref<1x128xi32, #tpu.memory_space<vmem>>
        %dma_start3A_256 = tpu.memref_squeeze %dma_start3A_255 : memref<1x128xi32, #tpu.memory_space<vmem>> -> memref<128xi32, #tpu.memory_space<vmem>>
        %dma_start3A_257 = arith.constant 0 : i32
        %dma_start3A_258 = arith.constant 0 : i32
        %dma_start3A_259 = tpu.memref_slice %arg3[%dma_start3A_257, %dma_start3A_258] : memref<100000x16xf32, #tpu.memory_space<hbm>> -> memref<100000x16xf32, #tpu.memory_space<hbm>>
        tpu.enqueue_indirect_dma source(%dma_start3A_259 : memref<100000x16xf32, #tpu.memory_space<hbm>>) target(%dma_start3A_253 : memref<128x16xf32, #tpu.memory_space<vmem>>) offsets(%dma_start3A_256 : memref<128xi32, #tpu.memory_space<vmem>>) semaphore(%arg18 : memref<!tpu.dma_semaphore, #tpu.memory_space<semaphore_mem>>)
        %dma_start3A_260 = arith.constant 2 : i32
        %dma_start3A_261 = arith.constant 256 : i32
        %dma_start3A_262 = arith.constant 0 : i32
        %dma_start3A_263 = tpu.memref_slice %arg12[%dma_start3A_261, %dma_start3A_262] : memref<512x16xf32, #tpu.memory_space<vmem>> -> memref<128x16xf32, #tpu.memory_space<vmem>>
        %dma_start3A_264 = arith.constant 0 : i32
        %dma_start3A_265 = tpu.memref_slice %arg10[%dma_start3A_260, %dma_start3A_264] : memref<4x128xi32, #tpu.memory_space<vmem>> -> memref<1x128xi32, #tpu.memory_space<vmem>>
        %dma_start3A_266 = tpu.memref_squeeze %dma_start3A_265 : memref<1x128xi32, #tpu.memory_space<vmem>> -> memref<128xi32, #tpu.memory_space<vmem>>
        %dma_start3A_267 = arith.constant 0 : i32
        %dma_start3A_268 = arith.constant 0 : i32
        %dma_start3A_269 = tpu.memref_slice %arg3[%dma_start3A_267, %dma_start3A_268] : memref<100000x16xf32, #tpu.memory_space<hbm>> -> memref<100000x16xf32, #tpu.memory_space<hbm>>
        tpu.enqueue_indirect_dma source(%dma_start3A_269 : memref<100000x16xf32, #tpu.memory_space<hbm>>) target(%dma_start3A_263 : memref<128x16xf32, #tpu.memory_space<vmem>>) offsets(%dma_start3A_266 : memref<128xi32, #tpu.memory_space<vmem>>) semaphore(%arg18 : memref<!tpu.dma_semaphore, #tpu.memory_space<semaphore_mem>>)
        %dma_start3A_270 = arith.constant 3 : i32
        %dma_start3A_271 = arith.constant 384 : i32
        %dma_start3A_272 = arith.constant 0 : i32
        %dma_start3A_273 = tpu.memref_slice %arg12[%dma_start3A_271, %dma_start3A_272] : memref<512x16xf32, #tpu.memory_space<vmem>> -> memref<128x16xf32, #tpu.memory_space<vmem>>
        %dma_start3A_274 = arith.constant 0 : i32
        %dma_start3A_275 = tpu.memref_slice %arg10[%dma_start3A_270, %dma_start3A_274] : memref<4x128xi32, #tpu.memory_space<vmem>> -> memref<1x128xi32, #tpu.memory_space<vmem>>
        %dma_start3A_276 = tpu.memref_squeeze %dma_start3A_275 : memref<1x128xi32, #tpu.memory_space<vmem>> -> memref<128xi32, #tpu.memory_space<vmem>>
        %dma_start3A_277 = arith.constant 0 : i32
        %dma_start3A_278 = arith.constant 0 : i32
        %dma_start3A_279 = tpu.memref_slice %arg3[%dma_start3A_277, %dma_start3A_278] : memref<100000x16xf32, #tpu.memory_space<hbm>> -> memref<100000x16xf32, #tpu.memory_space<hbm>>
        tpu.enqueue_indirect_dma source(%dma_start3A_279 : memref<100000x16xf32, #tpu.memory_space<hbm>>) target(%dma_start3A_273 : memref<128x16xf32, #tpu.memory_space<vmem>>) offsets(%dma_start3A_276 : memref<128xi32, #tpu.memory_space<vmem>>) semaphore(%arg18 : memref<!tpu.dma_semaphore, #tpu.memory_space<semaphore_mem>>)
      } else {
      }
      %ge3A_187 = arith.constant 0 : i32
      %ge3A_188 = arith.cmpi sge, %mul3A_138, %ge3A_187 : i32
      %mul3A_189 = arith.constant 32 : i32
      %mul3A_190 = arith.muli %mul3A_138, %mul3A_189 : i32
      %add3A_191 = arith.addi %mul3A_190, %add3A : i32
      %lt3A_192 = arith.constant 3125 : i32
      %lt3A_193 = arith.cmpi slt, %add3A_191, %lt3A_192 : i32
      %and3A_194 = arith.andi %ge3A_188, %lt3A_193 : i1
      %convert_element_type3A_195 = arith.extui %and3A_194 : i1 to i32
      %cond3A_196 = arith.constant 0 : i32
      %cond3A_197 = arith.cmpi ne, %convert_element_type3A_195, %cond3A_196 : i32
      scf.if %cond3A_197 {
        %dma_wait3A_222 = arith.constant 0 : i32
        %dma_wait3A_223 = arith.constant 0 : i32
        %dma_wait3A_224 = arith.constant 0 : i32
        %dma_wait3A_225 = tpu.memref_slice %arg11[%dma_wait3A_223, %dma_wait3A_224] : memref<512x16xf32, #tpu.memory_space<vmem>> -> memref<128x16xf32, #tpu.memory_space<vmem>>
        %dma_wait3A_226 = arith.constant 0 : i32
        %dma_wait3A_227 = tpu.memref_slice %arg7[%dma_wait3A_222, %dma_wait3A_226] : memref<4x128xi32, #tpu.memory_space<vmem>> -> memref<1x128xi32, #tpu.memory_space<vmem>>
        %dma_wait3A_228 = tpu.memref_squeeze %dma_wait3A_227 : memref<1x128xi32, #tpu.memory_space<vmem>> -> memref<128xi32, #tpu.memory_space<vmem>>
        %dma_wait3A_229 = arith.constant 0 : i32
        %dma_wait3A_230 = arith.constant 0 : i32
        %dma_wait3A_231 = tpu.memref_slice %arg14[%dma_wait3A_229, %dma_wait3A_230] : memref<100096x16xf32, #tpu.memory_space<vmem_shared>> -> memref<100096x16xf32, #tpu.memory_space<vmem_shared>>
        tpu.wait_indirect_dma semaphore(%arg19 : memref<!tpu.dma_semaphore, #tpu.memory_space<semaphore_mem>>) src(%dma_wait3A_225 : memref<128x16xf32, #tpu.memory_space<vmem>>) dst(%dma_wait3A_231 : memref<100096x16xf32, #tpu.memory_space<vmem_shared>>)
        %dma_wait3A_232 = arith.constant 1 : i32
        %dma_wait3A_233 = arith.constant 128 : i32
        %dma_wait3A_234 = arith.constant 0 : i32
        %dma_wait3A_235 = tpu.memref_slice %arg11[%dma_wait3A_233, %dma_wait3A_234] : memref<512x16xf32, #tpu.memory_space<vmem>> -> memref<128x16xf32, #tpu.memory_space<vmem>>
        %dma_wait3A_236 = arith.constant 0 : i32
        %dma_wait3A_237 = tpu.memref_slice %arg7[%dma_wait3A_232, %dma_wait3A_236] : memref<4x128xi32, #tpu.memory_space<vmem>> -> memref<1x128xi32, #tpu.memory_space<vmem>>
        %dma_wait3A_238 = tpu.memref_squeeze %dma_wait3A_237 : memref<1x128xi32, #tpu.memory_space<vmem>> -> memref<128xi32, #tpu.memory_space<vmem>>
        %dma_wait3A_239 = arith.constant 0 : i32
        %dma_wait3A_240 = arith.constant 0 : i32
        %dma_wait3A_241 = tpu.memref_slice %arg14[%dma_wait3A_239, %dma_wait3A_240] : memref<100096x16xf32, #tpu.memory_space<vmem_shared>> -> memref<100096x16xf32, #tpu.memory_space<vmem_shared>>
        tpu.wait_indirect_dma semaphore(%arg19 : memref<!tpu.dma_semaphore, #tpu.memory_space<semaphore_mem>>) src(%dma_wait3A_235 : memref<128x16xf32, #tpu.memory_space<vmem>>) dst(%dma_wait3A_241 : memref<100096x16xf32, #tpu.memory_space<vmem_shared>>)
        %dma_wait3A_242 = arith.constant 2 : i32
        %dma_wait3A_243 = arith.constant 256 : i32
        %dma_wait3A_244 = arith.constant 0 : i32
        %dma_wait3A_245 = tpu.memref_slice %arg11[%dma_wait3A_243, %dma_wait3A_244] : memref<512x16xf32, #tpu.memory_space<vmem>> -> memref<128x16xf32, #tpu.memory_space<vmem>>
        %dma_wait3A_246 = arith.constant 0 : i32
        %dma_wait3A_247 = tpu.memref_slice %arg7[%dma_wait3A_242, %dma_wait3A_246] : memref<4x128xi32, #tpu.memory_space<vmem>> -> memref<1x128xi32, #tpu.memory_space<vmem>>
        %dma_wait3A_248 = tpu.memref_squeeze %dma_wait3A_247 : memref<1x128xi32, #tpu.memory_space<vmem>> -> memref<128xi32, #tpu.memory_space<vmem>>
        %dma_wait3A_249 = arith.constant 0 : i32
        %dma_wait3A_250 = arith.constant 0 : i32
        %dma_wait3A_251 = tpu.memref_slice %arg14[%dma_wait3A_249, %dma_wait3A_250] : memref<100096x16xf32, #tpu.memory_space<vmem_shared>> -> memref<100096x16xf32, #tpu.memory_space<vmem_shared>>
        tpu.wait_indirect_dma semaphore(%arg19 : memref<!tpu.dma_semaphore, #tpu.memory_space<semaphore_mem>>) src(%dma_wait3A_245 : memref<128x16xf32, #tpu.memory_space<vmem>>) dst(%dma_wait3A_251 : memref<100096x16xf32, #tpu.memory_space<vmem_shared>>)
        %dma_wait3A_252 = arith.constant 3 : i32
        %dma_wait3A_253 = arith.constant 384 : i32
        %dma_wait3A_254 = arith.constant 0 : i32
        %dma_wait3A_255 = tpu.memref_slice %arg11[%dma_wait3A_253, %dma_wait3A_254] : memref<512x16xf32, #tpu.memory_space<vmem>> -> memref<128x16xf32, #tpu.memory_space<vmem>>
        %dma_wait3A_256 = arith.constant 0 : i32
        %dma_wait3A_257 = tpu.memref_slice %arg7[%dma_wait3A_252, %dma_wait3A_256] : memref<4x128xi32, #tpu.memory_space<vmem>> -> memref<1x128xi32, #tpu.memory_space<vmem>>
        %dma_wait3A_258 = tpu.memref_squeeze %dma_wait3A_257 : memref<1x128xi32, #tpu.memory_space<vmem>> -> memref<128xi32, #tpu.memory_space<vmem>>
        %dma_wait3A_259 = arith.constant 0 : i32
        %dma_wait3A_260 = arith.constant 0 : i32
        %dma_wait3A_261 = tpu.memref_slice %arg14[%dma_wait3A_259, %dma_wait3A_260] : memref<100096x16xf32, #tpu.memory_space<vmem_shared>> -> memref<100096x16xf32, #tpu.memory_space<vmem_shared>>
        tpu.wait_indirect_dma semaphore(%arg19 : memref<!tpu.dma_semaphore, #tpu.memory_space<semaphore_mem>>) src(%dma_wait3A_255 : memref<128x16xf32, #tpu.memory_space<vmem>>) dst(%dma_wait3A_261 : memref<100096x16xf32, #tpu.memory_space<vmem_shared>>)
      } else {
      }
      %add3A_198 = arith.constant 2 : i32
      %add3A_199 = arith.addi %mul3A_138, %add3A_198 : i32
      %ge3A_200 = arith.constant 0 : i32
      %ge3A_201 = arith.cmpi sge, %add3A_199, %ge3A_200 : i32
      %mul3A_202 = arith.constant 32 : i32
      %mul3A_203 = arith.muli %add3A_199, %mul3A_202 : i32
      %add3A_204 = arith.addi %mul3A_203, %add3A : i32
      %lt3A_205 = arith.constant 3125 : i32
      %lt3A_206 = arith.cmpi slt, %add3A_204, %lt3A_205 : i32
      %and3A_207 = arith.andi %ge3A_201, %lt3A_206 : i1
      %convert_element_type3A_208 = arith.extui %and3A_207 : i1 to i32
      %cond3A_209 = arith.constant 0 : i32
      %cond3A_210 = arith.cmpi ne, %convert_element_type3A_208, %cond3A_209 : i32
      scf.if %cond3A_210 {
        %add3A_222 = arith.constant 2 : i32
        %add3A_223 = arith.addi %mul3A_138, %add3A_222 : i32
        %mul3A_224 = arith.constant 32 : i32
        %mul3A_225 = arith.muli %add3A_223, %mul3A_224 : i32
        %add3A_226 = arith.addi %mul3A_225, %add3A : i32
        %mul3A_227 = arith.constant 4 : i32
        %mul3A_228 = arith.muli %add3A_226, %mul3A_227 : i32
        %multiple_of3A_229 = tpu.assume_multiple %mul3A_228, 8 : i32
        %dma_start3A_230 = arith.constant 0 : i32
        %dma_start3A_231 = arith.constant 0 : i32
        %dma_start3A_232 = tpu.memref_slice %arg2[%dma_start3A_230, %multiple_of3A_229, %dma_start3A_231] : memref<2x12500x128xi32, #tpu.memory_space<hbm>> -> memref<1x4x128xi32, #tpu.memory_space<hbm>>
        %dma_start3A_233 = tpu.memref_squeeze %dma_start3A_232 : memref<1x4x128xi32, #tpu.memory_space<hbm>> -> memref<4x128xi32, #tpu.memory_space<hbm>>
        %dma_start3A_234 = arith.constant 0 : i32
        %dma_start3A_235 = tpu.memref_slice %arg2[%dma_start3A_230, %multiple_of3A_229, %dma_start3A_234] : memref<2x12500x128xi32, #tpu.memory_space<hbm>> -> memref<1x4x128xi32, #tpu.memory_space<hbm>>
        %dma_start3A_236 = tpu.memref_squeeze %dma_start3A_235 : memref<1x4x128xi32, #tpu.memory_space<hbm>> -> memref<4x128xi32, #tpu.memory_space<hbm>>
        tpu.enqueue_dma source(%dma_start3A_236 : memref<4x128xi32, #tpu.memory_space<hbm>>) target(%arg7 : memref<4x128xi32, #tpu.memory_space<vmem>>) target_semaphore(%arg15 : memref<!tpu.dma_semaphore, #tpu.memory_space<semaphore_mem>>)
        %dma_start3A_237 = arith.constant 1 : i32
        %dma_start3A_238 = arith.constant 0 : i32
        %dma_start3A_239 = tpu.memref_slice %arg2[%dma_start3A_237, %multiple_of3A_229, %dma_start3A_238] : memref<2x12500x128xi32, #tpu.memory_space<hbm>> -> memref<1x4x128xi32, #tpu.memory_space<hbm>>
        %dma_start3A_240 = tpu.memref_squeeze %dma_start3A_239 : memref<1x4x128xi32, #tpu.memory_space<hbm>> -> memref<4x128xi32, #tpu.memory_space<hbm>>
        %dma_start3A_241 = arith.constant 0 : i32
        %dma_start3A_242 = tpu.memref_slice %arg2[%dma_start3A_237, %multiple_of3A_229, %dma_start3A_241] : memref<2x12500x128xi32, #tpu.memory_space<hbm>> -> memref<1x4x128xi32, #tpu.memory_space<hbm>>
        %dma_start3A_243 = tpu.memref_squeeze %dma_start3A_242 : memref<1x4x128xi32, #tpu.memory_space<hbm>> -> memref<4x128xi32, #tpu.memory_space<hbm>>
        tpu.enqueue_dma source(%dma_start3A_243 : memref<4x128xi32, #tpu.memory_space<hbm>>) target(%arg8 : memref<4x128xi32, #tpu.memory_space<vmem>>) target_semaphore(%arg15 : memref<!tpu.dma_semaphore, #tpu.memory_space<semaphore_mem>>)
        %dma_wait3A_244 = arith.constant 0 : i32
        %dma_wait3A_245 = arith.constant 0 : i32
        %dma_wait3A_246 = arith.constant 0 : i32
        %dma_wait3A_247 = tpu.memref_slice %arg2[%dma_wait3A_244, %dma_wait3A_245, %dma_wait3A_246] : memref<2x12500x128xi32, #tpu.memory_space<hbm>> -> memref<1x4x128xi32, #tpu.memory_space<hbm>>
        %dma_wait3A_248 = tpu.memref_squeeze %dma_wait3A_247 : memref<1x4x128xi32, #tpu.memory_space<hbm>> -> memref<4x128xi32, #tpu.memory_space<hbm>>
        %dma_wait3A_249 = arith.constant 0 : i32
        %dma_wait3A_250 = arith.constant 0 : i32
        %dma_wait3A_251 = tpu.memref_slice %arg2[%dma_wait3A_244, %dma_wait3A_249, %dma_wait3A_250] : memref<2x12500x128xi32, #tpu.memory_space<hbm>> -> memref<1x4x128xi32, #tpu.memory_space<hbm>>
        %dma_wait3A_252 = tpu.memref_squeeze %dma_wait3A_251 : memref<1x4x128xi32, #tpu.memory_space<hbm>> -> memref<4x128xi32, #tpu.memory_space<hbm>>
        tpu.wait_dma2 semaphore(%arg15 : memref<!tpu.dma_semaphore, #tpu.memory_space<semaphore_mem>>) src(%dma_wait3A_252 : memref<4x128xi32, #tpu.memory_space<hbm>>) dst(%arg7 : memref<4x128xi32, #tpu.memory_space<vmem>>)
        %dma_wait3A_253 = arith.constant 1 : i32
        %dma_wait3A_254 = arith.constant 0 : i32
        %dma_wait3A_255 = arith.constant 0 : i32
        %dma_wait3A_256 = tpu.memref_slice %arg2[%dma_wait3A_253, %dma_wait3A_254, %dma_wait3A_255] : memref<2x12500x128xi32, #tpu.memory_space<hbm>> -> memref<1x4x128xi32, #tpu.memory_space<hbm>>
        %dma_wait3A_257 = tpu.memref_squeeze %dma_wait3A_256 : memref<1x4x128xi32, #tpu.memory_space<hbm>> -> memref<4x128xi32, #tpu.memory_space<hbm>>
        %dma_wait3A_258 = arith.constant 0 : i32
        %dma_wait3A_259 = arith.constant 0 : i32
        %dma_wait3A_260 = tpu.memref_slice %arg2[%dma_wait3A_253, %dma_wait3A_258, %dma_wait3A_259] : memref<2x12500x128xi32, #tpu.memory_space<hbm>> -> memref<1x4x128xi32, #tpu.memory_space<hbm>>
        %dma_wait3A_261 = tpu.memref_squeeze %dma_wait3A_260 : memref<1x4x128xi32, #tpu.memory_space<hbm>> -> memref<4x128xi32, #tpu.memory_space<hbm>>
        tpu.wait_dma2 semaphore(%arg15 : memref<!tpu.dma_semaphore, #tpu.memory_space<semaphore_mem>>) src(%dma_wait3A_261 : memref<4x128xi32, #tpu.memory_space<hbm>>) dst(%arg8 : memref<4x128xi32, #tpu.memory_space<vmem>>)
        %dma_start3A_262 = arith.constant 0 : i32
        %dma_start3A_263 = arith.constant 0 : i32
        %dma_start3A_264 = arith.constant 0 : i32
        %dma_start3A_265 = tpu.memref_slice %arg11[%dma_start3A_263, %dma_start3A_264] : memref<512x16xf32, #tpu.memory_space<vmem>> -> memref<128x16xf32, #tpu.memory_space<vmem>>
        %dma_start3A_266 = arith.constant 0 : i32
        %dma_start3A_267 = tpu.memref_slice %arg8[%dma_start3A_262, %dma_start3A_266] : memref<4x128xi32, #tpu.memory_space<vmem>> -> memref<1x128xi32, #tpu.memory_space<vmem>>
        %dma_start3A_268 = tpu.memref_squeeze %dma_start3A_267 : memref<1x128xi32, #tpu.memory_space<vmem>> -> memref<128xi32, #tpu.memory_space<vmem>>
        %dma_start3A_269 = arith.constant 0 : i32
        %dma_start3A_270 = arith.constant 0 : i32
        %dma_start3A_271 = tpu.memref_slice %arg3[%dma_start3A_269, %dma_start3A_270] : memref<100000x16xf32, #tpu.memory_space<hbm>> -> memref<100000x16xf32, #tpu.memory_space<hbm>>
        tpu.enqueue_indirect_dma source(%dma_start3A_271 : memref<100000x16xf32, #tpu.memory_space<hbm>>) target(%dma_start3A_265 : memref<128x16xf32, #tpu.memory_space<vmem>>) offsets(%dma_start3A_268 : memref<128xi32, #tpu.memory_space<vmem>>) semaphore(%arg17 : memref<!tpu.dma_semaphore, #tpu.memory_space<semaphore_mem>>)
        %dma_start3A_272 = arith.constant 1 : i32
        %dma_start3A_273 = arith.constant 128 : i32
        %dma_start3A_274 = arith.constant 0 : i32
        %dma_start3A_275 = tpu.memref_slice %arg11[%dma_start3A_273, %dma_start3A_274] : memref<512x16xf32, #tpu.memory_space<vmem>> -> memref<128x16xf32, #tpu.memory_space<vmem>>
        %dma_start3A_276 = arith.constant 0 : i32
        %dma_start3A_277 = tpu.memref_slice %arg8[%dma_start3A_272, %dma_start3A_276] : memref<4x128xi32, #tpu.memory_space<vmem>> -> memref<1x128xi32, #tpu.memory_space<vmem>>
        %dma_start3A_278 = tpu.memref_squeeze %dma_start3A_277 : memref<1x128xi32, #tpu.memory_space<vmem>> -> memref<128xi32, #tpu.memory_space<vmem>>
        %dma_start3A_279 = arith.constant 0 : i32
        %dma_start3A_280 = arith.constant 0 : i32
        %dma_start3A_281 = tpu.memref_slice %arg3[%dma_start3A_279, %dma_start3A_280] : memref<100000x16xf32, #tpu.memory_space<hbm>> -> memref<100000x16xf32, #tpu.memory_space<hbm>>
        tpu.enqueue_indirect_dma source(%dma_start3A_281 : memref<100000x16xf32, #tpu.memory_space<hbm>>) target(%dma_start3A_275 : memref<128x16xf32, #tpu.memory_space<vmem>>) offsets(%dma_start3A_278 : memref<128xi32, #tpu.memory_space<vmem>>) semaphore(%arg17 : memref<!tpu.dma_semaphore, #tpu.memory_space<semaphore_mem>>)
        %dma_start3A_282 = arith.constant 2 : i32
        %dma_start3A_283 = arith.constant 256 : i32
        %dma_start3A_284 = arith.constant 0 : i32
        %dma_start3A_285 = tpu.memref_slice %arg11[%dma_start3A_283, %dma_start3A_284] : memref<512x16xf32, #tpu.memory_space<vmem>> -> memref<128x16xf32, #tpu.memory_space<vmem>>
        %dma_start3A_286 = arith.constant 0 : i32
        %dma_start3A_287 = tpu.memref_slice %arg8[%dma_start3A_282, %dma_start3A_286] : memref<4x128xi32, #tpu.memory_space<vmem>> -> memref<1x128xi32, #tpu.memory_space<vmem>>
        %dma_start3A_288 = tpu.memref_squeeze %dma_start3A_287 : memref<1x128xi32, #tpu.memory_space<vmem>> -> memref<128xi32, #tpu.memory_space<vmem>>
        %dma_start3A_289 = arith.constant 0 : i32
        %dma_start3A_290 = arith.constant 0 : i32
        %dma_start3A_291 = tpu.memref_slice %arg3[%dma_start3A_289, %dma_start3A_290] : memref<100000x16xf32, #tpu.memory_space<hbm>> -> memref<100000x16xf32, #tpu.memory_space<hbm>>
        tpu.enqueue_indirect_dma source(%dma_start3A_291 : memref<100000x16xf32, #tpu.memory_space<hbm>>) target(%dma_start3A_285 : memref<128x16xf32, #tpu.memory_space<vmem>>) offsets(%dma_start3A_288 : memref<128xi32, #tpu.memory_space<vmem>>) semaphore(%arg17 : memref<!tpu.dma_semaphore, #tpu.memory_space<semaphore_mem>>)
        %dma_start3A_292 = arith.constant 3 : i32
        %dma_start3A_293 = arith.constant 384 : i32
        %dma_start3A_294 = arith.constant 0 : i32
        %dma_start3A_295 = tpu.memref_slice %arg11[%dma_start3A_293, %dma_start3A_294] : memref<512x16xf32, #tpu.memory_space<vmem>> -> memref<128x16xf32, #tpu.memory_space<vmem>>
        %dma_start3A_296 = arith.constant 0 : i32
        %dma_start3A_297 = tpu.memref_slice %arg8[%dma_start3A_292, %dma_start3A_296] : memref<4x128xi32, #tpu.memory_space<vmem>> -> memref<1x128xi32, #tpu.memory_space<vmem>>
        %dma_start3A_298 = tpu.memref_squeeze %dma_start3A_297 : memref<1x128xi32, #tpu.memory_space<vmem>> -> memref<128xi32, #tpu.memory_space<vmem>>
        %dma_start3A_299 = arith.constant 0 : i32
        %dma_start3A_300 = arith.constant 0 : i32
        %dma_start3A_301 = tpu.memref_slice %arg3[%dma_start3A_299, %dma_start3A_300] : memref<100000x16xf32, #tpu.memory_space<hbm>> -> memref<100000x16xf32, #tpu.memory_space<hbm>>
        tpu.enqueue_indirect_dma source(%dma_start3A_301 : memref<100000x16xf32, #tpu.memory_space<hbm>>) target(%dma_start3A_295 : memref<128x16xf32, #tpu.memory_space<vmem>>) offsets(%dma_start3A_298 : memref<128xi32, #tpu.memory_space<vmem>>) semaphore(%arg17 : memref<!tpu.dma_semaphore, #tpu.memory_space<semaphore_mem>>)
      } else {
      }
      %ge3A_211 = arith.constant 0 : i32
      %ge3A_212 = arith.cmpi sge, %add3A_142, %ge3A_211 : i32
      %mul3A_213 = arith.constant 32 : i32
      %mul3A_214 = arith.muli %add3A_142, %mul3A_213 : i32
      %add3A_215 = arith.addi %mul3A_214, %add3A : i32
      %lt3A_216 = arith.constant 3125 : i32
      %lt3A_217 = arith.cmpi slt, %add3A_215, %lt3A_216 : i32
      %and3A_218 = arith.andi %ge3A_212, %lt3A_217 : i1
      %convert_element_type3A_219 = arith.extui %and3A_218 : i1 to i32
      %cond3A_220 = arith.constant 0 : i32
      %cond3A_221 = arith.cmpi ne, %convert_element_type3A_219, %cond3A_220 : i32
      scf.if %cond3A_221 {
        %dma_wait3A_222 = arith.constant 0 : i32
        %dma_wait3A_223 = arith.constant 0 : i32
        %dma_wait3A_224 = arith.constant 0 : i32
        %dma_wait3A_225 = tpu.memref_slice %arg12[%dma_wait3A_223, %dma_wait3A_224] : memref<512x16xf32, #tpu.memory_space<vmem>> -> memref<128x16xf32, #tpu.memory_space<vmem>>
        %dma_wait3A_226 = arith.constant 0 : i32
        %dma_wait3A_227 = tpu.memref_slice %arg10[%dma_wait3A_222, %dma_wait3A_226] : memref<4x128xi32, #tpu.memory_space<vmem>> -> memref<1x128xi32, #tpu.memory_space<vmem>>
        %dma_wait3A_228 = tpu.memref_squeeze %dma_wait3A_227 : memref<1x128xi32, #tpu.memory_space<vmem>> -> memref<128xi32, #tpu.memory_space<vmem>>
        %dma_wait3A_229 = arith.constant 0 : i32
        %dma_wait3A_230 = arith.constant 0 : i32
        %dma_wait3A_231 = tpu.memref_slice %arg3[%dma_wait3A_229, %dma_wait3A_230] : memref<100000x16xf32, #tpu.memory_space<hbm>> -> memref<100000x16xf32, #tpu.memory_space<hbm>>
        tpu.wait_indirect_dma semaphore(%arg18 : memref<!tpu.dma_semaphore, #tpu.memory_space<semaphore_mem>>) src(%dma_wait3A_231 : memref<100000x16xf32, #tpu.memory_space<hbm>>) dst(%dma_wait3A_225 : memref<128x16xf32, #tpu.memory_space<vmem>>)
        %dma_wait3A_232 = arith.constant 1 : i32
        %dma_wait3A_233 = arith.constant 128 : i32
        %dma_wait3A_234 = arith.constant 0 : i32
        %dma_wait3A_235 = tpu.memref_slice %arg12[%dma_wait3A_233, %dma_wait3A_234] : memref<512x16xf32, #tpu.memory_space<vmem>> -> memref<128x16xf32, #tpu.memory_space<vmem>>
        %dma_wait3A_236 = arith.constant 0 : i32
        %dma_wait3A_237 = tpu.memref_slice %arg10[%dma_wait3A_232, %dma_wait3A_236] : memref<4x128xi32, #tpu.memory_space<vmem>> -> memref<1x128xi32, #tpu.memory_space<vmem>>
        %dma_wait3A_238 = tpu.memref_squeeze %dma_wait3A_237 : memref<1x128xi32, #tpu.memory_space<vmem>> -> memref<128xi32, #tpu.memory_space<vmem>>
        %dma_wait3A_239 = arith.constant 0 : i32
        %dma_wait3A_240 = arith.constant 0 : i32
        %dma_wait3A_241 = tpu.memref_slice %arg3[%dma_wait3A_239, %dma_wait3A_240] : memref<100000x16xf32, #tpu.memory_space<hbm>> -> memref<100000x16xf32, #tpu.memory_space<hbm>>
        tpu.wait_indirect_dma semaphore(%arg18 : memref<!tpu.dma_semaphore, #tpu.memory_space<semaphore_mem>>) src(%dma_wait3A_241 : memref<100000x16xf32, #tpu.memory_space<hbm>>) dst(%dma_wait3A_235 : memref<128x16xf32, #tpu.memory_space<vmem>>)
        %dma_wait3A_242 = arith.constant 2 : i32
        %dma_wait3A_243 = arith.constant 256 : i32
        %dma_wait3A_244 = arith.constant 0 : i32
        %dma_wait3A_245 = tpu.memref_slice %arg12[%dma_wait3A_243, %dma_wait3A_244] : memref<512x16xf32, #tpu.memory_space<vmem>> -> memref<128x16xf32, #tpu.memory_space<vmem>>
        %dma_wait3A_246 = arith.constant 0 : i32
        %dma_wait3A_247 = tpu.memref_slice %arg10[%dma_wait3A_242, %dma_wait3A_246] : memref<4x128xi32, #tpu.memory_space<vmem>> -> memref<1x128xi32, #tpu.memory_space<vmem>>
        %dma_wait3A_248 = tpu.memref_squeeze %dma_wait3A_247 : memref<1x128xi32, #tpu.memory_space<vmem>> -> memref<128xi32, #tpu.memory_space<vmem>>
        %dma_wait3A_249 = arith.constant 0 : i32
        %dma_wait3A_250 = arith.constant 0 : i32
        %dma_wait3A_251 = tpu.memref_slice %arg3[%dma_wait3A_249, %dma_wait3A_250] : memref<100000x16xf32, #tpu.memory_space<hbm>> -> memref<100000x16xf32, #tpu.memory_space<hbm>>
        tpu.wait_indirect_dma semaphore(%arg18 : memref<!tpu.dma_semaphore, #tpu.memory_space<semaphore_mem>>) src(%dma_wait3A_251 : memref<100000x16xf32, #tpu.memory_space<hbm>>) dst(%dma_wait3A_245 : memref<128x16xf32, #tpu.memory_space<vmem>>)
        %dma_wait3A_252 = arith.constant 3 : i32
        %dma_wait3A_253 = arith.constant 384 : i32
        %dma_wait3A_254 = arith.constant 0 : i32
        %dma_wait3A_255 = tpu.memref_slice %arg12[%dma_wait3A_253, %dma_wait3A_254] : memref<512x16xf32, #tpu.memory_space<vmem>> -> memref<128x16xf32, #tpu.memory_space<vmem>>
        %dma_wait3A_256 = arith.constant 0 : i32
        %dma_wait3A_257 = tpu.memref_slice %arg10[%dma_wait3A_252, %dma_wait3A_256] : memref<4x128xi32, #tpu.memory_space<vmem>> -> memref<1x128xi32, #tpu.memory_space<vmem>>
        %dma_wait3A_258 = tpu.memref_squeeze %dma_wait3A_257 : memref<1x128xi32, #tpu.memory_space<vmem>> -> memref<128xi32, #tpu.memory_space<vmem>>
        %dma_wait3A_259 = arith.constant 0 : i32
        %dma_wait3A_260 = arith.constant 0 : i32
        %dma_wait3A_261 = tpu.memref_slice %arg3[%dma_wait3A_259, %dma_wait3A_260] : memref<100000x16xf32, #tpu.memory_space<hbm>> -> memref<100000x16xf32, #tpu.memory_space<hbm>>
        tpu.wait_indirect_dma semaphore(%arg18 : memref<!tpu.dma_semaphore, #tpu.memory_space<semaphore_mem>>) src(%dma_wait3A_261 : memref<100000x16xf32, #tpu.memory_space<hbm>>) dst(%dma_wait3A_255 : memref<128x16xf32, #tpu.memory_space<vmem>>)
        %get3A = arith.constant 0 : index
        %get3A_262 = tpu.vector_load %arg13[%get3A] {strides = array<i32>} : memref<16xi32, #tpu.memory_space<vmem>>, vector<16xi32>,
        %get3A_263 = vector.shape_cast %get3A_262 : vector<16xi32> to vector<16xi32>
        %get3A_264 = arith.constant 0 : i32
        %get3A_265 = arith.index_cast %get3A_264 : i32 to index
        %get3A_266 = arith.constant 0 : index
        %get3A_267 = tpu.vector_load %arg9[%get3A_265, %get3A_266] {strides = array<i32>} : memref<4x128xi32, #tpu.memory_space<vmem>>, vector<1x16xi32>,
        %get3A_268 = vector.shape_cast %get3A_267 : vector<1x16xi32> to vector<16xi32>
        %min3A = arith.minsi %get3A_263, %get3A_268 : vector<16xi32>
        %get3A_269 = arith.constant 0 : i32
        %get3A_270 = arith.index_cast %get3A_269 : i32 to index
        %get3A_271 = arith.constant 16 : index
        %get3A_272 = tpu.vector_load %arg9[%get3A_270, %get3A_271] {strides = array<i32>} : memref<4x128xi32, #tpu.memory_space<vmem>>, vector<1x16xi32>,
        %get3A_273 = vector.shape_cast %get3A_272 : vector<1x16xi32> to vector<16xi32>
        %min3A_274 = arith.minsi %min3A, %get3A_273 : vector<16xi32>
        %get3A_275 = arith.constant 0 : i32
        %get3A_276 = arith.index_cast %get3A_275 : i32 to index
        %get3A_277 = arith.constant 32 : index
        %get3A_278 = tpu.vector_load %arg9[%get3A_276, %get3A_277] {strides = array<i32>} : memref<4x128xi32, #tpu.memory_space<vmem>>, vector<1x16xi32>,
        %get3A_279 = vector.shape_cast %get3A_278 : vector<1x16xi32> to vector<16xi32>
        %min3A_280 = arith.minsi %min3A_274, %get3A_279 : vector<16xi32>
        %get3A_281 = arith.constant 0 : i32
        %get3A_282 = arith.index_cast %get3A_281 : i32 to index
        %get3A_283 = arith.constant 48 : index
        %get3A_284 = tpu.vector_load %arg9[%get3A_282, %get3A_283] {strides = array<i32>} : memref<4x128xi32, #tpu.memory_space<vmem>>, vector<1x16xi32>,
        %get3A_285 = vector.shape_cast %get3A_284 : vector<1x16xi32> to vector<16xi32>
        %min3A_286 = arith.minsi %min3A_280, %get3A_285 : vector<16xi32>
        %get3A_287 = arith.constant 0 : i32
        %get3A_288 = arith.index_cast %get3A_287 : i32 to index
        %get3A_289 = arith.constant 64 : index
        %get3A_290 = tpu.vector_load %arg9[%get3A_288, %get3A_289] {strides = array<i32>} : memref<4x128xi32, #tpu.memory_space<vmem>>, vector<1x16xi32>,
        %get3A_291 = vector.shape_cast %get3A_290 : vector<1x16xi32> to vector<16xi32>
        %min3A_292 = arith.minsi %min3A_286, %get3A_291 : vector<16xi32>
        %get3A_293 = arith.constant 0 : i32
        %get3A_294 = arith.index_cast %get3A_293 : i32 to index
        %get3A_295 = arith.constant 80 : index
        %get3A_296 = tpu.vector_load %arg9[%get3A_294, %get3A_295] {strides = array<i32>} : memref<4x128xi32, #tpu.memory_space<vmem>>, vector<1x16xi32>,
        %get3A_297 = vector.shape_cast %get3A_296 : vector<1x16xi32> to vector<16xi32>
        %min3A_298 = arith.minsi %min3A_292, %get3A_297 : vector<16xi32>
        %get3A_299 = arith.constant 0 : i32
        %get3A_300 = arith.index_cast %get3A_299 : i32 to index
        %get3A_301 = arith.constant 96 : index
        %get3A_302 = tpu.vector_load %arg9[%get3A_300, %get3A_301] {strides = array<i32>} : memref<4x128xi32, #tpu.memory_space<vmem>>, vector<1x16xi32>,
        %get3A_303 = vector.shape_cast %get3A_302 : vector<1x16xi32> to vector<16xi32>
        %min3A_304 = arith.minsi %min3A_298, %get3A_303 : vector<16xi32>
        %get3A_305 = arith.constant 0 : i32
        %get3A_306 = arith.index_cast %get3A_305 : i32 to index
        %get3A_307 = arith.constant 112 : index
        %get3A_308 = tpu.vector_load %arg9[%get3A_306, %get3A_307] {strides = array<i32>} : memref<4x128xi32, #tpu.memory_space<vmem>>, vector<1x16xi32>,
        %get3A_309 = vector.shape_cast %get3A_308 : vector<1x16xi32> to vector<16xi32>
        %min3A_310 = arith.minsi %min3A_304, %get3A_309 : vector<16xi32>
        %get3A_311 = arith.constant 1 : i32
        %get3A_312 = arith.index_cast %get3A_311 : i32 to index
        %get3A_313 = arith.constant 0 : index
        %get3A_314 = tpu.vector_load %arg9[%get3A_312, %get3A_313] {strides = array<i32>} : memref<4x128xi32, #tpu.memory_space<vmem>>, vector<1x16xi32>,
        %get3A_315 = vector.shape_cast %get3A_314 : vector<1x16xi32> to vector<16xi32>
        %min3A_316 = arith.minsi %min3A_310, %get3A_315 : vector<16xi32>
        %get3A_317 = arith.constant 1 : i32
        %get3A_318 = arith.index_cast %get3A_317 : i32 to index
        %get3A_319 = arith.constant 16 : index
        %get3A_320 = tpu.vector_load %arg9[%get3A_318, %get3A_319] {strides = array<i32>} : memref<4x128xi32, #tpu.memory_space<vmem>>, vector<1x16xi32>,
        %get3A_321 = vector.shape_cast %get3A_320 : vector<1x16xi32> to vector<16xi32>
        %min3A_322 = arith.minsi %min3A_316, %get3A_321 : vector<16xi32>
        %get3A_323 = arith.constant 1 : i32
        %get3A_324 = arith.index_cast %get3A_323 : i32 to index
        %get3A_325 = arith.constant 32 : index
        %get3A_326 = tpu.vector_load %arg9[%get3A_324, %get3A_325] {strides = array<i32>} : memref<4x128xi32, #tpu.memory_space<vmem>>, vector<1x16xi32>,
        %get3A_327 = vector.shape_cast %get3A_326 : vector<1x16xi32> to vector<16xi32>
        %min3A_328 = arith.minsi %min3A_322, %get3A_327 : vector<16xi32>
        %get3A_329 = arith.constant 1 : i32
        %get3A_330 = arith.index_cast %get3A_329 : i32 to index
        %get3A_331 = arith.constant 48 : index
        %get3A_332 = tpu.vector_load %arg9[%get3A_330, %get3A_331] {strides = array<i32>} : memref<4x128xi32, #tpu.memory_space<vmem>>, vector<1x16xi32>,
        %get3A_333 = vector.shape_cast %get3A_332 : vector<1x16xi32> to vector<16xi32>
        %min3A_334 = arith.minsi %min3A_328, %get3A_333 : vector<16xi32>
        %get3A_335 = arith.constant 1 : i32
        %get3A_336 = arith.index_cast %get3A_335 : i32 to index
        %get3A_337 = arith.constant 64 : index
        %get3A_338 = tpu.vector_load %arg9[%get3A_336, %get3A_337] {strides = array<i32>} : memref<4x128xi32, #tpu.memory_space<vmem>>, vector<1x16xi32>,
        %get3A_339 = vector.shape_cast %get3A_338 : vector<1x16xi32> to vector<16xi32>
        %min3A_340 = arith.minsi %min3A_334, %get3A_339 : vector<16xi32>
        %get3A_341 = arith.constant 1 : i32
        %get3A_342 = arith.index_cast %get3A_341 : i32 to index
        %get3A_343 = arith.constant 80 : index
        %get3A_344 = tpu.vector_load %arg9[%get3A_342, %get3A_343] {strides = array<i32>} : memref<4x128xi32, #tpu.memory_space<vmem>>, vector<1x16xi32>,
        %get3A_345 = vector.shape_cast %get3A_344 : vector<1x16xi32> to vector<16xi32>
        %min3A_346 = arith.minsi %min3A_340, %get3A_345 : vector<16xi32>
        %get3A_347 = arith.constant 1 : i32
        %get3A_348 = arith.index_cast %get3A_347 : i32 to index
        %get3A_349 = arith.constant 96 : index
        %get3A_350 = tpu.vector_load %arg9[%get3A_348, %get3A_349] {strides = array<i32>} : memref<4x128xi32, #tpu.memory_space<vmem>>, vector<1x16xi32>,
        %get3A_351 = vector.shape_cast %get3A_350 : vector<1x16xi32> to vector<16xi32>
        %min3A_352 = arith.minsi %min3A_346, %get3A_351 : vector<16xi32>
        %get3A_353 = arith.constant 1 : i32
        %get3A_354 = arith.index_cast %get3A_353 : i32 to index
        %get3A_355 = arith.constant 112 : index
        %get3A_356 = tpu.vector_load %arg9[%get3A_354, %get3A_355] {strides = array<i32>} : memref<4x128xi32, #tpu.memory_space<vmem>>, vector<1x16xi32>,
        %get3A_357 = vector.shape_cast %get3A_356 : vector<1x16xi32> to vector<16xi32>
        %min3A_358 = arith.minsi %min3A_352, %get3A_357 : vector<16xi32>
        %get3A_359 = arith.constant 2 : i32
        %get3A_360 = arith.index_cast %get3A_359 : i32 to index
        %get3A_361 = arith.constant 0 : index
        %get3A_362 = tpu.vector_load %arg9[%get3A_360, %get3A_361] {strides = array<i32>} : memref<4x128xi32, #tpu.memory_space<vmem>>, vector<1x16xi32>,
        %get3A_363 = vector.shape_cast %get3A_362 : vector<1x16xi32> to vector<16xi32>
        %min3A_364 = arith.minsi %min3A_358, %get3A_363 : vector<16xi32>
        %get3A_365 = arith.constant 2 : i32
        %get3A_366 = arith.index_cast %get3A_365 : i32 to index
        %get3A_367 = arith.constant 16 : index
        %get3A_368 = tpu.vector_load %arg9[%get3A_366, %get3A_367] {strides = array<i32>} : memref<4x128xi32, #tpu.memory_space<vmem>>, vector<1x16xi32>,
        %get3A_369 = vector.shape_cast %get3A_368 : vector<1x16xi32> to vector<16xi32>
        %min3A_370 = arith.minsi %min3A_364, %get3A_369 : vector<16xi32>
        %get3A_371 = arith.constant 2 : i32
        %get3A_372 = arith.index_cast %get3A_371 : i32 to index
        %get3A_373 = arith.constant 32 : index
        %get3A_374 = tpu.vector_load %arg9[%get3A_372, %get3A_373] {strides = array<i32>} : memref<4x128xi32, #tpu.memory_space<vmem>>, vector<1x16xi32>,
        %get3A_375 = vector.shape_cast %get3A_374 : vector<1x16xi32> to vector<16xi32>
        %min3A_376 = arith.minsi %min3A_370, %get3A_375 : vector<16xi32>
        %get3A_377 = arith.constant 2 : i32
        %get3A_378 = arith.index_cast %get3A_377 : i32 to index
        %get3A_379 = arith.constant 48 : index
        %get3A_380 = tpu.vector_load %arg9[%get3A_378, %get3A_379] {strides = array<i32>} : memref<4x128xi32, #tpu.memory_space<vmem>>, vector<1x16xi32>,
        %get3A_381 = vector.shape_cast %get3A_380 : vector<1x16xi32> to vector<16xi32>
        %min3A_382 = arith.minsi %min3A_376, %get3A_381 : vector<16xi32>
        %get3A_383 = arith.constant 2 : i32
        %get3A_384 = arith.index_cast %get3A_383 : i32 to index
        %get3A_385 = arith.constant 64 : index
        %get3A_386 = tpu.vector_load %arg9[%get3A_384, %get3A_385] {strides = array<i32>} : memref<4x128xi32, #tpu.memory_space<vmem>>, vector<1x16xi32>,
        %get3A_387 = vector.shape_cast %get3A_386 : vector<1x16xi32> to vector<16xi32>
        %min3A_388 = arith.minsi %min3A_382, %get3A_387 : vector<16xi32>
        %get3A_389 = arith.constant 2 : i32
        %get3A_390 = arith.index_cast %get3A_389 : i32 to index
        %get3A_391 = arith.constant 80 : index
        %get3A_392 = tpu.vector_load %arg9[%get3A_390, %get3A_391] {strides = array<i32>} : memref<4x128xi32, #tpu.memory_space<vmem>>, vector<1x16xi32>,
        %get3A_393 = vector.shape_cast %get3A_392 : vector<1x16xi32> to vector<16xi32>
        %min3A_394 = arith.minsi %min3A_388, %get3A_393 : vector<16xi32>
        %get3A_395 = arith.constant 2 : i32
        %get3A_396 = arith.index_cast %get3A_395 : i32 to index
        %get3A_397 = arith.constant 96 : index
        %get3A_398 = tpu.vector_load %arg9[%get3A_396, %get3A_397] {strides = array<i32>} : memref<4x128xi32, #tpu.memory_space<vmem>>, vector<1x16xi32>,
        %get3A_399 = vector.shape_cast %get3A_398 : vector<1x16xi32> to vector<16xi32>
        %min3A_400 = arith.minsi %min3A_394, %get3A_399 : vector<16xi32>
        %get3A_401 = arith.constant 2 : i32
        %get3A_402 = arith.index_cast %get3A_401 : i32 to index
        %get3A_403 = arith.constant 112 : index
        %get3A_404 = tpu.vector_load %arg9[%get3A_402, %get3A_403] {strides = array<i32>} : memref<4x128xi32, #tpu.memory_space<vmem>>, vector<1x16xi32>,
        %get3A_405 = vector.shape_cast %get3A_404 : vector<1x16xi32> to vector<16xi32>
        %min3A_406 = arith.minsi %min3A_400, %get3A_405 : vector<16xi32>
        %get3A_407 = arith.constant 3 : i32
        %get3A_408 = arith.index_cast %get3A_407 : i32 to index
        %get3A_409 = arith.constant 0 : index
        %get3A_410 = tpu.vector_load %arg9[%get3A_408, %get3A_409] {strides = array<i32>} : memref<4x128xi32, #tpu.memory_space<vmem>>, vector<1x16xi32>,
        %get3A_411 = vector.shape_cast %get3A_410 : vector<1x16xi32> to vector<16xi32>
        %min3A_412 = arith.minsi %min3A_406, %get3A_411 : vector<16xi32>
        %get3A_413 = arith.constant 3 : i32
        %get3A_414 = arith.index_cast %get3A_413 : i32 to index
        %get3A_415 = arith.constant 16 : index
        %get3A_416 = tpu.vector_load %arg9[%get3A_414, %get3A_415] {strides = array<i32>} : memref<4x128xi32, #tpu.memory_space<vmem>>, vector<1x16xi32>,
        %get3A_417 = vector.shape_cast %get3A_416 : vector<1x16xi32> to vector<16xi32>
        %min3A_418 = arith.minsi %min3A_412, %get3A_417 : vector<16xi32>
        %get3A_419 = arith.constant 3 : i32
        %get3A_420 = arith.index_cast %get3A_419 : i32 to index
        %get3A_421 = arith.constant 32 : index
        %get3A_422 = tpu.vector_load %arg9[%get3A_420, %get3A_421] {strides = array<i32>} : memref<4x128xi32, #tpu.memory_space<vmem>>, vector<1x16xi32>,
        %get3A_423 = vector.shape_cast %get3A_422 : vector<1x16xi32> to vector<16xi32>
        %min3A_424 = arith.minsi %min3A_418, %get3A_423 : vector<16xi32>
        %get3A_425 = arith.constant 3 : i32
        %get3A_426 = arith.index_cast %get3A_425 : i32 to index
        %get3A_427 = arith.constant 48 : index
        %get3A_428 = tpu.vector_load %arg9[%get3A_426, %get3A_427] {strides = array<i32>} : memref<4x128xi32, #tpu.memory_space<vmem>>, vector<1x16xi32>,
        %get3A_429 = vector.shape_cast %get3A_428 : vector<1x16xi32> to vector<16xi32>
        %min3A_430 = arith.minsi %min3A_424, %get3A_429 : vector<16xi32>
        %get3A_431 = arith.constant 3 : i32
        %get3A_432 = arith.index_cast %get3A_431 : i32 to index
        %get3A_433 = arith.constant 64 : index
        %get3A_434 = tpu.vector_load %arg9[%get3A_432, %get3A_433] {strides = array<i32>} : memref<4x128xi32, #tpu.memory_space<vmem>>, vector<1x16xi32>,
        %get3A_435 = vector.shape_cast %get3A_434 : vector<1x16xi32> to vector<16xi32>
        %min3A_436 = arith.minsi %min3A_430, %get3A_435 : vector<16xi32>
        %get3A_437 = arith.constant 3 : i32
        %get3A_438 = arith.index_cast %get3A_437 : i32 to index
        %get3A_439 = arith.constant 80 : index
        %get3A_440 = tpu.vector_load %arg9[%get3A_438, %get3A_439] {strides = array<i32>} : memref<4x128xi32, #tpu.memory_space<vmem>>, vector<1x16xi32>,
        %get3A_441 = vector.shape_cast %get3A_440 : vector<1x16xi32> to vector<16xi32>
        %min3A_442 = arith.minsi %min3A_436, %get3A_441 : vector<16xi32>
        %get3A_443 = arith.constant 3 : i32
        %get3A_444 = arith.index_cast %get3A_443 : i32 to index
        %get3A_445 = arith.constant 96 : index
        %get3A_446 = tpu.vector_load %arg9[%get3A_444, %get3A_445] {strides = array<i32>} : memref<4x128xi32, #tpu.memory_space<vmem>>, vector<1x16xi32>,
        %get3A_447 = vector.shape_cast %get3A_446 : vector<1x16xi32> to vector<16xi32>
        %min3A_448 = arith.minsi %min3A_442, %get3A_447 : vector<16xi32>
        %get3A_449 = arith.constant 3 : i32
        %get3A_450 = arith.index_cast %get3A_449 : i32 to index
        %get3A_451 = arith.constant 112 : index
        %get3A_452 = tpu.vector_load %arg9[%get3A_450, %get3A_451] {strides = array<i32>} : memref<4x128xi32, #tpu.memory_space<vmem>>, vector<1x16xi32>,
        %get3A_453 = vector.shape_cast %get3A_452 : vector<1x16xi32> to vector<16xi32>
        %min3A_454 = arith.minsi %min3A_448, %get3A_453 : vector<16xi32>
        %swap3A_455 = arith.constant 0 : index
        %swap3A_456 = tpu.vector_load %arg13[%swap3A_455] {strides = array<i32>} : memref<16xi32, #tpu.memory_space<vmem>>, vector<16xi32>,
        %swap3A_457 = vector.shape_cast %swap3A_456 : vector<16xi32> to vector<16xi32>
        %swap3A_458 = vector.shape_cast %min3A_454 : vector<16xi32> to vector<16xi32>
        tpu.vector_store %arg13[%swap3A_455], %swap3A_458 {strides = array<i32>} : memref<16xi32, #tpu.memory_space<vmem>>, vector<16xi32>,
        %dma_start3A_459 = arith.constant 0 : i32
        %dma_start3A_460 = arith.constant 0 : i32
        %dma_start3A_461 = arith.constant 0 : i32
        %dma_start3A_462 = tpu.memref_slice %arg12[%dma_start3A_460, %dma_start3A_461] : memref<512x16xf32, #tpu.memory_space<vmem>> -> memref<128x16xf32, #tpu.memory_space<vmem>>
        %dma_start3A_463 = arith.constant 0 : i32
        %dma_start3A_464 = tpu.memref_slice %arg9[%dma_start3A_459, %dma_start3A_463] : memref<4x128xi32, #tpu.memory_space<vmem>> -> memref<1x128xi32, #tpu.memory_space<vmem>>
        %dma_start3A_465 = tpu.memref_squeeze %dma_start3A_464 : memref<1x128xi32, #tpu.memory_space<vmem>> -> memref<128xi32, #tpu.memory_space<vmem>>
        %dma_start3A_466 = arith.constant 0 : i32
        %dma_start3A_467 = arith.constant 0 : i32
        %dma_start3A_468 = tpu.memref_slice %arg14[%dma_start3A_466, %dma_start3A_467] : memref<100096x16xf32, #tpu.memory_space<vmem_shared>> -> memref<100096x16xf32, #tpu.memory_space<vmem_shared>>
        tpu.enqueue_indirect_dma source(%dma_start3A_462 : memref<128x16xf32, #tpu.memory_space<vmem>>) target(%dma_start3A_468 : memref<100096x16xf32, #tpu.memory_space<vmem_shared>>) offsets(%dma_start3A_465 : memref<128xi32, #tpu.memory_space<vmem>>) semaphore(%arg20 : memref<!tpu.dma_semaphore, #tpu.memory_space<semaphore_mem>>) {add = true}
        %dma_start3A_469 = arith.constant 1 : i32
        %dma_start3A_470 = arith.constant 128 : i32
        %dma_start3A_471 = arith.constant 0 : i32
        %dma_start3A_472 = tpu.memref_slice %arg12[%dma_start3A_470, %dma_start3A_471] : memref<512x16xf32, #tpu.memory_space<vmem>> -> memref<128x16xf32, #tpu.memory_space<vmem>>
        %dma_start3A_473 = arith.constant 0 : i32
        %dma_start3A_474 = tpu.memref_slice %arg9[%dma_start3A_469, %dma_start3A_473] : memref<4x128xi32, #tpu.memory_space<vmem>> -> memref<1x128xi32, #tpu.memory_space<vmem>>
        %dma_start3A_475 = tpu.memref_squeeze %dma_start3A_474 : memref<1x128xi32, #tpu.memory_space<vmem>> -> memref<128xi32, #tpu.memory_space<vmem>>
        %dma_start3A_476 = arith.constant 0 : i32
        %dma_start3A_477 = arith.constant 0 : i32
        %dma_start3A_478 = tpu.memref_slice %arg14[%dma_start3A_476, %dma_start3A_477] : memref<100096x16xf32, #tpu.memory_space<vmem_shared>> -> memref<100096x16xf32, #tpu.memory_space<vmem_shared>>
        tpu.enqueue_indirect_dma source(%dma_start3A_472 : memref<128x16xf32, #tpu.memory_space<vmem>>) target(%dma_start3A_478 : memref<100096x16xf32, #tpu.memory_space<vmem_shared>>) offsets(%dma_start3A_475 : memref<128xi32, #tpu.memory_space<vmem>>) semaphore(%arg20 : memref<!tpu.dma_semaphore, #tpu.memory_space<semaphore_mem>>) {add = true}
        %dma_start3A_479 = arith.constant 2 : i32
        %dma_start3A_480 = arith.constant 256 : i32
        %dma_start3A_481 = arith.constant 0 : i32
        %dma_start3A_482 = tpu.memref_slice %arg12[%dma_start3A_480, %dma_start3A_481] : memref<512x16xf32, #tpu.memory_space<vmem>> -> memref<128x16xf32, #tpu.memory_space<vmem>>
        %dma_start3A_483 = arith.constant 0 : i32
        %dma_start3A_484 = tpu.memref_slice %arg9[%dma_start3A_479, %dma_start3A_483] : memref<4x128xi32, #tpu.memory_space<vmem>> -> memref<1x128xi32, #tpu.memory_space<vmem>>
        %dma_start3A_485 = tpu.memref_squeeze %dma_start3A_484 : memref<1x128xi32, #tpu.memory_space<vmem>> -> memref<128xi32, #tpu.memory_space<vmem>>
        %dma_start3A_486 = arith.constant 0 : i32
        %dma_start3A_487 = arith.constant 0 : i32
        %dma_start3A_488 = tpu.memref_slice %arg14[%dma_start3A_486, %dma_start3A_487] : memref<100096x16xf32, #tpu.memory_space<vmem_shared>> -> memref<100096x16xf32, #tpu.memory_space<vmem_shared>>
        tpu.enqueue_indirect_dma source(%dma_start3A_482 : memref<128x16xf32, #tpu.memory_space<vmem>>) target(%dma_start3A_488 : memref<100096x16xf32, #tpu.memory_space<vmem_shared>>) offsets(%dma_start3A_485 : memref<128xi32, #tpu.memory_space<vmem>>) semaphore(%arg20 : memref<!tpu.dma_semaphore, #tpu.memory_space<semaphore_mem>>) {add = true}
        %dma_start3A_489 = arith.constant 3 : i32
        %dma_start3A_490 = arith.constant 384 : i32
        %dma_start3A_491 = arith.constant 0 : i32
        %dma_start3A_492 = tpu.memref_slice %arg12[%dma_start3A_490, %dma_start3A_491] : memref<512x16xf32, #tpu.memory_space<vmem>> -> memref<128x16xf32, #tpu.memory_space<vmem>>
        %dma_start3A_493 = arith.constant 0 : i32
        %dma_start3A_494 = tpu.memref_slice %arg9[%dma_start3A_489, %dma_start3A_493] : memref<4x128xi32, #tpu.memory_space<vmem>> -> memref<1x128xi32, #tpu.memory_space<vmem>>
        %dma_start3A_495 = tpu.memref_squeeze %dma_start3A_494 : memref<1x128xi32, #tpu.memory_space<vmem>> -> memref<128xi32, #tpu.memory_space<vmem>>
        %dma_start3A_496 = arith.constant 0 : i32
        %dma_start3A_497 = arith.constant 0 : i32
        %dma_start3A_498 = tpu.memref_slice %arg14[%dma_start3A_496, %dma_start3A_497] : memref<100096x16xf32, #tpu.memory_space<vmem_shared>> -> memref<100096x16xf32, #tpu.memory_space<vmem_shared>>
        tpu.enqueue_indirect_dma source(%dma_start3A_492 : memref<128x16xf32, #tpu.memory_space<vmem>>) target(%dma_start3A_498 : memref<100096x16xf32, #tpu.memory_space<vmem_shared>>) offsets(%dma_start3A_495 : memref<128xi32, #tpu.memory_space<vmem>>) semaphore(%arg20 : memref<!tpu.dma_semaphore, #tpu.memory_space<semaphore_mem>>) {add = true}
      } else {
      }
    }
    %scan3A_117 = arith.constant 49 : i32
    %add3A_118 = arith.constant 3104 : i32
    %add3A_119 = arith.addi %add3A_118, %add3A : i32
    %lt3A = arith.constant 3125 : i32
    %lt3A_120 = arith.cmpi slt, %add3A_119, %lt3A : i32
    %and3A = arith.constant true
    %and3A_121 = arith.andi %and3A, %lt3A_120 : i1
    %convert_element_type3A = arith.extui %and3A_121 : i1 to i32
    %cond3A = arith.constant 0 : i32
    %cond3A_122 = arith.cmpi ne, %convert_element_type3A, %cond3A : i32
    scf.if %cond3A_122 {
      %dma_wait3A_136 = arith.constant 0 : i32
      %dma_wait3A_137 = arith.constant 0 : i32
      %dma_wait3A_138 = arith.constant 0 : i32
      %dma_wait3A_139 = tpu.memref_slice %arg12[%dma_wait3A_137, %dma_wait3A_138] : memref<512x16xf32, #tpu.memory_space<vmem>> -> memref<128x16xf32, #tpu.memory_space<vmem>>
      %dma_wait3A_140 = arith.constant 0 : i32
      %dma_wait3A_141 = tpu.memref_slice %arg9[%dma_wait3A_136, %dma_wait3A_140] : memref<4x128xi32, #tpu.memory_space<vmem>> -> memref<1x128xi32, #tpu.memory_space<vmem>>
      %dma_wait3A_142 = tpu.memref_squeeze %dma_wait3A_141 : memref<1x128xi32, #tpu.memory_space<vmem>> -> memref<128xi32, #tpu.memory_space<vmem>>
      %dma_wait3A_143 = arith.constant 0 : i32
      %dma_wait3A_144 = arith.constant 0 : i32
      %dma_wait3A_145 = tpu.memref_slice %arg14[%dma_wait3A_143, %dma_wait3A_144] : memref<100096x16xf32, #tpu.memory_space<vmem_shared>> -> memref<100096x16xf32, #tpu.memory_space<vmem_shared>>
      tpu.wait_indirect_dma semaphore(%arg20 : memref<!tpu.dma_semaphore, #tpu.memory_space<semaphore_mem>>) src(%dma_wait3A_139 : memref<128x16xf32, #tpu.memory_space<vmem>>) dst(%dma_wait3A_145 : memref<100096x16xf32, #tpu.memory_space<vmem_shared>>)
      %dma_wait3A_146 = arith.constant 1 : i32
      %dma_wait3A_147 = arith.constant 128 : i32
      %dma_wait3A_148 = arith.constant 0 : i32
      %dma_wait3A_149 = tpu.memref_slice %arg12[%dma_wait3A_147, %dma_wait3A_148] : memref<512x16xf32, #tpu.memory_space<vmem>> -> memref<128x16xf32, #tpu.memory_space<vmem>>
      %dma_wait3A_150 = arith.constant 0 : i32
      %dma_wait3A_151 = tpu.memref_slice %arg9[%dma_wait3A_146, %dma_wait3A_150] : memref<4x128xi32, #tpu.memory_space<vmem>> -> memref<1x128xi32, #tpu.memory_space<vmem>>
      %dma_wait3A_152 = tpu.memref_squeeze %dma_wait3A_151 : memref<1x128xi32, #tpu.memory_space<vmem>> -> memref<128xi32, #tpu.memory_space<vmem>>
      %dma_wait3A_153 = arith.constant 0 : i32
      %dma_wait3A_154 = arith.constant 0 : i32
      %dma_wait3A_155 = tpu.memref_slice %arg14[%dma_wait3A_153, %dma_wait3A_154] : memref<100096x16xf32, #tpu.memory_space<vmem_shared>> -> memref<100096x16xf32, #tpu.memory_space<vmem_shared>>
      tpu.wait_indirect_dma semaphore(%arg20 : memref<!tpu.dma_semaphore, #tpu.memory_space<semaphore_mem>>) src(%dma_wait3A_149 : memref<128x16xf32, #tpu.memory_space<vmem>>) dst(%dma_wait3A_155 : memref<100096x16xf32, #tpu.memory_space<vmem_shared>>)
      %dma_wait3A_156 = arith.constant 2 : i32
      %dma_wait3A_157 = arith.constant 256 : i32
      %dma_wait3A_158 = arith.constant 0 : i32
      %dma_wait3A_159 = tpu.memref_slice %arg12[%dma_wait3A_157, %dma_wait3A_158] : memref<512x16xf32, #tpu.memory_space<vmem>> -> memref<128x16xf32, #tpu.memory_space<vmem>>
      %dma_wait3A_160 = arith.constant 0 : i32
      %dma_wait3A_161 = tpu.memref_slice %arg9[%dma_wait3A_156, %dma_wait3A_160] : memref<4x128xi32, #tpu.memory_space<vmem>> -> memref<1x128xi32, #tpu.memory_space<vmem>>
      %dma_wait3A_162 = tpu.memref_squeeze %dma_wait3A_161 : memref<1x128xi32, #tpu.memory_space<vmem>> -> memref<128xi32, #tpu.memory_space<vmem>>
      %dma_wait3A_163 = arith.constant 0 : i32
      %dma_wait3A_164 = arith.constant 0 : i32
      %dma_wait3A_165 = tpu.memref_slice %arg14[%dma_wait3A_163, %dma_wait3A_164] : memref<100096x16xf32, #tpu.memory_space<vmem_shared>> -> memref<100096x16xf32, #tpu.memory_space<vmem_shared>>
      tpu.wait_indirect_dma semaphore(%arg20 : memref<!tpu.dma_semaphore, #tpu.memory_space<semaphore_mem>>) src(%dma_wait3A_159 : memref<128x16xf32, #tpu.memory_space<vmem>>) dst(%dma_wait3A_165 : memref<100096x16xf32, #tpu.memory_space<vmem_shared>>)
      %dma_wait3A_166 = arith.constant 3 : i32
      %dma_wait3A_167 = arith.constant 384 : i32
      %dma_wait3A_168 = arith.constant 0 : i32
      %dma_wait3A_169 = tpu.memref_slice %arg12[%dma_wait3A_167, %dma_wait3A_168] : memref<512x16xf32, #tpu.memory_space<vmem>> -> memref<128x16xf32, #tpu.memory_space<vmem>>
      %dma_wait3A_170 = arith.constant 0 : i32
      %dma_wait3A_171 = tpu.memref_slice %arg9[%dma_wait3A_166, %dma_wait3A_170] : memref<4x128xi32, #tpu.memory_space<vmem>> -> memref<1x128xi32, #tpu.memory_space<vmem>>
      %dma_wait3A_172 = tpu.memref_squeeze %dma_wait3A_171 : memref<1x128xi32, #tpu.memory_space<vmem>> -> memref<128xi32, #tpu.memory_space<vmem>>
      %dma_wait3A_173 = arith.constant 0 : i32
      %dma_wait3A_174 = arith.constant 0 : i32
      %dma_wait3A_175 = tpu.memref_slice %arg14[%dma_wait3A_173, %dma_wait3A_174] : memref<100096x16xf32, #tpu.memory_space<vmem_shared>> -> memref<100096x16xf32, #tpu.memory_space<vmem_shared>>
      tpu.wait_indirect_dma semaphore(%arg20 : memref<!tpu.dma_semaphore, #tpu.memory_space<semaphore_mem>>) src(%dma_wait3A_169 : memref<128x16xf32, #tpu.memory_space<vmem>>) dst(%dma_wait3A_175 : memref<100096x16xf32, #tpu.memory_space<vmem_shared>>)
    } else {
    }
    "tpu.region"() ({
      %run_scoped3A = tpu.sem_alloc : memref<!tpu.dma_semaphore, #tpu.memory_space<semaphore_mem>>
      %dma_start3A_136 = arith.constant 0 : i32
      %dma_start3A_137 = tpu.memref_slice %arg6[%add3A, %dma_start3A_136] : memref<32x16xi32, #tpu.memory_space<hbm>> -> memref<1x16xi32, #tpu.memory_space<hbm>>
      %dma_start3A_138 = tpu.memref_squeeze %dma_start3A_137 : memref<1x16xi32, #tpu.memory_space<hbm>> -> memref<16xi32, #tpu.memory_space<hbm>>
      %dma_start3A_139 = arith.constant 0 : i32
      %dma_start3A_140 = tpu.memref_slice %arg6[%add3A, %dma_start3A_139] : memref<32x16xi32, #tpu.memory_space<hbm>> -> memref<1x16xi32, #tpu.memory_space<hbm>>
      %dma_start3A_141 = tpu.memref_squeeze %dma_start3A_140 : memref<1x16xi32, #tpu.memory_space<hbm>> -> memref<16xi32, #tpu.memory_space<hbm>>
      tpu.enqueue_dma source(%arg13 : memref<16xi32, #tpu.memory_space<vmem>>) target(%dma_start3A_141 : memref<16xi32, #tpu.memory_space<hbm>>) target_semaphore(%run_scoped3A : memref<!tpu.dma_semaphore, #tpu.memory_space<semaphore_mem>>)
      %dma_wait3A_142 = arith.constant 0 : i32
      %dma_wait3A_143 = tpu.memref_slice %arg6[%add3A, %dma_wait3A_142] : memref<32x16xi32, #tpu.memory_space<hbm>> -> memref<1x16xi32, #tpu.memory_space<hbm>>
      %dma_wait3A_144 = tpu.memref_squeeze %dma_wait3A_143 : memref<1x16xi32, #tpu.memory_space<hbm>> -> memref<16xi32, #tpu.memory_space<hbm>>
      %dma_wait3A_145 = arith.constant 0 : i32
      %dma_wait3A_146 = tpu.memref_slice %arg6[%add3A, %dma_wait3A_145] : memref<32x16xi32, #tpu.memory_space<hbm>> -> memref<1x16xi32, #tpu.memory_space<hbm>>
      %dma_wait3A_147 = tpu.memref_squeeze %dma_wait3A_146 : memref<1x16xi32, #tpu.memory_space<hbm>> -> memref<16xi32, #tpu.memory_space<hbm>>
      tpu.wait_dma2 semaphore(%run_scoped3A : memref<!tpu.dma_semaphore, #tpu.memory_space<semaphore_mem>>) src(%arg13 : memref<16xi32, #tpu.memory_space<vmem>>) dst(%dma_wait3A_147 : memref<16xi32, #tpu.memory_space<hbm>>)
      tpu.yield
    }) : () -> ()
    %barrier3A_123 = arith.constant 0 : index
    tpu.barrier barrier_id(%barrier3A_123)
    %mul3A_124 = arith.constant 6256 : i32
    %mul3A_125 = arith.muli %arg1, %mul3A_124 : i32
    %multiple_of3A_126 = tpu.assume_multiple %mul3A_125, 8 : i32
    %eq3A = arith.constant 0 : i32
    %eq3A_127 = arith.cmpi eq, %arg0, %eq3A : i32
    %convert_element_type3A_128 = arith.extui %eq3A_127 : i1 to i32
    %cond3A_129 = arith.constant 0 : i32
    %cond3A_130 = arith.cmpi ne, %convert_element_type3A_128, %cond3A_129 : i32
    scf.if %cond3A_130 {
      %lt3A_136 = arith.constant 15 : i32
      %lt3A_137 = arith.cmpi slt, %arg1, %lt3A_136 : i32
      %convert_element_type3A_138 = arith.extui %lt3A_137 : i1 to i32
      %cond3A_139 = arith.constant 0 : i32
      %cond3A_140 = arith.cmpi ne, %convert_element_type3A_138, %cond3A_139 : i32
      scf.if %cond3A_140 {
        "tpu.region"() ({
          %run_scoped3A = tpu.sem_alloc : memref<!tpu.dma_semaphore, #tpu.memory_space<semaphore_mem>>
          %dma_start3A_146 = arith.constant 0 : i32
          %dma_start3A_147 = tpu.memref_slice %arg4[%multiple_of3A_126, %dma_start3A_146] : memref<100008x16xf32, #tpu.memory_space<hbm>> -> memref<6256x16xf32, #tpu.memory_space<hbm>>
          %dma_start3A_148 = arith.constant 0 : i32
          %dma_start3A_149 = tpu.memref_slice %arg14[%multiple_of3A_126, %dma_start3A_148] : memref<100096x16xf32, #tpu.memory_space<vmem_shared>> -> memref<6256x16xf32, #tpu.memory_space<vmem_shared>>
          tpu.enqueue_dma source(%dma_start3A_149 : memref<6256x16xf32, #tpu.memory_space<vmem_shared>>) target(%dma_start3A_147 : memref<6256x16xf32, #tpu.memory_space<hbm>>) target_semaphore(%run_scoped3A : memref<!tpu.dma_semaphore, #tpu.memory_space<semaphore_mem>>)
          %dma_wait3A_150 = arith.constant 0 : i32
          %dma_wait3A_151 = tpu.memref_slice %arg4[%multiple_of3A_126, %dma_wait3A_150] : memref<100008x16xf32, #tpu.memory_space<hbm>> -> memref<6256x16xf32, #tpu.memory_space<hbm>>
          %dma_wait3A_152 = arith.constant 0 : i32
          %dma_wait3A_153 = tpu.memref_slice %arg14[%multiple_of3A_126, %dma_wait3A_152] : memref<100096x16xf32, #tpu.memory_space<vmem_shared>> -> memref<6256x16xf32, #tpu.memory_space<vmem_shared>>
          tpu.wait_dma2 semaphore(%run_scoped3A : memref<!tpu.dma_semaphore, #tpu.memory_space<semaphore_mem>>) src(%dma_wait3A_153 : memref<6256x16xf32, #tpu.memory_space<vmem_shared>>) dst(%dma_wait3A_151 : memref<6256x16xf32, #tpu.memory_space<hbm>>)
          tpu.yield
        }) : () -> ()
      } else {
      }
      %eq3A_141 = arith.constant 15 : i32
      %eq3A_142 = arith.cmpi eq, %arg1, %eq3A_141 : i32
      %convert_element_type3A_143 = arith.extui %eq3A_142 : i1 to i32
      %cond3A_144 = arith.constant 0 : i32
      %cond3A_145 = arith.cmpi ne, %convert_element_type3A_143, %cond3A_144 : i32
      scf.if %cond3A_145 {
        "tpu.region"() ({
          %run_scoped3A = tpu.sem_alloc : memref<!tpu.dma_semaphore, #tpu.memory_space<semaphore_mem>>
          %dma_start3A_146 = arith.constant 93840 : i32
          %dma_start3A_147 = arith.constant 0 : i32
          %dma_start3A_148 = tpu.memref_slice %arg4[%dma_start3A_146, %dma_start3A_147] : memref<100008x16xf32, #tpu.memory_space<hbm>> -> memref<6168x16xf32, #tpu.memory_space<hbm>>
          %dma_start3A_149 = arith.constant 93840 : i32
          %dma_start3A_150 = arith.constant 0 : i32
          %dma_start3A_151 = tpu.memref_slice %arg14[%dma_start3A_149, %dma_start3A_150] : memref<100096x16xf32, #tpu.memory_space<vmem_shared>> -> memref<6168x16xf32, #tpu.memory_space<vmem_shared>>
          tpu.enqueue_dma source(%dma_start3A_151 : memref<6168x16xf32, #tpu.memory_space<vmem_shared>>) target(%dma_start3A_148 : memref<6168x16xf32, #tpu.memory_space<hbm>>) target_semaphore(%run_scoped3A : memref<!tpu.dma_semaphore, #tpu.memory_space<semaphore_mem>>)
          %dma_wait3A_152 = arith.constant 93840 : i32
          %dma_wait3A_153 = arith.constant 0 : i32
          %dma_wait3A_154 = tpu.memref_slice %arg4[%dma_wait3A_152, %dma_wait3A_153] : memref<100008x16xf32, #tpu.memory_space<hbm>> -> memref<6168x16xf32, #tpu.memory_space<hbm>>
          %dma_wait3A_155 = arith.constant 93840 : i32
          %dma_wait3A_156 = arith.constant 0 : i32
          %dma_wait3A_157 = tpu.memref_slice %arg14[%dma_wait3A_155, %dma_wait3A_156] : memref<100096x16xf32, #tpu.memory_space<vmem_shared>> -> memref<6168x16xf32, #tpu.memory_space<vmem_shared>>
          tpu.wait_dma2 semaphore(%run_scoped3A : memref<!tpu.dma_semaphore, #tpu.memory_space<semaphore_mem>>) src(%dma_wait3A_157 : memref<6168x16xf32, #tpu.memory_space<vmem_shared>>) dst(%dma_wait3A_154 : memref<6168x16xf32, #tpu.memory_space<hbm>>)
          tpu.yield
        }) : () -> ()
      } else {
      }
    } else {
    }
    %eq3A_131 = arith.constant 1 : i32
    %eq3A_132 = arith.cmpi eq, %arg0, %eq3A_131 : i32
    %convert_element_type3A_133 = arith.extui %eq3A_132 : i1 to i32
    %cond3A_134 = arith.constant 0 : i32
    %cond3A_135 = arith.cmpi ne, %convert_element_type3A_133, %cond3A_134 : i32
    scf.if %cond3A_135 {
      %lt3A_136 = arith.constant 15 : i32
      %lt3A_137 = arith.cmpi slt, %arg1, %lt3A_136 : i32
      %convert_element_type3A_138 = arith.extui %lt3A_137 : i1 to i32
      %cond3A_139 = arith.constant 0 : i32
      %cond3A_140 = arith.cmpi ne, %convert_element_type3A_138, %cond3A_139 : i32
      scf.if %cond3A_140 {
        "tpu.region"() ({
          %run_scoped3A = tpu.sem_alloc : memref<!tpu.dma_semaphore, #tpu.memory_space<semaphore_mem>>
          %dma_start3A_146 = arith.constant 0 : i32
          %dma_start3A_147 = tpu.memref_slice %arg5[%multiple_of3A_126, %dma_start3A_146] : memref<100008x16xf32, #tpu.memory_space<hbm>> -> memref<6256x16xf32, #tpu.memory_space<hbm>>
          %dma_start3A_148 = arith.constant 0 : i32
          %dma_start3A_149 = tpu.memref_slice %arg14[%multiple_of3A_126, %dma_start3A_148] : memref<100096x16xf32, #tpu.memory_space<vmem_shared>> -> memref<6256x16xf32, #tpu.memory_space<vmem_shared>>
          tpu.enqueue_dma source(%dma_start3A_149 : memref<6256x16xf32, #tpu.memory_space<vmem_shared>>) target(%dma_start3A_147 : memref<6256x16xf32, #tpu.memory_space<hbm>>) target_semaphore(%run_scoped3A : memref<!tpu.dma_semaphore, #tpu.memory_space<semaphore_mem>>)
          %dma_wait3A_150 = arith.constant 0 : i32
          %dma_wait3A_151 = tpu.memref_slice %arg5[%multiple_of3A_126, %dma_wait3A_150] : memref<100008x16xf32, #tpu.memory_space<hbm>> -> memref<6256x16xf32, #tpu.memory_space<hbm>>
          %dma_wait3A_152 = arith.constant 0 : i32
          %dma_wait3A_153 = tpu.memref_slice %arg14[%multiple_of3A_126, %dma_wait3A_152] : memref<100096x16xf32, #tpu.memory_space<vmem_shared>> -> memref<6256x16xf32, #tpu.memory_space<vmem_shared>>
          tpu.wait_dma2 semaphore(%run_scoped3A : memref<!tpu.dma_semaphore, #tpu.memory_space<semaphore_mem>>) src(%dma_wait3A_153 : memref<6256x16xf32, #tpu.memory_space<vmem_shared>>) dst(%dma_wait3A_151 : memref<6256x16xf32, #tpu.memory_space<hbm>>)
          tpu.yield
        }) : () -> ()
      } else {
      }
      %eq3A_141 = arith.constant 15 : i32
      %eq3A_142 = arith.cmpi eq, %arg1, %eq3A_141 : i32
      %convert_element_type3A_143 = arith.extui %eq3A_142 : i1 to i32
      %cond3A_144 = arith.constant 0 : i32
      %cond3A_145 = arith.cmpi ne, %convert_element_type3A_143, %cond3A_144 : i32
      scf.if %cond3A_145 {
        "tpu.region"() ({
          %run_scoped3A = tpu.sem_alloc : memref<!tpu.dma_semaphore, #tpu.memory_space<semaphore_mem>>
          %dma_start3A_146 = arith.constant 93840 : i32
          %dma_start3A_147 = arith.constant 0 : i32
          %dma_start3A_148 = tpu.memref_slice %arg5[%dma_start3A_146, %dma_start3A_147] : memref<100008x16xf32, #tpu.memory_space<hbm>> -> memref<6168x16xf32, #tpu.memory_space<hbm>>
          %dma_start3A_149 = arith.constant 93840 : i32
          %dma_start3A_150 = arith.constant 0 : i32
          %dma_start3A_151 = tpu.memref_slice %arg14[%dma_start3A_149, %dma_start3A_150] : memref<100096x16xf32, #tpu.memory_space<vmem_shared>> -> memref<6168x16xf32, #tpu.memory_space<vmem_shared>>
          tpu.enqueue_dma source(%dma_start3A_151 : memref<6168x16xf32, #tpu.memory_space<vmem_shared>>) target(%dma_start3A_148 : memref<6168x16xf32, #tpu.memory_space<hbm>>) target_semaphore(%run_scoped3A : memref<!tpu.dma_semaphore, #tpu.memory_space<semaphore_mem>>)
          %dma_wait3A_152 = arith.constant 93840 : i32
          %dma_wait3A_153 = arith.constant 0 : i32
          %dma_wait3A_154 = tpu.memref_slice %arg5[%dma_wait3A_152, %dma_wait3A_153] : memref<100008x16xf32, #tpu.memory_space<hbm>> -> memref<6168x16xf32, #tpu.memory_space<hbm>>
          %dma_wait3A_155 = arith.constant 93840 : i32
          %dma_wait3A_156 = arith.constant 0 : i32
          %dma_wait3A_157 = tpu.memref_slice %arg14[%dma_wait3A_155, %dma_wait3A_156] : memref<100096x16xf32, #tpu.memory_space<vmem_shared>> -> memref<6168x16xf32, #tpu.memory_space<vmem_shared>>
          tpu.wait_dma2 semaphore(%run_scoped3A : memref<!tpu.dma_semaphore, #tpu.memory_space<semaphore_mem>>) src(%dma_wait3A_157 : memref<6168x16xf32, #tpu.memory_space<vmem_shared>>) dst(%dma_wait3A_154 : memref<6168x16xf32, #tpu.memory_space<hbm>>)
          tpu.yield
        }) : () -> ()
      } else {
      }
    } else {
    }
    return
  }
}

#map = affine_map<(d0, d1) -> (0, 0)>
#map1 = affine_map<(d0, d1) -> (0)>
module attributes {stable_mosaic.version = 14 : i64} {
  func.func @k(%arg0: i32, %arg1: i32, %arg2: memref<100008x16xf32, #tpu.memory_space<hbm>>, %arg3: memref<100008x16xf32, #tpu.memory_space<hbm>>, %arg4: memref<32x16xi32, #tpu.memory_space<hbm>>, %arg5: memref<16xf32, #tpu.memory_space<hbm>>, %arg6: memref<12500x128xf32, #tpu.memory_space<hbm>>, %arg7: memref<128xi32, #tpu.memory_space<vmem>>, %arg8: memref<128xi32, #tpu.memory_space<vmem>>, %arg9: memref<128x16xf32, #tpu.memory_space<vmem>>, %arg10: memref<128x16xf32, #tpu.memory_space<vmem>>, %arg11: memref<128x16xf32, #tpu.memory_space<vmem>>, %arg12: memref<128x16xf32, #tpu.memory_space<vmem>>, %arg13: memref<16x128xf32, #tpu.memory_space<vmem>>, %arg14: memref<16x128xf32, #tpu.memory_space<vmem>>, %arg15: memref<32x16xi32, #tpu.memory_space<vmem>>, %arg16: memref<16xf32, #tpu.memory_space<vmem>>, %arg17: memref<!tpu.dma_semaphore, #tpu.memory_space<semaphore_mem>>, %arg18: memref<!tpu.dma_semaphore, #tpu.memory_space<semaphore_mem>>, %arg19: memref<!tpu.dma_semaphore, #tpu.memory_space<semaphore_mem>>, %arg20: memref<!tpu.dma_semaphore, #tpu.memory_space<semaphore_mem>>) attributes {dimension_semantics = [#tpu.dimension_semantics<core_parallel>, #tpu.dimension_semantics<subcore_parallel>], iteration_bounds = array<i64: 2, 16>, scalar_prefetch = 0 : i64, scratch_operands = 14 : i64, tpu.core_type = #tpu.core_type<sc_vector_subcore>, window_params = [{transform_indices = #map}, {transform_indices = #map}, {transform_indices = #map}, {transform_indices = #map1}, {transform_indices = #map}]} {
    %mul3A = arith.constant 16 : i32
    %mul3A_0 = arith.muli %arg0, %mul3A : i32
    %add3A = arith.addi %mul3A_0, %arg1 : i32
    "tpu.region"() ({
      %run_scoped3A = tpu.sem_alloc : memref<!tpu.dma_semaphore, #tpu.memory_space<semaphore_mem>>
      tpu.enqueue_dma source(%arg4 : memref<32x16xi32, #tpu.memory_space<hbm>>) target(%arg15 : memref<32x16xi32, #tpu.memory_space<vmem>>) target_semaphore(%run_scoped3A : memref<!tpu.dma_semaphore, #tpu.memory_space<semaphore_mem>>)
      tpu.wait_dma2 semaphore(%run_scoped3A : memref<!tpu.dma_semaphore, #tpu.memory_space<semaphore_mem>>) src(%arg4 : memref<32x16xi32, #tpu.memory_space<hbm>>) dst(%arg15 : memref<32x16xi32, #tpu.memory_space<vmem>>)
      tpu.yield
    }) : () -> ()
    "tpu.region"() ({
      %run_scoped3A = tpu.sem_alloc : memref<!tpu.dma_semaphore, #tpu.memory_space<semaphore_mem>>
      tpu.enqueue_dma source(%arg5 : memref<16xf32, #tpu.memory_space<hbm>>) target(%arg16 : memref<16xf32, #tpu.memory_space<vmem>>) target_semaphore(%run_scoped3A : memref<!tpu.dma_semaphore, #tpu.memory_space<semaphore_mem>>)
      tpu.wait_dma2 semaphore(%run_scoped3A : memref<!tpu.dma_semaphore, #tpu.memory_space<semaphore_mem>>) src(%arg5 : memref<16xf32, #tpu.memory_space<hbm>>) dst(%arg16 : memref<16xf32, #tpu.memory_space<vmem>>)
      tpu.yield
    }) : () -> ()
    %get3A = arith.constant 0 : i32
    %get3A_1 = arith.index_cast %get3A : i32 to index
    %get3A_2 = arith.constant 0 : index
    %get3A_3 = tpu.vector_load %arg15[%get3A_1, %get3A_2] {strides = array<i32>} : memref<32x16xi32, #tpu.memory_space<vmem>>, vector<16xi32>,
    %get3A_4 = arith.constant 1 : i32
    %get3A_5 = arith.index_cast %get3A_4 : i32 to index
    %get3A_6 = arith.constant 0 : index
    %get3A_7 = tpu.vector_load %arg15[%get3A_5, %get3A_6] {strides = array<i32>} : memref<32x16xi32, #tpu.memory_space<vmem>>, vector<16xi32>,
    %min3A = arith.minsi %get3A_3, %get3A_7 : vector<16xi32>
    %get3A_8 = arith.constant 2 : i32
    %get3A_9 = arith.index_cast %get3A_8 : i32 to index
    %get3A_10 = arith.constant 0 : index
    %get3A_11 = tpu.vector_load %arg15[%get3A_9, %get3A_10] {strides = array<i32>} : memref<32x16xi32, #tpu.memory_space<vmem>>, vector<16xi32>,
    %min3A_12 = arith.minsi %min3A, %get3A_11 : vector<16xi32>
    %get3A_13 = arith.constant 3 : i32
    %get3A_14 = arith.index_cast %get3A_13 : i32 to index
    %get3A_15 = arith.constant 0 : index
    %get3A_16 = tpu.vector_load %arg15[%get3A_14, %get3A_15] {strides = array<i32>} : memref<32x16xi32, #tpu.memory_space<vmem>>, vector<16xi32>,
    %min3A_17 = arith.minsi %min3A_12, %get3A_16 : vector<16xi32>
    %get3A_18 = arith.constant 4 : i32
    %get3A_19 = arith.index_cast %get3A_18 : i32 to index
    %get3A_20 = arith.constant 0 : index
    %get3A_21 = tpu.vector_load %arg15[%get3A_19, %get3A_20] {strides = array<i32>} : memref<32x16xi32, #tpu.memory_space<vmem>>, vector<16xi32>,
    %min3A_22 = arith.minsi %min3A_17, %get3A_21 : vector<16xi32>
    %get3A_23 = arith.constant 5 : i32
    %get3A_24 = arith.index_cast %get3A_23 : i32 to index
    %get3A_25 = arith.constant 0 : index
    %get3A_26 = tpu.vector_load %arg15[%get3A_24, %get3A_25] {strides = array<i32>} : memref<32x16xi32, #tpu.memory_space<vmem>>, vector<16xi32>,
    %min3A_27 = arith.minsi %min3A_22, %get3A_26 : vector<16xi32>
    %get3A_28 = arith.constant 6 : i32
    %get3A_29 = arith.index_cast %get3A_28 : i32 to index
    %get3A_30 = arith.constant 0 : index
    %get3A_31 = tpu.vector_load %arg15[%get3A_29, %get3A_30] {strides = array<i32>} : memref<32x16xi32, #tpu.memory_space<vmem>>, vector<16xi32>,
    %min3A_32 = arith.minsi %min3A_27, %get3A_31 : vector<16xi32>
    %get3A_33 = arith.constant 7 : i32
    %get3A_34 = arith.index_cast %get3A_33 : i32 to index
    %get3A_35 = arith.constant 0 : index
    %get3A_36 = tpu.vector_load %arg15[%get3A_34, %get3A_35] {strides = array<i32>} : memref<32x16xi32, #tpu.memory_space<vmem>>, vector<16xi32>,
    %min3A_37 = arith.minsi %min3A_32, %get3A_36 : vector<16xi32>
    %get3A_38 = arith.constant 8 : i32
    %get3A_39 = arith.index_cast %get3A_38 : i32 to index
    %get3A_40 = arith.constant 0 : index
    %get3A_41 = tpu.vector_load %arg15[%get3A_39, %get3A_40] {strides = array<i32>} : memref<32x16xi32, #tpu.memory_space<vmem>>, vector<16xi32>,
    %min3A_42 = arith.minsi %min3A_37, %get3A_41 : vector<16xi32>
    %get3A_43 = arith.constant 9 : i32
    %get3A_44 = arith.index_cast %get3A_43 : i32 to index
    %get3A_45 = arith.constant 0 : index
    %get3A_46 = tpu.vector_load %arg15[%get3A_44, %get3A_45] {strides = array<i32>} : memref<32x16xi32, #tpu.memory_space<vmem>>, vector<16xi32>,
    %min3A_47 = arith.minsi %min3A_42, %get3A_46 : vector<16xi32>
    %get3A_48 = arith.constant 10 : i32
    %get3A_49 = arith.index_cast %get3A_48 : i32 to index
    %get3A_50 = arith.constant 0 : index
    %get3A_51 = tpu.vector_load %arg15[%get3A_49, %get3A_50] {strides = array<i32>} : memref<32x16xi32, #tpu.memory_space<vmem>>, vector<16xi32>,
    %min3A_52 = arith.minsi %min3A_47, %get3A_51 : vector<16xi32>
    %get3A_53 = arith.constant 11 : i32
    %get3A_54 = arith.index_cast %get3A_53 : i32 to index
    %get3A_55 = arith.constant 0 : index
    %get3A_56 = tpu.vector_load %arg15[%get3A_54, %get3A_55] {strides = array<i32>} : memref<32x16xi32, #tpu.memory_space<vmem>>, vector<16xi32>,
    %min3A_57 = arith.minsi %min3A_52, %get3A_56 : vector<16xi32>
    %get3A_58 = arith.constant 12 : i32
    %get3A_59 = arith.index_cast %get3A_58 : i32 to index
    %get3A_60 = arith.constant 0 : index
    %get3A_61 = tpu.vector_load %arg15[%get3A_59, %get3A_60] {strides = array<i32>} : memref<32x16xi32, #tpu.memory_space<vmem>>, vector<16xi32>,
    %min3A_62 = arith.minsi %min3A_57, %get3A_61 : vector<16xi32>
    %get3A_63 = arith.constant 13 : i32
    %get3A_64 = arith.index_cast %get3A_63 : i32 to index
    %get3A_65 = arith.constant 0 : index
    %get3A_66 = tpu.vector_load %arg15[%get3A_64, %get3A_65] {strides = array<i32>} : memref<32x16xi32, #tpu.memory_space<vmem>>, vector<16xi32>,
    %min3A_67 = arith.minsi %min3A_62, %get3A_66 : vector<16xi32>
    %get3A_68 = arith.constant 14 : i32
    %get3A_69 = arith.index_cast %get3A_68 : i32 to index
    %get3A_70 = arith.constant 0 : index
    %get3A_71 = tpu.vector_load %arg15[%get3A_69, %get3A_70] {strides = array<i32>} : memref<32x16xi32, #tpu.memory_space<vmem>>, vector<16xi32>,
    %min3A_72 = arith.minsi %min3A_67, %get3A_71 : vector<16xi32>
    %get3A_73 = arith.constant 15 : i32
    %get3A_74 = arith.index_cast %get3A_73 : i32 to index
    %get3A_75 = arith.constant 0 : index
    %get3A_76 = tpu.vector_load %arg15[%get3A_74, %get3A_75] {strides = array<i32>} : memref<32x16xi32, #tpu.memory_space<vmem>>, vector<16xi32>,
    %min3A_77 = arith.minsi %min3A_72, %get3A_76 : vector<16xi32>
    %get3A_78 = arith.constant 16 : i32
    %get3A_79 = arith.index_cast %get3A_78 : i32 to index
    %get3A_80 = arith.constant 0 : index
    %get3A_81 = tpu.vector_load %arg15[%get3A_79, %get3A_80] {strides = array<i32>} : memref<32x16xi32, #tpu.memory_space<vmem>>, vector<16xi32>,
    %min3A_82 = arith.minsi %min3A_77, %get3A_81 : vector<16xi32>
    %get3A_83 = arith.constant 17 : i32
    %get3A_84 = arith.index_cast %get3A_83 : i32 to index
    %get3A_85 = arith.constant 0 : index
    %get3A_86 = tpu.vector_load %arg15[%get3A_84, %get3A_85] {strides = array<i32>} : memref<32x16xi32, #tpu.memory_space<vmem>>, vector<16xi32>,
    %min3A_87 = arith.minsi %min3A_82, %get3A_86 : vector<16xi32>
    %get3A_88 = arith.constant 18 : i32
    %get3A_89 = arith.index_cast %get3A_88 : i32 to index
    %get3A_90 = arith.constant 0 : index
    %get3A_91 = tpu.vector_load %arg15[%get3A_89, %get3A_90] {strides = array<i32>} : memref<32x16xi32, #tpu.memory_space<vmem>>, vector<16xi32>,
    %min3A_92 = arith.minsi %min3A_87, %get3A_91 : vector<16xi32>
    %get3A_93 = arith.constant 19 : i32
    %get3A_94 = arith.index_cast %get3A_93 : i32 to index
    %get3A_95 = arith.constant 0 : index
    %get3A_96 = tpu.vector_load %arg15[%get3A_94, %get3A_95] {strides = array<i32>} : memref<32x16xi32, #tpu.memory_space<vmem>>, vector<16xi32>,
    %min3A_97 = arith.minsi %min3A_92, %get3A_96 : vector<16xi32>
    %get3A_98 = arith.constant 20 : i32
    %get3A_99 = arith.index_cast %get3A_98 : i32 to index
    %get3A_100 = arith.constant 0 : index
    %get3A_101 = tpu.vector_load %arg15[%get3A_99, %get3A_100] {strides = array<i32>} : memref<32x16xi32, #tpu.memory_space<vmem>>, vector<16xi32>,
    %min3A_102 = arith.minsi %min3A_97, %get3A_101 : vector<16xi32>
    %get3A_103 = arith.constant 21 : i32
    %get3A_104 = arith.index_cast %get3A_103 : i32 to index
    %get3A_105 = arith.constant 0 : index
    %get3A_106 = tpu.vector_load %arg15[%get3A_104, %get3A_105] {strides = array<i32>} : memref<32x16xi32, #tpu.memory_space<vmem>>, vector<16xi32>,
    %min3A_107 = arith.minsi %min3A_102, %get3A_106 : vector<16xi32>
    %get3A_108 = arith.constant 22 : i32
    %get3A_109 = arith.index_cast %get3A_108 : i32 to index
    %get3A_110 = arith.constant 0 : index
    %get3A_111 = tpu.vector_load %arg15[%get3A_109, %get3A_110] {strides = array<i32>} : memref<32x16xi32, #tpu.memory_space<vmem>>, vector<16xi32>,
    %min3A_112 = arith.minsi %min3A_107, %get3A_111 : vector<16xi32>
    %get3A_113 = arith.constant 23 : i32
    %get3A_114 = arith.index_cast %get3A_113 : i32 to index
    %get3A_115 = arith.constant 0 : index
    %get3A_116 = tpu.vector_load %arg15[%get3A_114, %get3A_115] {strides = array<i32>} : memref<32x16xi32, #tpu.memory_space<vmem>>, vector<16xi32>,
    %min3A_117 = arith.minsi %min3A_112, %get3A_116 : vector<16xi32>
    %get3A_118 = arith.constant 24 : i32
    %get3A_119 = arith.index_cast %get3A_118 : i32 to index
    %get3A_120 = arith.constant 0 : index
    %get3A_121 = tpu.vector_load %arg15[%get3A_119, %get3A_120] {strides = array<i32>} : memref<32x16xi32, #tpu.memory_space<vmem>>, vector<16xi32>,
    %min3A_122 = arith.minsi %min3A_117, %get3A_121 : vector<16xi32>
    %get3A_123 = arith.constant 25 : i32
    %get3A_124 = arith.index_cast %get3A_123 : i32 to index
    %get3A_125 = arith.constant 0 : index
    %get3A_126 = tpu.vector_load %arg15[%get3A_124, %get3A_125] {strides = array<i32>} : memref<32x16xi32, #tpu.memory_space<vmem>>, vector<16xi32>,
    %min3A_127 = arith.minsi %min3A_122, %get3A_126 : vector<16xi32>
    %get3A_128 = arith.constant 26 : i32
    %get3A_129 = arith.index_cast %get3A_128 : i32 to index
    %get3A_130 = arith.constant 0 : index
    %get3A_131 = tpu.vector_load %arg15[%get3A_129, %get3A_130] {strides = array<i32>} : memref<32x16xi32, #tpu.memory_space<vmem>>, vector<16xi32>,
    %min3A_132 = arith.minsi %min3A_127, %get3A_131 : vector<16xi32>
    %get3A_133 = arith.constant 27 : i32
    %get3A_134 = arith.index_cast %get3A_133 : i32 to index
    %get3A_135 = arith.constant 0 : index
    %get3A_136 = tpu.vector_load %arg15[%get3A_134, %get3A_135] {strides = array<i32>} : memref<32x16xi32, #tpu.memory_space<vmem>>, vector<16xi32>,
    %min3A_137 = arith.minsi %min3A_132, %get3A_136 : vector<16xi32>
    %get3A_138 = arith.constant 28 : i32
    %get3A_139 = arith.index_cast %get3A_138 : i32 to index
    %get3A_140 = arith.constant 0 : index
    %get3A_141 = tpu.vector_load %arg15[%get3A_139, %get3A_140] {strides = array<i32>} : memref<32x16xi32, #tpu.memory_space<vmem>>, vector<16xi32>,
    %min3A_142 = arith.minsi %min3A_137, %get3A_141 : vector<16xi32>
    %get3A_143 = arith.constant 29 : i32
    %get3A_144 = arith.index_cast %get3A_143 : i32 to index
    %get3A_145 = arith.constant 0 : index
    %get3A_146 = tpu.vector_load %arg15[%get3A_144, %get3A_145] {strides = array<i32>} : memref<32x16xi32, #tpu.memory_space<vmem>>, vector<16xi32>,
    %min3A_147 = arith.minsi %min3A_142, %get3A_146 : vector<16xi32>
    %get3A_148 = arith.constant 30 : i32
    %get3A_149 = arith.index_cast %get3A_148 : i32 to index
    %get3A_150 = arith.constant 0 : index
    %get3A_151 = tpu.vector_load %arg15[%get3A_149, %get3A_150] {strides = array<i32>} : memref<32x16xi32, #tpu.memory_space<vmem>>, vector<16xi32>,
    %min3A_152 = arith.minsi %min3A_147, %get3A_151 : vector<16xi32>
    %get3A_153 = arith.constant 31 : i32
    %get3A_154 = arith.index_cast %get3A_153 : i32 to index
    %get3A_155 = arith.constant 0 : index
    %get3A_156 = tpu.vector_load %arg15[%get3A_154, %get3A_155] {strides = array<i32>} : memref<32x16xi32, #tpu.memory_space<vmem>>, vector<16xi32>,
    %min3A_157 = arith.minsi %min3A_152, %get3A_156 : vector<16xi32>
    %reduce_min3A = arith.constant true
    %reduce_min3A_158 = vector.broadcast %reduce_min3A : i1 to vector<16xi1>
    %reduce_min3A_159 = arith.constant -2147483648 : i32
    %reduce_min3A_160 = vector.broadcast %reduce_min3A_159 : i32 to vector<16xi32>
    %reduce_min3A_161 = arith.xori %min3A_157, %reduce_min3A_160 : vector<16xi32>
    %reduce_min3A_162 = tpu.scan <min>, %reduce_min3A_161 masked %reduce_min3A_158 : vector<16xi32>, vector<16xi1> -> vector<16xi32>
    %reduce_min3A_163 = arith.xori %reduce_min3A_162, %reduce_min3A_160 : vector<16xi32>
    %reduce_min3A_164 = vector.extract %reduce_min3A_163[15] : i32 from vector<16xi32>
    %broadcast_in_dim3A = vector.broadcast %reduce_min3A_164 : i32 to vector<16xi32>
    %get3A_165 = arith.constant 0 : index
    %get3A_166 = tpu.vector_load %arg16[%get3A_165] {strides = array<i32>} : memref<16xf32, #tpu.memory_space<vmem>>, vector<16xf32>,
    %iota3A = tpu.iota {dimensions = array<i32: 0>} : vector<16xi32>
    %add3A_167 = arith.constant 0 : i32
    %add3A_168 = arith.addi %add3A_167, %add3A : i32
    %mul3A_169 = arith.constant 128 : i32
    %mul3A_170 = arith.muli %add3A_168, %mul3A_169 : i32
    %add3A_171 = arith.constant 0 : i32
    %add3A_172 = arith.addi %mul3A_170, %add3A_171 : i32
    %add3A_173 = vector.broadcast %add3A_172 : i32 to vector<16xi32>
    %add3A_174 = arith.addi %iota3A, %add3A_173 : vector<16xi32>
    %add3A_175 = arith.addi %add3A_174, %broadcast_in_dim3A : vector<16xi32>
    %min3A_176 = arith.constant 100000 : i32
    %min3A_177 = vector.broadcast %min3A_176 : i32 to vector<16xi32>
    %min3A_178 = arith.minsi %add3A_175, %min3A_177 : vector<16xi32>
    %swap3A = arith.constant 0 : index
    %swap3A_179 = tpu.vector_load %arg7[%swap3A] {strides = array<i32>} : memref<128xi32, #tpu.memory_space<vmem>>, vector<16xi32>,
    tpu.vector_store %arg7[%swap3A], %min3A_178 {strides = array<i32>} : memref<128xi32, #tpu.memory_space<vmem>>, vector<16xi32>,
    %add3A_180 = arith.constant 16 : i32
    %add3A_181 = arith.addi %mul3A_170, %add3A_180 : i32
    %add3A_182 = vector.broadcast %add3A_181 : i32 to vector<16xi32>
    %add3A_183 = arith.addi %iota3A, %add3A_182 : vector<16xi32>
    %add3A_184 = arith.addi %add3A_183, %broadcast_in_dim3A : vector<16xi32>
    %min3A_185 = arith.constant 100000 : i32
    %min3A_186 = vector.broadcast %min3A_185 : i32 to vector<16xi32>
    %min3A_187 = arith.minsi %add3A_184, %min3A_186 : vector<16xi32>
    %swap3A_188 = arith.constant 16 : index
    %swap3A_189 = tpu.vector_load %arg7[%swap3A_188] {strides = array<i32>} : memref<128xi32, #tpu.memory_space<vmem>>, vector<16xi32>,
    tpu.vector_store %arg7[%swap3A_188], %min3A_187 {strides = array<i32>} : memref<128xi32, #tpu.memory_space<vmem>>, vector<16xi32>,
    %add3A_190 = arith.constant 32 : i32
    %add3A_191 = arith.addi %mul3A_170, %add3A_190 : i32
    %add3A_192 = vector.broadcast %add3A_191 : i32 to vector<16xi32>
    %add3A_193 = arith.addi %iota3A, %add3A_192 : vector<16xi32>
    %add3A_194 = arith.addi %add3A_193, %broadcast_in_dim3A : vector<16xi32>
    %min3A_195 = arith.constant 100000 : i32
    %min3A_196 = vector.broadcast %min3A_195 : i32 to vector<16xi32>
    %min3A_197 = arith.minsi %add3A_194, %min3A_196 : vector<16xi32>
    %swap3A_198 = arith.constant 32 : index
    %swap3A_199 = tpu.vector_load %arg7[%swap3A_198] {strides = array<i32>} : memref<128xi32, #tpu.memory_space<vmem>>, vector<16xi32>,
    tpu.vector_store %arg7[%swap3A_198], %min3A_197 {strides = array<i32>} : memref<128xi32, #tpu.memory_space<vmem>>, vector<16xi32>,
    %add3A_200 = arith.constant 48 : i32
    %add3A_201 = arith.addi %mul3A_170, %add3A_200 : i32
    %add3A_202 = vector.broadcast %add3A_201 : i32 to vector<16xi32>
    %add3A_203 = arith.addi %iota3A, %add3A_202 : vector<16xi32>
    %add3A_204 = arith.addi %add3A_203, %broadcast_in_dim3A : vector<16xi32>
    %min3A_205 = arith.constant 100000 : i32
    %min3A_206 = vector.broadcast %min3A_205 : i32 to vector<16xi32>
    %min3A_207 = arith.minsi %add3A_204, %min3A_206 : vector<16xi32>
    %swap3A_208 = arith.constant 48 : index
    %swap3A_209 = tpu.vector_load %arg7[%swap3A_208] {strides = array<i32>} : memref<128xi32, #tpu.memory_space<vmem>>, vector<16xi32>,
    tpu.vector_store %arg7[%swap3A_208], %min3A_207 {strides = array<i32>} : memref<128xi32, #tpu.memory_space<vmem>>, vector<16xi32>,
    %add3A_210 = arith.constant 64 : i32
    %add3A_211 = arith.addi %mul3A_170, %add3A_210 : i32
    %add3A_212 = vector.broadcast %add3A_211 : i32 to vector<16xi32>
    %add3A_213 = arith.addi %iota3A, %add3A_212 : vector<16xi32>
    %add3A_214 = arith.addi %add3A_213, %broadcast_in_dim3A : vector<16xi32>
    %min3A_215 = arith.constant 100000 : i32
    %min3A_216 = vector.broadcast %min3A_215 : i32 to vector<16xi32>
    %min3A_217 = arith.minsi %add3A_214, %min3A_216 : vector<16xi32>
    %swap3A_218 = arith.constant 64 : index
    %swap3A_219 = tpu.vector_load %arg7[%swap3A_218] {strides = array<i32>} : memref<128xi32, #tpu.memory_space<vmem>>, vector<16xi32>,
    tpu.vector_store %arg7[%swap3A_218], %min3A_217 {strides = array<i32>} : memref<128xi32, #tpu.memory_space<vmem>>, vector<16xi32>,
    %add3A_220 = arith.constant 80 : i32
    %add3A_221 = arith.addi %mul3A_170, %add3A_220 : i32
    %add3A_222 = vector.broadcast %add3A_221 : i32 to vector<16xi32>
    %add3A_223 = arith.addi %iota3A, %add3A_222 : vector<16xi32>
    %add3A_224 = arith.addi %add3A_223, %broadcast_in_dim3A : vector<16xi32>
    %min3A_225 = arith.constant 100000 : i32
    %min3A_226 = vector.broadcast %min3A_225 : i32 to vector<16xi32>
    %min3A_227 = arith.minsi %add3A_224, %min3A_226 : vector<16xi32>
    %swap3A_228 = arith.constant 80 : index
    %swap3A_229 = tpu.vector_load %arg7[%swap3A_228] {strides = array<i32>} : memref<128xi32, #tpu.memory_space<vmem>>, vector<16xi32>,
    tpu.vector_store %arg7[%swap3A_228], %min3A_227 {strides = array<i32>} : memref<128xi32, #tpu.memory_space<vmem>>, vector<16xi32>,
    %add3A_230 = arith.constant 96 : i32
    %add3A_231 = arith.addi %mul3A_170, %add3A_230 : i32
    %add3A_232 = vector.broadcast %add3A_231 : i32 to vector<16xi32>
    %add3A_233 = arith.addi %iota3A, %add3A_232 : vector<16xi32>
    %add3A_234 = arith.addi %add3A_233, %broadcast_in_dim3A : vector<16xi32>
    %min3A_235 = arith.constant 100000 : i32
    %min3A_236 = vector.broadcast %min3A_235 : i32 to vector<16xi32>
    %min3A_237 = arith.minsi %add3A_234, %min3A_236 : vector<16xi32>
    %swap3A_238 = arith.constant 96 : index
    %swap3A_239 = tpu.vector_load %arg7[%swap3A_238] {strides = array<i32>} : memref<128xi32, #tpu.memory_space<vmem>>, vector<16xi32>,
    tpu.vector_store %arg7[%swap3A_238], %min3A_237 {strides = array<i32>} : memref<128xi32, #tpu.memory_space<vmem>>, vector<16xi32>,
    %add3A_240 = arith.constant 112 : i32
    %add3A_241 = arith.addi %mul3A_170, %add3A_240 : i32
    %add3A_242 = vector.broadcast %add3A_241 : i32 to vector<16xi32>
    %add3A_243 = arith.addi %iota3A, %add3A_242 : vector<16xi32>
    %add3A_244 = arith.addi %add3A_243, %broadcast_in_dim3A : vector<16xi32>
    %min3A_245 = arith.constant 100000 : i32
    %min3A_246 = vector.broadcast %min3A_245 : i32 to vector<16xi32>
    %min3A_247 = arith.minsi %add3A_244, %min3A_246 : vector<16xi32>
    %swap3A_248 = arith.constant 112 : index
    %swap3A_249 = tpu.vector_load %arg7[%swap3A_248] {strides = array<i32>} : memref<128xi32, #tpu.memory_space<vmem>>, vector<16xi32>,
    tpu.vector_store %arg7[%swap3A_248], %min3A_247 {strides = array<i32>} : memref<128xi32, #tpu.memory_space<vmem>>, vector<16xi32>,
    %dma_start3A = arith.constant 0 : i32
    %dma_start3A_250 = arith.constant 0 : i32
    %dma_start3A_251 = tpu.memref_slice %arg2[%dma_start3A, %dma_start3A_250] : memref<100008x16xf32, #tpu.memory_space<hbm>> -> memref<100008x16xf32, #tpu.memory_space<hbm>>
    tpu.enqueue_indirect_dma source(%dma_start3A_251 : memref<100008x16xf32, #tpu.memory_space<hbm>>) target(%arg9 : memref<128x16xf32, #tpu.memory_space<vmem>>) offsets(%arg7 : memref<128xi32, #tpu.memory_space<vmem>>) semaphore(%arg17 : memref<!tpu.dma_semaphore, #tpu.memory_space<semaphore_mem>>)
    %dma_start3A_252 = arith.constant 0 : i32
    %dma_start3A_253 = arith.constant 0 : i32
    %dma_start3A_254 = tpu.memref_slice %arg3[%dma_start3A_252, %dma_start3A_253] : memref<100008x16xf32, #tpu.memory_space<hbm>> -> memref<100008x16xf32, #tpu.memory_space<hbm>>
    tpu.enqueue_indirect_dma source(%dma_start3A_254 : memref<100008x16xf32, #tpu.memory_space<hbm>>) target(%arg10 : memref<128x16xf32, #tpu.memory_space<vmem>>) offsets(%arg7 : memref<128xi32, #tpu.memory_space<vmem>>) semaphore(%arg17 : memref<!tpu.dma_semaphore, #tpu.memory_space<semaphore_mem>>)
    %scan3A = arith.constant 0 : i32
    %scan3A_255 = arith.constant 0 : i32
    %scan3A_256 = arith.constant 13 : i32
    %scan3A_257 = arith.addi %scan3A_255, %scan3A_256 : i32
    %scan3A_258 = arith.constant 1 : i32
    scf.for %scan3A_269 = %scan3A_255 to %scan3A_257 step %scan3A_258  : i32 {
      %mul3A_270 = arith.constant 2 : i32
      %mul3A_271 = arith.muli %mul3A_270, %scan3A_269 : i32
      %mul3A_272 = arith.constant 2 : i32
      %mul3A_273 = arith.muli %mul3A_272, %scan3A_269 : i32
      %add3A_274 = arith.constant 1 : i32
      %add3A_275 = arith.addi %mul3A_273, %add3A_274 : i32
      %ge3A = arith.constant 0 : i32
      %ge3A_276 = arith.cmpi sge, %add3A_275, %ge3A : i32
      %mul3A_277 = arith.constant 32 : i32
      %mul3A_278 = arith.muli %add3A_275, %mul3A_277 : i32
      %add3A_279 = arith.addi %mul3A_278, %add3A : i32
      %lt3A_280 = arith.constant 781 : i32
      %lt3A_281 = arith.cmpi slt, %add3A_279, %lt3A_280 : i32
      %and3A_282 = arith.andi %ge3A_276, %lt3A_281 : i1
      %convert_element_type3A_283 = arith.extui %and3A_282 : i1 to i32
      %cond3A_284 = arith.constant 0 : i32
      %cond3A_285 = arith.cmpi ne, %convert_element_type3A_283, %cond3A_284 : i32
      scf.if %cond3A_285 {
        %mul3A_368 = arith.constant 32 : i32
        %mul3A_369 = arith.muli %add3A_275, %mul3A_368 : i32
        %add3A_370 = arith.addi %mul3A_369, %add3A : i32
        %mul3A_371 = arith.constant 128 : i32
        %mul3A_372 = arith.muli %add3A_370, %mul3A_371 : i32
        %add3A_373 = arith.constant 0 : i32
        %add3A_374 = arith.addi %mul3A_372, %add3A_373 : i32
        %add3A_375 = vector.broadcast %add3A_374 : i32 to vector<16xi32>
        %add3A_376 = arith.addi %iota3A, %add3A_375 : vector<16xi32>
        %add3A_377 = arith.addi %add3A_376, %broadcast_in_dim3A : vector<16xi32>
        %min3A_378 = arith.constant 100000 : i32
        %min3A_379 = vector.broadcast %min3A_378 : i32 to vector<16xi32>
        %min3A_380 = arith.minsi %add3A_377, %min3A_379 : vector<16xi32>
        %swap3A_381 = arith.constant 0 : index
        %swap3A_382 = tpu.vector_load %arg8[%swap3A_381] {strides = array<i32>} : memref<128xi32, #tpu.memory_space<vmem>>, vector<16xi32>,
        tpu.vector_store %arg8[%swap3A_381], %min3A_380 {strides = array<i32>} : memref<128xi32, #tpu.memory_space<vmem>>, vector<16xi32>,
        %add3A_383 = arith.constant 16 : i32
        %add3A_384 = arith.addi %mul3A_372, %add3A_383 : i32
        %add3A_385 = vector.broadcast %add3A_384 : i32 to vector<16xi32>
        %add3A_386 = arith.addi %iota3A, %add3A_385 : vector<16xi32>
        %add3A_387 = arith.addi %add3A_386, %broadcast_in_dim3A : vector<16xi32>
        %min3A_388 = arith.constant 100000 : i32
        %min3A_389 = vector.broadcast %min3A_388 : i32 to vector<16xi32>
        %min3A_390 = arith.minsi %add3A_387, %min3A_389 : vector<16xi32>
        %swap3A_391 = arith.constant 16 : index
        %swap3A_392 = tpu.vector_load %arg8[%swap3A_391] {strides = array<i32>} : memref<128xi32, #tpu.memory_space<vmem>>, vector<16xi32>,
        tpu.vector_store %arg8[%swap3A_391], %min3A_390 {strides = array<i32>} : memref<128xi32, #tpu.memory_space<vmem>>, vector<16xi32>,
        %add3A_393 = arith.constant 32 : i32
        %add3A_394 = arith.addi %mul3A_372, %add3A_393 : i32
        %add3A_395 = vector.broadcast %add3A_394 : i32 to vector<16xi32>
        %add3A_396 = arith.addi %iota3A, %add3A_395 : vector<16xi32>
        %add3A_397 = arith.addi %add3A_396, %broadcast_in_dim3A : vector<16xi32>
        %min3A_398 = arith.constant 100000 : i32
        %min3A_399 = vector.broadcast %min3A_398 : i32 to vector<16xi32>
        %min3A_400 = arith.minsi %add3A_397, %min3A_399 : vector<16xi32>
        %swap3A_401 = arith.constant 32 : index
        %swap3A_402 = tpu.vector_load %arg8[%swap3A_401] {strides = array<i32>} : memref<128xi32, #tpu.memory_space<vmem>>, vector<16xi32>,
        tpu.vector_store %arg8[%swap3A_401], %min3A_400 {strides = array<i32>} : memref<128xi32, #tpu.memory_space<vmem>>, vector<16xi32>,
        %add3A_403 = arith.constant 48 : i32
        %add3A_404 = arith.addi %mul3A_372, %add3A_403 : i32
        %add3A_405 = vector.broadcast %add3A_404 : i32 to vector<16xi32>
        %add3A_406 = arith.addi %iota3A, %add3A_405 : vector<16xi32>
        %add3A_407 = arith.addi %add3A_406, %broadcast_in_dim3A : vector<16xi32>
        %min3A_408 = arith.constant 100000 : i32
        %min3A_409 = vector.broadcast %min3A_408 : i32 to vector<16xi32>
        %min3A_410 = arith.minsi %add3A_407, %min3A_409 : vector<16xi32>
        %swap3A_411 = arith.constant 48 : index
        %swap3A_412 = tpu.vector_load %arg8[%swap3A_411] {strides = array<i32>} : memref<128xi32, #tpu.memory_space<vmem>>, vector<16xi32>,
        tpu.vector_store %arg8[%swap3A_411], %min3A_410 {strides = array<i32>} : memref<128xi32, #tpu.memory_space<vmem>>, vector<16xi32>,
        %add3A_413 = arith.constant 64 : i32
        %add3A_414 = arith.addi %mul3A_372, %add3A_413 : i32
        %add3A_415 = vector.broadcast %add3A_414 : i32 to vector<16xi32>
        %add3A_416 = arith.addi %iota3A, %add3A_415 : vector<16xi32>
        %add3A_417 = arith.addi %add3A_416, %broadcast_in_dim3A : vector<16xi32>
        %min3A_418 = arith.constant 100000 : i32
        %min3A_419 = vector.broadcast %min3A_418 : i32 to vector<16xi32>
        %min3A_420 = arith.minsi %add3A_417, %min3A_419 : vector<16xi32>
        %swap3A_421 = arith.constant 64 : index
        %swap3A_422 = tpu.vector_load %arg8[%swap3A_421] {strides = array<i32>} : memref<128xi32, #tpu.memory_space<vmem>>, vector<16xi32>,
        tpu.vector_store %arg8[%swap3A_421], %min3A_420 {strides = array<i32>} : memref<128xi32, #tpu.memory_space<vmem>>, vector<16xi32>,
        %add3A_423 = arith.constant 80 : i32
        %add3A_424 = arith.addi %mul3A_372, %add3A_423 : i32
        %add3A_425 = vector.broadcast %add3A_424 : i32 to vector<16xi32>
        %add3A_426 = arith.addi %iota3A, %add3A_425 : vector<16xi32>
        %add3A_427 = arith.addi %add3A_426, %broadcast_in_dim3A : vector<16xi32>
        %min3A_428 = arith.constant 100000 : i32
        %min3A_429 = vector.broadcast %min3A_428 : i32 to vector<16xi32>
        %min3A_430 = arith.minsi %add3A_427, %min3A_429 : vector<16xi32>
        %swap3A_431 = arith.constant 80 : index
        %swap3A_432 = tpu.vector_load %arg8[%swap3A_431] {strides = array<i32>} : memref<128xi32, #tpu.memory_space<vmem>>, vector<16xi32>,
        tpu.vector_store %arg8[%swap3A_431], %min3A_430 {strides = array<i32>} : memref<128xi32, #tpu.memory_space<vmem>>, vector<16xi32>,
        %add3A_433 = arith.constant 96 : i32
        %add3A_434 = arith.addi %mul3A_372, %add3A_433 : i32
        %add3A_435 = vector.broadcast %add3A_434 : i32 to vector<16xi32>
        %add3A_436 = arith.addi %iota3A, %add3A_435 : vector<16xi32>
        %add3A_437 = arith.addi %add3A_436, %broadcast_in_dim3A : vector<16xi32>
        %min3A_438 = arith.constant 100000 : i32
        %min3A_439 = vector.broadcast %min3A_438 : i32 to vector<16xi32>
        %min3A_440 = arith.minsi %add3A_437, %min3A_439 : vector<16xi32>
        %swap3A_441 = arith.constant 96 : index
        %swap3A_442 = tpu.vector_load %arg8[%swap3A_441] {strides = array<i32>} : memref<128xi32, #tpu.memory_space<vmem>>, vector<16xi32>,
        tpu.vector_store %arg8[%swap3A_441], %min3A_440 {strides = array<i32>} : memref<128xi32, #tpu.memory_space<vmem>>, vector<16xi32>,
        %add3A_443 = arith.constant 112 : i32
        %add3A_444 = arith.addi %mul3A_372, %add3A_443 : i32
        %add3A_445 = vector.broadcast %add3A_444 : i32 to vector<16xi32>
        %add3A_446 = arith.addi %iota3A, %add3A_445 : vector<16xi32>
        %add3A_447 = arith.addi %add3A_446, %broadcast_in_dim3A : vector<16xi32>
        %min3A_448 = arith.constant 100000 : i32
        %min3A_449 = vector.broadcast %min3A_448 : i32 to vector<16xi32>
        %min3A_450 = arith.minsi %add3A_447, %min3A_449 : vector<16xi32>
        %swap3A_451 = arith.constant 112 : index
        %swap3A_452 = tpu.vector_load %arg8[%swap3A_451] {strides = array<i32>} : memref<128xi32, #tpu.memory_space<vmem>>, vector<16xi32>,
        tpu.vector_store %arg8[%swap3A_451], %min3A_450 {strides = array<i32>} : memref<128xi32, #tpu.memory_space<vmem>>, vector<16xi32>,
      } else {
      }
      %sub3A = arith.constant 2 : i32
      %sub3A_286 = arith.subi %add3A_275, %sub3A : i32
      %ge3A_287 = arith.constant 0 : i32
      %ge3A_288 = arith.cmpi sge, %sub3A_286, %ge3A_287 : i32
      %mul3A_289 = arith.constant 32 : i32
      %mul3A_290 = arith.muli %sub3A_286, %mul3A_289 : i32
      %add3A_291 = arith.addi %mul3A_290, %add3A : i32
      %lt3A_292 = arith.constant 781 : i32
      %lt3A_293 = arith.cmpi slt, %add3A_291, %lt3A_292 : i32
      %and3A_294 = arith.andi %ge3A_288, %lt3A_293 : i1
      %convert_element_type3A_295 = arith.extui %and3A_294 : i1 to i32
      %cond3A_296 = arith.constant 0 : i32
      %cond3A_297 = arith.cmpi ne, %convert_element_type3A_295, %cond3A_296 : i32
      scf.if %cond3A_297 {
        %dma_wait3A = arith.constant 0 : i32
        %dma_wait3A_368 = arith.constant 0 : i32
        %dma_wait3A_369 = tpu.memref_slice %arg6[%dma_wait3A, %dma_wait3A_368] : memref<12500x128xf32, #tpu.memory_space<hbm>> -> memref<16x128xf32, #tpu.memory_space<hbm>>
        %dma_wait3A_370 = arith.constant 0 : i32
        %dma_wait3A_371 = arith.constant 0 : i32
        %dma_wait3A_372 = tpu.memref_slice %arg6[%dma_wait3A_370, %dma_wait3A_371] : memref<12500x128xf32, #tpu.memory_space<hbm>> -> memref<16x128xf32, #tpu.memory_space<hbm>>
        tpu.wait_dma2 semaphore(%arg20 : memref<!tpu.dma_semaphore, #tpu.memory_space<semaphore_mem>>) src(%arg14 : memref<16x128xf32, #tpu.memory_space<vmem>>) dst(%dma_wait3A_372 : memref<16x128xf32, #tpu.memory_space<hbm>>)
      } else {
      }
      %ge3A_298 = arith.constant 0 : i32
      %ge3A_299 = arith.cmpi sge, %add3A_275, %ge3A_298 : i32
      %mul3A_300 = arith.constant 32 : i32
      %mul3A_301 = arith.muli %add3A_275, %mul3A_300 : i32
      %add3A_302 = arith.addi %mul3A_301, %add3A : i32
      %lt3A_303 = arith.constant 781 : i32
      %lt3A_304 = arith.cmpi slt, %add3A_302, %lt3A_303 : i32
      %and3A_305 = arith.andi %ge3A_299, %lt3A_304 : i1
      %convert_element_type3A_306 = arith.extui %and3A_305 : i1 to i32
      %cond3A_307 = arith.constant 0 : i32
      %cond3A_308 = arith.cmpi ne, %convert_element_type3A_306, %cond3A_307 : i32
      scf.if %cond3A_308 {
        %dma_start3A_368 = arith.constant 0 : i32
        %dma_start3A_369 = arith.constant 0 : i32
        %dma_start3A_370 = tpu.memref_slice %arg2[%dma_start3A_368, %dma_start3A_369] : memref<100008x16xf32, #tpu.memory_space<hbm>> -> memref<100008x16xf32, #tpu.memory_space<hbm>>
        tpu.enqueue_indirect_dma source(%dma_start3A_370 : memref<100008x16xf32, #tpu.memory_space<hbm>>) target(%arg11 : memref<128x16xf32, #tpu.memory_space<vmem>>) offsets(%arg8 : memref<128xi32, #tpu.memory_space<vmem>>) semaphore(%arg18 : memref<!tpu.dma_semaphore, #tpu.memory_space<semaphore_mem>>)
        %dma_start3A_371 = arith.constant 0 : i32
        %dma_start3A_372 = arith.constant 0 : i32
        %dma_start3A_373 = tpu.memref_slice %arg3[%dma_start3A_371, %dma_start3A_372] : memref<100008x16xf32, #tpu.memory_space<hbm>> -> memref<100008x16xf32, #tpu.memory_space<hbm>>
        tpu.enqueue_indirect_dma source(%dma_start3A_373 : memref<100008x16xf32, #tpu.memory_space<hbm>>) target(%arg12 : memref<128x16xf32, #tpu.memory_space<vmem>>) offsets(%arg8 : memref<128xi32, #tpu.memory_space<vmem>>) semaphore(%arg18 : memref<!tpu.dma_semaphore, #tpu.memory_space<semaphore_mem>>)
      } else {
      }
      %ge3A_309 = arith.constant 0 : i32
      %ge3A_310 = arith.cmpi sge, %mul3A_271, %ge3A_309 : i32
      %mul3A_311 = arith.constant 32 : i32
      %mul3A_312 = arith.muli %mul3A_271, %mul3A_311 : i32
      %add3A_313 = arith.addi %mul3A_312, %add3A : i32
      %lt3A_314 = arith.constant 781 : i32
      %lt3A_315 = arith.cmpi slt, %add3A_313, %lt3A_314 : i32
      %and3A_316 = arith.andi %ge3A_310, %lt3A_315 : i1
      %convert_element_type3A_317 = arith.extui %and3A_316 : i1 to i32
      %cond3A_318 = arith.constant 0 : i32
      %cond3A_319 = arith.cmpi ne, %convert_element_type3A_317, %cond3A_318 : i32
      scf.if %cond3A_319 {
        %dma_wait3A = arith.constant 0 : i32
        %dma_wait3A_368 = arith.constant 0 : i32
        %dma_wait3A_369 = tpu.memref_slice %arg2[%dma_wait3A, %dma_wait3A_368] : memref<100008x16xf32, #tpu.memory_space<hbm>> -> memref<100008x16xf32, #tpu.memory_space<hbm>>
        tpu.wait_indirect_dma semaphore(%arg17 : memref<!tpu.dma_semaphore, #tpu.memory_space<semaphore_mem>>) src(%dma_wait3A_369 : memref<100008x16xf32, #tpu.memory_space<hbm>>) dst(%arg9 : memref<128x16xf32, #tpu.memory_space<vmem>>)
        %dma_wait3A_370 = arith.constant 0 : i32
        %dma_wait3A_371 = arith.constant 0 : i32
        %dma_wait3A_372 = tpu.memref_slice %arg3[%dma_wait3A_370, %dma_wait3A_371] : memref<100008x16xf32, #tpu.memory_space<hbm>> -> memref<100008x16xf32, #tpu.memory_space<hbm>>
        tpu.wait_indirect_dma semaphore(%arg17 : memref<!tpu.dma_semaphore, #tpu.memory_space<semaphore_mem>>) src(%dma_wait3A_372 : memref<100008x16xf32, #tpu.memory_space<hbm>>) dst(%arg10 : memref<128x16xf32, #tpu.memory_space<vmem>>)
        %scan3A_373 = arith.constant 0 : i32
        %scan3A_374 = arith.constant 0 : i32
        %scan3A_375 = arith.constant 16 : i32
        %scan3A_376 = arith.addi %scan3A_374, %scan3A_375 : i32
        %scan3A_377 = arith.constant 1 : i32
        scf.for %scan3A_388 = %scan3A_374 to %scan3A_376 step %scan3A_377  : i32 {
          %mul3A_389 = arith.constant 8 : i32
          %mul3A_390 = arith.muli %scan3A_388, %mul3A_389 : i32
          %add3A_391 = arith.constant 0 : i32
          %add3A_392 = arith.addi %mul3A_390, %add3A_391 : i32
          %get3A_393 = arith.index_cast %add3A_392 : i32 to index
          %get3A_394 = arith.constant 0 : index
          %get3A_395 = tpu.vector_load %arg9[%get3A_393, %get3A_394] {strides = array<i32>} : memref<128x16xf32, #tpu.memory_space<vmem>>, vector<16xf32>,
          %get3A_396 = arith.index_cast %add3A_392 : i32 to index
          %get3A_397 = arith.constant 0 : index
          %get3A_398 = tpu.vector_load %arg10[%get3A_396, %get3A_397] {strides = array<i32>} : memref<128x16xf32, #tpu.memory_space<vmem>>, vector<16xf32>,
          %add3A_399 = arith.addf %get3A_395, %get3A_398 : vector<16xf32>
          %add3A_400 = arith.addf %add3A_399, %get3A_166 : vector<16xf32>
          %swap3A_401 = arith.index_cast %scan3A_388 : i32 to index
          %swap3A_402 = arith.constant 0 : index
          %swap3A_403 = tpu.vector_load %arg13[%swap3A_401, %swap3A_402] {strides = array<i32>} : memref<16x128xf32, #tpu.memory_space<vmem>>, vector<16xf32>,
          tpu.vector_store %arg13[%swap3A_401, %swap3A_402], %add3A_400 {strides = array<i32>} : memref<16x128xf32, #tpu.memory_space<vmem>>, vector<16xf32>,
          %mul3A_404 = arith.constant 8 : i32
          %mul3A_405 = arith.muli %scan3A_388, %mul3A_404 : i32
          %add3A_406 = arith.constant 1 : i32
          %add3A_407 = arith.addi %mul3A_405, %add3A_406 : i32
          %get3A_408 = arith.index_cast %add3A_407 : i32 to index
          %get3A_409 = arith.constant 0 : index
          %get3A_410 = tpu.vector_load %arg9[%get3A_408, %get3A_409] {strides = array<i32>} : memref<128x16xf32, #tpu.memory_space<vmem>>, vector<16xf32>,
          %get3A_411 = arith.index_cast %add3A_407 : i32 to index
          %get3A_412 = arith.constant 0 : index
          %get3A_413 = tpu.vector_load %arg10[%get3A_411, %get3A_412] {strides = array<i32>} : memref<128x16xf32, #tpu.memory_space<vmem>>, vector<16xf32>,
          %add3A_414 = arith.addf %get3A_410, %get3A_413 : vector<16xf32>
          %add3A_415 = arith.addf %add3A_414, %get3A_166 : vector<16xf32>
          %swap3A_416 = arith.index_cast %scan3A_388 : i32 to index
          %swap3A_417 = arith.constant 16 : index
          %swap3A_418 = tpu.vector_load %arg13[%swap3A_416, %swap3A_417] {strides = array<i32>} : memref<16x128xf32, #tpu.memory_space<vmem>>, vector<16xf32>,
          tpu.vector_store %arg13[%swap3A_416, %swap3A_417], %add3A_415 {strides = array<i32>} : memref<16x128xf32, #tpu.memory_space<vmem>>, vector<16xf32>,
          %mul3A_419 = arith.constant 8 : i32
          %mul3A_420 = arith.muli %scan3A_388, %mul3A_419 : i32
          %add3A_421 = arith.constant 2 : i32
          %add3A_422 = arith.addi %mul3A_420, %add3A_421 : i32
          %get3A_423 = arith.index_cast %add3A_422 : i32 to index
          %get3A_424 = arith.constant 0 : index
          %get3A_425 = tpu.vector_load %arg9[%get3A_423, %get3A_424] {strides = array<i32>} : memref<128x16xf32, #tpu.memory_space<vmem>>, vector<16xf32>,
          %get3A_426 = arith.index_cast %add3A_422 : i32 to index
          %get3A_427 = arith.constant 0 : index
          %get3A_428 = tpu.vector_load %arg10[%get3A_426, %get3A_427] {strides = array<i32>} : memref<128x16xf32, #tpu.memory_space<vmem>>, vector<16xf32>,
          %add3A_429 = arith.addf %get3A_425, %get3A_428 : vector<16xf32>
          %add3A_430 = arith.addf %add3A_429, %get3A_166 : vector<16xf32>
          %swap3A_431 = arith.index_cast %scan3A_388 : i32 to index
          %swap3A_432 = arith.constant 32 : index
          %swap3A_433 = tpu.vector_load %arg13[%swap3A_431, %swap3A_432] {strides = array<i32>} : memref<16x128xf32, #tpu.memory_space<vmem>>, vector<16xf32>,
          tpu.vector_store %arg13[%swap3A_431, %swap3A_432], %add3A_430 {strides = array<i32>} : memref<16x128xf32, #tpu.memory_space<vmem>>, vector<16xf32>,
          %mul3A_434 = arith.constant 8 : i32
          %mul3A_435 = arith.muli %scan3A_388, %mul3A_434 : i32
          %add3A_436 = arith.constant 3 : i32
          %add3A_437 = arith.addi %mul3A_435, %add3A_436 : i32
          %get3A_438 = arith.index_cast %add3A_437 : i32 to index
          %get3A_439 = arith.constant 0 : index
          %get3A_440 = tpu.vector_load %arg9[%get3A_438, %get3A_439] {strides = array<i32>} : memref<128x16xf32, #tpu.memory_space<vmem>>, vector<16xf32>,
          %get3A_441 = arith.index_cast %add3A_437 : i32 to index
          %get3A_442 = arith.constant 0 : index
          %get3A_443 = tpu.vector_load %arg10[%get3A_441, %get3A_442] {strides = array<i32>} : memref<128x16xf32, #tpu.memory_space<vmem>>, vector<16xf32>,
          %add3A_444 = arith.addf %get3A_440, %get3A_443 : vector<16xf32>
          %add3A_445 = arith.addf %add3A_444, %get3A_166 : vector<16xf32>
          %swap3A_446 = arith.index_cast %scan3A_388 : i32 to index
          %swap3A_447 = arith.constant 48 : index
          %swap3A_448 = tpu.vector_load %arg13[%swap3A_446, %swap3A_447] {strides = array<i32>} : memref<16x128xf32, #tpu.memory_space<vmem>>, vector<16xf32>,
          tpu.vector_store %arg13[%swap3A_446, %swap3A_447], %add3A_445 {strides = array<i32>} : memref<16x128xf32, #tpu.memory_space<vmem>>, vector<16xf32>,
          %mul3A_449 = arith.constant 8 : i32
          %mul3A_450 = arith.muli %scan3A_388, %mul3A_449 : i32
          %add3A_451 = arith.constant 4 : i32
          %add3A_452 = arith.addi %mul3A_450, %add3A_451 : i32
          %get3A_453 = arith.index_cast %add3A_452 : i32 to index
          %get3A_454 = arith.constant 0 : index
          %get3A_455 = tpu.vector_load %arg9[%get3A_453, %get3A_454] {strides = array<i32>} : memref<128x16xf32, #tpu.memory_space<vmem>>, vector<16xf32>,
          %get3A_456 = arith.index_cast %add3A_452 : i32 to index
          %get3A_457 = arith.constant 0 : index
          %get3A_458 = tpu.vector_load %arg10[%get3A_456, %get3A_457] {strides = array<i32>} : memref<128x16xf32, #tpu.memory_space<vmem>>, vector<16xf32>,
          %add3A_459 = arith.addf %get3A_455, %get3A_458 : vector<16xf32>
          %add3A_460 = arith.addf %add3A_459, %get3A_166 : vector<16xf32>
          %swap3A_461 = arith.index_cast %scan3A_388 : i32 to index
          %swap3A_462 = arith.constant 64 : index
          %swap3A_463 = tpu.vector_load %arg13[%swap3A_461, %swap3A_462] {strides = array<i32>} : memref<16x128xf32, #tpu.memory_space<vmem>>, vector<16xf32>,
          tpu.vector_store %arg13[%swap3A_461, %swap3A_462], %add3A_460 {strides = array<i32>} : memref<16x128xf32, #tpu.memory_space<vmem>>, vector<16xf32>,
          %mul3A_464 = arith.constant 8 : i32
          %mul3A_465 = arith.muli %scan3A_388, %mul3A_464 : i32
          %add3A_466 = arith.constant 5 : i32
          %add3A_467 = arith.addi %mul3A_465, %add3A_466 : i32
          %get3A_468 = arith.index_cast %add3A_467 : i32 to index
          %get3A_469 = arith.constant 0 : index
          %get3A_470 = tpu.vector_load %arg9[%get3A_468, %get3A_469] {strides = array<i32>} : memref<128x16xf32, #tpu.memory_space<vmem>>, vector<16xf32>,
          %get3A_471 = arith.index_cast %add3A_467 : i32 to index
          %get3A_472 = arith.constant 0 : index
          %get3A_473 = tpu.vector_load %arg10[%get3A_471, %get3A_472] {strides = array<i32>} : memref<128x16xf32, #tpu.memory_space<vmem>>, vector<16xf32>,
          %add3A_474 = arith.addf %get3A_470, %get3A_473 : vector<16xf32>
          %add3A_475 = arith.addf %add3A_474, %get3A_166 : vector<16xf32>
          %swap3A_476 = arith.index_cast %scan3A_388 : i32 to index
          %swap3A_477 = arith.constant 80 : index
          %swap3A_478 = tpu.vector_load %arg13[%swap3A_476, %swap3A_477] {strides = array<i32>} : memref<16x128xf32, #tpu.memory_space<vmem>>, vector<16xf32>,
          tpu.vector_store %arg13[%swap3A_476, %swap3A_477], %add3A_475 {strides = array<i32>} : memref<16x128xf32, #tpu.memory_space<vmem>>, vector<16xf32>,
          %mul3A_479 = arith.constant 8 : i32
          %mul3A_480 = arith.muli %scan3A_388, %mul3A_479 : i32
          %add3A_481 = arith.constant 6 : i32
          %add3A_482 = arith.addi %mul3A_480, %add3A_481 : i32
          %get3A_483 = arith.index_cast %add3A_482 : i32 to index
          %get3A_484 = arith.constant 0 : index
          %get3A_485 = tpu.vector_load %arg9[%get3A_483, %get3A_484] {strides = array<i32>} : memref<128x16xf32, #tpu.memory_space<vmem>>, vector<16xf32>,
          %get3A_486 = arith.index_cast %add3A_482 : i32 to index
          %get3A_487 = arith.constant 0 : index
          %get3A_488 = tpu.vector_load %arg10[%get3A_486, %get3A_487] {strides = array<i32>} : memref<128x16xf32, #tpu.memory_space<vmem>>, vector<16xf32>,
          %add3A_489 = arith.addf %get3A_485, %get3A_488 : vector<16xf32>
          %add3A_490 = arith.addf %add3A_489, %get3A_166 : vector<16xf32>
          %swap3A_491 = arith.index_cast %scan3A_388 : i32 to index
          %swap3A_492 = arith.constant 96 : index
          %swap3A_493 = tpu.vector_load %arg13[%swap3A_491, %swap3A_492] {strides = array<i32>} : memref<16x128xf32, #tpu.memory_space<vmem>>, vector<16xf32>,
          tpu.vector_store %arg13[%swap3A_491, %swap3A_492], %add3A_490 {strides = array<i32>} : memref<16x128xf32, #tpu.memory_space<vmem>>, vector<16xf32>,
          %mul3A_494 = arith.constant 8 : i32
          %mul3A_495 = arith.muli %scan3A_388, %mul3A_494 : i32
          %add3A_496 = arith.constant 7 : i32
          %add3A_497 = arith.addi %mul3A_495, %add3A_496 : i32
          %get3A_498 = arith.index_cast %add3A_497 : i32 to index
          %get3A_499 = arith.constant 0 : index
          %get3A_500 = tpu.vector_load %arg9[%get3A_498, %get3A_499] {strides = array<i32>} : memref<128x16xf32, #tpu.memory_space<vmem>>, vector<16xf32>,
          %get3A_501 = arith.index_cast %add3A_497 : i32 to index
          %get3A_502 = arith.constant 0 : index
          %get3A_503 = tpu.vector_load %arg10[%get3A_501, %get3A_502] {strides = array<i32>} : memref<128x16xf32, #tpu.memory_space<vmem>>, vector<16xf32>,
          %add3A_504 = arith.addf %get3A_500, %get3A_503 : vector<16xf32>
          %add3A_505 = arith.addf %add3A_504, %get3A_166 : vector<16xf32>
          %swap3A_506 = arith.index_cast %scan3A_388 : i32 to index
          %swap3A_507 = arith.constant 112 : index
          %swap3A_508 = tpu.vector_load %arg13[%swap3A_506, %swap3A_507] {strides = array<i32>} : memref<16x128xf32, #tpu.memory_space<vmem>>, vector<16xf32>,
          tpu.vector_store %arg13[%swap3A_506, %swap3A_507], %add3A_505 {strides = array<i32>} : memref<16x128xf32, #tpu.memory_space<vmem>>, vector<16xf32>,
        }
        %scan3A_378 = arith.constant 16 : i32
        %mul3A_379 = arith.constant 32 : i32
        %mul3A_380 = arith.muli %mul3A_271, %mul3A_379 : i32
        %add3A_381 = arith.addi %mul3A_380, %add3A : i32
        %mul3A_382 = arith.constant 16 : i32
        %mul3A_383 = arith.muli %add3A_381, %mul3A_382 : i32
        %multiple_of3A = tpu.assume_multiple %mul3A_383, 8 : i32
        %dma_start3A_384 = arith.constant 0 : i32
        %dma_start3A_385 = tpu.memref_slice %arg6[%multiple_of3A, %dma_start3A_384] : memref<12500x128xf32, #tpu.memory_space<hbm>> -> memref<16x128xf32, #tpu.memory_space<hbm>>
        %dma_start3A_386 = arith.constant 0 : i32
        %dma_start3A_387 = tpu.memref_slice %arg6[%multiple_of3A, %dma_start3A_386] : memref<12500x128xf32, #tpu.memory_space<hbm>> -> memref<16x128xf32, #tpu.memory_space<hbm>>
        tpu.enqueue_dma source(%arg13 : memref<16x128xf32, #tpu.memory_space<vmem>>) target(%dma_start3A_387 : memref<16x128xf32, #tpu.memory_space<hbm>>) target_semaphore(%arg19 : memref<!tpu.dma_semaphore, #tpu.memory_space<semaphore_mem>>)
      } else {
      }
      %add3A_320 = arith.constant 2 : i32
      %add3A_321 = arith.addi %mul3A_271, %add3A_320 : i32
      %ge3A_322 = arith.constant 0 : i32
      %ge3A_323 = arith.cmpi sge, %add3A_321, %ge3A_322 : i32
      %mul3A_324 = arith.constant 32 : i32
      %mul3A_325 = arith.muli %add3A_321, %mul3A_324 : i32
      %add3A_326 = arith.addi %mul3A_325, %add3A : i32
      %lt3A_327 = arith.constant 781 : i32
      %lt3A_328 = arith.cmpi slt, %add3A_326, %lt3A_327 : i32
      %and3A_329 = arith.andi %ge3A_323, %lt3A_328 : i1
      %convert_element_type3A_330 = arith.extui %and3A_329 : i1 to i32
      %cond3A_331 = arith.constant 0 : i32
      %cond3A_332 = arith.cmpi ne, %convert_element_type3A_330, %cond3A_331 : i32
      scf.if %cond3A_332 {
        %add3A_368 = arith.constant 2 : i32
        %add3A_369 = arith.addi %mul3A_271, %add3A_368 : i32
        %mul3A_370 = arith.constant 32 : i32
        %mul3A_371 = arith.muli %add3A_369, %mul3A_370 : i32
        %add3A_372 = arith.addi %mul3A_371, %add3A : i32
        %mul3A_373 = arith.constant 128 : i32
        %mul3A_374 = arith.muli %add3A_372, %mul3A_373 : i32
        %add3A_375 = arith.constant 0 : i32
        %add3A_376 = arith.addi %mul3A_374, %add3A_375 : i32
        %add3A_377 = vector.broadcast %add3A_376 : i32 to vector<16xi32>
        %add3A_378 = arith.addi %iota3A, %add3A_377 : vector<16xi32>
        %add3A_379 = arith.addi %add3A_378, %broadcast_in_dim3A : vector<16xi32>
        %min3A_380 = arith.constant 100000 : i32
        %min3A_381 = vector.broadcast %min3A_380 : i32 to vector<16xi32>
        %min3A_382 = arith.minsi %add3A_379, %min3A_381 : vector<16xi32>
        %swap3A_383 = arith.constant 0 : index
        %swap3A_384 = tpu.vector_load %arg7[%swap3A_383] {strides = array<i32>} : memref<128xi32, #tpu.memory_space<vmem>>, vector<16xi32>,
        tpu.vector_store %arg7[%swap3A_383], %min3A_382 {strides = array<i32>} : memref<128xi32, #tpu.memory_space<vmem>>, vector<16xi32>,
        %add3A_385 = arith.constant 16 : i32
        %add3A_386 = arith.addi %mul3A_374, %add3A_385 : i32
        %add3A_387 = vector.broadcast %add3A_386 : i32 to vector<16xi32>
        %add3A_388 = arith.addi %iota3A, %add3A_387 : vector<16xi32>
        %add3A_389 = arith.addi %add3A_388, %broadcast_in_dim3A : vector<16xi32>
        %min3A_390 = arith.constant 100000 : i32
        %min3A_391 = vector.broadcast %min3A_390 : i32 to vector<16xi32>
        %min3A_392 = arith.minsi %add3A_389, %min3A_391 : vector<16xi32>
        %swap3A_393 = arith.constant 16 : index
        %swap3A_394 = tpu.vector_load %arg7[%swap3A_393] {strides = array<i32>} : memref<128xi32, #tpu.memory_space<vmem>>, vector<16xi32>,
        tpu.vector_store %arg7[%swap3A_393], %min3A_392 {strides = array<i32>} : memref<128xi32, #tpu.memory_space<vmem>>, vector<16xi32>,
        %add3A_395 = arith.constant 32 : i32
        %add3A_396 = arith.addi %mul3A_374, %add3A_395 : i32
        %add3A_397 = vector.broadcast %add3A_396 : i32 to vector<16xi32>
        %add3A_398 = arith.addi %iota3A, %add3A_397 : vector<16xi32>
        %add3A_399 = arith.addi %add3A_398, %broadcast_in_dim3A : vector<16xi32>
        %min3A_400 = arith.constant 100000 : i32
        %min3A_401 = vector.broadcast %min3A_400 : i32 to vector<16xi32>
        %min3A_402 = arith.minsi %add3A_399, %min3A_401 : vector<16xi32>
        %swap3A_403 = arith.constant 32 : index
        %swap3A_404 = tpu.vector_load %arg7[%swap3A_403] {strides = array<i32>} : memref<128xi32, #tpu.memory_space<vmem>>, vector<16xi32>,
        tpu.vector_store %arg7[%swap3A_403], %min3A_402 {strides = array<i32>} : memref<128xi32, #tpu.memory_space<vmem>>, vector<16xi32>,
        %add3A_405 = arith.constant 48 : i32
        %add3A_406 = arith.addi %mul3A_374, %add3A_405 : i32
        %add3A_407 = vector.broadcast %add3A_406 : i32 to vector<16xi32>
        %add3A_408 = arith.addi %iota3A, %add3A_407 : vector<16xi32>
        %add3A_409 = arith.addi %add3A_408, %broadcast_in_dim3A : vector<16xi32>
        %min3A_410 = arith.constant 100000 : i32
        %min3A_411 = vector.broadcast %min3A_410 : i32 to vector<16xi32>
        %min3A_412 = arith.minsi %add3A_409, %min3A_411 : vector<16xi32>
        %swap3A_413 = arith.constant 48 : index
        %swap3A_414 = tpu.vector_load %arg7[%swap3A_413] {strides = array<i32>} : memref<128xi32, #tpu.memory_space<vmem>>, vector<16xi32>,
        tpu.vector_store %arg7[%swap3A_413], %min3A_412 {strides = array<i32>} : memref<128xi32, #tpu.memory_space<vmem>>, vector<16xi32>,
        %add3A_415 = arith.constant 64 : i32
        %add3A_416 = arith.addi %mul3A_374, %add3A_415 : i32
        %add3A_417 = vector.broadcast %add3A_416 : i32 to vector<16xi32>
        %add3A_418 = arith.addi %iota3A, %add3A_417 : vector<16xi32>
        %add3A_419 = arith.addi %add3A_418, %broadcast_in_dim3A : vector<16xi32>
        %min3A_420 = arith.constant 100000 : i32
        %min3A_421 = vector.broadcast %min3A_420 : i32 to vector<16xi32>
        %min3A_422 = arith.minsi %add3A_419, %min3A_421 : vector<16xi32>
        %swap3A_423 = arith.constant 64 : index
        %swap3A_424 = tpu.vector_load %arg7[%swap3A_423] {strides = array<i32>} : memref<128xi32, #tpu.memory_space<vmem>>, vector<16xi32>,
        tpu.vector_store %arg7[%swap3A_423], %min3A_422 {strides = array<i32>} : memref<128xi32, #tpu.memory_space<vmem>>, vector<16xi32>,
        %add3A_425 = arith.constant 80 : i32
        %add3A_426 = arith.addi %mul3A_374, %add3A_425 : i32
        %add3A_427 = vector.broadcast %add3A_426 : i32 to vector<16xi32>
        %add3A_428 = arith.addi %iota3A, %add3A_427 : vector<16xi32>
        %add3A_429 = arith.addi %add3A_428, %broadcast_in_dim3A : vector<16xi32>
        %min3A_430 = arith.constant 100000 : i32
        %min3A_431 = vector.broadcast %min3A_430 : i32 to vector<16xi32>
        %min3A_432 = arith.minsi %add3A_429, %min3A_431 : vector<16xi32>
        %swap3A_433 = arith.constant 80 : index
        %swap3A_434 = tpu.vector_load %arg7[%swap3A_433] {strides = array<i32>} : memref<128xi32, #tpu.memory_space<vmem>>, vector<16xi32>,
        tpu.vector_store %arg7[%swap3A_433], %min3A_432 {strides = array<i32>} : memref<128xi32, #tpu.memory_space<vmem>>, vector<16xi32>,
        %add3A_435 = arith.constant 96 : i32
        %add3A_436 = arith.addi %mul3A_374, %add3A_435 : i32
        %add3A_437 = vector.broadcast %add3A_436 : i32 to vector<16xi32>
        %add3A_438 = arith.addi %iota3A, %add3A_437 : vector<16xi32>
        %add3A_439 = arith.addi %add3A_438, %broadcast_in_dim3A : vector<16xi32>
        %min3A_440 = arith.constant 100000 : i32
        %min3A_441 = vector.broadcast %min3A_440 : i32 to vector<16xi32>
        %min3A_442 = arith.minsi %add3A_439, %min3A_441 : vector<16xi32>
        %swap3A_443 = arith.constant 96 : index
        %swap3A_444 = tpu.vector_load %arg7[%swap3A_443] {strides = array<i32>} : memref<128xi32, #tpu.memory_space<vmem>>, vector<16xi32>,
        tpu.vector_store %arg7[%swap3A_443], %min3A_442 {strides = array<i32>} : memref<128xi32, #tpu.memory_space<vmem>>, vector<16xi32>,
        %add3A_445 = arith.constant 112 : i32
        %add3A_446 = arith.addi %mul3A_374, %add3A_445 : i32
        %add3A_447 = vector.broadcast %add3A_446 : i32 to vector<16xi32>
        %add3A_448 = arith.addi %iota3A, %add3A_447 : vector<16xi32>
        %add3A_449 = arith.addi %add3A_448, %broadcast_in_dim3A : vector<16xi32>
        %min3A_450 = arith.constant 100000 : i32
        %min3A_451 = vector.broadcast %min3A_450 : i32 to vector<16xi32>
        %min3A_452 = arith.minsi %add3A_449, %min3A_451 : vector<16xi32>
        %swap3A_453 = arith.constant 112 : index
        %swap3A_454 = tpu.vector_load %arg7[%swap3A_453] {strides = array<i32>} : memref<128xi32, #tpu.memory_space<vmem>>, vector<16xi32>,
        tpu.vector_store %arg7[%swap3A_453], %min3A_452 {strides = array<i32>} : memref<128xi32, #tpu.memory_space<vmem>>, vector<16xi32>,
      } else {
      }
      %ge3A_333 = arith.constant 0 : i32
      %ge3A_334 = arith.cmpi sge, %mul3A_271, %ge3A_333 : i32
      %mul3A_335 = arith.constant 32 : i32
      %mul3A_336 = arith.muli %mul3A_271, %mul3A_335 : i32
      %add3A_337 = arith.addi %mul3A_336, %add3A : i32
      %lt3A_338 = arith.constant 781 : i32
      %lt3A_339 = arith.cmpi slt, %add3A_337, %lt3A_338 : i32
      %and3A_340 = arith.andi %ge3A_334, %lt3A_339 : i1
      %convert_element_type3A_341 = arith.extui %and3A_340 : i1 to i32
      %cond3A_342 = arith.constant 0 : i32
      %cond3A_343 = arith.cmpi ne, %convert_element_type3A_341, %cond3A_342 : i32
      scf.if %cond3A_343 {
        %dma_wait3A = arith.constant 0 : i32
        %dma_wait3A_368 = arith.constant 0 : i32
        %dma_wait3A_369 = tpu.memref_slice %arg6[%dma_wait3A, %dma_wait3A_368] : memref<12500x128xf32, #tpu.memory_space<hbm>> -> memref<16x128xf32, #tpu.memory_space<hbm>>
        %dma_wait3A_370 = arith.constant 0 : i32
        %dma_wait3A_371 = arith.constant 0 : i32
        %dma_wait3A_372 = tpu.memref_slice %arg6[%dma_wait3A_370, %dma_wait3A_371] : memref<12500x128xf32, #tpu.memory_space<hbm>> -> memref<16x128xf32, #tpu.memory_space<hbm>>
        tpu.wait_dma2 semaphore(%arg19 : memref<!tpu.dma_semaphore, #tpu.memory_space<semaphore_mem>>) src(%arg13 : memref<16x128xf32, #tpu.memory_space<vmem>>) dst(%dma_wait3A_372 : memref<16x128xf32, #tpu.memory_space<hbm>>)
      } else {
      }
      %add3A_344 = arith.constant 2 : i32
      %add3A_345 = arith.addi %mul3A_271, %add3A_344 : i32
      %ge3A_346 = arith.constant 0 : i32
      %ge3A_347 = arith.cmpi sge, %add3A_345, %ge3A_346 : i32
      %mul3A_348 = arith.constant 32 : i32
      %mul3A_349 = arith.muli %add3A_345, %mul3A_348 : i32
      %add3A_350 = arith.addi %mul3A_349, %add3A : i32
      %lt3A_351 = arith.constant 781 : i32
      %lt3A_352 = arith.cmpi slt, %add3A_350, %lt3A_351 : i32
      %and3A_353 = arith.andi %ge3A_347, %lt3A_352 : i1
      %convert_element_type3A_354 = arith.extui %and3A_353 : i1 to i32
      %cond3A_355 = arith.constant 0 : i32
      %cond3A_356 = arith.cmpi ne, %convert_element_type3A_354, %cond3A_355 : i32
      scf.if %cond3A_356 {
        %dma_start3A_368 = arith.constant 0 : i32
        %dma_start3A_369 = arith.constant 0 : i32
        %dma_start3A_370 = tpu.memref_slice %arg2[%dma_start3A_368, %dma_start3A_369] : memref<100008x16xf32, #tpu.memory_space<hbm>> -> memref<100008x16xf32, #tpu.memory_space<hbm>>
        tpu.enqueue_indirect_dma source(%dma_start3A_370 : memref<100008x16xf32, #tpu.memory_space<hbm>>) target(%arg9 : memref<128x16xf32, #tpu.memory_space<vmem>>) offsets(%arg7 : memref<128xi32, #tpu.memory_space<vmem>>) semaphore(%arg17 : memref<!tpu.dma_semaphore, #tpu.memory_space<semaphore_mem>>)
        %dma_start3A_371 = arith.constant 0 : i32
        %dma_start3A_372 = arith.constant 0 : i32
        %dma_start3A_373 = tpu.memref_slice %arg3[%dma_start3A_371, %dma_start3A_372] : memref<100008x16xf32, #tpu.memory_space<hbm>> -> memref<100008x16xf32, #tpu.memory_space<hbm>>
        tpu.enqueue_indirect_dma source(%dma_start3A_373 : memref<100008x16xf32, #tpu.memory_space<hbm>>) target(%arg10 : memref<128x16xf32, #tpu.memory_space<vmem>>) offsets(%arg7 : memref<128xi32, #tpu.memory_space<vmem>>) semaphore(%arg17 : memref<!tpu.dma_semaphore, #tpu.memory_space<semaphore_mem>>)
      } else {
      }
      %ge3A_357 = arith.constant 0 : i32
      %ge3A_358 = arith.cmpi sge, %add3A_275, %ge3A_357 : i32
      %mul3A_359 = arith.constant 32 : i32
      %mul3A_360 = arith.muli %add3A_275, %mul3A_359 : i32
      %add3A_361 = arith.addi %mul3A_360, %add3A : i32
      %lt3A_362 = arith.constant 781 : i32
      %lt3A_363 = arith.cmpi slt, %add3A_361, %lt3A_362 : i32
      %and3A_364 = arith.andi %ge3A_358, %lt3A_363 : i1
      %convert_element_type3A_365 = arith.extui %and3A_364 : i1 to i32
      %cond3A_366 = arith.constant 0 : i32
      %cond3A_367 = arith.cmpi ne, %convert_element_type3A_365, %cond3A_366 : i32
      scf.if %cond3A_367 {
        %dma_wait3A = arith.constant 0 : i32
        %dma_wait3A_368 = arith.constant 0 : i32
        %dma_wait3A_369 = tpu.memref_slice %arg2[%dma_wait3A, %dma_wait3A_368] : memref<100008x16xf32, #tpu.memory_space<hbm>> -> memref<100008x16xf32, #tpu.memory_space<hbm>>
        tpu.wait_indirect_dma semaphore(%arg18 : memref<!tpu.dma_semaphore, #tpu.memory_space<semaphore_mem>>) src(%dma_wait3A_369 : memref<100008x16xf32, #tpu.memory_space<hbm>>) dst(%arg11 : memref<128x16xf32, #tpu.memory_space<vmem>>)
        %dma_wait3A_370 = arith.constant 0 : i32
        %dma_wait3A_371 = arith.constant 0 : i32
        %dma_wait3A_372 = tpu.memref_slice %arg3[%dma_wait3A_370, %dma_wait3A_371] : memref<100008x16xf32, #tpu.memory_space<hbm>> -> memref<100008x16xf32, #tpu.memory_space<hbm>>
        tpu.wait_indirect_dma semaphore(%arg18 : memref<!tpu.dma_semaphore, #tpu.memory_space<semaphore_mem>>) src(%dma_wait3A_372 : memref<100008x16xf32, #tpu.memory_space<hbm>>) dst(%arg12 : memref<128x16xf32, #tpu.memory_space<vmem>>)
        %scan3A_373 = arith.constant 0 : i32
        %scan3A_374 = arith.constant 0 : i32
        %scan3A_375 = arith.constant 16 : i32
        %scan3A_376 = arith.addi %scan3A_374, %scan3A_375 : i32
        %scan3A_377 = arith.constant 1 : i32
        scf.for %scan3A_388 = %scan3A_374 to %scan3A_376 step %scan3A_377  : i32 {
          %mul3A_389 = arith.constant 8 : i32
          %mul3A_390 = arith.muli %scan3A_388, %mul3A_389 : i32
          %add3A_391 = arith.constant 0 : i32
          %add3A_392 = arith.addi %mul3A_390, %add3A_391 : i32
          %get3A_393 = arith.index_cast %add3A_392 : i32 to index
          %get3A_394 = arith.constant 0 : index
          %get3A_395 = tpu.vector_load %arg11[%get3A_393, %get3A_394] {strides = array<i32>} : memref<128x16xf32, #tpu.memory_space<vmem>>, vector<16xf32>,
          %get3A_396 = arith.index_cast %add3A_392 : i32 to index
          %get3A_397 = arith.constant 0 : index
          %get3A_398 = tpu.vector_load %arg12[%get3A_396, %get3A_397] {strides = array<i32>} : memref<128x16xf32, #tpu.memory_space<vmem>>, vector<16xf32>,
          %add3A_399 = arith.addf %get3A_395, %get3A_398 : vector<16xf32>
          %add3A_400 = arith.addf %add3A_399, %get3A_166 : vector<16xf32>
          %swap3A_401 = arith.index_cast %scan3A_388 : i32 to index
          %swap3A_402 = arith.constant 0 : index
          %swap3A_403 = tpu.vector_load %arg14[%swap3A_401, %swap3A_402] {strides = array<i32>} : memref<16x128xf32, #tpu.memory_space<vmem>>, vector<16xf32>,
          tpu.vector_store %arg14[%swap3A_401, %swap3A_402], %add3A_400 {strides = array<i32>} : memref<16x128xf32, #tpu.memory_space<vmem>>, vector<16xf32>,
          %mul3A_404 = arith.constant 8 : i32
          %mul3A_405 = arith.muli %scan3A_388, %mul3A_404 : i32
          %add3A_406 = arith.constant 1 : i32
          %add3A_407 = arith.addi %mul3A_405, %add3A_406 : i32
          %get3A_408 = arith.index_cast %add3A_407 : i32 to index
          %get3A_409 = arith.constant 0 : index
          %get3A_410 = tpu.vector_load %arg11[%get3A_408, %get3A_409] {strides = array<i32>} : memref<128x16xf32, #tpu.memory_space<vmem>>, vector<16xf32>,
          %get3A_411 = arith.index_cast %add3A_407 : i32 to index
          %get3A_412 = arith.constant 0 : index
          %get3A_413 = tpu.vector_load %arg12[%get3A_411, %get3A_412] {strides = array<i32>} : memref<128x16xf32, #tpu.memory_space<vmem>>, vector<16xf32>,
          %add3A_414 = arith.addf %get3A_410, %get3A_413 : vector<16xf32>
          %add3A_415 = arith.addf %add3A_414, %get3A_166 : vector<16xf32>
          %swap3A_416 = arith.index_cast %scan3A_388 : i32 to index
          %swap3A_417 = arith.constant 16 : index
          %swap3A_418 = tpu.vector_load %arg14[%swap3A_416, %swap3A_417] {strides = array<i32>} : memref<16x128xf32, #tpu.memory_space<vmem>>, vector<16xf32>,
          tpu.vector_store %arg14[%swap3A_416, %swap3A_417], %add3A_415 {strides = array<i32>} : memref<16x128xf32, #tpu.memory_space<vmem>>, vector<16xf32>,
          %mul3A_419 = arith.constant 8 : i32
          %mul3A_420 = arith.muli %scan3A_388, %mul3A_419 : i32
          %add3A_421 = arith.constant 2 : i32
          %add3A_422 = arith.addi %mul3A_420, %add3A_421 : i32
          %get3A_423 = arith.index_cast %add3A_422 : i32 to index
          %get3A_424 = arith.constant 0 : index
          %get3A_425 = tpu.vector_load %arg11[%get3A_423, %get3A_424] {strides = array<i32>} : memref<128x16xf32, #tpu.memory_space<vmem>>, vector<16xf32>,
          %get3A_426 = arith.index_cast %add3A_422 : i32 to index
          %get3A_427 = arith.constant 0 : index
          %get3A_428 = tpu.vector_load %arg12[%get3A_426, %get3A_427] {strides = array<i32>} : memref<128x16xf32, #tpu.memory_space<vmem>>, vector<16xf32>,
          %add3A_429 = arith.addf %get3A_425, %get3A_428 : vector<16xf32>
          %add3A_430 = arith.addf %add3A_429, %get3A_166 : vector<16xf32>
          %swap3A_431 = arith.index_cast %scan3A_388 : i32 to index
          %swap3A_432 = arith.constant 32 : index
          %swap3A_433 = tpu.vector_load %arg14[%swap3A_431, %swap3A_432] {strides = array<i32>} : memref<16x128xf32, #tpu.memory_space<vmem>>, vector<16xf32>,
          tpu.vector_store %arg14[%swap3A_431, %swap3A_432], %add3A_430 {strides = array<i32>} : memref<16x128xf32, #tpu.memory_space<vmem>>, vector<16xf32>,
          %mul3A_434 = arith.constant 8 : i32
          %mul3A_435 = arith.muli %scan3A_388, %mul3A_434 : i32
          %add3A_436 = arith.constant 3 : i32
          %add3A_437 = arith.addi %mul3A_435, %add3A_436 : i32
          %get3A_438 = arith.index_cast %add3A_437 : i32 to index
          %get3A_439 = arith.constant 0 : index
          %get3A_440 = tpu.vector_load %arg11[%get3A_438, %get3A_439] {strides = array<i32>} : memref<128x16xf32, #tpu.memory_space<vmem>>, vector<16xf32>,
          %get3A_441 = arith.index_cast %add3A_437 : i32 to index
          %get3A_442 = arith.constant 0 : index
          %get3A_443 = tpu.vector_load %arg12[%get3A_441, %get3A_442] {strides = array<i32>} : memref<128x16xf32, #tpu.memory_space<vmem>>, vector<16xf32>,
          %add3A_444 = arith.addf %get3A_440, %get3A_443 : vector<16xf32>
          %add3A_445 = arith.addf %add3A_444, %get3A_166 : vector<16xf32>
          %swap3A_446 = arith.index_cast %scan3A_388 : i32 to index
          %swap3A_447 = arith.constant 48 : index
          %swap3A_448 = tpu.vector_load %arg14[%swap3A_446, %swap3A_447] {strides = array<i32>} : memref<16x128xf32, #tpu.memory_space<vmem>>, vector<16xf32>,
          tpu.vector_store %arg14[%swap3A_446, %swap3A_447], %add3A_445 {strides = array<i32>} : memref<16x128xf32, #tpu.memory_space<vmem>>, vector<16xf32>,
          %mul3A_449 = arith.constant 8 : i32
          %mul3A_450 = arith.muli %scan3A_388, %mul3A_449 : i32
          %add3A_451 = arith.constant 4 : i32
          %add3A_452 = arith.addi %mul3A_450, %add3A_451 : i32
          %get3A_453 = arith.index_cast %add3A_452 : i32 to index
          %get3A_454 = arith.constant 0 : index
          %get3A_455 = tpu.vector_load %arg11[%get3A_453, %get3A_454] {strides = array<i32>} : memref<128x16xf32, #tpu.memory_space<vmem>>, vector<16xf32>,
          %get3A_456 = arith.index_cast %add3A_452 : i32 to index
          %get3A_457 = arith.constant 0 : index
          %get3A_458 = tpu.vector_load %arg12[%get3A_456, %get3A_457] {strides = array<i32>} : memref<128x16xf32, #tpu.memory_space<vmem>>, vector<16xf32>,
          %add3A_459 = arith.addf %get3A_455, %get3A_458 : vector<16xf32>
          %add3A_460 = arith.addf %add3A_459, %get3A_166 : vector<16xf32>
          %swap3A_461 = arith.index_cast %scan3A_388 : i32 to index
          %swap3A_462 = arith.constant 64 : index
          %swap3A_463 = tpu.vector_load %arg14[%swap3A_461, %swap3A_462] {strides = array<i32>} : memref<16x128xf32, #tpu.memory_space<vmem>>, vector<16xf32>,
          tpu.vector_store %arg14[%swap3A_461, %swap3A_462], %add3A_460 {strides = array<i32>} : memref<16x128xf32, #tpu.memory_space<vmem>>, vector<16xf32>,
          %mul3A_464 = arith.constant 8 : i32
          %mul3A_465 = arith.muli %scan3A_388, %mul3A_464 : i32
          %add3A_466 = arith.constant 5 : i32
          %add3A_467 = arith.addi %mul3A_465, %add3A_466 : i32
          %get3A_468 = arith.index_cast %add3A_467 : i32 to index
          %get3A_469 = arith.constant 0 : index
          %get3A_470 = tpu.vector_load %arg11[%get3A_468, %get3A_469] {strides = array<i32>} : memref<128x16xf32, #tpu.memory_space<vmem>>, vector<16xf32>,
          %get3A_471 = arith.index_cast %add3A_467 : i32 to index
          %get3A_472 = arith.constant 0 : index
          %get3A_473 = tpu.vector_load %arg12[%get3A_471, %get3A_472] {strides = array<i32>} : memref<128x16xf32, #tpu.memory_space<vmem>>, vector<16xf32>,
          %add3A_474 = arith.addf %get3A_470, %get3A_473 : vector<16xf32>
          %add3A_475 = arith.addf %add3A_474, %get3A_166 : vector<16xf32>
          %swap3A_476 = arith.index_cast %scan3A_388 : i32 to index
          %swap3A_477 = arith.constant 80 : index
          %swap3A_478 = tpu.vector_load %arg14[%swap3A_476, %swap3A_477] {strides = array<i32>} : memref<16x128xf32, #tpu.memory_space<vmem>>, vector<16xf32>,
          tpu.vector_store %arg14[%swap3A_476, %swap3A_477], %add3A_475 {strides = array<i32>} : memref<16x128xf32, #tpu.memory_space<vmem>>, vector<16xf32>,
          %mul3A_479 = arith.constant 8 : i32
          %mul3A_480 = arith.muli %scan3A_388, %mul3A_479 : i32
          %add3A_481 = arith.constant 6 : i32
          %add3A_482 = arith.addi %mul3A_480, %add3A_481 : i32
          %get3A_483 = arith.index_cast %add3A_482 : i32 to index
          %get3A_484 = arith.constant 0 : index
          %get3A_485 = tpu.vector_load %arg11[%get3A_483, %get3A_484] {strides = array<i32>} : memref<128x16xf32, #tpu.memory_space<vmem>>, vector<16xf32>,
          %get3A_486 = arith.index_cast %add3A_482 : i32 to index
          %get3A_487 = arith.constant 0 : index
          %get3A_488 = tpu.vector_load %arg12[%get3A_486, %get3A_487] {strides = array<i32>} : memref<128x16xf32, #tpu.memory_space<vmem>>, vector<16xf32>,
          %add3A_489 = arith.addf %get3A_485, %get3A_488 : vector<16xf32>
          %add3A_490 = arith.addf %add3A_489, %get3A_166 : vector<16xf32>
          %swap3A_491 = arith.index_cast %scan3A_388 : i32 to index
          %swap3A_492 = arith.constant 96 : index
          %swap3A_493 = tpu.vector_load %arg14[%swap3A_491, %swap3A_492] {strides = array<i32>} : memref<16x128xf32, #tpu.memory_space<vmem>>, vector<16xf32>,
          tpu.vector_store %arg14[%swap3A_491, %swap3A_492], %add3A_490 {strides = array<i32>} : memref<16x128xf32, #tpu.memory_space<vmem>>, vector<16xf32>,
          %mul3A_494 = arith.constant 8 : i32
          %mul3A_495 = arith.muli %scan3A_388, %mul3A_494 : i32
          %add3A_496 = arith.constant 7 : i32
          %add3A_497 = arith.addi %mul3A_495, %add3A_496 : i32
          %get3A_498 = arith.index_cast %add3A_497 : i32 to index
          %get3A_499 = arith.constant 0 : index
          %get3A_500 = tpu.vector_load %arg11[%get3A_498, %get3A_499] {strides = array<i32>} : memref<128x16xf32, #tpu.memory_space<vmem>>, vector<16xf32>,
          %get3A_501 = arith.index_cast %add3A_497 : i32 to index
          %get3A_502 = arith.constant 0 : index
          %get3A_503 = tpu.vector_load %arg12[%get3A_501, %get3A_502] {strides = array<i32>} : memref<128x16xf32, #tpu.memory_space<vmem>>, vector<16xf32>,
          %add3A_504 = arith.addf %get3A_500, %get3A_503 : vector<16xf32>
          %add3A_505 = arith.addf %add3A_504, %get3A_166 : vector<16xf32>
          %swap3A_506 = arith.index_cast %scan3A_388 : i32 to index
          %swap3A_507 = arith.constant 112 : index
          %swap3A_508 = tpu.vector_load %arg14[%swap3A_506, %swap3A_507] {strides = array<i32>} : memref<16x128xf32, #tpu.memory_space<vmem>>, vector<16xf32>,
          tpu.vector_store %arg14[%swap3A_506, %swap3A_507], %add3A_505 {strides = array<i32>} : memref<16x128xf32, #tpu.memory_space<vmem>>, vector<16xf32>,
        }
        %scan3A_378 = arith.constant 16 : i32
        %mul3A_379 = arith.constant 32 : i32
        %mul3A_380 = arith.muli %add3A_275, %mul3A_379 : i32
        %add3A_381 = arith.addi %mul3A_380, %add3A : i32
        %mul3A_382 = arith.constant 16 : i32
        %mul3A_383 = arith.muli %add3A_381, %mul3A_382 : i32
        %multiple_of3A = tpu.assume_multiple %mul3A_383, 8 : i32
        %dma_start3A_384 = arith.constant 0 : i32
        %dma_start3A_385 = tpu.memref_slice %arg6[%multiple_of3A, %dma_start3A_384] : memref<12500x128xf32, #tpu.memory_space<hbm>> -> memref<16x128xf32, #tpu.memory_space<hbm>>
        %dma_start3A_386 = arith.constant 0 : i32
        %dma_start3A_387 = tpu.memref_slice %arg6[%multiple_of3A, %dma_start3A_386] : memref<12500x128xf32, #tpu.memory_space<hbm>> -> memref<16x128xf32, #tpu.memory_space<hbm>>
        tpu.enqueue_dma source(%arg14 : memref<16x128xf32, #tpu.memory_space<vmem>>) target(%dma_start3A_387 : memref<16x128xf32, #tpu.memory_space<hbm>>) target_semaphore(%arg20 : memref<!tpu.dma_semaphore, #tpu.memory_space<semaphore_mem>>)
      } else {
      }
    }
    %scan3A_259 = arith.constant 13 : i32
    %add3A_260 = arith.constant 800 : i32
    %add3A_261 = arith.addi %add3A_260, %add3A : i32
    %lt3A = arith.constant 781 : i32
    %lt3A_262 = arith.cmpi slt, %add3A_261, %lt3A : i32
    %and3A = arith.constant true
    %and3A_263 = arith.andi %and3A, %lt3A_262 : i1
    %convert_element_type3A = arith.extui %and3A_263 : i1 to i32
    %cond3A = arith.constant 0 : i32
    %cond3A_264 = arith.cmpi ne, %convert_element_type3A, %cond3A : i32
    scf.if %cond3A_264 {
      %dma_wait3A = arith.constant 0 : i32
      %dma_wait3A_269 = arith.constant 0 : i32
      %dma_wait3A_270 = tpu.memref_slice %arg6[%dma_wait3A, %dma_wait3A_269] : memref<12500x128xf32, #tpu.memory_space<hbm>> -> memref<16x128xf32, #tpu.memory_space<hbm>>
      %dma_wait3A_271 = arith.constant 0 : i32
      %dma_wait3A_272 = arith.constant 0 : i32
      %dma_wait3A_273 = tpu.memref_slice %arg6[%dma_wait3A_271, %dma_wait3A_272] : memref<12500x128xf32, #tpu.memory_space<hbm>> -> memref<16x128xf32, #tpu.memory_space<hbm>>
      tpu.wait_dma2 semaphore(%arg20 : memref<!tpu.dma_semaphore, #tpu.memory_space<semaphore_mem>>) src(%arg14 : memref<16x128xf32, #tpu.memory_space<vmem>>) dst(%dma_wait3A_273 : memref<16x128xf32, #tpu.memory_space<hbm>>)
    } else {
    }
    %eq3A = arith.constant 13 : i32
    %eq3A_265 = arith.cmpi eq, %add3A, %eq3A : i32
    %convert_element_type3A_266 = arith.extui %eq3A_265 : i1 to i32
    %cond3A_267 = arith.constant 0 : i32
    %cond3A_268 = arith.cmpi ne, %convert_element_type3A_266, %cond3A_267 : i32
    scf.if %cond3A_268 {
      %add3A_269 = arith.constant 99968 : i32
      %add3A_270 = vector.broadcast %add3A_269 : i32 to vector<16xi32>
      %add3A_271 = arith.addi %iota3A, %add3A_270 : vector<16xi32>
      %add3A_272 = arith.addi %add3A_271, %broadcast_in_dim3A : vector<16xi32>
      %min3A_273 = arith.constant 100000 : i32
      %min3A_274 = vector.broadcast %min3A_273 : i32 to vector<16xi32>
      %min3A_275 = arith.minsi %add3A_272, %min3A_274 : vector<16xi32>
      %swap3A_276 = arith.constant 0 : index
      %swap3A_277 = tpu.vector_load %arg7[%swap3A_276] {strides = array<i32>} : memref<128xi32, #tpu.memory_space<vmem>>, vector<16xi32>,
      tpu.vector_store %arg7[%swap3A_276], %min3A_275 {strides = array<i32>} : memref<128xi32, #tpu.memory_space<vmem>>, vector<16xi32>,
      %add3A_278 = arith.constant 99984 : i32
      %add3A_279 = vector.broadcast %add3A_278 : i32 to vector<16xi32>
      %add3A_280 = arith.addi %iota3A, %add3A_279 : vector<16xi32>
      %add3A_281 = arith.addi %add3A_280, %broadcast_in_dim3A : vector<16xi32>
      %min3A_282 = arith.constant 100000 : i32
      %min3A_283 = vector.broadcast %min3A_282 : i32 to vector<16xi32>
      %min3A_284 = arith.minsi %add3A_281, %min3A_283 : vector<16xi32>
      %swap3A_285 = arith.constant 16 : index
      %swap3A_286 = tpu.vector_load %arg7[%swap3A_285] {strides = array<i32>} : memref<128xi32, #tpu.memory_space<vmem>>, vector<16xi32>,
      tpu.vector_store %arg7[%swap3A_285], %min3A_284 {strides = array<i32>} : memref<128xi32, #tpu.memory_space<vmem>>, vector<16xi32>,
      %dma_start3A_287 = arith.constant 0 : i32
      %dma_start3A_288 = arith.constant 0 : i32
      %dma_start3A_289 = tpu.memref_slice %arg9[%dma_start3A_287, %dma_start3A_288] : memref<128x16xf32, #tpu.memory_space<vmem>> -> memref<32x16xf32, #tpu.memory_space<vmem>>
      %dma_start3A_290 = arith.constant 0 : i32
      %dma_start3A_291 = tpu.memref_slice %arg7[%dma_start3A_290] : memref<128xi32, #tpu.memory_space<vmem>> -> memref<32xi32, #tpu.memory_space<vmem>>
      %dma_start3A_292 = arith.constant 0 : i32
      %dma_start3A_293 = arith.constant 0 : i32
      %dma_start3A_294 = tpu.memref_slice %arg2[%dma_start3A_292, %dma_start3A_293] : memref<100008x16xf32, #tpu.memory_space<hbm>> -> memref<100008x16xf32, #tpu.memory_space<hbm>>
      tpu.enqueue_indirect_dma source(%dma_start3A_294 : memref<100008x16xf32, #tpu.memory_space<hbm>>) target(%dma_start3A_289 : memref<32x16xf32, #tpu.memory_space<vmem>>) offsets(%dma_start3A_291 : memref<32xi32, #tpu.memory_space<vmem>>) semaphore(%arg17 : memref<!tpu.dma_semaphore, #tpu.memory_space<semaphore_mem>>)
      %dma_start3A_295 = arith.constant 0 : i32
      %dma_start3A_296 = arith.constant 0 : i32
      %dma_start3A_297 = tpu.memref_slice %arg10[%dma_start3A_295, %dma_start3A_296] : memref<128x16xf32, #tpu.memory_space<vmem>> -> memref<32x16xf32, #tpu.memory_space<vmem>>
      %dma_start3A_298 = arith.constant 0 : i32
      %dma_start3A_299 = tpu.memref_slice %arg7[%dma_start3A_298] : memref<128xi32, #tpu.memory_space<vmem>> -> memref<32xi32, #tpu.memory_space<vmem>>
      %dma_start3A_300 = arith.constant 0 : i32
      %dma_start3A_301 = arith.constant 0 : i32
      %dma_start3A_302 = tpu.memref_slice %arg3[%dma_start3A_300, %dma_start3A_301] : memref<100008x16xf32, #tpu.memory_space<hbm>> -> memref<100008x16xf32, #tpu.memory_space<hbm>>
      tpu.enqueue_indirect_dma source(%dma_start3A_302 : memref<100008x16xf32, #tpu.memory_space<hbm>>) target(%dma_start3A_297 : memref<32x16xf32, #tpu.memory_space<vmem>>) offsets(%dma_start3A_299 : memref<32xi32, #tpu.memory_space<vmem>>) semaphore(%arg17 : memref<!tpu.dma_semaphore, #tpu.memory_space<semaphore_mem>>)
      %dma_wait3A = arith.constant 0 : i32
      %dma_wait3A_303 = arith.constant 0 : i32
      %dma_wait3A_304 = tpu.memref_slice %arg9[%dma_wait3A, %dma_wait3A_303] : memref<128x16xf32, #tpu.memory_space<vmem>> -> memref<32x16xf32, #tpu.memory_space<vmem>>
      %dma_wait3A_305 = arith.constant 0 : i32
      %dma_wait3A_306 = tpu.memref_slice %arg7[%dma_wait3A_305] : memref<128xi32, #tpu.memory_space<vmem>> -> memref<32xi32, #tpu.memory_space<vmem>>
      %dma_wait3A_307 = arith.constant 0 : i32
      %dma_wait3A_308 = arith.constant 0 : i32
      %dma_wait3A_309 = tpu.memref_slice %arg2[%dma_wait3A_307, %dma_wait3A_308] : memref<100008x16xf32, #tpu.memory_space<hbm>> -> memref<100008x16xf32, #tpu.memory_space<hbm>>
      tpu.wait_indirect_dma semaphore(%arg17 : memref<!tpu.dma_semaphore, #tpu.memory_space<semaphore_mem>>) src(%dma_wait3A_309 : memref<100008x16xf32, #tpu.memory_space<hbm>>) dst(%dma_wait3A_304 : memref<32x16xf32, #tpu.memory_space<vmem>>)
      %dma_wait3A_310 = arith.constant 0 : i32
      %dma_wait3A_311 = arith.constant 0 : i32
      %dma_wait3A_312 = tpu.memref_slice %arg10[%dma_wait3A_310, %dma_wait3A_311] : memref<128x16xf32, #tpu.memory_space<vmem>> -> memref<32x16xf32, #tpu.memory_space<vmem>>
      %dma_wait3A_313 = arith.constant 0 : i32
      %dma_wait3A_314 = tpu.memref_slice %arg7[%dma_wait3A_313] : memref<128xi32, #tpu.memory_space<vmem>> -> memref<32xi32, #tpu.memory_space<vmem>>
      %dma_wait3A_315 = arith.constant 0 : i32
      %dma_wait3A_316 = arith.constant 0 : i32
      %dma_wait3A_317 = tpu.memref_slice %arg3[%dma_wait3A_315, %dma_wait3A_316] : memref<100008x16xf32, #tpu.memory_space<hbm>> -> memref<100008x16xf32, #tpu.memory_space<hbm>>
      tpu.wait_indirect_dma semaphore(%arg17 : memref<!tpu.dma_semaphore, #tpu.memory_space<semaphore_mem>>) src(%dma_wait3A_317 : memref<100008x16xf32, #tpu.memory_space<hbm>>) dst(%dma_wait3A_312 : memref<32x16xf32, #tpu.memory_space<vmem>>)
      %get3A_318 = arith.constant 0 : i32
      %get3A_319 = arith.index_cast %get3A_318 : i32 to index
      %get3A_320 = arith.constant 0 : index
      %get3A_321 = tpu.vector_load %arg9[%get3A_319, %get3A_320] {strides = array<i32>} : memref<128x16xf32, #tpu.memory_space<vmem>>, vector<16xf32>,
      %get3A_322 = arith.constant 0 : i32
      %get3A_323 = arith.index_cast %get3A_322 : i32 to index
      %get3A_324 = arith.constant 0 : index
      %get3A_325 = tpu.vector_load %arg10[%get3A_323, %get3A_324] {strides = array<i32>} : memref<128x16xf32, #tpu.memory_space<vmem>>, vector<16xf32>,
      %add3A_326 = arith.addf %get3A_321, %get3A_325 : vector<16xf32>
      %add3A_327 = arith.addf %add3A_326, %get3A_166 : vector<16xf32>
      %swap3A_328 = arith.constant 0 : i32
      %swap3A_329 = arith.index_cast %swap3A_328 : i32 to index
      %swap3A_330 = arith.constant 0 : index
      %swap3A_331 = tpu.vector_load %arg13[%swap3A_329, %swap3A_330] {strides = array<i32>} : memref<16x128xf32, #tpu.memory_space<vmem>>, vector<16xf32>,
      tpu.vector_store %arg13[%swap3A_329, %swap3A_330], %add3A_327 {strides = array<i32>} : memref<16x128xf32, #tpu.memory_space<vmem>>, vector<16xf32>,
      %get3A_332 = arith.constant 1 : i32
      %get3A_333 = arith.index_cast %get3A_332 : i32 to index
      %get3A_334 = arith.constant 0 : index
      %get3A_335 = tpu.vector_load %arg9[%get3A_333, %get3A_334] {strides = array<i32>} : memref<128x16xf32, #tpu.memory_space<vmem>>, vector<16xf32>,
      %get3A_336 = arith.constant 1 : i32
      %get3A_337 = arith.index_cast %get3A_336 : i32 to index
      %get3A_338 = arith.constant 0 : index
      %get3A_339 = tpu.vector_load %arg10[%get3A_337, %get3A_338] {strides = array<i32>} : memref<128x16xf32, #tpu.memory_space<vmem>>, vector<16xf32>,
      %add3A_340 = arith.addf %get3A_335, %get3A_339 : vector<16xf32>
      %add3A_341 = arith.addf %add3A_340, %get3A_166 : vector<16xf32>
      %swap3A_342 = arith.constant 0 : i32
      %swap3A_343 = arith.index_cast %swap3A_342 : i32 to index
      %swap3A_344 = arith.constant 16 : index
      %swap3A_345 = tpu.vector_load %arg13[%swap3A_343, %swap3A_344] {strides = array<i32>} : memref<16x128xf32, #tpu.memory_space<vmem>>, vector<16xf32>,
      tpu.vector_store %arg13[%swap3A_343, %swap3A_344], %add3A_341 {strides = array<i32>} : memref<16x128xf32, #tpu.memory_space<vmem>>, vector<16xf32>,
      %get3A_346 = arith.constant 2 : i32
      %get3A_347 = arith.index_cast %get3A_346 : i32 to index
      %get3A_348 = arith.constant 0 : index
      %get3A_349 = tpu.vector_load %arg9[%get3A_347, %get3A_348] {strides = array<i32>} : memref<128x16xf32, #tpu.memory_space<vmem>>, vector<16xf32>,
      %get3A_350 = arith.constant 2 : i32
      %get3A_351 = arith.index_cast %get3A_350 : i32 to index
      %get3A_352 = arith.constant 0 : index
      %get3A_353 = tpu.vector_load %arg10[%get3A_351, %get3A_352] {strides = array<i32>} : memref<128x16xf32, #tpu.memory_space<vmem>>, vector<16xf32>,
      %add3A_354 = arith.addf %get3A_349, %get3A_353 : vector<16xf32>
      %add3A_355 = arith.addf %add3A_354, %get3A_166 : vector<16xf32>
      %swap3A_356 = arith.constant 0 : i32
      %swap3A_357 = arith.index_cast %swap3A_356 : i32 to index
      %swap3A_358 = arith.constant 32 : index
      %swap3A_359 = tpu.vector_load %arg13[%swap3A_357, %swap3A_358] {strides = array<i32>} : memref<16x128xf32, #tpu.memory_space<vmem>>, vector<16xf32>,
      tpu.vector_store %arg13[%swap3A_357, %swap3A_358], %add3A_355 {strides = array<i32>} : memref<16x128xf32, #tpu.memory_space<vmem>>, vector<16xf32>,
      %get3A_360 = arith.constant 3 : i32
      %get3A_361 = arith.index_cast %get3A_360 : i32 to index
      %get3A_362 = arith.constant 0 : index
      %get3A_363 = tpu.vector_load %arg9[%get3A_361, %get3A_362] {strides = array<i32>} : memref<128x16xf32, #tpu.memory_space<vmem>>, vector<16xf32>,
      %get3A_364 = arith.constant 3 : i32
      %get3A_365 = arith.index_cast %get3A_364 : i32 to index
      %get3A_366 = arith.constant 0 : index
      %get3A_367 = tpu.vector_load %arg10[%get3A_365, %get3A_366] {strides = array<i32>} : memref<128x16xf32, #tpu.memory_space<vmem>>, vector<16xf32>,
      %add3A_368 = arith.addf %get3A_363, %get3A_367 : vector<16xf32>
      %add3A_369 = arith.addf %add3A_368, %get3A_166 : vector<16xf32>
      %swap3A_370 = arith.constant 0 : i32
      %swap3A_371 = arith.index_cast %swap3A_370 : i32 to index
      %swap3A_372 = arith.constant 48 : index
      %swap3A_373 = tpu.vector_load %arg13[%swap3A_371, %swap3A_372] {strides = array<i32>} : memref<16x128xf32, #tpu.memory_space<vmem>>, vector<16xf32>,
      tpu.vector_store %arg13[%swap3A_371, %swap3A_372], %add3A_369 {strides = array<i32>} : memref<16x128xf32, #tpu.memory_space<vmem>>, vector<16xf32>,
      %get3A_374 = arith.constant 4 : i32
      %get3A_375 = arith.index_cast %get3A_374 : i32 to index
      %get3A_376 = arith.constant 0 : index
      %get3A_377 = tpu.vector_load %arg9[%get3A_375, %get3A_376] {strides = array<i32>} : memref<128x16xf32, #tpu.memory_space<vmem>>, vector<16xf32>,
      %get3A_378 = arith.constant 4 : i32
      %get3A_379 = arith.index_cast %get3A_378 : i32 to index
      %get3A_380 = arith.constant 0 : index
      %get3A_381 = tpu.vector_load %arg10[%get3A_379, %get3A_380] {strides = array<i32>} : memref<128x16xf32, #tpu.memory_space<vmem>>, vector<16xf32>,
      %add3A_382 = arith.addf %get3A_377, %get3A_381 : vector<16xf32>
      %add3A_383 = arith.addf %add3A_382, %get3A_166 : vector<16xf32>
      %swap3A_384 = arith.constant 0 : i32
      %swap3A_385 = arith.index_cast %swap3A_384 : i32 to index
      %swap3A_386 = arith.constant 64 : index
      %swap3A_387 = tpu.vector_load %arg13[%swap3A_385, %swap3A_386] {strides = array<i32>} : memref<16x128xf32, #tpu.memory_space<vmem>>, vector<16xf32>,
      tpu.vector_store %arg13[%swap3A_385, %swap3A_386], %add3A_383 {strides = array<i32>} : memref<16x128xf32, #tpu.memory_space<vmem>>, vector<16xf32>,
      %get3A_388 = arith.constant 5 : i32
      %get3A_389 = arith.index_cast %get3A_388 : i32 to index
      %get3A_390 = arith.constant 0 : index
      %get3A_391 = tpu.vector_load %arg9[%get3A_389, %get3A_390] {strides = array<i32>} : memref<128x16xf32, #tpu.memory_space<vmem>>, vector<16xf32>,
      %get3A_392 = arith.constant 5 : i32
      %get3A_393 = arith.index_cast %get3A_392 : i32 to index
      %get3A_394 = arith.constant 0 : index
      %get3A_395 = tpu.vector_load %arg10[%get3A_393, %get3A_394] {strides = array<i32>} : memref<128x16xf32, #tpu.memory_space<vmem>>, vector<16xf32>,
      %add3A_396 = arith.addf %get3A_391, %get3A_395 : vector<16xf32>
      %add3A_397 = arith.addf %add3A_396, %get3A_166 : vector<16xf32>
      %swap3A_398 = arith.constant 0 : i32
      %swap3A_399 = arith.index_cast %swap3A_398 : i32 to index
      %swap3A_400 = arith.constant 80 : index
      %swap3A_401 = tpu.vector_load %arg13[%swap3A_399, %swap3A_400] {strides = array<i32>} : memref<16x128xf32, #tpu.memory_space<vmem>>, vector<16xf32>,
      tpu.vector_store %arg13[%swap3A_399, %swap3A_400], %add3A_397 {strides = array<i32>} : memref<16x128xf32, #tpu.memory_space<vmem>>, vector<16xf32>,
      %get3A_402 = arith.constant 6 : i32
      %get3A_403 = arith.index_cast %get3A_402 : i32 to index
      %get3A_404 = arith.constant 0 : index
      %get3A_405 = tpu.vector_load %arg9[%get3A_403, %get3A_404] {strides = array<i32>} : memref<128x16xf32, #tpu.memory_space<vmem>>, vector<16xf32>,
      %get3A_406 = arith.constant 6 : i32
      %get3A_407 = arith.index_cast %get3A_406 : i32 to index
      %get3A_408 = arith.constant 0 : index
      %get3A_409 = tpu.vector_load %arg10[%get3A_407, %get3A_408] {strides = array<i32>} : memref<128x16xf32, #tpu.memory_space<vmem>>, vector<16xf32>,
      %add3A_410 = arith.addf %get3A_405, %get3A_409 : vector<16xf32>
      %add3A_411 = arith.addf %add3A_410, %get3A_166 : vector<16xf32>
      %swap3A_412 = arith.constant 0 : i32
      %swap3A_413 = arith.index_cast %swap3A_412 : i32 to index
      %swap3A_414 = arith.constant 96 : index
      %swap3A_415 = tpu.vector_load %arg13[%swap3A_413, %swap3A_414] {strides = array<i32>} : memref<16x128xf32, #tpu.memory_space<vmem>>, vector<16xf32>,
      tpu.vector_store %arg13[%swap3A_413, %swap3A_414], %add3A_411 {strides = array<i32>} : memref<16x128xf32, #tpu.memory_space<vmem>>, vector<16xf32>,
      %get3A_416 = arith.constant 7 : i32
      %get3A_417 = arith.index_cast %get3A_416 : i32 to index
      %get3A_418 = arith.constant 0 : index
      %get3A_419 = tpu.vector_load %arg9[%get3A_417, %get3A_418] {strides = array<i32>} : memref<128x16xf32, #tpu.memory_space<vmem>>, vector<16xf32>,
      %get3A_420 = arith.constant 7 : i32
      %get3A_421 = arith.index_cast %get3A_420 : i32 to index
      %get3A_422 = arith.constant 0 : index
      %get3A_423 = tpu.vector_load %arg10[%get3A_421, %get3A_422] {strides = array<i32>} : memref<128x16xf32, #tpu.memory_space<vmem>>, vector<16xf32>,
      %add3A_424 = arith.addf %get3A_419, %get3A_423 : vector<16xf32>
      %add3A_425 = arith.addf %add3A_424, %get3A_166 : vector<16xf32>
      %swap3A_426 = arith.constant 0 : i32
      %swap3A_427 = arith.index_cast %swap3A_426 : i32 to index
      %swap3A_428 = arith.constant 112 : index
      %swap3A_429 = tpu.vector_load %arg13[%swap3A_427, %swap3A_428] {strides = array<i32>} : memref<16x128xf32, #tpu.memory_space<vmem>>, vector<16xf32>,
      tpu.vector_store %arg13[%swap3A_427, %swap3A_428], %add3A_425 {strides = array<i32>} : memref<16x128xf32, #tpu.memory_space<vmem>>, vector<16xf32>,
      %get3A_430 = arith.constant 8 : i32
      %get3A_431 = arith.index_cast %get3A_430 : i32 to index
      %get3A_432 = arith.constant 0 : index
      %get3A_433 = tpu.vector_load %arg9[%get3A_431, %get3A_432] {strides = array<i32>} : memref<128x16xf32, #tpu.memory_space<vmem>>, vector<16xf32>,
      %get3A_434 = arith.constant 8 : i32
      %get3A_435 = arith.index_cast %get3A_434 : i32 to index
      %get3A_436 = arith.constant 0 : index
      %get3A_437 = tpu.vector_load %arg10[%get3A_435, %get3A_436] {strides = array<i32>} : memref<128x16xf32, #tpu.memory_space<vmem>>, vector<16xf32>,
      %add3A_438 = arith.addf %get3A_433, %get3A_437 : vector<16xf32>
      %add3A_439 = arith.addf %add3A_438, %get3A_166 : vector<16xf32>
      %swap3A_440 = arith.constant 1 : i32
      %swap3A_441 = arith.index_cast %swap3A_440 : i32 to index
      %swap3A_442 = arith.constant 0 : index
      %swap3A_443 = tpu.vector_load %arg13[%swap3A_441, %swap3A_442] {strides = array<i32>} : memref<16x128xf32, #tpu.memory_space<vmem>>, vector<16xf32>,
      tpu.vector_store %arg13[%swap3A_441, %swap3A_442], %add3A_439 {strides = array<i32>} : memref<16x128xf32, #tpu.memory_space<vmem>>, vector<16xf32>,
      %get3A_444 = arith.constant 9 : i32
      %get3A_445 = arith.index_cast %get3A_444 : i32 to index
      %get3A_446 = arith.constant 0 : index
      %get3A_447 = tpu.vector_load %arg9[%get3A_445, %get3A_446] {strides = array<i32>} : memref<128x16xf32, #tpu.memory_space<vmem>>, vector<16xf32>,
      %get3A_448 = arith.constant 9 : i32
      %get3A_449 = arith.index_cast %get3A_448 : i32 to index
      %get3A_450 = arith.constant 0 : index
      %get3A_451 = tpu.vector_load %arg10[%get3A_449, %get3A_450] {strides = array<i32>} : memref<128x16xf32, #tpu.memory_space<vmem>>, vector<16xf32>,
      %add3A_452 = arith.addf %get3A_447, %get3A_451 : vector<16xf32>
      %add3A_453 = arith.addf %add3A_452, %get3A_166 : vector<16xf32>
      %swap3A_454 = arith.constant 1 : i32
      %swap3A_455 = arith.index_cast %swap3A_454 : i32 to index
      %swap3A_456 = arith.constant 16 : index
      %swap3A_457 = tpu.vector_load %arg13[%swap3A_455, %swap3A_456] {strides = array<i32>} : memref<16x128xf32, #tpu.memory_space<vmem>>, vector<16xf32>,
      tpu.vector_store %arg13[%swap3A_455, %swap3A_456], %add3A_453 {strides = array<i32>} : memref<16x128xf32, #tpu.memory_space<vmem>>, vector<16xf32>,
      %get3A_458 = arith.constant 10 : i32
      %get3A_459 = arith.index_cast %get3A_458 : i32 to index
      %get3A_460 = arith.constant 0 : index
      %get3A_461 = tpu.vector_load %arg9[%get3A_459, %get3A_460] {strides = array<i32>} : memref<128x16xf32, #tpu.memory_space<vmem>>, vector<16xf32>,
      %get3A_462 = arith.constant 10 : i32
      %get3A_463 = arith.index_cast %get3A_462 : i32 to index
      %get3A_464 = arith.constant 0 : index
      %get3A_465 = tpu.vector_load %arg10[%get3A_463, %get3A_464] {strides = array<i32>} : memref<128x16xf32, #tpu.memory_space<vmem>>, vector<16xf32>,
      %add3A_466 = arith.addf %get3A_461, %get3A_465 : vector<16xf32>
      %add3A_467 = arith.addf %add3A_466, %get3A_166 : vector<16xf32>
      %swap3A_468 = arith.constant 1 : i32
      %swap3A_469 = arith.index_cast %swap3A_468 : i32 to index
      %swap3A_470 = arith.constant 32 : index
      %swap3A_471 = tpu.vector_load %arg13[%swap3A_469, %swap3A_470] {strides = array<i32>} : memref<16x128xf32, #tpu.memory_space<vmem>>, vector<16xf32>,
      tpu.vector_store %arg13[%swap3A_469, %swap3A_470], %add3A_467 {strides = array<i32>} : memref<16x128xf32, #tpu.memory_space<vmem>>, vector<16xf32>,
      %get3A_472 = arith.constant 11 : i32
      %get3A_473 = arith.index_cast %get3A_472 : i32 to index
      %get3A_474 = arith.constant 0 : index
      %get3A_475 = tpu.vector_load %arg9[%get3A_473, %get3A_474] {strides = array<i32>} : memref<128x16xf32, #tpu.memory_space<vmem>>, vector<16xf32>,
      %get3A_476 = arith.constant 11 : i32
      %get3A_477 = arith.index_cast %get3A_476 : i32 to index
      %get3A_478 = arith.constant 0 : index
      %get3A_479 = tpu.vector_load %arg10[%get3A_477, %get3A_478] {strides = array<i32>} : memref<128x16xf32, #tpu.memory_space<vmem>>, vector<16xf32>,
      %add3A_480 = arith.addf %get3A_475, %get3A_479 : vector<16xf32>
      %add3A_481 = arith.addf %add3A_480, %get3A_166 : vector<16xf32>
      %swap3A_482 = arith.constant 1 : i32
      %swap3A_483 = arith.index_cast %swap3A_482 : i32 to index
      %swap3A_484 = arith.constant 48 : index
      %swap3A_485 = tpu.vector_load %arg13[%swap3A_483, %swap3A_484] {strides = array<i32>} : memref<16x128xf32, #tpu.memory_space<vmem>>, vector<16xf32>,
      tpu.vector_store %arg13[%swap3A_483, %swap3A_484], %add3A_481 {strides = array<i32>} : memref<16x128xf32, #tpu.memory_space<vmem>>, vector<16xf32>,
      %get3A_486 = arith.constant 12 : i32
      %get3A_487 = arith.index_cast %get3A_486 : i32 to index
      %get3A_488 = arith.constant 0 : index
      %get3A_489 = tpu.vector_load %arg9[%get3A_487, %get3A_488] {strides = array<i32>} : memref<128x16xf32, #tpu.memory_space<vmem>>, vector<16xf32>,
      %get3A_490 = arith.constant 12 : i32
      %get3A_491 = arith.index_cast %get3A_490 : i32 to index
      %get3A_492 = arith.constant 0 : index
      %get3A_493 = tpu.vector_load %arg10[%get3A_491, %get3A_492] {strides = array<i32>} : memref<128x16xf32, #tpu.memory_space<vmem>>, vector<16xf32>,
      %add3A_494 = arith.addf %get3A_489, %get3A_493 : vector<16xf32>
      %add3A_495 = arith.addf %add3A_494, %get3A_166 : vector<16xf32>
      %swap3A_496 = arith.constant 1 : i32
      %swap3A_497 = arith.index_cast %swap3A_496 : i32 to index
      %swap3A_498 = arith.constant 64 : index
      %swap3A_499 = tpu.vector_load %arg13[%swap3A_497, %swap3A_498] {strides = array<i32>} : memref<16x128xf32, #tpu.memory_space<vmem>>, vector<16xf32>,
      tpu.vector_store %arg13[%swap3A_497, %swap3A_498], %add3A_495 {strides = array<i32>} : memref<16x128xf32, #tpu.memory_space<vmem>>, vector<16xf32>,
      %get3A_500 = arith.constant 13 : i32
      %get3A_501 = arith.index_cast %get3A_500 : i32 to index
      %get3A_502 = arith.constant 0 : index
      %get3A_503 = tpu.vector_load %arg9[%get3A_501, %get3A_502] {strides = array<i32>} : memref<128x16xf32, #tpu.memory_space<vmem>>, vector<16xf32>,
      %get3A_504 = arith.constant 13 : i32
      %get3A_505 = arith.index_cast %get3A_504 : i32 to index
      %get3A_506 = arith.constant 0 : index
      %get3A_507 = tpu.vector_load %arg10[%get3A_505, %get3A_506] {strides = array<i32>} : memref<128x16xf32, #tpu.memory_space<vmem>>, vector<16xf32>,
      %add3A_508 = arith.addf %get3A_503, %get3A_507 : vector<16xf32>
      %add3A_509 = arith.addf %add3A_508, %get3A_166 : vector<16xf32>
      %swap3A_510 = arith.constant 1 : i32
      %swap3A_511 = arith.index_cast %swap3A_510 : i32 to index
      %swap3A_512 = arith.constant 80 : index
      %swap3A_513 = tpu.vector_load %arg13[%swap3A_511, %swap3A_512] {strides = array<i32>} : memref<16x128xf32, #tpu.memory_space<vmem>>, vector<16xf32>,
      tpu.vector_store %arg13[%swap3A_511, %swap3A_512], %add3A_509 {strides = array<i32>} : memref<16x128xf32, #tpu.memory_space<vmem>>, vector<16xf32>,
      %get3A_514 = arith.constant 14 : i32
      %get3A_515 = arith.index_cast %get3A_514 : i32 to index
      %get3A_516 = arith.constant 0 : index
      %get3A_517 = tpu.vector_load %arg9[%get3A_515, %get3A_516] {strides = array<i32>} : memref<128x16xf32, #tpu.memory_space<vmem>>, vector<16xf32>,
      %get3A_518 = arith.constant 14 : i32
      %get3A_519 = arith.index_cast %get3A_518 : i32 to index
      %get3A_520 = arith.constant 0 : index
      %get3A_521 = tpu.vector_load %arg10[%get3A_519, %get3A_520] {strides = array<i32>} : memref<128x16xf32, #tpu.memory_space<vmem>>, vector<16xf32>,
      %add3A_522 = arith.addf %get3A_517, %get3A_521 : vector<16xf32>
      %add3A_523 = arith.addf %add3A_522, %get3A_166 : vector<16xf32>
      %swap3A_524 = arith.constant 1 : i32
      %swap3A_525 = arith.index_cast %swap3A_524 : i32 to index
      %swap3A_526 = arith.constant 96 : index
      %swap3A_527 = tpu.vector_load %arg13[%swap3A_525, %swap3A_526] {strides = array<i32>} : memref<16x128xf32, #tpu.memory_space<vmem>>, vector<16xf32>,
      tpu.vector_store %arg13[%swap3A_525, %swap3A_526], %add3A_523 {strides = array<i32>} : memref<16x128xf32, #tpu.memory_space<vmem>>, vector<16xf32>,
      %get3A_528 = arith.constant 15 : i32
      %get3A_529 = arith.index_cast %get3A_528 : i32 to index
      %get3A_530 = arith.constant 0 : index
      %get3A_531 = tpu.vector_load %arg9[%get3A_529, %get3A_530] {strides = array<i32>} : memref<128x16xf32, #tpu.memory_space<vmem>>, vector<16xf32>,
      %get3A_532 = arith.constant 15 : i32
      %get3A_533 = arith.index_cast %get3A_532 : i32 to index
      %get3A_534 = arith.constant 0 : index
      %get3A_535 = tpu.vector_load %arg10[%get3A_533, %get3A_534] {strides = array<i32>} : memref<128x16xf32, #tpu.memory_space<vmem>>, vector<16xf32>,
      %add3A_536 = arith.addf %get3A_531, %get3A_535 : vector<16xf32>
      %add3A_537 = arith.addf %add3A_536, %get3A_166 : vector<16xf32>
      %swap3A_538 = arith.constant 1 : i32
      %swap3A_539 = arith.index_cast %swap3A_538 : i32 to index
      %swap3A_540 = arith.constant 112 : index
      %swap3A_541 = tpu.vector_load %arg13[%swap3A_539, %swap3A_540] {strides = array<i32>} : memref<16x128xf32, #tpu.memory_space<vmem>>, vector<16xf32>,
      tpu.vector_store %arg13[%swap3A_539, %swap3A_540], %add3A_537 {strides = array<i32>} : memref<16x128xf32, #tpu.memory_space<vmem>>, vector<16xf32>,
      %get3A_542 = arith.constant 16 : i32
      %get3A_543 = arith.index_cast %get3A_542 : i32 to index
      %get3A_544 = arith.constant 0 : index
      %get3A_545 = tpu.vector_load %arg9[%get3A_543, %get3A_544] {strides = array<i32>} : memref<128x16xf32, #tpu.memory_space<vmem>>, vector<16xf32>,
      %get3A_546 = arith.constant 16 : i32
      %get3A_547 = arith.index_cast %get3A_546 : i32 to index
      %get3A_548 = arith.constant 0 : index
      %get3A_549 = tpu.vector_load %arg10[%get3A_547, %get3A_548] {strides = array<i32>} : memref<128x16xf32, #tpu.memory_space<vmem>>, vector<16xf32>,
      %add3A_550 = arith.addf %get3A_545, %get3A_549 : vector<16xf32>
      %add3A_551 = arith.addf %add3A_550, %get3A_166 : vector<16xf32>
      %swap3A_552 = arith.constant 2 : i32
      %swap3A_553 = arith.index_cast %swap3A_552 : i32 to index
      %swap3A_554 = arith.constant 0 : index
      %swap3A_555 = tpu.vector_load %arg13[%swap3A_553, %swap3A_554] {strides = array<i32>} : memref<16x128xf32, #tpu.memory_space<vmem>>, vector<16xf32>,
      tpu.vector_store %arg13[%swap3A_553, %swap3A_554], %add3A_551 {strides = array<i32>} : memref<16x128xf32, #tpu.memory_space<vmem>>, vector<16xf32>,
      %get3A_556 = arith.constant 17 : i32
      %get3A_557 = arith.index_cast %get3A_556 : i32 to index
      %get3A_558 = arith.constant 0 : index
      %get3A_559 = tpu.vector_load %arg9[%get3A_557, %get3A_558] {strides = array<i32>} : memref<128x16xf32, #tpu.memory_space<vmem>>, vector<16xf32>,
      %get3A_560 = arith.constant 17 : i32
      %get3A_561 = arith.index_cast %get3A_560 : i32 to index
      %get3A_562 = arith.constant 0 : index
      %get3A_563 = tpu.vector_load %arg10[%get3A_561, %get3A_562] {strides = array<i32>} : memref<128x16xf32, #tpu.memory_space<vmem>>, vector<16xf32>,
      %add3A_564 = arith.addf %get3A_559, %get3A_563 : vector<16xf32>
      %add3A_565 = arith.addf %add3A_564, %get3A_166 : vector<16xf32>
      %swap3A_566 = arith.constant 2 : i32
      %swap3A_567 = arith.index_cast %swap3A_566 : i32 to index
      %swap3A_568 = arith.constant 16 : index
      %swap3A_569 = tpu.vector_load %arg13[%swap3A_567, %swap3A_568] {strides = array<i32>} : memref<16x128xf32, #tpu.memory_space<vmem>>, vector<16xf32>,
      tpu.vector_store %arg13[%swap3A_567, %swap3A_568], %add3A_565 {strides = array<i32>} : memref<16x128xf32, #tpu.memory_space<vmem>>, vector<16xf32>,
      %get3A_570 = arith.constant 18 : i32
      %get3A_571 = arith.index_cast %get3A_570 : i32 to index
      %get3A_572 = arith.constant 0 : index
      %get3A_573 = tpu.vector_load %arg9[%get3A_571, %get3A_572] {strides = array<i32>} : memref<128x16xf32, #tpu.memory_space<vmem>>, vector<16xf32>,
      %get3A_574 = arith.constant 18 : i32
      %get3A_575 = arith.index_cast %get3A_574 : i32 to index
      %get3A_576 = arith.constant 0 : index
      %get3A_577 = tpu.vector_load %arg10[%get3A_575, %get3A_576] {strides = array<i32>} : memref<128x16xf32, #tpu.memory_space<vmem>>, vector<16xf32>,
      %add3A_578 = arith.addf %get3A_573, %get3A_577 : vector<16xf32>
      %add3A_579 = arith.addf %add3A_578, %get3A_166 : vector<16xf32>
      %swap3A_580 = arith.constant 2 : i32
      %swap3A_581 = arith.index_cast %swap3A_580 : i32 to index
      %swap3A_582 = arith.constant 32 : index
      %swap3A_583 = tpu.vector_load %arg13[%swap3A_581, %swap3A_582] {strides = array<i32>} : memref<16x128xf32, #tpu.memory_space<vmem>>, vector<16xf32>,
      tpu.vector_store %arg13[%swap3A_581, %swap3A_582], %add3A_579 {strides = array<i32>} : memref<16x128xf32, #tpu.memory_space<vmem>>, vector<16xf32>,
      %get3A_584 = arith.constant 19 : i32
      %get3A_585 = arith.index_cast %get3A_584 : i32 to index
      %get3A_586 = arith.constant 0 : index
      %get3A_587 = tpu.vector_load %arg9[%get3A_585, %get3A_586] {strides = array<i32>} : memref<128x16xf32, #tpu.memory_space<vmem>>, vector<16xf32>,
      %get3A_588 = arith.constant 19 : i32
      %get3A_589 = arith.index_cast %get3A_588 : i32 to index
      %get3A_590 = arith.constant 0 : index
      %get3A_591 = tpu.vector_load %arg10[%get3A_589, %get3A_590] {strides = array<i32>} : memref<128x16xf32, #tpu.memory_space<vmem>>, vector<16xf32>,
      %add3A_592 = arith.addf %get3A_587, %get3A_591 : vector<16xf32>
      %add3A_593 = arith.addf %add3A_592, %get3A_166 : vector<16xf32>
      %swap3A_594 = arith.constant 2 : i32
      %swap3A_595 = arith.index_cast %swap3A_594 : i32 to index
      %swap3A_596 = arith.constant 48 : index
      %swap3A_597 = tpu.vector_load %arg13[%swap3A_595, %swap3A_596] {strides = array<i32>} : memref<16x128xf32, #tpu.memory_space<vmem>>, vector<16xf32>,
      tpu.vector_store %arg13[%swap3A_595, %swap3A_596], %add3A_593 {strides = array<i32>} : memref<16x128xf32, #tpu.memory_space<vmem>>, vector<16xf32>,
      %get3A_598 = arith.constant 20 : i32
      %get3A_599 = arith.index_cast %get3A_598 : i32 to index
      %get3A_600 = arith.constant 0 : index
      %get3A_601 = tpu.vector_load %arg9[%get3A_599, %get3A_600] {strides = array<i32>} : memref<128x16xf32, #tpu.memory_space<vmem>>, vector<16xf32>,
      %get3A_602 = arith.constant 20 : i32
      %get3A_603 = arith.index_cast %get3A_602 : i32 to index
      %get3A_604 = arith.constant 0 : index
      %get3A_605 = tpu.vector_load %arg10[%get3A_603, %get3A_604] {strides = array<i32>} : memref<128x16xf32, #tpu.memory_space<vmem>>, vector<16xf32>,
      %add3A_606 = arith.addf %get3A_601, %get3A_605 : vector<16xf32>
      %add3A_607 = arith.addf %add3A_606, %get3A_166 : vector<16xf32>
      %swap3A_608 = arith.constant 2 : i32
      %swap3A_609 = arith.index_cast %swap3A_608 : i32 to index
      %swap3A_610 = arith.constant 64 : index
      %swap3A_611 = tpu.vector_load %arg13[%swap3A_609, %swap3A_610] {strides = array<i32>} : memref<16x128xf32, #tpu.memory_space<vmem>>, vector<16xf32>,
      tpu.vector_store %arg13[%swap3A_609, %swap3A_610], %add3A_607 {strides = array<i32>} : memref<16x128xf32, #tpu.memory_space<vmem>>, vector<16xf32>,
      %get3A_612 = arith.constant 21 : i32
      %get3A_613 = arith.index_cast %get3A_612 : i32 to index
      %get3A_614 = arith.constant 0 : index
      %get3A_615 = tpu.vector_load %arg9[%get3A_613, %get3A_614] {strides = array<i32>} : memref<128x16xf32, #tpu.memory_space<vmem>>, vector<16xf32>,
      %get3A_616 = arith.constant 21 : i32
      %get3A_617 = arith.index_cast %get3A_616 : i32 to index
      %get3A_618 = arith.constant 0 : index
      %get3A_619 = tpu.vector_load %arg10[%get3A_617, %get3A_618] {strides = array<i32>} : memref<128x16xf32, #tpu.memory_space<vmem>>, vector<16xf32>,
      %add3A_620 = arith.addf %get3A_615, %get3A_619 : vector<16xf32>
      %add3A_621 = arith.addf %add3A_620, %get3A_166 : vector<16xf32>
      %swap3A_622 = arith.constant 2 : i32
      %swap3A_623 = arith.index_cast %swap3A_622 : i32 to index
      %swap3A_624 = arith.constant 80 : index
      %swap3A_625 = tpu.vector_load %arg13[%swap3A_623, %swap3A_624] {strides = array<i32>} : memref<16x128xf32, #tpu.memory_space<vmem>>, vector<16xf32>,
      tpu.vector_store %arg13[%swap3A_623, %swap3A_624], %add3A_621 {strides = array<i32>} : memref<16x128xf32, #tpu.memory_space<vmem>>, vector<16xf32>,
      %get3A_626 = arith.constant 22 : i32
      %get3A_627 = arith.index_cast %get3A_626 : i32 to index
      %get3A_628 = arith.constant 0 : index
      %get3A_629 = tpu.vector_load %arg9[%get3A_627, %get3A_628] {strides = array<i32>} : memref<128x16xf32, #tpu.memory_space<vmem>>, vector<16xf32>,
      %get3A_630 = arith.constant 22 : i32
      %get3A_631 = arith.index_cast %get3A_630 : i32 to index
      %get3A_632 = arith.constant 0 : index
      %get3A_633 = tpu.vector_load %arg10[%get3A_631, %get3A_632] {strides = array<i32>} : memref<128x16xf32, #tpu.memory_space<vmem>>, vector<16xf32>,
      %add3A_634 = arith.addf %get3A_629, %get3A_633 : vector<16xf32>
      %add3A_635 = arith.addf %add3A_634, %get3A_166 : vector<16xf32>
      %swap3A_636 = arith.constant 2 : i32
      %swap3A_637 = arith.index_cast %swap3A_636 : i32 to index
      %swap3A_638 = arith.constant 96 : index
      %swap3A_639 = tpu.vector_load %arg13[%swap3A_637, %swap3A_638] {strides = array<i32>} : memref<16x128xf32, #tpu.memory_space<vmem>>, vector<16xf32>,
      tpu.vector_store %arg13[%swap3A_637, %swap3A_638], %add3A_635 {strides = array<i32>} : memref<16x128xf32, #tpu.memory_space<vmem>>, vector<16xf32>,
      %get3A_640 = arith.constant 23 : i32
      %get3A_641 = arith.index_cast %get3A_640 : i32 to index
      %get3A_642 = arith.constant 0 : index
      %get3A_643 = tpu.vector_load %arg9[%get3A_641, %get3A_642] {strides = array<i32>} : memref<128x16xf32, #tpu.memory_space<vmem>>, vector<16xf32>,
      %get3A_644 = arith.constant 23 : i32
      %get3A_645 = arith.index_cast %get3A_644 : i32 to index
      %get3A_646 = arith.constant 0 : index
      %get3A_647 = tpu.vector_load %arg10[%get3A_645, %get3A_646] {strides = array<i32>} : memref<128x16xf32, #tpu.memory_space<vmem>>, vector<16xf32>,
      %add3A_648 = arith.addf %get3A_643, %get3A_647 : vector<16xf32>
      %add3A_649 = arith.addf %add3A_648, %get3A_166 : vector<16xf32>
      %swap3A_650 = arith.constant 2 : i32
      %swap3A_651 = arith.index_cast %swap3A_650 : i32 to index
      %swap3A_652 = arith.constant 112 : index
      %swap3A_653 = tpu.vector_load %arg13[%swap3A_651, %swap3A_652] {strides = array<i32>} : memref<16x128xf32, #tpu.memory_space<vmem>>, vector<16xf32>,
      tpu.vector_store %arg13[%swap3A_651, %swap3A_652], %add3A_649 {strides = array<i32>} : memref<16x128xf32, #tpu.memory_space<vmem>>, vector<16xf32>,
      %get3A_654 = arith.constant 24 : i32
      %get3A_655 = arith.index_cast %get3A_654 : i32 to index
      %get3A_656 = arith.constant 0 : index
      %get3A_657 = tpu.vector_load %arg9[%get3A_655, %get3A_656] {strides = array<i32>} : memref<128x16xf32, #tpu.memory_space<vmem>>, vector<16xf32>,
      %get3A_658 = arith.constant 24 : i32
      %get3A_659 = arith.index_cast %get3A_658 : i32 to index
      %get3A_660 = arith.constant 0 : index
      %get3A_661 = tpu.vector_load %arg10[%get3A_659, %get3A_660] {strides = array<i32>} : memref<128x16xf32, #tpu.memory_space<vmem>>, vector<16xf32>,
      %add3A_662 = arith.addf %get3A_657, %get3A_661 : vector<16xf32>
      %add3A_663 = arith.addf %add3A_662, %get3A_166 : vector<16xf32>
      %swap3A_664 = arith.constant 3 : i32
      %swap3A_665 = arith.index_cast %swap3A_664 : i32 to index
      %swap3A_666 = arith.constant 0 : index
      %swap3A_667 = tpu.vector_load %arg13[%swap3A_665, %swap3A_666] {strides = array<i32>} : memref<16x128xf32, #tpu.memory_space<vmem>>, vector<16xf32>,
      tpu.vector_store %arg13[%swap3A_665, %swap3A_666], %add3A_663 {strides = array<i32>} : memref<16x128xf32, #tpu.memory_space<vmem>>, vector<16xf32>,
      %get3A_668 = arith.constant 25 : i32
      %get3A_669 = arith.index_cast %get3A_668 : i32 to index
      %get3A_670 = arith.constant 0 : index
      %get3A_671 = tpu.vector_load %arg9[%get3A_669, %get3A_670] {strides = array<i32>} : memref<128x16xf32, #tpu.memory_space<vmem>>, vector<16xf32>,
      %get3A_672 = arith.constant 25 : i32
      %get3A_673 = arith.index_cast %get3A_672 : i32 to index
      %get3A_674 = arith.constant 0 : index
      %get3A_675 = tpu.vector_load %arg10[%get3A_673, %get3A_674] {strides = array<i32>} : memref<128x16xf32, #tpu.memory_space<vmem>>, vector<16xf32>,
      %add3A_676 = arith.addf %get3A_671, %get3A_675 : vector<16xf32>
      %add3A_677 = arith.addf %add3A_676, %get3A_166 : vector<16xf32>
      %swap3A_678 = arith.constant 3 : i32
      %swap3A_679 = arith.index_cast %swap3A_678 : i32 to index
      %swap3A_680 = arith.constant 16 : index
      %swap3A_681 = tpu.vector_load %arg13[%swap3A_679, %swap3A_680] {strides = array<i32>} : memref<16x128xf32, #tpu.memory_space<vmem>>, vector<16xf32>,
      tpu.vector_store %arg13[%swap3A_679, %swap3A_680], %add3A_677 {strides = array<i32>} : memref<16x128xf32, #tpu.memory_space<vmem>>, vector<16xf32>,
      %get3A_682 = arith.constant 26 : i32
      %get3A_683 = arith.index_cast %get3A_682 : i32 to index
      %get3A_684 = arith.constant 0 : index
      %get3A_685 = tpu.vector_load %arg9[%get3A_683, %get3A_684] {strides = array<i32>} : memref<128x16xf32, #tpu.memory_space<vmem>>, vector<16xf32>,
      %get3A_686 = arith.constant 26 : i32
      %get3A_687 = arith.index_cast %get3A_686 : i32 to index
      %get3A_688 = arith.constant 0 : index
      %get3A_689 = tpu.vector_load %arg10[%get3A_687, %get3A_688] {strides = array<i32>} : memref<128x16xf32, #tpu.memory_space<vmem>>, vector<16xf32>,
      %add3A_690 = arith.addf %get3A_685, %get3A_689 : vector<16xf32>
      %add3A_691 = arith.addf %add3A_690, %get3A_166 : vector<16xf32>
      %swap3A_692 = arith.constant 3 : i32
      %swap3A_693 = arith.index_cast %swap3A_692 : i32 to index
      %swap3A_694 = arith.constant 32 : index
      %swap3A_695 = tpu.vector_load %arg13[%swap3A_693, %swap3A_694] {strides = array<i32>} : memref<16x128xf32, #tpu.memory_space<vmem>>, vector<16xf32>,
      tpu.vector_store %arg13[%swap3A_693, %swap3A_694], %add3A_691 {strides = array<i32>} : memref<16x128xf32, #tpu.memory_space<vmem>>, vector<16xf32>,
      %get3A_696 = arith.constant 27 : i32
      %get3A_697 = arith.index_cast %get3A_696 : i32 to index
      %get3A_698 = arith.constant 0 : index
      %get3A_699 = tpu.vector_load %arg9[%get3A_697, %get3A_698] {strides = array<i32>} : memref<128x16xf32, #tpu.memory_space<vmem>>, vector<16xf32>,
      %get3A_700 = arith.constant 27 : i32
      %get3A_701 = arith.index_cast %get3A_700 : i32 to index
      %get3A_702 = arith.constant 0 : index
      %get3A_703 = tpu.vector_load %arg10[%get3A_701, %get3A_702] {strides = array<i32>} : memref<128x16xf32, #tpu.memory_space<vmem>>, vector<16xf32>,
      %add3A_704 = arith.addf %get3A_699, %get3A_703 : vector<16xf32>
      %add3A_705 = arith.addf %add3A_704, %get3A_166 : vector<16xf32>
      %swap3A_706 = arith.constant 3 : i32
      %swap3A_707 = arith.index_cast %swap3A_706 : i32 to index
      %swap3A_708 = arith.constant 48 : index
      %swap3A_709 = tpu.vector_load %arg13[%swap3A_707, %swap3A_708] {strides = array<i32>} : memref<16x128xf32, #tpu.memory_space<vmem>>, vector<16xf32>,
      tpu.vector_store %arg13[%swap3A_707, %swap3A_708], %add3A_705 {strides = array<i32>} : memref<16x128xf32, #tpu.memory_space<vmem>>, vector<16xf32>,
      %get3A_710 = arith.constant 28 : i32
      %get3A_711 = arith.index_cast %get3A_710 : i32 to index
      %get3A_712 = arith.constant 0 : index
      %get3A_713 = tpu.vector_load %arg9[%get3A_711, %get3A_712] {strides = array<i32>} : memref<128x16xf32, #tpu.memory_space<vmem>>, vector<16xf32>,
      %get3A_714 = arith.constant 28 : i32
      %get3A_715 = arith.index_cast %get3A_714 : i32 to index
      %get3A_716 = arith.constant 0 : index
      %get3A_717 = tpu.vector_load %arg10[%get3A_715, %get3A_716] {strides = array<i32>} : memref<128x16xf32, #tpu.memory_space<vmem>>, vector<16xf32>,
      %add3A_718 = arith.addf %get3A_713, %get3A_717 : vector<16xf32>
      %add3A_719 = arith.addf %add3A_718, %get3A_166 : vector<16xf32>
      %swap3A_720 = arith.constant 3 : i32
      %swap3A_721 = arith.index_cast %swap3A_720 : i32 to index
      %swap3A_722 = arith.constant 64 : index
      %swap3A_723 = tpu.vector_load %arg13[%swap3A_721, %swap3A_722] {strides = array<i32>} : memref<16x128xf32, #tpu.memory_space<vmem>>, vector<16xf32>,
      tpu.vector_store %arg13[%swap3A_721, %swap3A_722], %add3A_719 {strides = array<i32>} : memref<16x128xf32, #tpu.memory_space<vmem>>, vector<16xf32>,
      %get3A_724 = arith.constant 29 : i32
      %get3A_725 = arith.index_cast %get3A_724 : i32 to index
      %get3A_726 = arith.constant 0 : index
      %get3A_727 = tpu.vector_load %arg9[%get3A_725, %get3A_726] {strides = array<i32>} : memref<128x16xf32, #tpu.memory_space<vmem>>, vector<16xf32>,
      %get3A_728 = arith.constant 29 : i32
      %get3A_729 = arith.index_cast %get3A_728 : i32 to index
      %get3A_730 = arith.constant 0 : index
      %get3A_731 = tpu.vector_load %arg10[%get3A_729, %get3A_730] {strides = array<i32>} : memref<128x16xf32, #tpu.memory_space<vmem>>, vector<16xf32>,
      %add3A_732 = arith.addf %get3A_727, %get3A_731 : vector<16xf32>
      %add3A_733 = arith.addf %add3A_732, %get3A_166 : vector<16xf32>
      %swap3A_734 = arith.constant 3 : i32
      %swap3A_735 = arith.index_cast %swap3A_734 : i32 to index
      %swap3A_736 = arith.constant 80 : index
      %swap3A_737 = tpu.vector_load %arg13[%swap3A_735, %swap3A_736] {strides = array<i32>} : memref<16x128xf32, #tpu.memory_space<vmem>>, vector<16xf32>,
      tpu.vector_store %arg13[%swap3A_735, %swap3A_736], %add3A_733 {strides = array<i32>} : memref<16x128xf32, #tpu.memory_space<vmem>>, vector<16xf32>,
      %get3A_738 = arith.constant 30 : i32
      %get3A_739 = arith.index_cast %get3A_738 : i32 to index
      %get3A_740 = arith.constant 0 : index
      %get3A_741 = tpu.vector_load %arg9[%get3A_739, %get3A_740] {strides = array<i32>} : memref<128x16xf32, #tpu.memory_space<vmem>>, vector<16xf32>,
      %get3A_742 = arith.constant 30 : i32
      %get3A_743 = arith.index_cast %get3A_742 : i32 to index
      %get3A_744 = arith.constant 0 : index
      %get3A_745 = tpu.vector_load %arg10[%get3A_743, %get3A_744] {strides = array<i32>} : memref<128x16xf32, #tpu.memory_space<vmem>>, vector<16xf32>,
      %add3A_746 = arith.addf %get3A_741, %get3A_745 : vector<16xf32>
      %add3A_747 = arith.addf %add3A_746, %get3A_166 : vector<16xf32>
      %swap3A_748 = arith.constant 3 : i32
      %swap3A_749 = arith.index_cast %swap3A_748 : i32 to index
      %swap3A_750 = arith.constant 96 : index
      %swap3A_751 = tpu.vector_load %arg13[%swap3A_749, %swap3A_750] {strides = array<i32>} : memref<16x128xf32, #tpu.memory_space<vmem>>, vector<16xf32>,
      tpu.vector_store %arg13[%swap3A_749, %swap3A_750], %add3A_747 {strides = array<i32>} : memref<16x128xf32, #tpu.memory_space<vmem>>, vector<16xf32>,
      %get3A_752 = arith.constant 31 : i32
      %get3A_753 = arith.index_cast %get3A_752 : i32 to index
      %get3A_754 = arith.constant 0 : index
      %get3A_755 = tpu.vector_load %arg9[%get3A_753, %get3A_754] {strides = array<i32>} : memref<128x16xf32, #tpu.memory_space<vmem>>, vector<16xf32>,
      %get3A_756 = arith.constant 31 : i32
      %get3A_757 = arith.index_cast %get3A_756 : i32 to index
      %get3A_758 = arith.constant 0 : index
      %get3A_759 = tpu.vector_load %arg10[%get3A_757, %get3A_758] {strides = array<i32>} : memref<128x16xf32, #tpu.memory_space<vmem>>, vector<16xf32>,
      %add3A_760 = arith.addf %get3A_755, %get3A_759 : vector<16xf32>
      %add3A_761 = arith.addf %add3A_760, %get3A_166 : vector<16xf32>
      %swap3A_762 = arith.constant 3 : i32
      %swap3A_763 = arith.index_cast %swap3A_762 : i32 to index
      %swap3A_764 = arith.constant 112 : index
      %swap3A_765 = tpu.vector_load %arg13[%swap3A_763, %swap3A_764] {strides = array<i32>} : memref<16x128xf32, #tpu.memory_space<vmem>>, vector<16xf32>,
      tpu.vector_store %arg13[%swap3A_763, %swap3A_764], %add3A_761 {strides = array<i32>} : memref<16x128xf32, #tpu.memory_space<vmem>>, vector<16xf32>,
      "tpu.region"() ({
        %run_scoped3A = tpu.sem_alloc : memref<!tpu.dma_semaphore, #tpu.memory_space<semaphore_mem>>
        %dma_start3A_766 = arith.constant 0 : i32
        %dma_start3A_767 = arith.constant 0 : i32
        %dma_start3A_768 = tpu.memref_slice %arg13[%dma_start3A_766, %dma_start3A_767] : memref<16x128xf32, #tpu.memory_space<vmem>> -> memref<4x128xf32, #tpu.memory_space<vmem>>
        %dma_start3A_769 = arith.constant 12496 : i32
        %dma_start3A_770 = arith.constant 0 : i32
        %dma_start3A_771 = tpu.memref_slice %arg6[%dma_start3A_769, %dma_start3A_770] : memref<12500x128xf32, #tpu.memory_space<hbm>> -> memref<4x128xf32, #tpu.memory_space<hbm>>
        %dma_start3A_772 = arith.constant 12496 : i32
        %dma_start3A_773 = arith.constant 0 : i32
        %dma_start3A_774 = tpu.memref_slice %arg6[%dma_start3A_772, %dma_start3A_773] : memref<12500x128xf32, #tpu.memory_space<hbm>> -> memref<4x128xf32, #tpu.memory_space<hbm>>
        %dma_start3A_775 = arith.constant 0 : i32
        %dma_start3A_776 = arith.constant 0 : i32
        %dma_start3A_777 = tpu.memref_slice %arg13[%dma_start3A_775, %dma_start3A_776] : memref<16x128xf32, #tpu.memory_space<vmem>> -> memref<4x128xf32, #tpu.memory_space<vmem>>
        tpu.enqueue_dma source(%dma_start3A_777 : memref<4x128xf32, #tpu.memory_space<vmem>>) target(%dma_start3A_774 : memref<4x128xf32, #tpu.memory_space<hbm>>) target_semaphore(%run_scoped3A : memref<!tpu.dma_semaphore, #tpu.memory_space<semaphore_mem>>)
        %dma_wait3A_778 = arith.constant 0 : i32
        %dma_wait3A_779 = arith.constant 0 : i32
        %dma_wait3A_780 = tpu.memref_slice %arg13[%dma_wait3A_778, %dma_wait3A_779] : memref<16x128xf32, #tpu.memory_space<vmem>> -> memref<4x128xf32, #tpu.memory_space<vmem>>
        %dma_wait3A_781 = arith.constant 12496 : i32
        %dma_wait3A_782 = arith.constant 0 : i32
        %dma_wait3A_783 = tpu.memref_slice %arg6[%dma_wait3A_781, %dma_wait3A_782] : memref<12500x128xf32, #tpu.memory_space<hbm>> -> memref<4x128xf32, #tpu.memory_space<hbm>>
        %dma_wait3A_784 = arith.constant 12496 : i32
        %dma_wait3A_785 = arith.constant 0 : i32
        %dma_wait3A_786 = tpu.memref_slice %arg6[%dma_wait3A_784, %dma_wait3A_785] : memref<12500x128xf32, #tpu.memory_space<hbm>> -> memref<4x128xf32, #tpu.memory_space<hbm>>
        %dma_wait3A_787 = arith.constant 0 : i32
        %dma_wait3A_788 = arith.constant 0 : i32
        %dma_wait3A_789 = tpu.memref_slice %arg13[%dma_wait3A_787, %dma_wait3A_788] : memref<16x128xf32, #tpu.memory_space<vmem>> -> memref<4x128xf32, #tpu.memory_space<vmem>>
        tpu.wait_dma2 semaphore(%run_scoped3A : memref<!tpu.dma_semaphore, #tpu.memory_space<semaphore_mem>>) src(%dma_wait3A_789 : memref<4x128xf32, #tpu.memory_space<vmem>>) dst(%dma_wait3A_786 : memref<4x128xf32, #tpu.memory_space<hbm>>)
        tpu.yield
      }) : () -> ()
    } else {
    }
    return
  }
}

</mosaic_0001>

<sc_bundles>
// kernel: kernel.4.cloned.1.call-start
scs
__scs_entry_jumppad:
0x0: {  	(pc) =	sbr.rel $0x88, $3  }
0x1: {  	(tag) =	ssettag $0x0;
	lr =	simm.s32 $0x1  }
0x2: {  	[smem:$0x3F9E] =	sst lr;
	_ =	strace $0xD0000000  }
0x3: {  	_ = 	snop  }
0x4: {  	_ = 	snop  }
0x5: {  	_ = 	snop  }
0x6: {  	_ = 	snop  }
0x7: {  	_ = 	snop  }
__scs_overlays_trampoline_lowered:
0x8: {  	[smem:$0x3FAD] =	sst s0  }
0x9: {  	[smem:$0x3FAE] =	sst s1  }
0xa: {  	[smem:$0x3FAF] =	sst s2  }
0xb: {  	[smem:$0x3FB0] =	sst s3  }
0xc: {  	[smem:$0x3FB1] =	sst s4  }
0xd: {  	[smem:$0x3FB2] =	sst s5  }
0xe: {  	[smem:$0x3FB3] =	sst s6  }
0xf: {  	[smem:$0x3FB4] =	sst s7  }
0x10: {  	[smem:$0x3FB5] =	sst s8  }
0x11: {  	[smem:$0x3FB6] =	sst s9;
	s0 =	simm.s32 @!p0 $0x0  }
0x12: {  	s1 =	sld [smem:$0x3F9C];
	s0 =	simm.s32 @p0 $0x1  }
0x13: {  	[smem:$0x3FB7] =	sst s0;
	s0 =	simm.s32 @!p1 $0x0  }
0x14: {  	s2 =	sld [smem:$0x3F9B];
	s0 =	simm.s32 @p1 $0x1  }
0x15: {  	[smem:$0x3FB8] =	sst s0;
	s0 =	simm.s32 @!p2 $0x0  }
0x16: {  	s3 =	sld [smem:$0x3FDB];
	s0 =	simm.s32 @p2 $0x1  }
0x17: {  	s4 =	simm.s32 $0x1BF5;
	[smem:$0x3FBA] =	sst s0  }
0x18: {  	s0 =	sld [smem:$0x3F9D];
	_ =	swait.ge [sflag:s4], $0x0  }
0x19: {  	s7 =	sld [smem:$0x3F9E]  }
0x1a: {  	s8 =	sadd.s32 $0xFFFFE003, lr  }
0x1b: {  	s9 =	sadd.s32 $0xFFFFFEF7, lr;
	s5 =	simm.s32 $0xFFFFFFFF;
	p2 =	slt.u32 s8, $0xFFFFF086  }
0x1c: {  	p1 =	slt.u32 s9, $0xF7A;
	s5 =	simm.s32 @!p2 $0x0  }
0x1d: {  	s5 =	simm.s32 @p1 $0x1;
	p0 =	seq.s32 s7, s2  }
0x1e: {  	s7 =	smul.u32 @!p0 $0xF7A, s2;
	p2 =	seq.s32 @!p0 s5, $0x0  }
0x1f: {  	s9 =	smul.u32 $0xF7A, s1;
	s8 =	simm.s32 @!p0 $0x1BF5;
	p2 =	por !p2, p0  }
0x20: {  	[sflag:s8] =	ssyncset.s32 @!p0 $0xFFFFF086;
	s6 =	sadd.s32 @!p0 s3, s7;
	s7 =	simm.s32 @!p0 $0x108  }
0x21: {  	s3 =	sadd.s32 s3, s9;
	s6 =	sadd.s32 @!p0 $0x88, s6;
	s7 =	simm.s32 @p2 $0x1082  }
0x22: {  	[simem:s7], [sflag:s8] =	dma.local @!p0 [hbm:s6], $0xF7A  }
0x23: {  	s9 =	sor.u32 $0xD0000000, s2;
	s6 =	simm.s32 $0x108;
	_ =	swait.ge @!p0 [sflag:s8], $0x0  }
0x24: {  	s3 =	sadd.s32 $0x88, s3;
	s6 =	simm.s32 @!p1 $0x1082;
	[sflag:s4] =	ssyncset.s32 $0xFFFFF086  }
0x25: {  	[simem:s6], [sflag:s4] =	dma.local [hbm:s3], $0xF7A  }
0x26: {  	[smem:$0x3F9E] =	sst s1;
	(tag) =	ssettag s2;
	_ =	strace s9  }
0x27: {  	s1 =	sld [smem:$0x3FAE]  }
0x28: {  	s2 =	sld [smem:$0x3FAF]  }
0x29: {  	s4 =	sld [smem:$0x3FB1]  }
0x2a: {  	p0 =	seq.s32 s5, $0x0;
	s5 =	sld [smem:$0x3FB2]  }
0x2b: {  	s6 =	sld [smem:$0x3FB3]  }
0x2c: {  	s7 =	sld [smem:$0x3FB4]  }
0x2d: {  	s3 =	simm.s32 $0x108;
	s8 =	sld [smem:$0x3FB5]  }
0x2e: {  	s3 =	simm.s32 @!p0 $0x1082;
	s9 =	sld [smem:$0x3FB6]  }
0x2f: {  	lr =	sadd.s32 s0, s3;
	s0 =	sld [smem:$0x3FAD]  }
0x30: {  	s3 =	sld [smem:$0x3FB0]  }
0x31: {  	[smem:$0x3FB9] =	sst s10  }
0x32: {  	s10 =	sld [smem:$0x3FB7];
	_ =	sdelay $0x3  }
0x33: {  	p0 =	seq.s32 s10, $0x1;
	s10 =	sld [smem:$0x3FB9];
	_ =	sdelay $0x3  }
0x34: {  	[smem:$0x3FB9] =	sst s10  }
0x35: {  	s10 =	sld [smem:$0x3FB8];
	_ =	sdelay $0x3  }
0x36: {  	p1 =	seq.s32 s10, $0x1;
	s10 =	sld [smem:$0x3FB9];
	_ =	sdelay $0x3  }
0x37: {  	[smem:$0x3FB9] =	sst s10  }
0x38: {  	s10 =	sld [smem:$0x3FBA]  }
0x39: {  	_ = 	snop;
	(pc) =	sbr.ind lr, $3  }
0x3a: {  	_ = 	snop  }
0x3b: {  	_ = 	snop  }
0x3c: {  	p2 =	seq.s32 s10, $0x1;
	s10 =	sld [smem:$0x3FB9]  }
0x3d: {  	_ =	shalt  }
0x3e: {  	_ =	shalt  }
0x3f: {  	_ =	shalt  }
0x40: {  	_ =	shalt  }
0x41: {  	_ =	shalt  }
0x42: {  	_ =	shalt  }
0x43: {  	_ =	shalt  }
0x44: {  	_ =	shalt  }
0x45: {  	_ =	shalt  }
0x46: {  	_ =	shalt  }
0x47: {  	_ =	shalt  }
0x48: {  	_ =	shalt  }
0x49: {  	_ =	shalt  }
0x4a: {  	_ =	shalt  }
0x4b: {  	_ =	shalt  }
0x4c: {  	_ =	shalt  }
0x4d: {  	_ =	shalt  }
0x4e: {  	_ =	shalt  }
0x4f: {  	_ =	shalt  }
0x50: {  	_ =	shalt  }
0x51: {  	_ =	shalt  }
0x52: {  	_ =	shalt  }
0x53: {  	_ =	shalt  }
0x54: {  	_ =	shalt  }
0x55: {  	_ =	shalt  }
0x56: {  	_ =	shalt  }
0x57: {  	_ =	shalt  }
0x58: {  	_ =	shalt  }
0x59: {  	_ =	shalt  }
0x5a: {  	_ =	shalt  }
0x5b: {  	_ =	shalt  }
0x5c: {  	_ =	shalt  }
0x5d: {  	_ =	shalt  }
0x5e: {  	_ =	shalt  }
0x5f: {  	_ =	shalt  }
0x60: {  	_ =	shalt  }
0x61: {  	_ =	shalt  }
0x62: {  	_ =	shalt  }
0x63: {  	_ =	shalt  }
0x64: {  	_ =	shalt  }
0x65: {  	_ =	shalt  }
0x66: {  	_ =	shalt  }
0x67: {  	_ =	shalt  }
0x68: {  	_ =	shalt  }
0x69: {  	_ =	shalt  }
0x6a: {  	_ =	shalt  }
0x6b: {  	_ =	shalt  }
0x6c: {  	_ =	shalt  }
0x6d: {  	_ =	shalt  }
0x6e: {  	_ =	shalt  }
0x6f: {  	_ =	shalt  }
0x70: {  	_ =	shalt  }
0x71: {  	_ =	shalt  }
0x72: {  	_ =	shalt  }
0x73: {  	_ =	shalt  }
0x74: {  	_ =	shalt  }
0x75: {  	_ =	shalt  }
0x76: {  	_ =	shalt  }
0x77: {  	_ =	shalt  }
0x78: {  	_ =	shalt  }
0x79: {  	_ =	shalt  }
0x7a: {  	_ =	shalt  }
0x7b: {  	_ =	shalt  }
0x7c: {  	_ =	shalt  }
0x7d: {  	_ =	shalt  }
0x7e: {  	_ =	shalt  }
0x7f: {  	_ =	shalt  }
0x80: {  	_ =	shalt  }
0x81: {  	_ =	shalt  }
0x82: {  	_ =	shalt  }
0x83: {  	_ =	shalt  }
0x84: {  	_ =	shalt  }
0x85: {  	_ =	shalt  }
0x86: {  	_ =	shalt  }
0x87: {  	_ =	shalt  }
.Lfunc_end0:
.L_simem_size_0:
called_computation_lowered:
.L_overlay_start_0:
0x88: {  	s2 =	sld [smem:$0x3FD9]  }
0x89: {  	s3 =	sld [smem:$0x3FFE];
	_ =	sdelay $0x1  }
0x8a: {  	s1 =	srdreg.scid  }
0x8b: {  	s0 =	sand.u32 $0x1, s1  }
0x8c: {  	s17 =	sshll.u32 s0, $0xA;
	s2 =	sadd.s32 s3, s2  }
0x8d: {  	s2 =	sadd.s32 s2, s17  }
0x8e: {  	[smem:$0x3FC5] =	sst s2  }
0x8f: {  	_ = 	snop  }
0x90: {  	s2 =	sld [smem:$0x3FD0];
	(tm) =	ssettm $0x1  }
0x91: {  	s18 =	sld [smem:$0x3FFB];
	_ =	sdelay $0x3  }
0x92: {  	_ =	strace s18  }
0x93: {  	s3 =	sld [smem:$0x3FFC];
	_ =	sdelay $0x3  }
0x94: {  	_ =	strace s3  }
0x95: {  	s3 =	sld [smem:$0x3FFD];
	_ =	sdelay $0x3  }
0x96: {  	_ =	strace s3  }
0x97: {  	_ =	strace $0x8FFFFFFF  }
0x98: {  	s19 =	sld [smem:$0x3FDB];
	_ =	sdelay $0x1  }
0x99: {  	s4 =	simm.s32 $_scs_section_size  }
0x9a: {  	s5 =	simm.s32 $_size__tile_overlayer_lowered;
	s6 =	simm.s32 $_tile_overlayer_lowered  }
0x9b: {  	s22 =	simm.s32 $0x1BFF;
	s21 =	sshll.u32 s6, $0x1;
	s3 =	sadd.s32 s4, s19  }
0x9c: {  	s7 =	simm.s32 $0x0;
	s20 =	sshll.u32 s5, $0x1;
	s5 =	sadd.s32 s21, s3  }
0x9d: {  	[timem:s7], [sflag:s22] =	dma.local [hbm:s5], s20  }
0x9e: {  	_ =	swait.ge [sflag:s22], s20  }
0x9f: {  	s4 =	ssub.s32 $0x0, s20;
	[sflag:s22] =	ssyncset.done $0x0  }
0xa0: {  	[sflag:s22] =	ssyncadd.s32 s4;
	_ =	sdelay $0x1  }
0xa1: {  	s23 =	simm.s32 $0x1B8B  }
0xa2: {  	_ =	swait.ge [sflag:s23], $0x1  }
0xa3: {  	[sflag:s23] =	ssyncset.done $0x0  }
0xa4: {  	s25 =	simm.s32 $0x1B8E;
	s24 =	sld [smem:$0x3FFE];
	[sflag:s23] =	ssyncadd.s32 $0xFFFFFFFF  }
0xa5: {  	s26 =	simm.s32 $execute0_lowered;
	[smem:$0x3FD2] =	sst s25  }
0xa6: {  	s5 =	sshll.u32 s26, $0x1;
	_ =	strace $0x80000046;
	[dreg:$0x1] =	wrdreg $0xFFFFFFFF  }
0xa7: {  	s28 =	simm.s32 $_size_execute0_lowered;
	s3 =	sadd.s32 s3, s5;
	[dreg:$0x0] =	wrdreg $0x0  }
0xa8: {  	s5 =	sshll.u32 s28, $0x1;
	[dreg:$0x2] =	wrdreg s3  }
0xa9: {  	[dreg:$0x3] =	wrdreg s5  }
0xaa: {  	[dreg:$0x4] =	wrdreg $0xC0  }
0xab: {  	_ =	task [dreg:s7], $0x5FFFF  }
0xac: {  	[dreg:$0x1] =	wrdreg $0xFFFFFFFF  }
0xad: {  	[dreg:$0x0] =	wrdreg $0x60  }
0xae: {  	[dreg:$0x2] =	wrdreg s24  }
0xaf: {  	[dreg:$0x3] =	wrdreg s2  }
0xb0: {  	[dreg:$0x4] =	wrdreg $0x48100  }
0xb1: {  	[dreg:$0x5] =	wrdreg $0x9  }
0xb2: {  	_ =	task.clear_ibuf [dreg:s7], $0x6FFFF;
	_ =	strace $0x90000046  }
0xb3: {  	s29 =	simm.s32 $0x9;
	_ =	strace $0x80000048  }
0xb4: {  	_ =	swait.ge [sflag:s29], $0x1  }
0xb5: {  	[sflag:s29] =	ssyncadd.s32 $0xFFFFFFFF  }
0xb6: {  	_ =	strace $0x90000048  }
0xb7: {  	_ =	sfence  }
0xb8: {  	s30 =	sld [smem:$0x0];
	_ =	sdelay $0x2  }
0xb9: {  	s31 =	sshll.u32 s1, $0xD;
	s1 =	sshrl.u32 s1, $0x2  }
0xba: {  	s3 =	sand.u32 $0x4000, s31;
	s1 =	sadd.s32 s1, s30  }
0xbb: {  	s0 =	sor.u32 s3, s0;
	s1 =	sshll.u32 s1, $0x11  }
0xbc: {  	s0 =	sor.u32 s1, s0  }
0xbd: {  	s0 =	sadd.s32 $0x8F2B, s0  }
0xbe: {  	[sflag:s0] =	ssyncadd.remote.s32 $0x1  }
0xbf: {  	_ =	sfence.sel $0xFFFF  }
0xc0: {  	[dreg:$0x0] =	wrdreg $0xFFFFFFFF;
	(pc) =	sbr.abs _section_cstart, $3  }
0xc1: {  	[dreg:$0x1] =	wrdreg $0xFFFFFFFF  }
0xc2: {  	_ =	task.clear_ibuf [dreg:s7], $0x2FFFF;
	_ =	strace $0x9FFFFFFF  }
0xc3: {  	(tm) =	ssettm $0x7FFFFFFF  }
tec
execute0_lowered:
.L_overlay_start_1:
0x0: {  	(tag) =	ssettag $0x1  }
0x1: {  	s0 =	rddreg [dreg:$0x0]  }
0x2: {  	s3 =	srdreg.scid;
	s13 =	stileid.u32  }
0x3: {  	s1 =	rddreg [dreg:$0x1];
	s3 =	sand.u32 $0x1, s3;
	s21 =	smul.u32 $0x61C00, s13  }
0x4: {  	s2 =	rddreg [dreg:$0x2];
	s10 =	smul.u32 $0x18700, s13;
	s5 =	sshll.u32 s3, $0x4  }
0x5: {  	s4 =	simm.s32 $0x0;
	s6 =	sor.u32 s13, s5;
	s5 =	sshrl.u32 s21, $0x2  }
0x6: {  	[smem:$0x7FF] =	sst s4;
	s24 =	sadd.s32 s10, s2;
	s12 =	sadd.s32 s5, s2  }
0x7: {  	_ =	strace $0x80000047;
	[dreg:$0x4] =	wrdreg s24;
	s5 =	sadd.s32 $0x2000, s12  }
0x8: {  	s28 =	simm.s32 $0x7;
	s22 =	sadd.s32 $0x4000, s12;
	[dreg:$0x5] =	wrdreg s5  }
0x9: {  	s30 =	simm.s32 $0x1;
	s23 =	sadd.s32 $0x6000, s12;
	[dreg:$0x6] =	wrdreg s22  }
0xa: {  	s31 =	simm.s32 $0x80;
	s25 =	sadd.s32 $0x8000, s12;
	[dreg:$0x7] =	wrdreg s23  }
0xb: {  	s9 =	ssub.s32 $0x2, s3;
	s26 =	sadd.s32 $0xA000, s12;
	[dreg:$0x8] =	wrdreg s25  }
0xc: {  	s11 =	sshrl.u32 s9, $0x1;
	s29 =	sadd.s32 $0xC000, s12;
	[dreg:$0x9] =	wrdreg s26  }
0xd: {  	s9 =	ssub.s32 s9, s11;
	s11 =	sadd.s32 $0xE000, s12;
	[dreg:$0xa] =	wrdreg s29  }
0xe: {  	s7 =	sadd.s32 $0x1C00, s0;
	s14 =	sadd.s32 $0x10000, s12;
	[dreg:$0xb] =	wrdreg s11  }
0xf: {  	p0 =	seq.s32 s3, $0x1;
	s15 =	sadd.s32 $0x12000, s12;
	[dreg:$0xc] =	wrdreg s14  }
0x10: {  	s10 =	sshrl.u32 s10, $0x3;
	s16 =	sadd.s32 $0x14000, s12;
	[dreg:$0xd] =	wrdreg s15  }
0x11: {  	s8 =	sshll.u32 s6, $0x1;
	s17 =	sadd.s32 $0x16000, s12;
	[dreg:$0xe] =	wrdreg s16  }
0x12: {  	s18 =	sshll.u32 s6, $0x6;
	s19 =	sadd.s32 $0x18000, s12;
	[dreg:$0xf] =	wrdreg s17  }
0x13: {  	s8 =	sadd.s32 s8, s0;
	s20 =	sadd.s32 s7, s18;
	[dreg:$0x10] =	wrdreg s19  }
0x14: {  	s12 =	simm.s32 $0x400;
	s11 =	simm.s32 $0x94600;
	[dreg:$0x11] =	wrdreg s20  }
0x15: {  	s21 =	sadd.s32 $0x30D40, s20;
	s22 =	sshll.u32 s3, $0xA;
	s23 =	sadd.s32 $0xC5400, s8  }
0x16: {  	s25 =	smax.u32 s9, $0x1;
	s26 =	sor.u32 $0x20, s6;
	s29 =	sshll.u32 s13, $0x6  }
0x17: {  	s3 =	simm.s32 $0x1000;
	s8 =	simm.s32 $0x100;
	s9 =	simm.s32 $0x180  }
0x18: {  	s13 =	simm.s32 $0x2800;
	s14 =	simm.s32 $0x480;
	[dreg:$0x13] =	wrdreg s21  }
0x19: {  	s15 =	simm.s32 $0x3000;
	s16 =	simm.s32 $0x500;
	[dreg:$0x14] =	wrdreg s23  }
0x1a: {  	s17 =	simm.s32 $0x3800;
	s19 =	simm.s32 $0x580;
	[dreg:$0x15] =	wrdreg s25  }
0x1b: {  	s20 =	simm.s32 $0x4000;
	s11 =	simm.s32 @!p0 $0x63800;
	[dreg:$0x16] =	wrdreg s26  }
.Ltmp0:
0x1c: {  	p0 =	sgt.u32 s6, $0x14;
	[dreg:$0x17] =	wrdreg s29;
	(pc) =	sbr.rel .LBB2_1-.Ltmp0, $4  }
0x1d: {  	s26 =	simm.s32 $0x800;
	s6 =	simm.s32 $0x2000;
	s0 =	sadd.s32 s11, s0  }
0x1e: {  	s21 =	simm.s32 $0x0;
	s11 =	simm.s32 $0x4;
	s0 =	sadd.s32 s0, s10  }
0x1f: {  	s10 =	simm.s32 $0x5;
	[dreg:$0x12] =	wrdreg s0;
	s0 =	sadd.s32 s22, s7  }
0x20: {  	v0 =	vimm.f32 $0.0e+00;
	v1 =	vimm.s32 $0x186A0;
	s7 =	simm.s32 $0x3;
	s25 =	sadd.s32 s29, s0;
	s0 =	simm.s32 $0x1800  }
.LBB2_7:
0x21: {  	s5 =	simm.s32 @!p0 $0x6  }
0x22: {  	_ =	swait.ge @!p0 [sflag:s5], $0x800  }
0x23: {  	[sflag:s5] =	ssyncset.done @!p0 $0x0  }
0x24: {  	[sflag:s5] =	ssyncadd.s32 @!p0 $0xFFFFF800  }
0x25: {  	_ =	swait.ge @!p0 [sflag:s5], $0x800  }
0x26: {  	[sflag:s5] =	ssyncset.done @!p0 $0x0  }
0x27: {  	[sflag:s5] =	ssyncadd.s32 @!p0 $0xFFFFF800  }
0x28: {  	_ =	swait.ge @!p0 [sflag:s5], $0x800  }
0x29: {  	[sflag:s5] =	ssyncset.done @!p0 $0x0  }
0x2a: {  	[sflag:s5] =	ssyncadd.s32 @!p0 $0xFFFFF800  }
0x2b: {  	_ =	swait.ge @!p0 [sflag:s5], $0x800  }
0x2c: {  	[sflag:s5] =	ssyncset.done @!p0 $0x0  }
0x2d: {  	s18 =	simm.s32 $0x4800;
	s29 =	rddreg [dreg:$0x14];
	[sflag:s5] =	ssyncadd.s32 @!p0 $0xFFFFF800  }
0x2e: {  	[hbm4b:s29+s4] =	stream.linear.scatter [tilespmem:s18], [sflag:$0x7], $0x10, $0x38;
	[tilespmem:$0x1CF10] =	vst v63  }
0x2f: {  	_ =	swait.ge [sflag:s28], $0x10  }
0x30: {  	[sflag:s28] =	ssyncset.done $0x0  }
0x31: {  	[sflag:s28] =	ssyncadd.s32 $0xFFFFFFF0  }
0x32: {  	[bflag:$0x0] =	sbarrier.arrive $0xFFFF  }
0x33: {  	s22 =	rddreg [dreg:$0x17]  }
0x34: {  	s24 =	rddreg [dreg:$0x4]  }
0x35: {  	s5 =	sor.u32 $0x1C07, s22;
	s23 =	sshrl.u32 s24, $0x3;
	s22 =	rddreg [dreg:$0x12]  }
0x36: {  	[hbm:s22], [sflag:s5] =	dma.local [spmem:s23], $0x30E0  }
0x37: {  	_ =	swait.ge [sflag:s28], $0x30E0  }
0x38: {  	s21 =	sadd.s32 $0x1, s21;
	s29 =	rddreg [dreg:$0x15]  }
0x39: {  	p1 =	sne.s32 s21, s29  }
.Ltmp1:
0x3a: {  	_ = 	snop;
	(pc) =	sbr.rel @!p1 .LBB2_8-.Ltmp1, $3  }
0x3b: {  	_ =	sdelay $0x1  }
0x3c: {  	[sflag:s28] =	ssyncset.done $0x0  }
0x3d: {  	[sflag:s28] =	ssyncadd.s32 $0xFFFFCF20  }
.LBB2_1:
0x3e: {  	s22 =	simm.s32 $0x40;
	s23 =	simm.s32 $0x0  }
.LBB2_2:
0x3f: {  	p1 =	sne.s32 s22, $0x7FC0;
	[tilespmem:s23+$0x800] =	vst v0;
	s23 =	smov.u32 s22;
	s22 =	sadd.s32 $0x40, s22  }
.Ltmp2:
0x40: {  	(pc) =	sbr.rel @p1 .LBB2_2-.Ltmp2, $2  }
0x41: {  	_ =	sdelay $0x2  }
0x42: {  	s23 =	sshra.s32 s23, $0x2  }
0x43: {  	[tilespmem:s23+$0x800] =	vst v0  }
0x44: {  	[spmem:s24] =	stream.linear.scatter [tilespmem:s26], [sflag:$0x7], $0x2000, $0x38;
	[tilespmem:$0x1CF10] =	vst v63  }
0x45: {  	_ =	swait.ge [sflag:s28], $0x2000  }
0x46: {  	[sflag:s28] =	ssyncset.done $0x0  }
0x47: {  	s5 =	rddreg [dreg:$0x5];
	[sflag:s28] =	ssyncadd.s32 $0xFFFFE000  }
0x48: {  	[spmem:s5] =	stream.linear.scatter [tilespmem:s26], [sflag:$0x7], $0x2000, $0x38;
	[tilespmem:$0x1CF10] =	vst v63  }
0x49: {  	_ =	swait.ge [sflag:s28], $0x2000  }
0x4a: {  	[sflag:s28] =	ssyncset.done $0x0  }
0x4b: {  	s23 =	rddreg [dreg:$0x6];
	[sflag:s28] =	ssyncadd.s32 $0xFFFFE000  }
0x4c: {  	[spmem:s23] =	stream.linear.scatter [tilespmem:s26], [sflag:$0x7], $0x2000, $0x38;
	[tilespmem:$0x1CF10] =	vst v63  }
0x4d: {  	_ =	swait.ge [sflag:s28], $0x2000  }
0x4e: {  	[sflag:s28] =	ssyncset.done $0x0  }
0x4f: {  	s24 =	rddreg [dreg:$0x7];
	[sflag:s28] =	ssyncadd.s32 $0xFFFFE000  }
0x50: {  	[spmem:s24] =	stream.linear.scatter [tilespmem:s26], [sflag:$0x7], $0x2000, $0x38;
	[tilespmem:$0x1CF10] =	vst v63  }
0x51: {  	_ =	swait.ge [sflag:s28], $0x2000  }
0x52: {  	[sflag:s28] =	ssyncset.done $0x0  }
0x53: {  	s29 =	rddreg [dreg:$0x8];
	[sflag:s28] =	ssyncadd.s32 $0xFFFFE000  }
0x54: {  	[spmem:s29] =	stream.linear.scatter [tilespmem:s26], [sflag:$0x7], $0x2000, $0x38;
	[tilespmem:$0x1CF10] =	vst v63  }
0x55: {  	_ =	swait.ge [sflag:s28], $0x2000  }
0x56: {  	[sflag:s28] =	ssyncset.done $0x0  }
0x57: {  	s18 =	rddreg [dreg:$0x9];
	[sflag:s28] =	ssyncadd.s32 $0xFFFFE000  }
0x58: {  	[spmem:s18] =	stream.linear.scatter [tilespmem:s26], [sflag:$0x7], $0x2000, $0x38;
	[tilespmem:$0x1CF10] =	vst v63  }
0x59: {  	_ =	swait.ge [sflag:s28], $0x2000  }
0x5a: {  	[sflag:s28] =	ssyncset.done $0x0  }
0x5b: {  	s22 =	rddreg [dreg:$0xa];
	[sflag:s28] =	ssyncadd.s32 $0xFFFFE000  }
0x5c: {  	[spmem:s22] =	stream.linear.scatter [tilespmem:s26], [sflag:$0x7], $0x2000, $0x38;
	[tilespmem:$0x1CF10] =	vst v63  }
0x5d: {  	_ =	swait.ge [sflag:s28], $0x2000  }
0x5e: {  	[sflag:s28] =	ssyncset.done $0x0  }
0x5f: {  	s23 =	rddreg [dreg:$0xb];
	[sflag:s28] =	ssyncadd.s32 $0xFFFFE000  }
0x60: {  	[spmem:s23] =	stream.linear.scatter [tilespmem:s26], [sflag:$0x7], $0x2000, $0x38;
	[tilespmem:$0x1CF10] =	vst v63  }
0x61: {  	_ =	swait.ge [sflag:s28], $0x2000  }
0x62: {  	[sflag:s28] =	ssyncset.done $0x0  }
0x63: {  	s24 =	rddreg [dreg:$0xc];
	[sflag:s28] =	ssyncadd.s32 $0xFFFFE000  }
0x64: {  	[spmem:s24] =	stream.linear.scatter [tilespmem:s26], [sflag:$0x7], $0x2000, $0x38;
	[tilespmem:$0x1CF10] =	vst v63  }
0x65: {  	_ =	swait.ge [sflag:s28], $0x2000  }
0x66: {  	[sflag:s28] =	ssyncset.done $0x0  }
0x67: {  	s29 =	rddreg [dreg:$0xd];
	[sflag:s28] =	ssyncadd.s32 $0xFFFFE000  }
0x68: {  	[spmem:s29] =	stream.linear.scatter [tilespmem:s26], [sflag:$0x7], $0x2000, $0x38;
	[tilespmem:$0x1CF10] =	vst v63  }
0x69: {  	_ =	swait.ge [sflag:s28], $0x2000  }
0x6a: {  	[sflag:s28] =	ssyncset.done $0x0  }
0x6b: {  	s18 =	rddreg [dreg:$0xe];
	[sflag:s28] =	ssyncadd.s32 $0xFFFFE000  }
0x6c: {  	[spmem:s18] =	stream.linear.scatter [tilespmem:s26], [sflag:$0x7], $0x2000, $0x38;
	[tilespmem:$0x1CF10] =	vst v63  }
0x6d: {  	_ =	swait.ge [sflag:s28], $0x2000  }
0x6e: {  	[sflag:s28] =	ssyncset.done $0x0  }
0x6f: {  	s22 =	rddreg [dreg:$0xf];
	[sflag:s28] =	ssyncadd.s32 $0xFFFFE000  }
0x70: {  	[spmem:s22] =	stream.linear.scatter [tilespmem:s26], [sflag:$0x7], $0x2000, $0x38;
	[tilespmem:$0x1CF10] =	vst v63  }
0x71: {  	_ =	swait.ge [sflag:s28], $0x2000  }
0x72: {  	[sflag:s28] =	ssyncset.done $0x0  }
0x73: {  	s23 =	rddreg [dreg:$0x10];
	[sflag:s28] =	ssyncadd.s32 $0xFFFFE000  }
0x74: {  	[spmem:s23] =	stream.linear.scatter [tilespmem:s26], [sflag:$0x7], $0x700, $0x38;
	[tilespmem:$0x1CF10] =	vst v63  }
0x75: {  	_ =	swait.ge [sflag:s28], $0x700  }
0x76: {  	[sflag:s28] =	ssyncset.done $0x0  }
0x77: {  	[sflag:s28] =	ssyncadd.s32 $0xFFFFF900  }
0x78: {  	[bflag:$0x0] =	sbarrier.arrive $0xFFFF  }
0x79: {  	s22 =	simm.s32 $0x0;
	[tilespmem:$0x4800] =	vst v1;
	s24 =	rddreg [dreg:$0x11]  }
0x7a: {  	[tilespmem:s22], [sflag:$0x1] =	stream.linear.gather [hbm4b:s24+s22], $0x200, $0x38;
	[tilespmem:$0x1CF10] =	vst v63  }
0x7b: {  	s18 =	simm.s32 $0x200;
	s29 =	rddreg [dreg:$0x13]  }
0x7c: {  	[tilespmem:s18], [sflag:$0x1] =	stream.linear.gather [hbm4b:s29+s22], $0x200, $0x38;
	[tilespmem:$0x1CF10] =	vst v63  }
0x7d: {  	_ =	swait.ge [sflag:s30], $0x200  }
0x7e: {  	[sflag:s30] =	ssyncset.done $0x0  }
0x7f: {  	[sflag:s30] =	ssyncadd.s32 $0xFFFFFE00  }
0x80: {  	_ =	swait.ge [sflag:s30], $0x200  }
0x81: {  	[sflag:s30] =	ssyncset.done $0x0  }
0x82: {  	[sflag:s30] =	ssyncadd.s32 $0xFFFFFE00  }
0x83: {  	[tilespmem:s26], [sflag:$0x3] =	stream.indirect.gather [hbm4b:s1+s31], $0x10, s18, s31, $0xb8;
	[tilespmem:$0x1CF10] =	vst v63  }
0x84: {  	s23 =	simm.s32 $0x280  }
0x85: {  	[tilespmem:s3], [sflag:$0x3] =	stream.indirect.gather [hbm4b:s1+s31], $0x10, s23, s31, $0xb8;
	[tilespmem:$0x1CF10] =	vst v63  }
.Ltmp3:
0x86: {  	_ = 	snop;
	(pc) =	sbr.rel .LBB2_4-.Ltmp3, $4  }
0x87: {  	s24 =	simm.s32 $0x300  }
0x88: {  	[tilespmem:s0], [sflag:$0x3] =	stream.indirect.gather [hbm4b:s1+s31], $0x10, s24, s31, $0xb8;
	[tilespmem:$0x1CF10] =	vst v63  }
0x89: {  	s29 =	simm.s32 $0x380;
	s23 =	rddreg [dreg:$0x16]  }
0x8a: {  	[tilespmem:s6], [sflag:$0x3] =	stream.indirect.gather [hbm4b:s1+s31], $0x10, s29, s31, $0xb8;
	[tilespmem:$0x1CF10] =	vst v63  }
.LBB2_6:
0x8b: {  	s22 =	sadd.s32 $0x1000, s22  }
0x8c: {  	p1 =	sne.s32 s22, $0x31000  }
.Ltmp4:
0x8d: {  	_ = 	snop;
	(pc) =	sbr.rel @!p1 .LBB2_7-.Ltmp4, $2  }
0x8e: {  	_ =	sdelay $0x2  }
0x8f: {  	s23 =	sadd.s32 $0x40, s23  }
.LBB2_4:
0x90: {  	p2 =	seq.s32 s22, $0x0  }
0x91: {  	s29 =	simm.s32 @!p2 $0x6  }
0x92: {  	_ =	swait.ge @!p2 [sflag:s29], $0x800  }
0x93: {  	[sflag:s29] =	ssyncset.done @!p2 $0x0  }
0x94: {  	[sflag:s29] =	ssyncadd.s32 @!p2 $0xFFFFF800  }
0x95: {  	_ =	swait.ge @!p2 [sflag:s29], $0x800  }
0x96: {  	[sflag:s29] =	ssyncset.done @!p2 $0x0  }
0x97: {  	[sflag:s29] =	ssyncadd.s32 @!p2 $0xFFFFF800  }
0x98: {  	_ =	swait.ge @!p2 [sflag:s29], $0x800  }
0x99: {  	[sflag:s29] =	ssyncset.done @!p2 $0x0  }
0x9a: {  	[sflag:s29] =	ssyncadd.s32 @!p2 $0xFFFFF800  }
0x9b: {  	_ =	swait.ge @!p2 [sflag:s29], $0x800  }
0x9c: {  	p1 =	sgt.u32 s23, $0xC34;
	[sflag:s29] =	ssyncset.done @!p2 $0x0  }
0x9d: {  	[sflag:s29] =	ssyncadd.s32 @!p2 $0xFFFFF800;
	s29 =	sadd.s32 @!p1 s22, s25  }
0x9e: {  	s24 =	simm.s32 @!p1 $0x0;
	s5 =	simm.s32 @!p1 $0x400;
	s18 =	sadd.s32 @!p1 $0x800, s29  }
0x9f: {  	[tilespmem:s5], [sflag:$0x2] =	stream.linear.gather @!p1 [hbm4b:s18+s24], $0x200, $0x38;
	[tilespmem:$0x1CF10] =	vst v63  }
0xa0: {  	s5 =	sadd.s32 @!p1 $0x31540, s29;
	s29 =	simm.s32 @!p1 $0x600  }
0xa1: {  	[tilespmem:s29], [sflag:$0x2] =	stream.linear.gather @!p1 [hbm4b:s5+s24], $0x200, $0x38;
	[tilespmem:$0x1CF10] =	vst v63  }
0xa2: {  	_ =	swait.ge [sflag:s7], $0x800  }
0xa3: {  	[sflag:s7] =	ssyncset.done $0x0  }
0xa4: {  	[sflag:s7] =	ssyncadd.s32 $0xFFFFF800  }
0xa5: {  	_ =	swait.ge [sflag:s7], $0x800  }
0xa6: {  	[sflag:s7] =	ssyncset.done $0x0  }
0xa7: {  	[sflag:s7] =	ssyncadd.s32 $0xFFFFF800  }
0xa8: {  	_ =	swait.ge [sflag:s7], $0x800  }
0xa9: {  	[sflag:s7] =	ssyncset.done $0x0  }
0xaa: {  	[sflag:s7] =	ssyncadd.s32 $0xFFFFF800  }
0xab: {  	_ =	swait.ge [sflag:s7], $0x800  }
0xac: {  	[sflag:s7] =	ssyncset.done $0x0  }
0xad: {  	[sflag:s7] =	ssyncadd.s32 $0xFFFFF800  }
0xae: {  	v2 =	vld [tilespmem:$0x4800]  }
0xaf: {  	v3 =	vld [tilespmem:$0x0];
	_ =	sdelay $0x1  }
0xb0: {  	v4 =	vld [tilespmem:$0x10];
	_ =	sdelay $0x1  }
0xb1: {  	v5 =	vld [tilespmem:$0x20]  }
0xb2: {  	vm0 =	vlt.s32 v2, v3  }
0xb3: {  	v2 =	vsel vm0, v2, v3;
	v3 =	vld [tilespmem:$0x30]  }
0xb4: {  	vm0 =	vlt.s32 v2, v4  }
0xb5: {  	v45 =	vld [tilespmem:$0x40];
	v2 =	vsel vm0, v2, v4  }
0xb6: {  	vm0 =	vlt.s32 v2, v5  }
0xb7: {  	v46 =	vld [tilespmem:$0x50];
	v2 =	vsel vm0, v2, v5  }
0xb8: {  	vm0 =	vlt.s32 v2, v3  }
0xb9: {  	v2 =	vsel vm0, v2, v3;
	v3 =	vld [tilespmem:$0x60]  }
0xba: {  	vm0 =	vlt.s32 v2, v45  }
0xbb: {  	v47 =	vld [tilespmem:$0x70];
	v2 =	vsel vm0, v2, v45  }
0xbc: {  	vm0 =	vlt.s32 v2, v46  }
0xbd: {  	v48 =	vld [tilespmem:$0x80];
	v2 =	vsel vm0, v2, v46  }
0xbe: {  	vm0 =	vlt.s32 v2, v3  }
0xbf: {  	v2 =	vsel vm0, v2, v3;
	v3 =	vld [tilespmem:$0x90]  }
0xc0: {  	vm0 =	vlt.s32 v2, v47  }
0xc1: {  	v49 =	vld [tilespmem:$0xA0];
	v2 =	vsel vm0, v2, v47  }
0xc2: {  	vm0 =	vlt.s32 v2, v48  }
0xc3: {  	v50 =	vld [tilespmem:$0xB0];
	v2 =	vsel vm0, v2, v48  }
0xc4: {  	vm0 =	vlt.s32 v2, v3  }
0xc5: {  	v2 =	vsel vm0, v2, v3;
	v3 =	vld [tilespmem:$0xC0]  }
0xc6: {  	vm0 =	vlt.s32 v2, v49  }
0xc7: {  	v51 =	vld [tilespmem:$0xD0];
	v2 =	vsel vm0, v2, v49  }
0xc8: {  	vm0 =	vlt.s32 v2, v50  }
0xc9: {  	v52 =	vld [tilespmem:$0xE0];
	v2 =	vsel vm0, v2, v50  }
0xca: {  	vm0 =	vlt.s32 v2, v3  }
0xcb: {  	v2 =	vsel vm0, v2, v3;
	v3 =	vld [tilespmem:$0xF0]  }
0xcc: {  	vm0 =	vlt.s32 v2, v51  }
0xcd: {  	v53 =	vld [tilespmem:$0x100];
	v2 =	vsel vm0, v2, v51  }
0xce: {  	vm0 =	vlt.s32 v2, v52  }
0xcf: {  	v54 =	vld [tilespmem:$0x110];
	v2 =	vsel vm0, v2, v52  }
0xd0: {  	vm0 =	vlt.s32 v2, v3  }
0xd1: {  	v2 =	vsel vm0, v2, v3;
	v3 =	vld [tilespmem:$0x120]  }
0xd2: {  	vm0 =	vlt.s32 v2, v53  }
0xd3: {  	v55 =	vld [tilespmem:$0x130];
	v2 =	vsel vm0, v2, v53  }
0xd4: {  	vm0 =	vlt.s32 v2, v54  }
0xd5: {  	v56 =	vld [tilespmem:$0x140];
	v2 =	vsel vm0, v2, v54  }
0xd6: {  	vm0 =	vlt.s32 v2, v3  }
0xd7: {  	v2 =	vsel vm0, v2, v3;
	v3 =	vld [tilespmem:$0x150]  }
0xd8: {  	vm0 =	vlt.s32 v2, v55  }
0xd9: {  	v57 =	vld [tilespmem:$0x160];
	v2 =	vsel vm0, v2, v55  }
0xda: {  	vm0 =	vlt.s32 v2, v56  }
0xdb: {  	v58 =	vld [tilespmem:$0x170];
	v2 =	vsel vm0, v2, v56  }
0xdc: {  	vm0 =	vlt.s32 v2, v3  }
0xdd: {  	v2 =	vsel vm0, v2, v3;
	v3 =	vld [tilespmem:$0x180]  }
0xde: {  	vm0 =	vlt.s32 v2, v57  }
0xdf: {  	v59 =	vld [tilespmem:$0x190];
	v2 =	vsel vm0, v2, v57  }
0xe0: {  	vm0 =	vlt.s32 v2, v58  }
0xe1: {  	v60 =	vld [tilespmem:$0x1A0];
	v2 =	vsel vm0, v2, v58  }
0xe2: {  	vm0 =	vlt.s32 v2, v3  }
0xe3: {  	v2 =	vsel vm0, v2, v3;
	v3 =	vld [tilespmem:$0x1B0]  }
0xe4: {  	vm0 =	vlt.s32 v2, v59  }
0xe5: {  	v61 =	vld [tilespmem:$0x1C0];
	v2 =	vsel vm0, v2, v59  }
0xe6: {  	vm0 =	vlt.s32 v2, v60  }
0xe7: {  	v62 =	vld [tilespmem:$0x1D0];
	v2 =	vsel vm0, v2, v60  }
0xe8: {  	vm0 =	vlt.s32 v2, v3  }
0xe9: {  	v2 =	vsel vm0, v2, v3;
	v3 =	vld [tilespmem:$0x1E0]  }
0xea: {  	vm0 =	vlt.s32 v2, v61  }
0xeb: {  	v63 =	vld [tilespmem:$0x1F0];
	v2 =	vsel vm0, v2, v61  }
0xec: {  	vm0 =	vlt.s32 v2, v62  }
0xed: {  	v2 =	vsel vm0, v2, v62  }
0xee: {  	vm0 =	vlt.s32 v2, v3  }
0xef: {  	v2 =	vsel vm0, v2, v3  }
0xf0: {  	vm0 =	vlt.s32 v2, v63  }
0xf1: {  	v2 =	vsel vm0, v2, v63  }
0xf2: {  	[tilespmem:$0x4800] =	vst v2  }
0xf3: {  	[spmem:s2] =	stream.indirect.scatter.add.f32 [tilespmem:s26], [sflag:$0x5], $0x10, s4, s31, $0xb8;
	[tilespmem:$0x1CF10] =	vst v63  }
0xf4: {  	_ = 	snop  }
0xf5: {  	[spmem:s2] =	stream.indirect.scatter.add.f32 [tilespmem:s3], [sflag:$0x5], $0x10, s31, s31, $0xb8;
	[tilespmem:$0x1CF10] =	vst v63  }
0xf6: {  	_ = 	snop  }
0xf7: {  	[spmem:s2] =	stream.indirect.scatter.add.f32 [tilespmem:s0], [sflag:$0x5], $0x10, s8, s31, $0xb8;
	[tilespmem:$0x1CF10] =	vst v63  }
0xf8: {  	s5 =	simm.s32 @!p1 $0x2  }
0xf9: {  	[spmem:s2] =	stream.indirect.scatter.add.f32 [tilespmem:s6], [sflag:$0x5], $0x10, s9, s31, $0xb8;
	[tilespmem:$0x1CF10] =	vst v63  }
0xfa: {  	_ =	swait.ge @!p1 [sflag:s5], $0x200  }
0xfb: {  	[sflag:s5] =	ssyncset.done @!p1 $0x0  }
0xfc: {  	[sflag:s5] =	ssyncadd.s32 @!p1 $0xFFFFFE00  }
0xfd: {  	_ =	swait.ge @!p1 [sflag:s5], $0x200  }
0xfe: {  	[sflag:s5] =	ssyncset.done @!p1 $0x0  }
0xff: {  	s18 =	simm.s32 @!p1 $0x2800;
	[sflag:s5] =	ssyncadd.s32 @!p1 $0xFFFFFE00;
	s5 =	simm.s32 @!p1 $0x80  }
0x100: {  	[tilespmem:s18], [sflag:$0x4] =	stream.indirect.gather @!p1 [hbm4b:s1+s5], $0x10, s29, s5, $0xb8;
	[tilespmem:$0x1CF10] =	vst v63  }
0x101: {  	s24 =	simm.s32 @!p1 $0x3000;
	s18 =	simm.s32 @!p1 $0x680  }
0x102: {  	[tilespmem:s24], [sflag:$0x4] =	stream.indirect.gather @!p1 [hbm4b:s1+s5], $0x10, s18, s5, $0xb8;
	[tilespmem:$0x1CF10] =	vst v63  }
0x103: {  	s18 =	simm.s32 @!p1 $0x700;
	s24 =	simm.s32 @!p1 $0x3800  }
0x104: {  	[tilespmem:s24], [sflag:$0x4] =	stream.indirect.gather @!p1 [hbm4b:s1+s5], $0x10, s18, s5, $0xb8;
	[tilespmem:$0x1CF10] =	vst v63  }
0x105: {  	s18 =	simm.s32 @!p1 $0x780;
	s24 =	simm.s32 @!p1 $0x4000  }
0x106: {  	[tilespmem:s24], [sflag:$0x4] =	stream.indirect.gather @!p1 [hbm4b:s1+s5], $0x10, s18, s5, $0xb8;
	[tilespmem:$0x1CF10] =	vst v63  }
0x107: {  	_ =	swait.ge [sflag:s10], $0x800  }
0x108: {  	[sflag:s10] =	ssyncset.done $0x0  }
0x109: {  	[sflag:s10] =	ssyncadd.s32 $0xFFFFF800  }
0x10a: {  	_ =	swait.ge [sflag:s10], $0x800  }
0x10b: {  	[sflag:s10] =	ssyncset.done $0x0  }
0x10c: {  	[sflag:s10] =	ssyncadd.s32 $0xFFFFF800  }
0x10d: {  	_ =	swait.ge [sflag:s10], $0x800  }
0x10e: {  	[sflag:s10] =	ssyncset.done $0x0  }
0x10f: {  	s29 =	sadd.s32 $0x20, s23;
	[sflag:s10] =	ssyncadd.s32 $0xFFFFF800  }
0x110: {  	p2 =	sgt.u32 s29, $0xC34;
	_ =	swait.ge [sflag:s10], $0x800  }
0x111: {  	s5 =	sadd.s32 @!p2 s22, s25;
	[sflag:s10] =	ssyncset.done $0x0  }
0x112: {  	s24 =	simm.s32 @!p2 $0x0;
	s18 =	sadd.s32 @!p2 $0x1000, s5;
	[sflag:s10] =	ssyncadd.s32 $0xFFFFF800  }
0x113: {  	[tilespmem:s24], [sflag:$0x1] =	stream.linear.gather @!p2 [hbm4b:s18+s24], $0x200, $0x38;
	[tilespmem:$0x1CF10] =	vst v63  }
0x114: {  	s5 =	sadd.s32 @!p2 $0x31D40, s5;
	s18 =	simm.s32 @!p2 $0x200  }
0x115: {  	[tilespmem:s18], [sflag:$0x1] =	stream.linear.gather @!p2 [hbm4b:s5+s24], $0x200, $0x38;
	[tilespmem:$0x1CF10] =	vst v63  }
0x116: {  	s5 =	simm.s32 @!p2 $0x1  }
0x117: {  	_ =	swait.ge @!p2 [sflag:s5], $0x200  }
0x118: {  	[sflag:s5] =	ssyncset.done @!p2 $0x0  }
0x119: {  	[sflag:s5] =	ssyncadd.s32 @!p2 $0xFFFFFE00  }
0x11a: {  	_ =	swait.ge @!p2 [sflag:s5], $0x200  }
0x11b: {  	[sflag:s5] =	ssyncset.done @!p2 $0x0  }
0x11c: {  	s24 =	simm.s32 @!p2 $0x800;
	[sflag:s5] =	ssyncadd.s32 @!p2 $0xFFFFFE00;
	s5 =	simm.s32 @!p2 $0x80  }
0x11d: {  	[tilespmem:s24], [sflag:$0x3] =	stream.indirect.gather @!p2 [hbm4b:s1+s5], $0x10, s18, s5, $0xb8;
	[tilespmem:$0x1CF10] =	vst v63  }
0x11e: {  	s18 =	simm.s32 @!p2 $0x280;
	s24 =	simm.s32 @!p2 $0x1000  }
0x11f: {  	[tilespmem:s24], [sflag:$0x3] =	stream.indirect.gather @!p2 [hbm4b:s1+s5], $0x10, s18, s5, $0xb8;
	[tilespmem:$0x1CF10] =	vst v63  }
.Ltmp5:
0x120: {  	_ = 	snop;
	(pc) =	sbr.rel @p1 .LBB2_6-.Ltmp5, $4  }
0x121: {  	s18 =	simm.s32 @!p2 $0x300;
	s24 =	simm.s32 @!p2 $0x1800  }
0x122: {  	[tilespmem:s24], [sflag:$0x3] =	stream.indirect.gather @!p2 [hbm4b:s1+s5], $0x10, s18, s5, $0xb8;
	[tilespmem:$0x1CF10] =	vst v63  }
0x123: {  	s18 =	simm.s32 @!p2 $0x380;
	s24 =	simm.s32 @!p2 $0x2000  }
0x124: {  	[tilespmem:s24], [sflag:$0x3] =	stream.indirect.gather @!p2 [hbm4b:s1+s5], $0x10, s18, s5, $0xb8;
	[tilespmem:$0x1CF10] =	vst v63  }
0x125: {  	_ =	swait.ge [sflag:s11], $0x800  }
0x126: {  	[sflag:s11] =	ssyncset.done $0x0  }
0x127: {  	[sflag:s11] =	ssyncadd.s32 $0xFFFFF800  }
0x128: {  	_ =	swait.ge [sflag:s11], $0x800  }
0x129: {  	[sflag:s11] =	ssyncset.done $0x0  }
0x12a: {  	[sflag:s11] =	ssyncadd.s32 $0xFFFFF800  }
0x12b: {  	_ =	swait.ge [sflag:s11], $0x800  }
0x12c: {  	[sflag:s11] =	ssyncset.done $0x0  }
0x12d: {  	[sflag:s11] =	ssyncadd.s32 $0xFFFFF800  }
0x12e: {  	_ =	swait.ge [sflag:s11], $0x800  }
0x12f: {  	[sflag:s11] =	ssyncset.done $0x0  }
0x130: {  	[sflag:s11] =	ssyncadd.s32 $0xFFFFF800  }
0x131: {  	v2 =	vld [tilespmem:$0x4800]  }
0x132: {  	v3 =	vld [tilespmem:$0x400];
	_ =	sdelay $0x1  }
0x133: {  	v4 =	vld [tilespmem:$0x410];
	_ =	sdelay $0x1  }
0x134: {  	v5 =	vld [tilespmem:$0x420]  }
0x135: {  	vm0 =	vlt.s32 v2, v3  }
0x136: {  	v2 =	vsel vm0, v2, v3;
	v3 =	vld [tilespmem:$0x430]  }
0x137: {  	vm0 =	vlt.s32 v2, v4  }
0x138: {  	v45 =	vld [tilespmem:$0x440];
	v2 =	vsel vm0, v2, v4  }
0x139: {  	vm0 =	vlt.s32 v2, v5  }
0x13a: {  	v46 =	vld [tilespmem:$0x450];
	v2 =	vsel vm0, v2, v5  }
0x13b: {  	vm0 =	vlt.s32 v2, v3  }
0x13c: {  	v2 =	vsel vm0, v2, v3;
	v3 =	vld [tilespmem:$0x460]  }
0x13d: {  	vm0 =	vlt.s32 v2, v45  }
0x13e: {  	v47 =	vld [tilespmem:$0x470];
	v2 =	vsel vm0, v2, v45  }
0x13f: {  	vm0 =	vlt.s32 v2, v46  }
0x140: {  	v48 =	vld [tilespmem:$0x480];
	v2 =	vsel vm0, v2, v46  }
0x141: {  	vm0 =	vlt.s32 v2, v3  }
0x142: {  	v2 =	vsel vm0, v2, v3;
	v3 =	vld [tilespmem:$0x490]  }
0x143: {  	vm0 =	vlt.s32 v2, v47  }
0x144: {  	v49 =	vld [tilespmem:$0x4A0];
	v2 =	vsel vm0, v2, v47  }
0x145: {  	vm0 =	vlt.s32 v2, v48  }
0x146: {  	v50 =	vld [tilespmem:$0x4B0];
	v2 =	vsel vm0, v2, v48  }
0x147: {  	vm0 =	vlt.s32 v2, v3  }
0x148: {  	v2 =	vsel vm0, v2, v3;
	v3 =	vld [tilespmem:$0x4C0]  }
0x149: {  	vm0 =	vlt.s32 v2, v49  }
0x14a: {  	v51 =	vld [tilespmem:$0x4D0];
	v2 =	vsel vm0, v2, v49  }
0x14b: {  	vm0 =	vlt.s32 v2, v50  }
0x14c: {  	v52 =	vld [tilespmem:$0x4E0];
	v2 =	vsel vm0, v2, v50  }
0x14d: {  	vm0 =	vlt.s32 v2, v3  }
0x14e: {  	v2 =	vsel vm0, v2, v3;
	v3 =	vld [tilespmem:$0x4F0]  }
0x14f: {  	vm0 =	vlt.s32 v2, v51  }
0x150: {  	v53 =	vld [tilespmem:$0x500];
	v2 =	vsel vm0, v2, v51  }
0x151: {  	vm0 =	vlt.s32 v2, v52  }
0x152: {  	v54 =	vld [tilespmem:$0x510];
	v2 =	vsel vm0, v2, v52  }
0x153: {  	vm0 =	vlt.s32 v2, v3  }
0x154: {  	v2 =	vsel vm0, v2, v3;
	v3 =	vld [tilespmem:$0x520]  }
0x155: {  	vm0 =	vlt.s32 v2, v53  }
0x156: {  	v55 =	vld [tilespmem:$0x530];
	v2 =	vsel vm0, v2, v53  }
0x157: {  	vm0 =	vlt.s32 v2, v54  }
0x158: {  	v56 =	vld [tilespmem:$0x540];
	v2 =	vsel vm0, v2, v54  }
0x159: {  	vm0 =	vlt.s32 v2, v3  }
0x15a: {  	v2 =	vsel vm0, v2, v3;
	v3 =	vld [tilespmem:$0x550]  }
0x15b: {  	vm0 =	vlt.s32 v2, v55  }
0x15c: {  	v57 =	vld [tilespmem:$0x560];
	v2 =	vsel vm0, v2, v55  }
0x15d: {  	vm0 =	vlt.s32 v2, v56  }
0x15e: {  	v58 =	vld [tilespmem:$0x570];
	v2 =	vsel vm0, v2, v56  }
0x15f: {  	vm0 =	vlt.s32 v2, v3  }
0x160: {  	v2 =	vsel vm0, v2, v3;
	v3 =	vld [tilespmem:$0x580]  }
0x161: {  	vm0 =	vlt.s32 v2, v57  }
0x162: {  	v59 =	vld [tilespmem:$0x590];
	v2 =	vsel vm0, v2, v57  }
0x163: {  	vm0 =	vlt.s32 v2, v58  }
0x164: {  	v60 =	vld [tilespmem:$0x5A0];
	v2 =	vsel vm0, v2, v58  }
0x165: {  	vm0 =	vlt.s32 v2, v3  }
0x166: {  	v2 =	vsel vm0, v2, v3;
	v3 =	vld [tilespmem:$0x5B0]  }
0x167: {  	vm0 =	vlt.s32 v2, v59  }
0x168: {  	v61 =	vld [tilespmem:$0x5C0];
	v2 =	vsel vm0, v2, v59  }
0x169: {  	vm0 =	vlt.s32 v2, v60  }
0x16a: {  	v62 =	vld [tilespmem:$0x5D0];
	v2 =	vsel vm0, v2, v60  }
0x16b: {  	vm0 =	vlt.s32 v2, v3  }
0x16c: {  	v2 =	vsel vm0, v2, v3;
	v3 =	vld [tilespmem:$0x5E0]  }
0x16d: {  	vm0 =	vlt.s32 v2, v61  }
0x16e: {  	v63 =	vld [tilespmem:$0x5F0];
	v2 =	vsel vm0, v2, v61  }
0x16f: {  	vm0 =	vlt.s32 v2, v62  }
0x170: {  	v2 =	vsel vm0, v2, v62  }
0x171: {  	vm0 =	vlt.s32 v2, v3  }
0x172: {  	v2 =	vsel vm0, v2, v3  }
0x173: {  	vm0 =	vlt.s32 v2, v63  }
0x174: {  	v2 =	vsel vm0, v2, v63  }
0x175: {  	[tilespmem:$0x4800] =	vst v2  }
0x176: {  	[spmem:s2] =	stream.indirect.scatter.add.f32 [tilespmem:s13], [sflag:$0x6], $0x10, s12, s31, $0xb8;
	[tilespmem:$0x1CF10] =	vst v63  }
0x177: {  	_ = 	snop  }
0x178: {  	[spmem:s2] =	stream.indirect.scatter.add.f32 [tilespmem:s15], [sflag:$0x6], $0x10, s14, s31, $0xb8;
	[tilespmem:$0x1CF10] =	vst v63  }
.Ltmp6:
0x179: {  	_ = 	snop;
	(pc) =	sbr.rel .LBB2_6-.Ltmp6, $4  }
0x17a: {  	_ = 	snop  }
0x17b: {  	[spmem:s2] =	stream.indirect.scatter.add.f32 [tilespmem:s17], [sflag:$0x6], $0x10, s16, s31, $0xb8;
	[tilespmem:$0x1CF10] =	vst v63  }
0x17c: {  	_ = 	snop  }
0x17d: {  	[spmem:s2] =	stream.indirect.scatter.add.f32 [tilespmem:s20], [sflag:$0x6], $0x10, s19, s31, $0xb8;
	[tilespmem:$0x1CF10] =	vst v63  }
.LBB2_8:
0x17e: {  	_ =	sfence.sel $0x180000  }
0x17f: {  	[bflag:$0x0] =	sbarrier.arrive $0xFFFF  }
0x180: {  	_ =	strace $0x90000047  }
0x181: {  	s0 =	stileid.u32;
	[bflag:$0x2] =	sbarrier.arrive $0xFFFF  }
0x182: {  	p0 =	sne.s32 s0, $0x0;
	s0 =	rddreg [dreg:$0x3]  }
0x183: {  	s0 =	sadd.s32 @!p0 $0x100000, s0  }
0x184: {  	[sflag:s0] =	ssyncadd.tile.s32 @!p0 $0x1;
	_ =	shalt  }
.Lfunc_end2:
_tile_overlayer_lowered:
.L_overlay_start_2:
0x185: {  	(tag) =	ssettag $0x2  }
0x186: {  	s0 =	rddreg [dreg:$0x0];
	s2 =	stileid.u32  }
0x187: {  	s1 =	rddreg [dreg:$0x1];
	p0 =	sne.s32 s2, $0x0  }
0x188: {  	s3 =	rddreg [dreg:$0x2];
	[bflag:$0x3] =	sbarrier.arrive $0xFFFF;
	s2 =	simm.s32 @!p0 $0x1C07  }
0x189: {  	[timem:s3], [sflag:s2] =	dma.local @!p0 [hbm:s0], s1  }
0x18a: {  	s0 =	simm.s32 @!p0 $0x7  }
0x18b: {  	_ =	swait.ge @!p0 [sflag:s0], s1  }
0x18c: {  	s1 =	ssub.s32 @!p0 $0x0, s1;
	[sflag:s0] =	ssyncset.done @!p0 $0x0  }
0x18d: {  	[sflag:s0] =	ssyncadd.s32 @!p0 s1  }
0x18e: {  	[bflag:$0x3] =	sbarrier.arrive $0xFFFF  }
0x18f: {  	_ =	shalt  }

// kernel: kernel.7.cloned.1.call-start
scs
__scs_entry_jumppad:
0x0: {  	(pc) =	sbr.rel $0x88, $3  }
0x1: {  	(tag) =	ssettag $0x0;
	lr =	simm.s32 $0x1  }
0x2: {  	[smem:$0x3F9E] =	sst lr;
	_ =	strace $0xD0000000  }
0x3: {  	_ = 	snop  }
0x4: {  	_ = 	snop  }
0x5: {  	_ = 	snop  }
0x6: {  	_ = 	snop  }
0x7: {  	_ = 	snop  }
__scs_overlays_trampoline_lowered:
0x8: {  	[smem:$0x3FAD] =	sst s0  }
0x9: {  	[smem:$0x3FAE] =	sst s1  }
0xa: {  	[smem:$0x3FAF] =	sst s2  }
0xb: {  	[smem:$0x3FB0] =	sst s3  }
0xc: {  	[smem:$0x3FB1] =	sst s4  }
0xd: {  	[smem:$0x3FB2] =	sst s5  }
0xe: {  	[smem:$0x3FB3] =	sst s6  }
0xf: {  	[smem:$0x3FB4] =	sst s7  }
0x10: {  	[smem:$0x3FB5] =	sst s8  }
0x11: {  	[smem:$0x3FB6] =	sst s9;
	s0 =	simm.s32 @!p0 $0x0  }
0x12: {  	s1 =	sld [smem:$0x3F9C];
	s0 =	simm.s32 @p0 $0x1  }
0x13: {  	[smem:$0x3FB7] =	sst s0;
	s0 =	simm.s32 @!p1 $0x0  }
0x14: {  	s2 =	sld [smem:$0x3F9B];
	s0 =	simm.s32 @p1 $0x1  }
0x15: {  	[smem:$0x3FB8] =	sst s0;
	s0 =	simm.s32 @!p2 $0x0  }
0x16: {  	s3 =	sld [smem:$0x3FDB];
	s0 =	simm.s32 @p2 $0x1  }
0x17: {  	s4 =	simm.s32 $0x1BF5;
	[smem:$0x3FBA] =	sst s0  }
0x18: {  	s0 =	sld [smem:$0x3F9D];
	_ =	swait.ge [sflag:s4], $0x0  }
0x19: {  	s7 =	sld [smem:$0x3F9E]  }
0x1a: {  	s8 =	sadd.s32 $0xFFFFE003, lr  }
0x1b: {  	s9 =	sadd.s32 $0xFFFFFEF7, lr;
	s5 =	simm.s32 $0xFFFFFFFF;
	p2 =	slt.u32 s8, $0xFFFFF086  }
0x1c: {  	p1 =	slt.u32 s9, $0xF7A;
	s5 =	simm.s32 @!p2 $0x0  }
0x1d: {  	s5 =	simm.s32 @p1 $0x1;
	p0 =	seq.s32 s7, s2  }
0x1e: {  	s7 =	smul.u32 @!p0 $0xF7A, s2;
	p2 =	seq.s32 @!p0 s5, $0x0  }
0x1f: {  	s9 =	smul.u32 $0xF7A, s1;
	s8 =	simm.s32 @!p0 $0x1BF5;
	p2 =	por !p2, p0  }
0x20: {  	[sflag:s8] =	ssyncset.s32 @!p0 $0xFFFFF086;
	s6 =	sadd.s32 @!p0 s3, s7;
	s7 =	simm.s32 @!p0 $0x108  }
0x21: {  	s3 =	sadd.s32 s3, s9;
	s6 =	sadd.s32 @!p0 $0x88, s6;
	s7 =	simm.s32 @p2 $0x1082  }
0x22: {  	[simem:s7], [sflag:s8] =	dma.local @!p0 [hbm:s6], $0xF7A  }
0x23: {  	s9 =	sor.u32 $0xD0000000, s2;
	s6 =	simm.s32 $0x108;
	_ =	swait.ge @!p0 [sflag:s8], $0x0  }
0x24: {  	s3 =	sadd.s32 $0x88, s3;
	s6 =	simm.s32 @!p1 $0x1082;
	[sflag:s4] =	ssyncset.s32 $0xFFFFF086  }
0x25: {  	[simem:s6], [sflag:s4] =	dma.local [hbm:s3], $0xF7A  }
0x26: {  	[smem:$0x3F9E] =	sst s1;
	(tag) =	ssettag s2;
	_ =	strace s9  }
0x27: {  	s1 =	sld [smem:$0x3FAE]  }
0x28: {  	s2 =	sld [smem:$0x3FAF]  }
0x29: {  	s4 =	sld [smem:$0x3FB1]  }
0x2a: {  	p0 =	seq.s32 s5, $0x0;
	s5 =	sld [smem:$0x3FB2]  }
0x2b: {  	s6 =	sld [smem:$0x3FB3]  }
0x2c: {  	s7 =	sld [smem:$0x3FB4]  }
0x2d: {  	s3 =	simm.s32 $0x108;
	s8 =	sld [smem:$0x3FB5]  }
0x2e: {  	s3 =	simm.s32 @!p0 $0x1082;
	s9 =	sld [smem:$0x3FB6]  }
0x2f: {  	lr =	sadd.s32 s0, s3;
	s0 =	sld [smem:$0x3FAD]  }
0x30: {  	s3 =	sld [smem:$0x3FB0]  }
0x31: {  	[smem:$0x3FB9] =	sst s10  }
0x32: {  	s10 =	sld [smem:$0x3FB7];
	_ =	sdelay $0x3  }
0x33: {  	p0 =	seq.s32 s10, $0x1;
	s10 =	sld [smem:$0x3FB9];
	_ =	sdelay $0x3  }
0x34: {  	[smem:$0x3FB9] =	sst s10  }
0x35: {  	s10 =	sld [smem:$0x3FB8];
	_ =	sdelay $0x3  }
0x36: {  	p1 =	seq.s32 s10, $0x1;
	s10 =	sld [smem:$0x3FB9];
	_ =	sdelay $0x3  }
0x37: {  	[smem:$0x3FB9] =	sst s10  }
0x38: {  	s10 =	sld [smem:$0x3FBA]  }
0x39: {  	_ = 	snop;
	(pc) =	sbr.ind lr, $3  }
0x3a: {  	_ = 	snop  }
0x3b: {  	_ = 	snop  }
0x3c: {  	p2 =	seq.s32 s10, $0x1;
	s10 =	sld [smem:$0x3FB9]  }
0x3d: {  	_ =	shalt  }
0x3e: {  	_ =	shalt  }
0x3f: {  	_ =	shalt  }
0x40: {  	_ =	shalt  }
0x41: {  	_ =	shalt  }
0x42: {  	_ =	shalt  }
0x43: {  	_ =	shalt  }
0x44: {  	_ =	shalt  }
0x45: {  	_ =	shalt  }
0x46: {  	_ =	shalt  }
0x47: {  	_ =	shalt  }
0x48: {  	_ =	shalt  }
0x49: {  	_ =	shalt  }
0x4a: {  	_ =	shalt  }
0x4b: {  	_ =	shalt  }
0x4c: {  	_ =	shalt  }
0x4d: {  	_ =	shalt  }
0x4e: {  	_ =	shalt  }
0x4f: {  	_ =	shalt  }
0x50: {  	_ =	shalt  }
0x51: {  	_ =	shalt  }
0x52: {  	_ =	shalt  }
0x53: {  	_ =	shalt  }
0x54: {  	_ =	shalt  }
0x55: {  	_ =	shalt  }
0x56: {  	_ =	shalt  }
0x57: {  	_ =	shalt  }
0x58: {  	_ =	shalt  }
0x59: {  	_ =	shalt  }
0x5a: {  	_ =	shalt  }
0x5b: {  	_ =	shalt  }
0x5c: {  	_ =	shalt  }
0x5d: {  	_ =	shalt  }
0x5e: {  	_ =	shalt  }
0x5f: {  	_ =	shalt  }
0x60: {  	_ =	shalt  }
0x61: {  	_ =	shalt  }
0x62: {  	_ =	shalt  }
0x63: {  	_ =	shalt  }
0x64: {  	_ =	shalt  }
0x65: {  	_ =	shalt  }
0x66: {  	_ =	shalt  }
0x67: {  	_ =	shalt  }
0x68: {  	_ =	shalt  }
0x69: {  	_ =	shalt  }
0x6a: {  	_ =	shalt  }
0x6b: {  	_ =	shalt  }
0x6c: {  	_ =	shalt  }
0x6d: {  	_ =	shalt  }
0x6e: {  	_ =	shalt  }
0x6f: {  	_ =	shalt  }
0x70: {  	_ =	shalt  }
0x71: {  	_ =	shalt  }
0x72: {  	_ =	shalt  }
0x73: {  	_ =	shalt  }
0x74: {  	_ =	shalt  }
0x75: {  	_ =	shalt  }
0x76: {  	_ =	shalt  }
0x77: {  	_ =	shalt  }
0x78: {  	_ =	shalt  }
0x79: {  	_ =	shalt  }
0x7a: {  	_ =	shalt  }
0x7b: {  	_ =	shalt  }
0x7c: {  	_ =	shalt  }
0x7d: {  	_ =	shalt  }
0x7e: {  	_ =	shalt  }
0x7f: {  	_ =	shalt  }
0x80: {  	_ =	shalt  }
0x81: {  	_ =	shalt  }
0x82: {  	_ =	shalt  }
0x83: {  	_ =	shalt  }
0x84: {  	_ =	shalt  }
0x85: {  	_ =	shalt  }
0x86: {  	_ =	shalt  }
0x87: {  	_ =	shalt  }
.Lfunc_end0:
.L_simem_size_0:
called_computation.1_lowered:
.L_overlay_start_0:
0x88: {  	s2 =	sld [smem:$0x3FD9]  }
0x89: {  	s3 =	sld [smem:$0x3FFE];
	_ =	sdelay $0x1  }
0x8a: {  	s1 =	srdreg.scid  }
0x8b: {  	s0 =	sand.u32 $0x1, s1  }
0x8c: {  	s17 =	sshll.u32 s0, $0xA;
	s2 =	sadd.s32 s3, s2  }
0x8d: {  	s2 =	sadd.s32 s2, s17  }
0x8e: {  	[smem:$0x3FC5] =	sst s2  }
0x8f: {  	_ = 	snop  }
0x90: {  	s2 =	sld [smem:$0x3FC7]  }
0x91: {  	s18 =	sld [smem:$0x3FD0];
	(tm) =	ssettm $0x1  }
0x92: {  	s4 =	sld [smem:$0x3FFB];
	_ =	sdelay $0x3  }
0x93: {  	_ =	strace s4  }
0x94: {  	s4 =	sld [smem:$0x3FFC];
	_ =	sdelay $0x3  }
0x95: {  	_ =	strace s4  }
0x96: {  	s4 =	sld [smem:$0x3FFD];
	_ =	sdelay $0x3  }
0x97: {  	_ =	strace s4  }
0x98: {  	_ =	strace $0x8FFFFFFF  }
0x99: {  	s19 =	sld [smem:$0x3FDB];
	_ =	sdelay $0x1  }
0x9a: {  	s5 =	simm.s32 $_scs_section_size  }
0x9b: {  	s6 =	simm.s32 $_size__tile_overlayer_lowered;
	s7 =	simm.s32 $_tile_overlayer_lowered  }
0x9c: {  	s22 =	simm.s32 $0x1BFF;
	s21 =	sshll.u32 s7, $0x1;
	s4 =	sadd.s32 s5, s19  }
0x9d: {  	s8 =	simm.s32 $0x0;
	s20 =	sshll.u32 s6, $0x1;
	s6 =	sadd.s32 s21, s4  }
0x9e: {  	[timem:s8], [sflag:s22] =	dma.local [hbm:s6], s20  }
0x9f: {  	_ =	swait.ge [sflag:s22], s20  }
0xa0: {  	s5 =	ssub.s32 $0x0, s20;
	[sflag:s22] =	ssyncset.done $0x0  }
0xa1: {  	[sflag:s22] =	ssyncadd.s32 s5;
	_ =	sdelay $0x1  }
0xa2: {  	s23 =	simm.s32 $0x1B8B  }
0xa3: {  	_ =	swait.ge [sflag:s23], $0x1  }
0xa4: {  	[sflag:s23] =	ssyncset.done $0x0  }
0xa5: {  	s25 =	simm.s32 $0x1B8E;
	s24 =	sld [smem:$0x3FFE];
	[sflag:s23] =	ssyncadd.s32 $0xFFFFFFFF  }
0xa6: {  	s26 =	simm.s32 $execute0_lowered;
	[smem:$0x3FD2] =	sst s25  }
0xa7: {  	s6 =	sshll.u32 s26, $0x1;
	_ =	strace $0x80000049;
	[dreg:$0x1] =	wrdreg $0xFFFFFFFF  }
0xa8: {  	s28 =	simm.s32 $_size_execute0_lowered;
	s4 =	sadd.s32 s4, s6;
	[dreg:$0x0] =	wrdreg $0x0  }
0xa9: {  	s6 =	sshll.u32 s28, $0x1;
	[dreg:$0x2] =	wrdreg s4  }
0xaa: {  	[dreg:$0x3] =	wrdreg s6  }
0xab: {  	[dreg:$0x4] =	wrdreg $0xC0  }
0xac: {  	_ =	task [dreg:s8], $0x5FFFF  }
0xad: {  	[dreg:$0x1] =	wrdreg $0xFFFFFFFF  }
0xae: {  	[dreg:$0x0] =	wrdreg $0x60  }
0xaf: {  	[dreg:$0x2] =	wrdreg s24  }
0xb0: {  	[dreg:$0x3] =	wrdreg s2  }
0xb1: {  	[dreg:$0x4] =	wrdreg s18  }
0xb2: {  	[dreg:$0x5] =	wrdreg $0x9  }
0xb3: {  	_ =	task.clear_ibuf [dreg:s8], $0x6FFFF;
	_ =	strace $0x90000049  }
0xb4: {  	s29 =	simm.s32 $0x9;
	_ =	strace $0x8000004B  }
0xb5: {  	_ =	swait.ge [sflag:s29], $0x1  }
0xb6: {  	[sflag:s29] =	ssyncadd.s32 $0xFFFFFFFF  }
0xb7: {  	_ =	strace $0x9000004B  }
0xb8: {  	_ =	sfence  }
0xb9: {  	s30 =	sld [smem:$0x0];
	_ =	sdelay $0x2  }
0xba: {  	s31 =	sshll.u32 s1, $0xD;
	s1 =	sshrl.u32 s1, $0x2  }
0xbb: {  	s3 =	sand.u32 $0x4000, s31;
	s1 =	sadd.s32 s1, s30  }
0xbc: {  	s0 =	sor.u32 s3, s0;
	s1 =	sshll.u32 s1, $0x11  }
0xbd: {  	s0 =	sor.u32 s1, s0  }
0xbe: {  	s0 =	sadd.s32 $0x8F2B, s0  }
0xbf: {  	[sflag:s0] =	ssyncadd.remote.s32 $0x1  }
0xc0: {  	_ =	sfence.sel $0xFFFF  }
0xc1: {  	[dreg:$0x0] =	wrdreg $0xFFFFFFFF;
	(pc) =	sbr.abs _section_cstart, $3  }
0xc2: {  	[dreg:$0x1] =	wrdreg $0xFFFFFFFF  }
0xc3: {  	_ =	task.clear_ibuf [dreg:s8], $0x2FFFF;
	_ =	strace $0x9FFFFFFF  }
0xc4: {  	(tm) =	ssettm $0x7FFFFFFF  }
0xc5: {  	_ =	shalt  }
tec
execute0_lowered:
.L_overlay_start_1:
0x0: {  	(tag) =	ssettag $0x1  }
0x1: {  	s0 =	rddreg [dreg:$0x0]  }
0x2: {  	s1 =	rddreg [dreg:$0x1]  }
0x3: {  	s2 =	rddreg [dreg:$0x2]  }
0x4: {  	s3 =	simm.s32 $0x0;
	s4 =	srdreg.scid;
	s12 =	simm.s32 $0x3100  }
0x5: {  	s13 =	simm.s32 $0x5;
	s14 =	simm.s32 $0x3300;
	s15 =	simm.s32 $0x80  }
0x6: {  	s18 =	simm.s32 $0x1;
	[smem:$0x7FF] =	sst s3;
	s7 =	sand.u32 $0x1, s4  }
0x7: {  	s5 =	sadd.s32 $0x63800, s0;
	s4 =	stileid.u32;
	s6 =	sadd.s32 $0x94600, s0  }
0x8: {  	s10 =	sadd.s32 $0x30D00, s2;
	s8 =	sshll.u32 s7, $0x4;
	s9 =	ssub.s32 $0x2, s7  }
0x9: {  	_ =	strace $0x8000004A;
	s7 =	sor.u32 s4, s8;
	s31 =	sshrl.u32 s9, $0x1  }
0xa: {  	s8 =	sadd.s32 $0xC5400, s0;
	s16 =	sshll.u32 s7, $0x7;
	s0 =	ssub.s32 s9, s31  }
0xb: {  	s9 =	sor.u32 $0x40, s7;
	p0 =	sne.s32 s7, $0xD;
	s17 =	sor.u32 $0x10, s16  }
.Ltmp0:
0xc: {  	s19 =	sor.u32 $0x20, s16;
	s20 =	sor.u32 $0x30, s16;
	(pc) =	sbr.rel .LBB2_1-.Ltmp0, $4  }
0xd: {  	v0 =	vlaneseq.u32;
	s21 =	sor.u32 $0x40, s16;
	s22 =	sor.u32 $0x50, s16;
	s23 =	sor.u32 $0x60, s16  }
0xe: {  	s24 =	sor.u32 $0x70, s16;
	s11 =	smax.u32 s0, $0x1;
	v1 =	vor.u32 s16, v0;
	s16 =	simm.s32 $0x100;
	v2 =	vor.u32 s17, v0  }
0xf: {  	s17 =	simm.s32 $0x900;
	v3 =	vor.u32 s19, v0;
	v4 =	vor.u32 s20, v0;
	v5 =	vor.u32 s21, v0;
	s19 =	simm.s32 $0x2100;
	s20 =	simm.s32 $0x2  }
0x10: {  	s21 =	simm.s32 $0x2900;
	v6 =	vor.u32 s22, v0;
	v7 =	vor.u32 s23, v0;
	v8 =	vor.u32 s24, v0;
	s22 =	simm.s32 $0x20;
	s23 =	simm.s32 $0x0  }
.LBB2_13:
0x11: {  	s23 =	sadd.s32 $0x1, s23  }
0x12: {  	p1 =	sne.s32 s23, s11  }
.Ltmp1:
0x13: {  	_ = 	snop;
	(pc) =	sbr.rel @!p1 .LBB2_14-.Ltmp1, $1  }
0x14: {  	_ =	sdelay $0x3  }
.LBB2_1:
0x15: {  	[tilespmem:s12], [sflag:$0x5] =	stream.linear.gather [hbm4b:s8+s3], $0x200, $0x38;
	[tilespmem:$0x3310] =	vst v63  }
0x16: {  	_ =	swait.ge [sflag:s13], $0x200  }
0x17: {  	[sflag:s13] =	ssyncset.done $0x0  }
0x18: {  	[sflag:s13] =	ssyncadd.s32 $0xFFFFFE00  }
0x19: {  	[tilespmem:s14], [sflag:$0x5] =	stream.linear.gather [hbm4b:s1+s3], $0x10, $0x38;
	[tilespmem:$0x3310] =	vst v63  }
0x1a: {  	_ =	swait.ge [sflag:s13], $0x10  }
0x1b: {  	[sflag:s13] =	ssyncset.done $0x0  }
0x1c: {  	[sflag:s13] =	ssyncadd.s32 $0xFFFFFFF0  }
0x1d: {  	v9 =	vld [tilespmem:$0x3100]  }
0x1e: {  	v10 =	vld [tilespmem:$0x3110];
	_ =	sdelay $0x1  }
0x1f: {  	v11 =	vld [tilespmem:$0x3120];
	_ =	sdelay $0x1  }
0x20: {  	v12 =	vld [tilespmem:$0x3130]  }
0x21: {  	vm0 =	vlt.s32 v9, v10  }
0x22: {  	v9 =	vsel vm0, v9, v10;
	v10 =	vld [tilespmem:$0x3140]  }
0x23: {  	vm0 =	vlt.s32 v9, v11  }
0x24: {  	v9 =	vsel vm0, v9, v11;
	v11 =	vld [tilespmem:$0x3150]  }
0x25: {  	vm0 =	vlt.s32 v9, v12  }
0x26: {  	v55 =	vld [tilespmem:$0x3160];
	v9 =	vsel vm0, v9, v12  }
0x27: {  	vm0 =	vlt.s32 v9, v10  }
0x28: {  	v9 =	vsel vm0, v9, v10;
	v10 =	vld [tilespmem:$0x3170]  }
0x29: {  	vm0 =	vlt.s32 v9, v11  }
0x2a: {  	v9 =	vsel vm0, v9, v11;
	v11 =	vld [tilespmem:$0x3180]  }
0x2b: {  	vm0 =	vlt.s32 v9, v55  }
0x2c: {  	v56 =	vld [tilespmem:$0x3190];
	v9 =	vsel vm0, v9, v55  }
0x2d: {  	vm0 =	vlt.s32 v9, v10  }
0x2e: {  	v9 =	vsel vm0, v9, v10;
	v10 =	vld [tilespmem:$0x31A0]  }
0x2f: {  	vm0 =	vlt.s32 v9, v11  }
0x30: {  	v9 =	vsel vm0, v9, v11;
	v11 =	vld [tilespmem:$0x31B0]  }
0x31: {  	vm0 =	vlt.s32 v9, v56  }
0x32: {  	v57 =	vld [tilespmem:$0x31C0];
	v9 =	vsel vm0, v9, v56  }
0x33: {  	vm0 =	vlt.s32 v9, v10  }
0x34: {  	v9 =	vsel vm0, v9, v10;
	v10 =	vld [tilespmem:$0x31D0]  }
0x35: {  	vm0 =	vlt.s32 v9, v11  }
0x36: {  	v9 =	vsel vm0, v9, v11;
	v11 =	vld [tilespmem:$0x31E0]  }
0x37: {  	vm0 =	vlt.s32 v9, v57  }
0x38: {  	v58 =	vld [tilespmem:$0x31F0];
	v9 =	vsel vm0, v9, v57  }
0x39: {  	vm0 =	vlt.s32 v9, v10  }
0x3a: {  	v9 =	vsel vm0, v9, v10;
	v10 =	vld [tilespmem:$0x3200]  }
0x3b: {  	vm0 =	vlt.s32 v9, v11  }
0x3c: {  	v9 =	vsel vm0, v9, v11;
	v11 =	vld [tilespmem:$0x3210]  }
0x3d: {  	vm0 =	vlt.s32 v9, v58  }
0x3e: {  	v59 =	vld [tilespmem:$0x3220];
	v9 =	vsel vm0, v9, v58  }
0x3f: {  	vm0 =	vlt.s32 v9, v10  }
0x40: {  	v9 =	vsel vm0, v9, v10;
	v10 =	vld [tilespmem:$0x3230]  }
0x41: {  	vm0 =	vlt.s32 v9, v11  }
0x42: {  	v9 =	vsel vm0, v9, v11;
	v11 =	vld [tilespmem:$0x3240]  }
0x43: {  	vm0 =	vlt.s32 v9, v59  }
0x44: {  	v60 =	vld [tilespmem:$0x3250];
	v9 =	vsel vm0, v9, v59  }
0x45: {  	vm0 =	vlt.s32 v9, v10  }
0x46: {  	v9 =	vsel vm0, v9, v10;
	v10 =	vld [tilespmem:$0x3260]  }
0x47: {  	vm0 =	vlt.s32 v9, v11  }
0x48: {  	v9 =	vsel vm0, v9, v11;
	v11 =	vld [tilespmem:$0x3270]  }
0x49: {  	vm0 =	vlt.s32 v9, v60  }
0x4a: {  	v61 =	vld [tilespmem:$0x3280];
	v9 =	vsel vm0, v9, v60  }
0x4b: {  	vm0 =	vlt.s32 v9, v10  }
0x4c: {  	v9 =	vsel vm0, v9, v10;
	v10 =	vld [tilespmem:$0x3290]  }
0x4d: {  	vm0 =	vlt.s32 v9, v11  }
0x4e: {  	v9 =	vsel vm0, v9, v11;
	v11 =	vld [tilespmem:$0x32A0]  }
0x4f: {  	vm0 =	vlt.s32 v9, v61  }
0x50: {  	v62 =	vld [tilespmem:$0x32B0];
	v9 =	vsel vm0, v9, v61  }
0x51: {  	vm0 =	vlt.s32 v9, v10  }
0x52: {  	v9 =	vsel vm0, v9, v10;
	v10 =	vld [tilespmem:$0x32C0]  }
0x53: {  	vm0 =	vlt.s32 v9, v11  }
0x54: {  	v9 =	vsel vm0, v9, v11;
	v11 =	vld [tilespmem:$0x32D0]  }
0x55: {  	vm0 =	vlt.s32 v9, v62  }
0x56: {  	v63 =	vld [tilespmem:$0x32E0];
	v9 =	vsel vm0, v9, v62  }
0x57: {  	vm0 =	vlt.s32 v9, v10  }
0x58: {  	v9 =	vsel vm0, v9, v10;
	v10 =	vld [tilespmem:$0x32F0]  }
0x59: {  	vm0 =	vlt.s32 v9, v11  }
0x5a: {  	v9 =	vsel vm0, v9, v11  }
0x5b: {  	vm0 =	vlt.s32 v9, v63  }
0x5c: {  	v9 =	vsel vm0, v9, v63  }
0x5d: {  	vm0 =	vlt.s32 v9, v10  }
0x5e: {  	v9 =	vsel vm0, v9, v10  }
0x5f: {  	v9 =	vxor.u32 $0x80000000, v9  }
0x60: {  	(xrf0) =	vmin.scan.msk.u32 $0xffff, v9;
	_ =	sdelay $0x5  }
0x61: {  	v9, _, _ =	vpop (xrf0)  }
0x62: {  	(v2sf) =	vpush v9, $0xF;
	_ =	sdelay $0xe  }
0x63: {  	s0 =	spop (v2sf)  }
0x64: {  	s24 =	sxor.u32 $0x80000000, s0  }
0x65: {  	v9 =	vadd.s32 s24, v1  }
0x66: {  	v10 =	vadd.s32 s24, v2;
	vm8 =	vlt.s32 v9, $0x186A0  }
0x67: {  	v11 =	vadd.s32 s24, v3;
	vm9 =	vlt.s32 v10, $0x186A0;
	v9 =	vnsel vm8, $0x186A0, v9  }
0x68: {  	vm10 =	vlt.s32 v11, $0x186A0;
	[tilespmem:$0x0] =	vst v9;
	v9 =	vnsel vm9, $0x186A0, v10;
	v10 =	vadd.s32 s24, v4  }
0x69: {  	[tilespmem:$0x10] =	vst v9;
	v9 =	vnsel vm10, $0x186A0, v11;
	vm11 =	vlt.s32 v10, $0x186A0;
	v11 =	vadd.s32 s24, v5  }
0x6a: {  	[tilespmem:$0x20] =	vst v9;
	v9 =	vnsel vm11, $0x186A0, v10;
	vm12 =	vlt.s32 v11, $0x186A0;
	v10 =	vadd.s32 s24, v6  }
0x6b: {  	[tilespmem:$0x30] =	vst v9;
	v9 =	vnsel vm12, $0x186A0, v11;
	vm13 =	vlt.s32 v10, $0x186A0;
	v11 =	vadd.s32 s24, v7  }
0x6c: {  	[tilespmem:$0x40] =	vst v9;
	v9 =	vnsel vm13, $0x186A0, v10;
	vm14 =	vlt.s32 v11, $0x186A0;
	v10 =	vadd.s32 s24, v8  }
0x6d: {  	[tilespmem:$0x50] =	vst v9;
	v9 =	vnsel vm14, $0x186A0, v11;
	vm15 =	vlt.s32 v10, $0x186A0  }
.Ltmp2:
0x6e: {  	[tilespmem:$0x60] =	vst v9;
	v10 =	vnsel vm15, $0x186A0, v10;
	(pc) =	sbr.rel .LBB2_2-.Ltmp2, $4  }
0x6f: {  	v9 =	vld [tilespmem:$0x3300];
	[tilespmem:$0x70] =	vst v10  }
0x70: {  	[tilespmem:s16], [sflag:$0x1] =	stream.indirect.gather [hbm4b:s5+s15], $0x10, s3, s15, $0xb8;
	[tilespmem:$0x3310] =	vst v63  }
0x71: {  	s25 =	simm.s32 $0x0  }
0x72: {  	v10 =	vmov s24;
	[tilespmem:s17], [sflag:$0x1] =	stream.indirect.gather [hbm4b:s6+s15], $0x10, s3, s15, $0xb8;
	[tilespmem:$0x3310] =	vst v63  }
.LBB2_10:
0x73: {  	s25 =	sadd.s32 $0x1, s25  }
0x74: {  	p1 =	sne.s32 s25, $0xD  }
.Ltmp3:
0x75: {  	_ = 	snop;
	(pc) =	sbr.rel @!p1 .LBB2_11-.Ltmp3, $1  }
0x76: {  	_ =	sdelay $0x3  }
.LBB2_2:
0x77: {  	s28 =	sshll.u32 s25, $0x6  }
0x78: {  	s29 =	sor.u32 s7, s28  }
0x79: {  	s26 =	sor.u32 $0x20, s29  }
0x7a: {  	p1 =	sgt.u32 s26, $0x30C  }
0x7b: {  	s0 =	sshll.u32 @!p1 s26, $0x7  }
0x7c: {  	v11 =	vlaneseq.u32 @!p1;
	s0 =	sadd.s32 @!p1 s24, s0  }
0x7d: {  	v12 =	vadd.s32 @!p1 s0, v11;
	s30 =	sadd.s32 @!p1 $0x10, s0  }
0x7e: {  	vm0 =	vlt.s32 @!p1 v12, $0x186A0;
	v13 =	vadd.s32 @!p1 s30, v11;
	s30 =	sadd.s32 @!p1 $0x20, s0  }
0x7f: {  	v12 =	vnsel @!p1 vm0, $0x186A0, v12;
	vm0 =	vlt.s32 @!p1 v13, $0x186A0;
	v14 =	vadd.s32 @!p1 s30, v11;
	s30 =	sadd.s32 @!p1 $0x30, s0  }
0x80: {  	[tilespmem:$0x80] =	vst @!p1 v12;
	v12 =	vnsel @!p1 vm0, $0x186A0, v13;
	vm0 =	vlt.s32 @!p1 v14, $0x186A0;
	v13 =	vadd.s32 @!p1 s30, v11;
	s30 =	sadd.s32 @!p1 $0x40, s0  }
0x81: {  	[tilespmem:$0x90] =	vst @!p1 v12;
	v12 =	vnsel @!p1 vm0, $0x186A0, v14;
	vm0 =	vlt.s32 @!p1 v13, $0x186A0;
	v14 =	vadd.s32 @!p1 s30, v11;
	s30 =	sadd.s32 @!p1 $0x50, s0  }
0x82: {  	[tilespmem:$0xA0] =	vst @!p1 v12;
	v12 =	vnsel @!p1 vm0, $0x186A0, v13;
	vm0 =	vlt.s32 @!p1 v14, $0x186A0;
	v13 =	vadd.s32 @!p1 s30, v11;
	s30 =	sadd.s32 @!p1 $0x60, s0  }
0x83: {  	s0 =	sadd.s32 @!p1 $0x70, s0;
	[tilespmem:$0xB0] =	vst @!p1 v12;
	v12 =	vnsel @!p1 vm0, $0x186A0, v14;
	vm0 =	vlt.s32 @!p1 v13, $0x186A0;
	v14 =	vadd.s32 @!p1 s30, v11  }
0x84: {  	v11 =	vadd.s32 @!p1 s0, v11;
	[tilespmem:$0xC0] =	vst @!p1 v12;
	v12 =	vnsel @!p1 vm0, $0x186A0, v13;
	vm0 =	vlt.s32 @!p1 v14, $0x186A0  }
0x85: {  	[tilespmem:$0xD0] =	vst @!p1 v12;
	v12 =	vnsel @!p1 vm0, $0x186A0, v14;
	vm0 =	vlt.s32 @!p1 v11, $0x186A0  }
0x86: {  	p2 =	seq.s32 s25, $0x0;
	[tilespmem:$0xE0] =	vst @!p1 v12;
	v11 =	vnsel @!p1 vm0, $0x186A0, v11  }
0x87: {  	s0 =	simm.s32 @!p2 $0x4;
	[tilespmem:$0xF0] =	vst @!p1 v11  }
0x88: {  	_ =	swait.ge @!p2 [sflag:s0], $0x800  }
0x89: {  	[sflag:s0] =	ssyncset.done @!p2 $0x0  }
0x8a: {  	[sflag:s0] =	ssyncadd.s32 @!p2 $0xFFFFF800;
	p2 =	sgt.u32 s29, $0x30C  }
.Ltmp4:
0x8b: {  	_ = 	snop;
	(pc) =	sbr.rel @p2 .LBB2_6-.Ltmp4, $4  }
0x8c: {  	s30 =	simm.s32 @!p1 $0x1100;
	s0 =	simm.s32 @!p1 $0x80  }
0x8d: {  	[tilespmem:s30], [sflag:$0x2] =	stream.indirect.gather @!p1 [hbm4b:s5+s0], $0x10, s0, s0, $0xb8;
	[tilespmem:$0x3310] =	vst v63  }
0x8e: {  	s30 =	simm.s32 @!p1 $0x1900  }
0x8f: {  	[tilespmem:s30], [sflag:$0x2] =	stream.indirect.gather @!p1 [hbm4b:s6+s0], $0x10, s0, s0, $0xb8;
	[tilespmem:$0x3310] =	vst v63  }
0x90: {  	_ =	swait.ge [sflag:s18], $0x800  }
0x91: {  	[sflag:s18] =	ssyncset.done $0x0  }
0x92: {  	[sflag:s18] =	ssyncadd.s32 $0xFFFFF800  }
0x93: {  	_ =	swait.ge [sflag:s18], $0x800  }
0x94: {  	[sflag:s18] =	ssyncset.done $0x0  }
0x95: {  	s30 =	simm.s32 $0x0;
	[sflag:s18] =	ssyncadd.s32 $0xFFFFF800  }
0x96: {  	v11 =	vld [tilespmem:s30+$0x170]  }
0x97: {  	v12 =	vld [tilespmem:s30+$0x970]  }
0x98: {  	v13 =	vld [tilespmem:s30+$0x100]  }
0x99: {  	v14 =	vld [tilespmem:s30+$0x900]  }
0x9a: {  	v15 =	vld [tilespmem:s30+$0x110]  }
0x9b: {  	v16 =	vld [tilespmem:s30+$0x910]  }
0x9c: {  	v17 =	vld [tilespmem:s30+$0x120]  }
0x9d: {  	v11 =	vadd.f32 v12, v11;
	v12 =	vld [tilespmem:s30+$0x920]  }
0x9e: {  	v18 =	vld [tilespmem:s30+$0x130]  }
0x9f: {  	v19 =	vld [tilespmem:s30+$0x930];
	v13 =	vadd.f32 v14, v13;
	v11 =	vadd.f32 v11, v9  }
0xa0: {  	v20 =	vld [tilespmem:s30+$0x140]  }
0xa1: {  	v21 =	vld [tilespmem:s30+$0x940];
	v13 =	vadd.f32 v13, v9;
	[tilespmem:s30+$0x2170] =	vst v11;
	v11 =	vadd.f32 v16, v15  }
0xa2: {  	v14 =	vld [tilespmem:s30+$0x950];
	v12 =	vadd.f32 v12, v17  }
0xa3: {  	[tilespmem:s30+$0x2100] =	vst v13;
	v13 =	vld [tilespmem:s30+$0x150];
	v11 =	vadd.f32 v11, v9  }
0xa4: {  	v15 =	vld [tilespmem:s30+$0x960];
	v17 =	vadd.f32 v19, v18;
	v16 =	vadd.f32 v12, v9  }
0xa5: {  	s31 =	simm.s32 $0x80;
	[tilespmem:s30+$0x2110] =	vst v11;
	v11 =	vld [tilespmem:s30+$0x160]  }
0xa6: {  	s0 =	simm.s32 $0x400;
	v12 =	vld [tilespmem:s31+$0x170];
	[tilespmem:s30+$0x2120] =	vst v16;
	v16 =	vadd.f32 v17, v9;
	v17 =	vadd.f32 v21, v20  }
.LBB2_4:
0xa7: {  	p3 =	sne.s32 s0, $0x1E00;
	v18 =	vld [tilespmem:s31+$0x970]  }
0xa8: {  	v19 =	vld [tilespmem:s31+$0x100];
	[tilespmem:s30+$0x2130] =	vst v16;
	v16 =	vadd.f32 v17, v9;
	v13 =	vadd.f32 v14, v13  }
0xa9: {  	v14 =	vld [tilespmem:s31+$0x900]  }
0xaa: {  	v17 =	vld [tilespmem:s31+$0x110];
	[tilespmem:s30+$0x2140] =	vst v16;
	v13 =	vadd.f32 v13, v9;
	v11 =	vadd.f32 v15, v11  }
0xab: {  	v15 =	vld [tilespmem:s31+$0x910]  }
0xac: {  	v16 =	vld [tilespmem:s31+$0x120];
	v12 =	vadd.f32 v18, v12;
	[tilespmem:s30+$0x2150] =	vst v13;
	v11 =	vadd.f32 v11, v9  }
0xad: {  	v13 =	vld [tilespmem:s31+$0x920]  }
0xae: {  	v14 =	vadd.f32 v14, v19;
	v18 =	vld [tilespmem:s31+$0x130];
	v12 =	vadd.f32 v12, v9;
	[tilespmem:s30+$0x2160] =	vst v11;
	s30 =	smov.u32 s31  }
0xaf: {  	v11 =	vld [tilespmem:s30+$0x930]  }
0xb0: {  	v14 =	vadd.f32 v14, v9;
	v15 =	vadd.f32 v15, v17;
	v17 =	vld [tilespmem:s30+$0x140];
	[tilespmem:s30+$0x2170] =	vst v12  }
0xb1: {  	v19 =	vld [tilespmem:s30+$0x940]  }
.Ltmp5:
0xb2: {  	[tilespmem:s30+$0x2100] =	vst v14;
	v12 =	vadd.f32 v15, v9;
	v15 =	vadd.f32 v13, v16;
	v13 =	vld [tilespmem:s30+$0x150];
	(pc) =	sbr.rel @p3 .LBB2_4-.Ltmp5, $4  }
0xb3: {  	v14 =	vld [tilespmem:s30+$0x950]  }
0xb4: {  	[tilespmem:s30+$0x2110] =	vst v12;
	v16 =	vadd.f32 v15, v9;
	v18 =	vadd.f32 v11, v18;
	v11 =	vld [tilespmem:s30+$0x160]  }
0xb5: {  	s31 =	sshra.s32 s0, $0x2;
	v15 =	vld [tilespmem:s30+$0x960]  }
0xb6: {  	s0 =	sadd.s32 $0x200, s0;
	v12 =	vld [tilespmem:s31+$0x170];
	[tilespmem:s30+$0x2120] =	vst v16;
	v16 =	vadd.f32 v18, v9;
	v17 =	vadd.f32 v19, v17  }
0xb7: {  	v18 =	vld [tilespmem:s31+$0x970]  }
0xb8: {  	v19 =	vld [tilespmem:s31+$0x100];
	[tilespmem:s30+$0x2130] =	vst v16;
	v51 =	vadd.f32 v17, v9;
	v13 =	vadd.f32 v14, v13  }
0xb9: {  	v52 =	vld [tilespmem:s31+$0x900]  }
0xba: {  	v53 =	vld [tilespmem:s31+$0x110];
	[tilespmem:s30+$0x2140] =	vst v51;
	v13 =	vadd.f32 v13, v9;
	v11 =	vadd.f32 v15, v11  }
0xbb: {  	v16 =	vld [tilespmem:s31+$0x910]  }
0xbc: {  	v54 =	vld [tilespmem:s31+$0x120];
	[tilespmem:s30+$0x2150] =	vst v13;
	v11 =	vadd.f32 v11, v9  }
0xbd: {  	v13 =	vld [tilespmem:s31+$0x920]  }
0xbe: {  	v55 =	vld [tilespmem:s31+$0x130];
	[tilespmem:s30+$0x2160] =	vst v11  }
0xbf: {  	v11 =	vadd.f32 v52, v19;
	v56 =	vld [tilespmem:s31+$0x930]  }
0xc0: {  	v57 =	vld [tilespmem:s31+$0x140]  }
0xc1: {  	v59 =	vld [tilespmem:s31+$0x940];
	v11 =	vadd.f32 v11, v9;
	v58 =	vadd.f32 v16, v53  }
0xc2: {  	v60 =	vld [tilespmem:s31+$0x150]  }
0xc3: {  	v61 =	vld [tilespmem:s31+$0x950];
	[tilespmem:s31+$0x2100] =	vst v11;
	v11 =	vadd.f32 v58, v9  }
0xc4: {  	v20 =	vld [tilespmem:s31+$0x960]  }
0xc5: {  	v12 =	vadd.f32 v18, v12;
	[tilespmem:s31+$0x2110] =	vst v11;
	v11 =	vld [tilespmem:s31+$0x160]  }
0xc6: {  	v13 =	vadd.f32 v13, v54  }
0xc7: {  	v12 =	vadd.f32 v12, v9;
	v62 =	vadd.f32 v56, v55  }
0xc8: {  	v13 =	vadd.f32 v13, v9;
	v14 =	vadd.f32 v59, v57  }
0xc9: {  	[tilespmem:s31+$0x2170] =	vst v12;
	v12 =	vadd.f32 v61, v60;
	v15 =	vadd.f32 v62, v9  }
0xca: {  	[tilespmem:s31+$0x2120] =	vst v13;
	v63 =	vadd.f32 v14, v9;
	v11 =	vadd.f32 v20, v11  }
0xcb: {  	v12 =	vadd.f32 v12, v9;
	[tilespmem:s31+$0x2130] =	vst v15  }
0xcc: {  	[tilespmem:s31+$0x2140] =	vst v63;
	v11 =	vadd.f32 v11, v9  }
0xcd: {  	s0 =	sshll.u32 s29, $0x8;
	[tilespmem:s31+$0x2150] =	vst v12  }
0xce: {  	s0 =	sadd.s32 s2, s0;
	[tilespmem:s31+$0x2160] =	vst v11  }
0xcf: {  	[hbm4b:s0+s3] =	stream.linear.scatter [tilespmem:s19], [sflag:$0x3], $0x800, $0x38;
	[tilespmem:$0x3310] =	vst v63  }
.LBB2_6:
0xd0: {  	s0 =	sadd.s32 s9, s28  }
0xd1: {  	p3 =	sgt.u32 s0, $0x30C  }
0xd2: {  	s0 =	sshll.u32 @!p3 s0, $0x7  }
0xd3: {  	v11 =	vlaneseq.u32 @!p3;
	s0 =	sadd.s32 @!p3 s24, s0  }
0xd4: {  	v12 =	vadd.s32 @!p3 s0, v11;
	s28 =	sadd.s32 @!p3 $0x10, s0  }
0xd5: {  	vm0 =	vlt.s32 @!p3 v12, $0x186A0;
	v13 =	vadd.s32 @!p3 s28, v11;
	s28 =	sadd.s32 @!p3 $0x20, s0  }
0xd6: {  	v12 =	vnsel @!p3 vm0, $0x186A0, v12;
	vm0 =	vlt.s32 @!p3 v13, $0x186A0;
	v14 =	vadd.s32 @!p3 s28, v11;
	s28 =	sadd.s32 @!p3 $0x30, s0  }
0xd7: {  	[tilespmem:$0x0] =	vst @!p3 v12;
	v12 =	vnsel @!p3 vm0, $0x186A0, v13;
	vm0 =	vlt.s32 @!p3 v14, $0x186A0;
	v13 =	vadd.s32 @!p3 s28, v11;
	s28 =	sadd.s32 @!p3 $0x40, s0  }
0xd8: {  	[tilespmem:$0x10] =	vst @!p3 v12;
	v12 =	vnsel @!p3 vm0, $0x186A0, v14;
	vm0 =	vlt.s32 @!p3 v13, $0x186A0;
	v14 =	vadd.s32 @!p3 s28, v11;
	s28 =	sadd.s32 @!p3 $0x50, s0  }
0xd9: {  	[tilespmem:$0x20] =	vst @!p3 v12;
	v12 =	vnsel @!p3 vm0, $0x186A0, v13;
	vm0 =	vlt.s32 @!p3 v14, $0x186A0;
	v13 =	vadd.s32 @!p3 s28, v11;
	s28 =	sadd.s32 @!p3 $0x60, s0  }
0xda: {  	s0 =	sadd.s32 @!p3 $0x70, s0;
	[tilespmem:$0x30] =	vst @!p3 v12;
	v12 =	vnsel @!p3 vm0, $0x186A0, v14;
	vm0 =	vlt.s32 @!p3 v13, $0x186A0;
	v14 =	vadd.s32 @!p3 s28, v11  }
0xdb: {  	v11 =	vadd.s32 @!p3 s0, v11;
	[tilespmem:$0x40] =	vst @!p3 v12;
	v12 =	vnsel @!p3 vm0, $0x186A0, v13;
	vm0 =	vlt.s32 @!p3 v14, $0x186A0  }
0xdc: {  	[tilespmem:$0x50] =	vst @!p3 v12;
	v12 =	vnsel @!p3 vm0, $0x186A0, v14;
	vm0 =	vlt.s32 @!p3 v11, $0x186A0  }
0xdd: {  	[tilespmem:$0x60] =	vst @!p3 v12;
	v11 =	vnsel @!p3 vm0, $0x186A0, v11  }
0xde: {  	s0 =	simm.s32 @!p2 $0x3;
	[tilespmem:$0x70] =	vst @!p3 v11  }
0xdf: {  	_ =	swait.ge @!p2 [sflag:s0], $0x800  }
.Ltmp6:
0xe0: {  	s29 =	simm.s32 @!p3 $0x100;
	[sflag:s0] =	ssyncset.done @!p2 $0x0;
	(pc) =	sbr.rel @p1 .LBB2_10-.Ltmp6, $4  }
0xe1: {  	s28 =	simm.s32 @!p3 $0x0;
	[sflag:s0] =	ssyncadd.s32 @!p2 $0xFFFFF800;
	s0 =	simm.s32 @!p3 $0x80  }
0xe2: {  	[tilespmem:s29], [sflag:$0x1] =	stream.indirect.gather @!p3 [hbm4b:s5+s0], $0x10, s28, s0, $0xb8;
	[tilespmem:$0x3310] =	vst v63  }
0xe3: {  	s29 =	simm.s32 @!p3 $0x900  }
0xe4: {  	[tilespmem:s29], [sflag:$0x1] =	stream.indirect.gather @!p3 [hbm4b:s6+s0], $0x10, s28, s0, $0xb8;
	[tilespmem:$0x3310] =	vst v63  }
0xe5: {  	_ =	swait.ge [sflag:s20], $0x800  }
0xe6: {  	[sflag:s20] =	ssyncset.done $0x0  }
0xe7: {  	[sflag:s20] =	ssyncadd.s32 $0xFFFFF800  }
0xe8: {  	_ =	swait.ge [sflag:s20], $0x800  }
0xe9: {  	[sflag:s20] =	ssyncset.done $0x0  }
0xea: {  	s28 =	simm.s32 $0x0;
	[sflag:s20] =	ssyncadd.s32 $0xFFFFF800  }
0xeb: {  	v11 =	vld [tilespmem:s28+$0x1170]  }
0xec: {  	v12 =	vld [tilespmem:s28+$0x1970]  }
0xed: {  	v13 =	vld [tilespmem:s28+$0x1100]  }
0xee: {  	v14 =	vld [tilespmem:s28+$0x1900]  }
0xef: {  	v15 =	vld [tilespmem:s28+$0x1110]  }
0xf0: {  	v16 =	vld [tilespmem:s28+$0x1910]  }
0xf1: {  	v17 =	vld [tilespmem:s28+$0x1120]  }
0xf2: {  	v11 =	vadd.f32 v12, v11;
	v12 =	vld [tilespmem:s28+$0x1920]  }
0xf3: {  	v18 =	vld [tilespmem:s28+$0x1130]  }
0xf4: {  	v19 =	vld [tilespmem:s28+$0x1930];
	v13 =	vadd.f32 v14, v13;
	v11 =	vadd.f32 v11, v9  }
0xf5: {  	v20 =	vld [tilespmem:s28+$0x1140]  }
0xf6: {  	v21 =	vld [tilespmem:s28+$0x1940];
	v13 =	vadd.f32 v13, v9;
	[tilespmem:s28+$0x2970] =	vst v11;
	v11 =	vadd.f32 v16, v15  }
0xf7: {  	v14 =	vld [tilespmem:s28+$0x1950];
	v12 =	vadd.f32 v12, v17  }
0xf8: {  	[tilespmem:s28+$0x2900] =	vst v13;
	v13 =	vld [tilespmem:s28+$0x1150];
	v11 =	vadd.f32 v11, v9  }
0xf9: {  	v15 =	vld [tilespmem:s28+$0x1960];
	v17 =	vadd.f32 v19, v18;
	v16 =	vadd.f32 v12, v9  }
0xfa: {  	s29 =	simm.s32 $0x80;
	[tilespmem:s28+$0x2910] =	vst v11;
	v11 =	vld [tilespmem:s28+$0x1160]  }
0xfb: {  	s0 =	simm.s32 $0x400;
	v12 =	vld [tilespmem:s29+$0x1170];
	[tilespmem:s28+$0x2920] =	vst v16;
	v16 =	vadd.f32 v17, v9;
	v17 =	vadd.f32 v21, v20  }
.LBB2_8:
0xfc: {  	p1 =	sne.s32 s0, $0x1E00;
	v18 =	vld [tilespmem:s29+$0x1970]  }
0xfd: {  	v19 =	vld [tilespmem:s29+$0x1100];
	[tilespmem:s28+$0x2930] =	vst v16;
	v16 =	vadd.f32 v17, v9;
	v13 =	vadd.f32 v14, v13  }
0xfe: {  	v14 =	vld [tilespmem:s29+$0x1900]  }
0xff: {  	v17 =	vld [tilespmem:s29+$0x1110];
	[tilespmem:s28+$0x2940] =	vst v16;
	v13 =	vadd.f32 v13, v9;
	v11 =	vadd.f32 v15, v11  }
0x100: {  	v15 =	vld [tilespmem:s29+$0x1910]  }
0x101: {  	v16 =	vld [tilespmem:s29+$0x1120];
	v12 =	vadd.f32 v18, v12;
	[tilespmem:s28+$0x2950] =	vst v13;
	v11 =	vadd.f32 v11, v9  }
0x102: {  	v13 =	vld [tilespmem:s29+$0x1920]  }
0x103: {  	v14 =	vadd.f32 v14, v19;
	v18 =	vld [tilespmem:s29+$0x1130];
	v12 =	vadd.f32 v12, v9;
	[tilespmem:s28+$0x2960] =	vst v11;
	s28 =	smov.u32 s29  }
0x104: {  	v11 =	vld [tilespmem:s28+$0x1930]  }
0x105: {  	v14 =	vadd.f32 v14, v9;
	v15 =	vadd.f32 v15, v17;
	v17 =	vld [tilespmem:s28+$0x1140];
	[tilespmem:s28+$0x2970] =	vst v12  }
0x106: {  	v19 =	vld [tilespmem:s28+$0x1940]  }
.Ltmp7:
0x107: {  	[tilespmem:s28+$0x2900] =	vst v14;
	v12 =	vadd.f32 v15, v9;
	v15 =	vadd.f32 v13, v16;
	v13 =	vld [tilespmem:s28+$0x1150];
	(pc) =	sbr.rel @p1 .LBB2_8-.Ltmp7, $4  }
0x108: {  	v14 =	vld [tilespmem:s28+$0x1950]  }
0x109: {  	[tilespmem:s28+$0x2910] =	vst v12;
	v16 =	vadd.f32 v15, v9;
	v18 =	vadd.f32 v11, v18;
	v11 =	vld [tilespmem:s28+$0x1160]  }
0x10a: {  	s29 =	sshra.s32 s0, $0x2;
	v15 =	vld [tilespmem:s28+$0x1960]  }
0x10b: {  	s0 =	sadd.s32 $0x200, s0;
	v12 =	vld [tilespmem:s29+$0x1170];
	[tilespmem:s28+$0x2920] =	vst v16;
	v16 =	vadd.f32 v18, v9;
	v17 =	vadd.f32 v19, v17  }
0x10c: {  	v18 =	vld [tilespmem:s29+$0x1970]  }
0x10d: {  	v19 =	vld [tilespmem:s29+$0x1100];
	[tilespmem:s28+$0x2930] =	vst v16;
	v51 =	vadd.f32 v17, v9;
	v13 =	vadd.f32 v14, v13  }
0x10e: {  	v52 =	vld [tilespmem:s29+$0x1900]  }
0x10f: {  	v53 =	vld [tilespmem:s29+$0x1110];
	[tilespmem:s28+$0x2940] =	vst v51;
	v13 =	vadd.f32 v13, v9;
	v11 =	vadd.f32 v15, v11  }
0x110: {  	v16 =	vld [tilespmem:s29+$0x1910]  }
0x111: {  	v54 =	vld [tilespmem:s29+$0x1120];
	[tilespmem:s28+$0x2950] =	vst v13;
	v11 =	vadd.f32 v11, v9  }
0x112: {  	v13 =	vld [tilespmem:s29+$0x1920]  }
0x113: {  	v55 =	vld [tilespmem:s29+$0x1130];
	[tilespmem:s28+$0x2960] =	vst v11  }
0x114: {  	v11 =	vadd.f32 v52, v19;
	v56 =	vld [tilespmem:s29+$0x1930]  }
0x115: {  	v57 =	vld [tilespmem:s29+$0x1140]  }
0x116: {  	v59 =	vld [tilespmem:s29+$0x1940];
	v11 =	vadd.f32 v11, v9;
	v58 =	vadd.f32 v16, v53  }
0x117: {  	v60 =	vld [tilespmem:s29+$0x1150]  }
0x118: {  	v61 =	vld [tilespmem:s29+$0x1950];
	[tilespmem:s29+$0x2900] =	vst v11;
	v11 =	vadd.f32 v58, v9  }
0x119: {  	v20 =	vld [tilespmem:s29+$0x1960]  }
0x11a: {  	v12 =	vadd.f32 v18, v12;
	[tilespmem:s29+$0x2910] =	vst v11;
	v11 =	vld [tilespmem:s29+$0x1160]  }
0x11b: {  	v13 =	vadd.f32 v13, v54  }
0x11c: {  	v12 =	vadd.f32 v12, v9;
	v62 =	vadd.f32 v56, v55  }
0x11d: {  	v13 =	vadd.f32 v13, v9;
	v14 =	vadd.f32 v59, v57  }
0x11e: {  	[tilespmem:s29+$0x2970] =	vst v12;
	v12 =	vadd.f32 v61, v60;
	v15 =	vadd.f32 v62, v9  }
0x11f: {  	[tilespmem:s29+$0x2920] =	vst v13;
	v63 =	vadd.f32 v14, v9;
	v11 =	vadd.f32 v20, v11  }
.Ltmp8:
0x120: {  	v12 =	vadd.f32 v12, v9;
	[tilespmem:s29+$0x2930] =	vst v15;
	(pc) =	sbr.rel .LBB2_10-.Ltmp8, $4  }
0x121: {  	[tilespmem:s29+$0x2940] =	vst v63;
	v11 =	vadd.f32 v11, v9  }
0x122: {  	s0 =	sshll.u32 s26, $0x8;
	[tilespmem:s29+$0x2950] =	vst v12  }
0x123: {  	s0 =	sadd.s32 s2, s0;
	[tilespmem:s29+$0x2960] =	vst v11  }
0x124: {  	[hbm4b:s0+s3] =	stream.linear.scatter [tilespmem:s21], [sflag:$0x4], $0x800, $0x38;
	[tilespmem:$0x3310] =	vst v63  }
.LBB2_11:
.Ltmp9:
0x125: {  	(pc) =	sbr.rel @p0 .LBB2_13-.Ltmp9, $1  }
0x126: {  	_ =	sdelay $0x3  }
0x127: {  	v11 =	vor.u32 $0x18680, v0  }
0x128: {  	v12 =	vor.u32 $0x18690, v0;
	v11 =	vadd.s32 v11, v10  }
0x129: {  	v10 =	vadd.s32 v12, v10;
	vm0 =	vlt.s32 v11, $0x186A0  }
0x12a: {  	vm15 =	vlt.s32 v10, $0x186A0;
	v11 =	vnsel vm0, $0x186A0, v11  }
0x12b: {  	v10 =	vnsel vm15, $0x186A0, v10;
	[tilespmem:$0x0] =	vst v11  }
0x12c: {  	[tilespmem:$0x10] =	vst v10  }
0x12d: {  	[tilespmem:s16], [sflag:$0x1] =	stream.indirect.gather [hbm4b:s5+s22], $0x10, s3, s22, $0xb8;
	[tilespmem:$0x3310] =	vst v63  }
0x12e: {  	_ = 	snop  }
0x12f: {  	[tilespmem:s17], [sflag:$0x1] =	stream.indirect.gather [hbm4b:s6+s22], $0x10, s3, s22, $0xb8;
	[tilespmem:$0x3310] =	vst v63  }
0x130: {  	_ =	swait.ge [sflag:s18], $0x200  }
0x131: {  	[sflag:s18] =	ssyncset.done $0x0  }
0x132: {  	[sflag:s18] =	ssyncadd.s32 $0xFFFFFE00  }
0x133: {  	_ =	swait.ge [sflag:s18], $0x200  }
0x134: {  	[sflag:s18] =	ssyncset.done $0x0  }
0x135: {  	[sflag:s18] =	ssyncadd.s32 $0xFFFFFE00  }
0x136: {  	v10 =	vld [tilespmem:$0x100]  }
0x137: {  	v11 =	vld [tilespmem:$0x900]  }
0x138: {  	v62 =	vld [tilespmem:$0x110]  }
0x139: {  	v13 =	vld [tilespmem:$0x910]  }
0x13a: {  	v14 =	vld [tilespmem:$0x120]  }
0x13b: {  	v15 =	vld [tilespmem:$0x920]  }
0x13c: {  	v16 =	vld [tilespmem:$0x130]  }
0x13d: {  	v17 =	vld [tilespmem:$0x930]  }
0x13e: {  	v18 =	vld [tilespmem:$0x140]  }
0x13f: {  	v19 =	vld [tilespmem:$0x940]  }
0x140: {  	v20 =	vld [tilespmem:$0x150]  }
0x141: {  	v21 =	vld [tilespmem:$0x950]  }
0x142: {  	v22 =	vld [tilespmem:$0x160]  }
0x143: {  	v23 =	vld [tilespmem:$0x960]  }
0x144: {  	v24 =	vld [tilespmem:$0x170]  }
0x145: {  	v25 =	vld [tilespmem:$0x970]  }
0x146: {  	v26 =	vld [tilespmem:$0x180]  }
0x147: {  	v27 =	vld [tilespmem:$0x980]  }
0x148: {  	v28 =	vld [tilespmem:$0x190]  }
0x149: {  	v29 =	vld [tilespmem:$0x990]  }
0x14a: {  	v30 =	vld [tilespmem:$0x1A0]  }
0x14b: {  	v31 =	vld [tilespmem:$0x9A0]  }
0x14c: {  	v32 =	vld [tilespmem:$0x1B0]  }
0x14d: {  	v33 =	vld [tilespmem:$0x9B0]  }
0x14e: {  	v34 =	vld [tilespmem:$0x1C0]  }
0x14f: {  	v35 =	vld [tilespmem:$0x9C0]  }
0x150: {  	v36 =	vld [tilespmem:$0x1D0]  }
0x151: {  	v37 =	vld [tilespmem:$0x9D0]  }
0x152: {  	v38 =	vld [tilespmem:$0x1E0]  }
0x153: {  	v39 =	vld [tilespmem:$0x9E0]  }
0x154: {  	v40 =	vld [tilespmem:$0x1F0]  }
0x155: {  	v41 =	vld [tilespmem:$0x9F0]  }
0x156: {  	v42 =	vld [tilespmem:$0x200]  }
0x157: {  	v43 =	vld [tilespmem:$0xA00]  }
0x158: {  	v44 =	vld [tilespmem:$0x210]  }
0x159: {  	v45 =	vld [tilespmem:$0xA10]  }
0x15a: {  	v46 =	vld [tilespmem:$0x220]  }
0x15b: {  	v53 =	vld [tilespmem:$0xA60];
	v10 =	vadd.f32 v11, v10  }
0x15c: {  	v56 =	vld [tilespmem:$0x270];
	v12 =	vadd.f32 v13, v62;
	v14 =	vadd.f32 v15, v14  }
0x15d: {  	v58 =	vld [tilespmem:$0xA70];
	v16 =	vadd.f32 v17, v16;
	v10 =	vadd.f32 v10, v9  }
0x15e: {  	v61 =	vld [tilespmem:$0x280];
	v63 =	vadd.f32 v19, v18;
	v12 =	vadd.f32 v12, v9  }
0x15f: {  	v11 =	vld [tilespmem:$0xA20];
	v48 =	vadd.f32 v21, v20;
	[tilespmem:$0x2100] =	vst v10;
	v10 =	vadd.f32 v14, v9  }
0x160: {  	v13 =	vld [tilespmem:$0x230];
	v49 =	vadd.f32 v23, v22;
	v47 =	vadd.f32 v16, v9;
	[tilespmem:$0x2110] =	vst v12  }
0x161: {  	v15 =	vld [tilespmem:$0xA30];
	v51 =	vadd.f32 v25, v24;
	[tilespmem:$0x2120] =	vst v10;
	v10 =	vadd.f32 v63, v9  }
0x162: {  	v17 =	vld [tilespmem:$0x240];
	v52 =	vadd.f32 v27, v26;
	v50 =	vadd.f32 v48, v9;
	[tilespmem:$0x2130] =	vst v47  }
0x163: {  	v18 =	vld [tilespmem:$0xA40];
	v55 =	vadd.f32 v29, v28;
	[tilespmem:$0x2140] =	vst v10;
	v10 =	vadd.f32 v49, v9  }
0x164: {  	v19 =	vld [tilespmem:$0x250];
	v57 =	vadd.f32 v31, v30;
	v54 =	vadd.f32 v51, v9;
	[tilespmem:$0x2150] =	vst v50  }
0x165: {  	v20 =	vld [tilespmem:$0xA50];
	v60 =	vadd.f32 v33, v32;
	[tilespmem:$0x2160] =	vst v10;
	v10 =	vadd.f32 v52, v9  }
0x166: {  	v21 =	vld [tilespmem:$0x260];
	v62 =	vadd.f32 v35, v34;
	v59 =	vadd.f32 v55, v9;
	[tilespmem:$0x2170] =	vst v54  }
0x167: {  	v33 =	vadd.f32 v37, v36;
	v34 =	vld [tilespmem:$0x290];
	[tilespmem:$0x2180] =	vst v10;
	v10 =	vadd.f32 v57, v9  }
0x168: {  	v35 =	vadd.f32 v39, v38;
	v36 =	vld [tilespmem:$0xA90];
	v32 =	vadd.f32 v60, v9;
	[tilespmem:$0x2190] =	vst v59  }
0x169: {  	v38 =	vadd.f32 v41, v40;
	v39 =	vld [tilespmem:$0x2A0];
	[tilespmem:$0x21A0] =	vst v10;
	v10 =	vadd.f32 v62, v9  }
0x16a: {  	v40 =	vadd.f32 v43, v42;
	v41 =	vld [tilespmem:$0xAA0];
	v37 =	vadd.f32 v33, v9;
	[tilespmem:$0x21B0] =	vst v32  }
0x16b: {  	v43 =	vadd.f32 v45, v44;
	v44 =	vld [tilespmem:$0x2B0];
	[tilespmem:$0x21C0] =	vst v10;
	v10 =	vadd.f32 v35, v9  }
0x16c: {  	v45 =	vld [tilespmem:$0xAB0];
	v42 =	vadd.f32 v38, v9;
	[tilespmem:$0x21D0] =	vst v37;
	v54 =	vadd.f32 v58, v56  }
0x16d: {  	v51 =	vld [tilespmem:$0x2D0];
	v11 =	vadd.f32 v11, v46;
	[tilespmem:$0x21E0] =	vst v10;
	v10 =	vadd.f32 v40, v9  }
0x16e: {  	[tilespmem:$0x21F0] =	vst v42;
	v46 =	vadd.f32 v43, v9;
	v13 =	vadd.f32 v15, v13;
	v63 =	vld [tilespmem:$0xA80]  }
0x16f: {  	v52 =	vld [tilespmem:$0xAD0];
	[tilespmem:$0x2200] =	vst v10;
	v10 =	vadd.f32 v11, v9;
	v11 =	vadd.f32 v18, v17  }
0x170: {  	v48 =	vld [tilespmem:$0xAC0];
	v58 =	vadd.f32 v36, v34;
	[tilespmem:$0x2210] =	vst v46;
	v49 =	vadd.f32 v13, v9  }
0x171: {  	v55 =	vld [tilespmem:$0x2E0];
	[tilespmem:$0x2220] =	vst v10;
	v10 =	vadd.f32 v11, v9;
	v11 =	vadd.f32 v53, v21  }
0x172: {  	v47 =	vld [tilespmem:$0x2C0];
	v13 =	vadd.f32 v58, v9;
	[tilespmem:$0x2230] =	vst v49  }
0x173: {  	v60 =	vld [tilespmem:$0xAF0];
	[tilespmem:$0x2240] =	vst v10;
	v10 =	vadd.f32 v11, v9;
	v11 =	vadd.f32 v63, v61  }
0x174: {  	v56 =	vld [tilespmem:$0xAE0];
	[tilespmem:$0x2290] =	vst v13;
	v57 =	vadd.f32 v54, v9;
	v62 =	vadd.f32 v52, v51  }
0x175: {  	v59 =	vld [tilespmem:$0x2F0];
	[tilespmem:$0x2260] =	vst v10;
	v10 =	vadd.f32 v11, v9;
	v11 =	vadd.f32 v41, v39  }
0x176: {  	v50 =	vadd.f32 v20, v19;
	[tilespmem:$0x2270] =	vst v57;
	v13 =	vadd.f32 v62, v9  }
0x177: {  	[tilespmem:$0x2280] =	vst v10;
	v10 =	vadd.f32 v48, v47;
	v11 =	vadd.f32 v11, v9  }
0x178: {  	[tilespmem:$0x22D0] =	vst v13;
	v53 =	vadd.f32 v50, v9;
	v61 =	vadd.f32 v45, v44  }
0x179: {  	[tilespmem:$0x22A0] =	vst v11;
	v11 =	vadd.f32 v56, v55;
	v10 =	vadd.f32 v10, v9  }
0x17a: {  	[tilespmem:$0x2250] =	vst v53;
	v63 =	vadd.f32 v60, v59;
	v12 =	vadd.f32 v61, v9  }
0x17b: {  	[tilespmem:$0x22C0] =	vst v10;
	v10 =	vadd.f32 v11, v9  }
0x17c: {  	[tilespmem:$0x22B0] =	vst v12;
	v9 =	vadd.f32 v63, v9  }
0x17d: {  	[tilespmem:$0x22E0] =	vst v10  }
.Ltmp10:
0x17e: {  	[tilespmem:$0x22F0] =	vst v9;
	(pc) =	sbr.rel .LBB2_13-.Ltmp10, $4  }
0x17f: {  	[hbm4b:s10+s3] =	stream.linear.scatter [tilespmem:s19], [sflag:$0x5], $0x200, $0x38;
	[tilespmem:$0x3310] =	vst v63  }
0x180: {  	_ =	swait.ge [sflag:s13], $0x200  }
0x181: {  	[sflag:s13] =	ssyncset.done $0x0  }
0x182: {  	[sflag:s13] =	ssyncadd.s32 $0xFFFFFE00  }
.LBB2_14:
0x183: {  	_ =	sfence.sel $0x180000  }
0x184: {  	[bflag:$0x0] =	sbarrier.arrive $0xFFFF  }
0x185: {  	_ =	strace $0x9000004A  }
0x186: {  	[bflag:$0x2] =	sbarrier.arrive $0xFFFF  }
0x187: {  	p0 =	sne.s32 s4, $0x0;
	s0 =	rddreg [dreg:$0x3]  }
0x188: {  	s0 =	sadd.s32 @!p0 $0x100000, s0  }
0x189: {  	[sflag:s0] =	ssyncadd.tile.s32 @!p0 $0x1;
	_ =	shalt  }
.Lfunc_end2:
_tile_overlayer_lowered:
.L_overlay_start_2:
0x18a: {  	(tag) =	ssettag $0x2  }
0x18b: {  	s0 =	rddreg [dreg:$0x0];
	s2 =	stileid.u32  }
0x18c: {  	s1 =	rddreg [dreg:$0x1];
	p0 =	sne.s32 s2, $0x0  }
0x18d: {  	s3 =	rddreg [dreg:$0x2];
	[bflag:$0x3] =	sbarrier.arrive $0xFFFF;
	s2 =	simm.s32 @!p0 $0x1C05  }
0x18e: {  	[timem:s3], [sflag:s2] =	dma.local @!p0 [hbm:s0], s1  }
0x18f: {  	s0 =	simm.s32 @!p0 $0x5  }
0x190: {  	_ =	swait.ge @!p0 [sflag:s0], s1  }
0x191: {  	s1 =	ssub.s32 @!p0 $0x0, s1;
	[sflag:s0] =	ssyncset.done @!p0 $0x0  }
0x192: {  	[sflag:s0] =	ssyncadd.s32 @!p0 s1  }
0x193: {  	[bflag:$0x3] =	sbarrier.arrive $0xFFFF  }
0x194: {  	_ =	shalt  }

</sc_bundles>
